<compile_context>
chip_gen: v7x
topology: tpu7x:2x2x1
jax: 0.10.2.dev20260603
libtpu: 0.0.44.dev20260713+nightly
codegen_flags: <defaults>
</compile_context>

<pallas_src>
import functools

import jax
import jax.numpy as jnp
from jax import lax
from jax.experimental import pallas as pl
from jax.experimental.pallas import tpu as pltpu
from jax.experimental.pallas import tpu_sc as plsc

_N = 10000
_F = 128
_H = 32
_B = 16
_E = 320000

_NC = 2
_NS = 16
_CH = 128
_NBUF = 4
_KTOT = -(-_E // (_NS * _CH * _NBUF)) * _NBUF
_EPAD = _NS * _KTOT * _CH
_K0 = 152
_K1 = _KTOT - _K0
_KMAX = max(_K0, _K1)
_NPAD = -(-(_N + 1) // (_NS * 8)) * _NS * 8
_RPW = _NPAD // _NS


def _segment_sum_sc(y, src3, dst3, zpad):
    width = y.shape[1]
    mesh = plsc.VectorSubcoreMesh(core_axis_name="c", subcore_axis_name="s")

    @functools.partial(
        pl.kernel,
        out_type=jax.ShapeDtypeStruct((_NC, _NPAD, width), jnp.float32),
        mesh=mesh,
        scratch_types=[
            pltpu.VMEM((_KMAX, _CH), jnp.int32),
            pltpu.VMEM((_KMAX, _CH), jnp.int32),
            pltpu.VMEM((_NBUF, _CH, width), jnp.float32),
            pltpu.VMEM_SHARED((_NPAD, width), jnp.float32),
        ] + [pltpu.SemaphoreType.DMA] * (2 * _NBUF),
        compiler_params=pltpu.CompilerParams(use_tc_tiling_on_sc=False),
    )
    def seg_kernel(y_hbm, src_hbm, dst_hbm, z_hbm, out_hbm,
                   src_v, dst_v, rows_v, acc_sh, *sems):
        gsem = sems[:_NBUF]
        ssem = sems[_NBUF:]
        cid = lax.axis_index("c")
        sid = lax.axis_index("s")
        r0 = sid * _RPW
        pltpu.sync_copy(z_hbm.at[pl.ds(r0, _RPW)], acc_sh.at[pl.ds(r0, _RPW)])
        pltpu.sync_copy(src_hbm.at[cid, sid], src_v)
        pltpu.sync_copy(dst_hbm.at[cid, sid], dst_v)
        plsc.subcore_barrier()

        n_iters = jnp.where(cid == 0, _K0 // _NBUF, _K1 // _NBUF)

        def body(i, carry):
            descs = []
            for b in range(_NBUF):
                j = i * _NBUF + b

                @pl.when(i >= 1)
                def _drain():
                    pltpu.make_async_copy(
                        rows_v.at[b], acc_sh.at[dst_v.at[0]], ssem[b]).wait()

                descs.append(pltpu.async_copy(
                    y_hbm.at[src_v.at[j]], rows_v.at[b], gsem[b]))
            for b in range(_NBUF):
                j = i * _NBUF + b
                descs[b].wait()
                pltpu.async_copy(rows_v.at[b], acc_sh.at[dst_v.at[j]],
                                 ssem[b], add=True)
            return carry

        lax.fori_loop(0, n_iters, body, 0)

        @pl.when(n_iters >= 1)
        def _final_drain():
            for b in range(_NBUF):
                pltpu.make_async_copy(
                    rows_v.at[b], acc_sh.at[dst_v.at[0]], ssem[b]).wait()

        plsc.subcore_barrier()
        pltpu.sync_copy(acc_sh.at[pl.ds(r0, _RPW)],
                        out_hbm.at[cid, pl.ds(r0, _RPW)])

    return seg_kernel(y, src3, dst3, zpad)


def _gin_layer(h, agg_ref, Wa, ba, g, be, Wb, bb):
    h = h + agg_ref[0, :_N, :] + agg_ref[1, :_N, :]
    h = jnp.dot(h, Wa, preferred_element_type=jnp.float32) + ba
    mu = jnp.mean(h, axis=0)
    var = jnp.mean((h - mu) ** 2, axis=0)
    h = (h - mu) / jnp.sqrt(var + 1e-5) * g + be
    h = jnp.maximum(h, 0.0)
    return jnp.dot(h, Wb, preferred_element_type=jnp.float32) + bb


def _mid_tc(aggL, aggR, x, W1a, b1a, g1, be1, W1b, b1b):
    def body(aggL_ref, aggR_ref, x_ref, w1a_ref, b1a_ref, g1_ref, be1_ref,
             w1b_ref, b1b_ref, h1_ref):
        agg = jnp.concatenate(
            [aggL_ref[0, :_N, :] + aggL_ref[1, :_N, :],
             aggR_ref[0, :_N, :] + aggR_ref[1, :_N, :]], axis=1)
        h = x_ref[...] + agg
        h = jnp.dot(h, w1a_ref[...], preferred_element_type=jnp.float32) + b1a_ref[...]
        mu = jnp.mean(h, axis=0)
        var = jnp.mean((h - mu) ** 2, axis=0)
        h = (h - mu) / jnp.sqrt(var + 1e-5) * g1_ref[...] + be1_ref[...]
        h = jnp.maximum(h, 0.0)
        h = jnp.dot(h, w1b_ref[...], preferred_element_type=jnp.float32) + b1b_ref[...]
        h1_ref[...] = jnp.maximum(h, 0.0)

    return pl.pallas_call(
        body, out_shape=jax.ShapeDtypeStruct((_N, _H), jnp.float32))(
            aggL, aggR, x, W1a, b1a, g1, be1, W1b, b1b)


def _head_tc(agg, h1, batch2d, W2a, b2a, g2, be2, W2b, b2b, Wc1, bc1, Wc2, bc2):
    def body(agg_ref, h1_ref, bat_ref, w2a_ref, b2a_ref, g2_ref, be2_ref,
             w2b_ref, b2b_ref, wc1_ref, bc1_ref, wc2_ref, bc2_ref, out_ref):
        h = _gin_layer(h1_ref[...], agg_ref, w2a_ref[...], b2a_ref[...],
                       g2_ref[...], be2_ref[...], w2b_ref[...], b2b_ref[...])
        bat = bat_ref[...]
        means = []
        maxs = []
        neg = jnp.float32(-jnp.inf)
        for b in range(_B):
            m = bat == b
            cnt = jnp.sum(m.astype(jnp.float32))
            s = jnp.sum(jnp.where(m, h, 0.0), axis=0)
            means.append(s / jnp.maximum(cnt, 1.0))
            maxs.append(jnp.max(jnp.where(m, h, neg), axis=0))
        x_mean = jnp.stack(means, axis=0)
        x_max = jnp.stack(maxs, axis=0)
        z = (jnp.dot(x_mean, wc1_ref[:_H, :], preferred_element_type=jnp.float32)
             + jnp.dot(x_max, wc1_ref[_H:, :], preferred_element_type=jnp.float32)
             + bc1_ref[...])
        z = jnp.maximum(z, 0.0)
        out_ref[...] = (jnp.dot(z, wc2_ref[...], preferred_element_type=jnp.float32)
                        + bc2_ref[...])

    return pl.pallas_call(
        body, out_shape=jax.ShapeDtypeStruct((_B, 2), jnp.float32))(
            agg, h1, batch2d, W2a, b2a, g2, be2, W2b, b2b, Wc1, bc1, Wc2, bc2)


def kernel(x, edge_index, batch, W1a, b1a, g1, be1, W1b, b1b,
           W2a, b2a, g2, be2, W2b, b2b, Wc1, bc1, Wc2, bc2):
    src, dst = edge_index[0], edge_index[1]
    pad = _EPAD - _E

    def split(idx, fill):
        flat = jnp.concatenate([idx, jnp.full((pad,), fill, jnp.int32)])
        n0 = _NS * _K0 * _CH
        c0 = flat[:n0].reshape(_NS, _K0, _CH)
        c1 = flat[n0:].reshape(_NS, _K1, _CH)
        tail0 = jnp.full((_NS, _KMAX - _K0, _CH), fill, jnp.int32)
        tail1 = jnp.full((_NS, _KMAX - _K1, _CH), fill, jnp.int32)
        return jnp.stack([jnp.concatenate([c0, tail0], axis=1),
                          jnp.concatenate([c1, tail1], axis=1)])

    src3 = split(src, 0)
    dst3 = split(dst, _N)
    zpadF = jnp.zeros((_NPAD, _F // 2), jnp.float32)
    zpadH = jnp.zeros((_NPAD, _H), jnp.float32)
    batch2d = batch.reshape(_N, 1)

    agg1L = _segment_sum_sc(x[:, :_F // 2], src3, dst3, zpadF)
    agg1L, xR = lax.optimization_barrier((agg1L, x[:, _F // 2:]))
    agg1R = _segment_sum_sc(xR, src3, dst3, zpadF)
    h1 = _mid_tc(agg1L, agg1R, x, W1a, b1a, g1, be1, W1b, b1b)
    agg2 = _segment_sum_sc(h1, src3, dst3, zpadH)
    return _head_tc(agg2, h1, batch2d, W2a, b2a, g2, be2, W2b, b2b,
                    Wc1, bc1, Wc2, bc2)

# --- scband reference (transcript-rebuilt; emitter-appended) ---
"""Pipeline reference for scband-simple-but-effective-gnn-738734375048 (READ-ONLY COPY).

The authoritative reference and input builder live on the scoring server;
editing this copy changes nothing except your own understanding.
"""

import jax, jax.numpy as jnp
import numpy as np

N = 10000
E = 320000
F = 128
H = 32
C = 2
B = 16


def setup_inputs(seed: int = 0) -> dict:
    key = jax.random.key(seed)
    ks = jax.random.split(key, 24)
    x = jax.random.normal(ks[0], (N, F), dtype=jnp.float32)
    edge_index = jax.random.randint(ks[1], (2, E), 0, N, dtype=jnp.int32)
    batch = jnp.sort(jax.random.randint(ks[2], (N,), 0, B, dtype=jnp.int32))
    def lin(k, fan_in, fan_out):
        bound = 1.0 / np.sqrt(fan_in)
        k1, k2 = jax.random.split(k)
        W = jax.random.uniform(k1, (fan_in, fan_out), minval=-bound, maxval=bound, dtype=jnp.float32)
        b = jax.random.uniform(k2, (fan_out,), minval=-bound, maxval=bound, dtype=jnp.float32)
        return W, b
    W1a, b1a = lin(ks[3], F, H)
    W1b, b1b = lin(ks[4], H, H)
    W2a, b2a = lin(ks[5], H, H)
    W2b, b2b = lin(ks[6], H, H)
    Wc1, bc1 = lin(ks[7], 2 * H, H)
    Wc2, bc2 = lin(ks[8], H, C)
    g1 = jnp.ones((H,), jnp.float32); be1 = jnp.zeros((H,), jnp.float32)
    g2 = jnp.ones((H,), jnp.float32); be2 = jnp.zeros((H,), jnp.float32)
    return {"x": x, "edge_index": edge_index, "batch": batch,
            "W1a": W1a, "b1a": b1a, "g1": g1, "be1": be1, "W1b": W1b, "b1b": b1b,
            "W2a": W2a, "b2a": b2a, "g2": g2, "be2": be2, "W2b": W2b, "b2b": b2b,
            "Wc1": Wc1, "bc1": bc1, "Wc2": Wc2, "bc2": bc2}


def _gin_mlp(h, Wa, ba, g, be, Wb, bb):
    h = h @ Wa + ba
    mu = jnp.mean(h, axis=0)
    var = jnp.mean((h - mu) ** 2, axis=0)
    h = (h - mu) / jnp.sqrt(var + 1e-5) * g + be
    h = jax.nn.relu(h)
    return h @ Wb + bb


def reference(x, edge_index, batch, W1a, b1a, g1, be1, W1b, b1b,
              W2a, b2a, g2, be2, W2b, b2b, Wc1, bc1, Wc2, bc2):
    src, dst = edge_index[0], edge_index[1]
    # GINConv layer 1 (eps=0): mlp(x + sum_{j in N(i)} x_j)
    agg = jax.ops.segment_sum(x[src], dst, num_segments=N)
    h = _gin_mlp(x + agg, W1a, b1a, g1, be1, W1b, b1b)
    h = jax.nn.relu(h)
    # GINConv layer 2
    agg = jax.ops.segment_sum(h[src], dst, num_segments=N)
    h = _gin_mlp(h + agg, W2a, b2a, g2, be2, W2b, b2b)
    # global mean / max pool over graph ids
    sums = jax.ops.segment_sum(h, batch, num_segments=B)
    counts = jax.ops.segment_sum(jnp.ones((N, 1), jnp.float32), batch, num_segments=B)
    x_mean = sums / jnp.maximum(counts, 1.0)
    x_max = jax.ops.segment_max(h, batch, num_segments=B)
    z = jnp.concatenate([x_mean, x_max], axis=-1)
    # classifier (dropout = identity in eval)
    z = jax.nn.relu(z @ Wc1 + bc1)
    return z @ Wc2 + bc2

if __name__ == "__main__":
    import jax
    _d = setup_inputs()
    print(jax.jit(kernel)(*tuple(_d.values())))

</pallas_src>

<mosaic_0001>
#map = affine_map<(d0, d1) -> (0, 0)>
#map1 = affine_map<(d0, d1) -> (0, 0, 0, 0)>
#map2 = affine_map<(d0, d1) -> (0, 0, 0)>
module attributes {stable_mosaic.version = 14 : i64} {
  func.func @seg_kernel(%arg0: i32, %arg1: i32, %arg2: memref<10000x64xf32, #tpu.memory_space<hbm>>, %arg3: memref<2x16x152x128xi32, #tpu.memory_space<hbm>>, %arg4: memref<2x16x152x128xi32, #tpu.memory_space<hbm>>, %arg5: memref<10112x64xf32, #tpu.memory_space<hbm>>, %arg6: memref<2x10112x64xf32, #tpu.memory_space<hbm>>, %arg7: memref<152x128xi32, #tpu.memory_space<vmem>>, %arg8: memref<152x128xi32, #tpu.memory_space<vmem>>, %arg9: memref<4x128x64xf32, #tpu.memory_space<vmem>>, %arg10: memref<10112x64xf32, #tpu.memory_space<vmem_shared>>, %arg11: memref<!tpu.dma_semaphore, #tpu.memory_space<semaphore_mem>>, %arg12: memref<!tpu.dma_semaphore, #tpu.memory_space<semaphore_mem>>, %arg13: memref<!tpu.dma_semaphore, #tpu.memory_space<semaphore_mem>>, %arg14: memref<!tpu.dma_semaphore, #tpu.memory_space<semaphore_mem>>, %arg15: memref<!tpu.dma_semaphore, #tpu.memory_space<semaphore_mem>>, %arg16: memref<!tpu.dma_semaphore, #tpu.memory_space<semaphore_mem>>, %arg17: memref<!tpu.dma_semaphore, #tpu.memory_space<semaphore_mem>>, %arg18: memref<!tpu.dma_semaphore, #tpu.memory_space<semaphore_mem>>) attributes {dimension_semantics = [#tpu.dimension_semantics<core_parallel>, #tpu.dimension_semantics<subcore_parallel>], iteration_bounds = array<i64: 2, 16>, scalar_prefetch = 0 : i64, scratch_operands = 12 : i64, tpu.core_type = #tpu.core_type<sc_vector_subcore>, window_params = [{transform_indices = #map}, {transform_indices = #map1}, {transform_indices = #map1}, {transform_indices = #map}, {transform_indices = #map2}]} {
    %mul3A = arith.constant 632 : i32
    %mul3A_0 = arith.muli %arg1, %mul3A : i32
    "tpu.region"() ({
      %run_scoped3A = tpu.sem_alloc : memref<!tpu.dma_semaphore, #tpu.memory_space<semaphore_mem>>
      %dma_start3A = arith.constant 0 : i32
      %dma_start3A_15 = tpu.memref_slice %arg10[%mul3A_0, %dma_start3A] : memref<10112x64xf32, #tpu.memory_space<vmem_shared>> -> memref<632x64xf32, #tpu.memory_space<vmem_shared>>
      %dma_start3A_16 = arith.constant 0 : i32
      %dma_start3A_17 = tpu.memref_slice %arg5[%mul3A_0, %dma_start3A_16] : memref<10112x64xf32, #tpu.memory_space<hbm>> -> memref<632x64xf32, #tpu.memory_space<hbm>>
      tpu.enqueue_dma source(%dma_start3A_17 : memref<632x64xf32, #tpu.memory_space<hbm>>) target(%dma_start3A_15 : memref<632x64xf32, #tpu.memory_space<vmem_shared>>) target_semaphore(%run_scoped3A : memref<!tpu.dma_semaphore, #tpu.memory_space<semaphore_mem>>)
      %dma_wait3A = arith.constant 0 : i32
      %dma_wait3A_18 = tpu.memref_slice %arg10[%mul3A_0, %dma_wait3A] : memref<10112x64xf32, #tpu.memory_space<vmem_shared>> -> memref<632x64xf32, #tpu.memory_space<vmem_shared>>
      %dma_wait3A_19 = arith.constant 0 : i32
      %dma_wait3A_20 = tpu.memref_slice %arg5[%mul3A_0, %dma_wait3A_19] : memref<10112x64xf32, #tpu.memory_space<hbm>> -> memref<632x64xf32, #tpu.memory_space<hbm>>
      tpu.wait_dma2 semaphore(%run_scoped3A : memref<!tpu.dma_semaphore, #tpu.memory_space<semaphore_mem>>) src(%dma_wait3A_20 : memref<632x64xf32, #tpu.memory_space<hbm>>) dst(%dma_wait3A_18 : memref<632x64xf32, #tpu.memory_space<vmem_shared>>)
      tpu.yield
    }) : () -> ()
    "tpu.region"() ({
      %run_scoped3A = tpu.sem_alloc : memref<!tpu.dma_semaphore, #tpu.memory_space<semaphore_mem>>
      %dma_start3A = arith.constant 0 : i32
      %dma_start3A_15 = arith.constant 0 : i32
      %dma_start3A_16 = tpu.memref_slice %arg3[%arg0, %arg1, %dma_start3A, %dma_start3A_15] : memref<2x16x152x128xi32, #tpu.memory_space<hbm>> -> memref<1x1x152x128xi32, #tpu.memory_space<hbm>>
      %dma_start3A_17 = tpu.memref_squeeze %dma_start3A_16 : memref<1x1x152x128xi32, #tpu.memory_space<hbm>> -> memref<152x128xi32, #tpu.memory_space<hbm>>
      %dma_start3A_18 = arith.constant 0 : i32
      %dma_start3A_19 = arith.constant 0 : i32
      %dma_start3A_20 = tpu.memref_slice %arg3[%arg0, %arg1, %dma_start3A_18, %dma_start3A_19] : memref<2x16x152x128xi32, #tpu.memory_space<hbm>> -> memref<1x1x152x128xi32, #tpu.memory_space<hbm>>
      %dma_start3A_21 = tpu.memref_squeeze %dma_start3A_20 : memref<1x1x152x128xi32, #tpu.memory_space<hbm>> -> memref<152x128xi32, #tpu.memory_space<hbm>>
      tpu.enqueue_dma source(%dma_start3A_21 : memref<152x128xi32, #tpu.memory_space<hbm>>) target(%arg7 : memref<152x128xi32, #tpu.memory_space<vmem>>) target_semaphore(%run_scoped3A : memref<!tpu.dma_semaphore, #tpu.memory_space<semaphore_mem>>)
      %dma_wait3A = arith.constant 0 : i32
      %dma_wait3A_22 = arith.constant 0 : i32
      %dma_wait3A_23 = tpu.memref_slice %arg3[%arg0, %arg1, %dma_wait3A, %dma_wait3A_22] : memref<2x16x152x128xi32, #tpu.memory_space<hbm>> -> memref<1x1x152x128xi32, #tpu.memory_space<hbm>>
      %dma_wait3A_24 = tpu.memref_squeeze %dma_wait3A_23 : memref<1x1x152x128xi32, #tpu.memory_space<hbm>> -> memref<152x128xi32, #tpu.memory_space<hbm>>
      %dma_wait3A_25 = arith.constant 0 : i32
      %dma_wait3A_26 = arith.constant 0 : i32
      %dma_wait3A_27 = tpu.memref_slice %arg3[%arg0, %arg1, %dma_wait3A_25, %dma_wait3A_26] : memref<2x16x152x128xi32, #tpu.memory_space<hbm>> -> memref<1x1x152x128xi32, #tpu.memory_space<hbm>>
      %dma_wait3A_28 = tpu.memref_squeeze %dma_wait3A_27 : memref<1x1x152x128xi32, #tpu.memory_space<hbm>> -> memref<152x128xi32, #tpu.memory_space<hbm>>
      tpu.wait_dma2 semaphore(%run_scoped3A : memref<!tpu.dma_semaphore, #tpu.memory_space<semaphore_mem>>) src(%dma_wait3A_28 : memref<152x128xi32, #tpu.memory_space<hbm>>) dst(%arg7 : memref<152x128xi32, #tpu.memory_space<vmem>>)
      tpu.yield
    }) : () -> ()
    "tpu.region"() ({
      %run_scoped3A = tpu.sem_alloc : memref<!tpu.dma_semaphore, #tpu.memory_space<semaphore_mem>>
      %dma_start3A = arith.constant 0 : i32
      %dma_start3A_15 = arith.constant 0 : i32
      %dma_start3A_16 = tpu.memref_slice %arg4[%arg0, %arg1, %dma_start3A, %dma_start3A_15] : memref<2x16x152x128xi32, #tpu.memory_space<hbm>> -> memref<1x1x152x128xi32, #tpu.memory_space<hbm>>
      %dma_start3A_17 = tpu.memref_squeeze %dma_start3A_16 : memref<1x1x152x128xi32, #tpu.memory_space<hbm>> -> memref<152x128xi32, #tpu.memory_space<hbm>>
      %dma_start3A_18 = arith.constant 0 : i32
      %dma_start3A_19 = arith.constant 0 : i32
      %dma_start3A_20 = tpu.memref_slice %arg4[%arg0, %arg1, %dma_start3A_18, %dma_start3A_19] : memref<2x16x152x128xi32, #tpu.memory_space<hbm>> -> memref<1x1x152x128xi32, #tpu.memory_space<hbm>>
      %dma_start3A_21 = tpu.memref_squeeze %dma_start3A_20 : memref<1x1x152x128xi32, #tpu.memory_space<hbm>> -> memref<152x128xi32, #tpu.memory_space<hbm>>
      tpu.enqueue_dma source(%dma_start3A_21 : memref<152x128xi32, #tpu.memory_space<hbm>>) target(%arg8 : memref<152x128xi32, #tpu.memory_space<vmem>>) target_semaphore(%run_scoped3A : memref<!tpu.dma_semaphore, #tpu.memory_space<semaphore_mem>>)
      %dma_wait3A = arith.constant 0 : i32
      %dma_wait3A_22 = arith.constant 0 : i32
      %dma_wait3A_23 = tpu.memref_slice %arg4[%arg0, %arg1, %dma_wait3A, %dma_wait3A_22] : memref<2x16x152x128xi32, #tpu.memory_space<hbm>> -> memref<1x1x152x128xi32, #tpu.memory_space<hbm>>
      %dma_wait3A_24 = tpu.memref_squeeze %dma_wait3A_23 : memref<1x1x152x128xi32, #tpu.memory_space<hbm>> -> memref<152x128xi32, #tpu.memory_space<hbm>>
      %dma_wait3A_25 = arith.constant 0 : i32
      %dma_wait3A_26 = arith.constant 0 : i32
      %dma_wait3A_27 = tpu.memref_slice %arg4[%arg0, %arg1, %dma_wait3A_25, %dma_wait3A_26] : memref<2x16x152x128xi32, #tpu.memory_space<hbm>> -> memref<1x1x152x128xi32, #tpu.memory_space<hbm>>
      %dma_wait3A_28 = tpu.memref_squeeze %dma_wait3A_27 : memref<1x1x152x128xi32, #tpu.memory_space<hbm>> -> memref<152x128xi32, #tpu.memory_space<hbm>>
      tpu.wait_dma2 semaphore(%run_scoped3A : memref<!tpu.dma_semaphore, #tpu.memory_space<semaphore_mem>>) src(%dma_wait3A_28 : memref<152x128xi32, #tpu.memory_space<hbm>>) dst(%arg8 : memref<152x128xi32, #tpu.memory_space<vmem>>)
      tpu.yield
    }) : () -> ()
    %barrier3A = arith.constant 0 : index
    tpu.barrier barrier_id(%barrier3A)
    %eq3A = arith.constant 0 : i32
    %eq3A_1 = arith.cmpi eq, %arg0, %eq3A : i32
    %jit3A = arith.constant 38 : i32
    %jit3A_2 = arith.constant 2 : i32
    %select_n3A = arith.select %eq3A_1, %jit3A, %jit3A_2 : i32
    %while3A = arith.constant 0 : i32
    %while3A_3 = arith.constant 0 : i32
    %while3A_4 = arith.subi %select_n3A, %while3A_3 : i32
    %while3A_5 = arith.addi %while3A_3, %while3A_4 : i32
    %while3A_6 = arith.constant 1 : i32
    %while3A_7 = arith.divsi %while3A_4, %while3A_6 : i32
    %while3A_8 = arith.muli %while3A_7, %while3A_6 : i32
    %while3A_9 = arith.addi %while3A_3, %while3A_8 : i32
    %while3A_10 = arith.constant 1 : i32
    scf.for %while3A_15 = %while3A_3 to %while3A_9 step %while3A_10  : i32 {
      %mul3A_16 = arith.constant 4 : i32
      %mul3A_17 = arith.muli %while3A_15, %mul3A_16 : i32
      %add3A = arith.constant 0 : i32
      %add3A_18 = arith.addi %mul3A_17, %add3A : i32
      %ge3A_19 = arith.constant 1 : i32
      %ge3A_20 = arith.cmpi sge, %while3A_15, %ge3A_19 : i32
      %convert_element_type3A_21 = arith.extui %ge3A_20 : i1 to i32
      %cond3A_22 = arith.constant 0 : i32
      %cond3A_23 = arith.cmpi ne, %convert_element_type3A_21, %cond3A_22 : i32
      scf.if %cond3A_23 {
        %dma_wait3A_197 = arith.constant 0 : i32
        %dma_wait3A_198 = arith.constant 0 : i32
        %dma_wait3A_199 = arith.constant 0 : i32
        %dma_wait3A_200 = arith.constant 0 : i32
        %dma_wait3A_201 = tpu.memref_slice %arg9[%dma_wait3A_197, %dma_wait3A_199, %dma_wait3A_200] : memref<4x128x64xf32, #tpu.memory_space<vmem>> -> memref<1x128x64xf32, #tpu.memory_space<vmem>>
        %dma_wait3A_202 = tpu.memref_squeeze %dma_wait3A_201 : memref<1x128x64xf32, #tpu.memory_space<vmem>> -> memref<128x64xf32, #tpu.memory_space<vmem>>
        %dma_wait3A_203 = arith.constant 0 : i32
        %dma_wait3A_204 = tpu.memref_slice %arg8[%dma_wait3A_198, %dma_wait3A_203] : memref<152x128xi32, #tpu.memory_space<vmem>> -> memref<1x128xi32, #tpu.memory_space<vmem>>
        %dma_wait3A_205 = tpu.memref_squeeze %dma_wait3A_204 : memref<1x128xi32, #tpu.memory_space<vmem>> -> memref<128xi32, #tpu.memory_space<vmem>>
        %dma_wait3A_206 = arith.constant 0 : i32
        %dma_wait3A_207 = arith.constant 0 : i32
        %dma_wait3A_208 = tpu.memref_slice %arg10[%dma_wait3A_206, %dma_wait3A_207] : memref<10112x64xf32, #tpu.memory_space<vmem_shared>> -> memref<10112x64xf32, #tpu.memory_space<vmem_shared>>
        tpu.wait_indirect_dma semaphore(%arg15 : memref<!tpu.dma_semaphore, #tpu.memory_space<semaphore_mem>>) src(%dma_wait3A_202 : memref<128x64xf32, #tpu.memory_space<vmem>>) dst(%dma_wait3A_208 : memref<10112x64xf32, #tpu.memory_space<vmem_shared>>)
      } else {
      }
      %dma_start3A = arith.constant 0 : i32
      %dma_start3A_24 = arith.constant 0 : i32
      %dma_start3A_25 = arith.constant 0 : i32
      %dma_start3A_26 = tpu.memref_slice %arg9[%dma_start3A, %dma_start3A_24, %dma_start3A_25] : memref<4x128x64xf32, #tpu.memory_space<vmem>> -> memref<1x128x64xf32, #tpu.memory_space<vmem>>
      %dma_start3A_27 = tpu.memref_squeeze %dma_start3A_26 : memref<1x128x64xf32, #tpu.memory_space<vmem>> -> memref<128x64xf32, #tpu.memory_space<vmem>>
      %dma_start3A_28 = arith.constant 0 : i32
      %dma_start3A_29 = tpu.memref_slice %arg7[%add3A_18, %dma_start3A_28] : memref<152x128xi32, #tpu.memory_space<vmem>> -> memref<1x128xi32, #tpu.memory_space<vmem>>
      %dma_start3A_30 = tpu.memref_squeeze %dma_start3A_29 : memref<1x128xi32, #tpu.memory_space<vmem>> -> memref<128xi32, #tpu.memory_space<vmem>>
      %dma_start3A_31 = arith.constant 0 : i32
      %dma_start3A_32 = arith.constant 0 : i32
      %dma_start3A_33 = tpu.memref_slice %arg2[%dma_start3A_31, %dma_start3A_32] : memref<10000x64xf32, #tpu.memory_space<hbm>> -> memref<10000x64xf32, #tpu.memory_space<hbm>>
      tpu.enqueue_indirect_dma source(%dma_start3A_33 : memref<10000x64xf32, #tpu.memory_space<hbm>>) target(%dma_start3A_27 : memref<128x64xf32, #tpu.memory_space<vmem>>) offsets(%dma_start3A_30 : memref<128xi32, #tpu.memory_space<vmem>>) semaphore(%arg11 : memref<!tpu.dma_semaphore, #tpu.memory_space<semaphore_mem>>)
      %mul3A_34 = arith.constant 4 : i32
      %mul3A_35 = arith.muli %while3A_15, %mul3A_34 : i32
      %add3A_36 = arith.constant 1 : i32
      %add3A_37 = arith.addi %mul3A_35, %add3A_36 : i32
      %ge3A_38 = arith.constant 1 : i32
      %ge3A_39 = arith.cmpi sge, %while3A_15, %ge3A_38 : i32
      %convert_element_type3A_40 = arith.extui %ge3A_39 : i1 to i32
      %cond3A_41 = arith.constant 0 : i32
      %cond3A_42 = arith.cmpi ne, %convert_element_type3A_40, %cond3A_41 : i32
      scf.if %cond3A_42 {
        %dma_wait3A_197 = arith.constant 1 : i32
        %dma_wait3A_198 = arith.constant 0 : i32
        %dma_wait3A_199 = arith.constant 0 : i32
        %dma_wait3A_200 = arith.constant 0 : i32
        %dma_wait3A_201 = tpu.memref_slice %arg9[%dma_wait3A_197, %dma_wait3A_199, %dma_wait3A_200] : memref<4x128x64xf32, #tpu.memory_space<vmem>> -> memref<1x128x64xf32, #tpu.memory_space<vmem>>
        %dma_wait3A_202 = tpu.memref_squeeze %dma_wait3A_201 : memref<1x128x64xf32, #tpu.memory_space<vmem>> -> memref<128x64xf32, #tpu.memory_space<vmem>>
        %dma_wait3A_203 = arith.constant 0 : i32
        %dma_wait3A_204 = tpu.memref_slice %arg8[%dma_wait3A_198, %dma_wait3A_203] : memref<152x128xi32, #tpu.memory_space<vmem>> -> memref<1x128xi32, #tpu.memory_space<vmem>>
        %dma_wait3A_205 = tpu.memref_squeeze %dma_wait3A_204 : memref<1x128xi32, #tpu.memory_space<vmem>> -> memref<128xi32, #tpu.memory_space<vmem>>
        %dma_wait3A_206 = arith.constant 0 : i32
        %dma_wait3A_207 = arith.constant 0 : i32
        %dma_wait3A_208 = tpu.memref_slice %arg10[%dma_wait3A_206, %dma_wait3A_207] : memref<10112x64xf32, #tpu.memory_space<vmem_shared>> -> memref<10112x64xf32, #tpu.memory_space<vmem_shared>>
        tpu.wait_indirect_dma semaphore(%arg16 : memref<!tpu.dma_semaphore, #tpu.memory_space<semaphore_mem>>) src(%dma_wait3A_202 : memref<128x64xf32, #tpu.memory_space<vmem>>) dst(%dma_wait3A_208 : memref<10112x64xf32, #tpu.memory_space<vmem_shared>>)
      } else {
      }
      %dma_start3A_43 = arith.constant 1 : i32
      %dma_start3A_44 = arith.constant 0 : i32
      %dma_start3A_45 = arith.constant 0 : i32
      %dma_start3A_46 = tpu.memref_slice %arg9[%dma_start3A_43, %dma_start3A_44, %dma_start3A_45] : memref<4x128x64xf32, #tpu.memory_space<vmem>> -> memref<1x128x64xf32, #tpu.memory_space<vmem>>
      %dma_start3A_47 = tpu.memref_squeeze %dma_start3A_46 : memref<1x128x64xf32, #tpu.memory_space<vmem>> -> memref<128x64xf32, #tpu.memory_space<vmem>>
      %dma_start3A_48 = arith.constant 0 : i32
      %dma_start3A_49 = tpu.memref_slice %arg7[%add3A_37, %dma_start3A_48] : memref<152x128xi32, #tpu.memory_space<vmem>> -> memref<1x128xi32, #tpu.memory_space<vmem>>
      %dma_start3A_50 = tpu.memref_squeeze %dma_start3A_49 : memref<1x128xi32, #tpu.memory_space<vmem>> -> memref<128xi32, #tpu.memory_space<vmem>>
      %dma_start3A_51 = arith.constant 0 : i32
      %dma_start3A_52 = arith.constant 0 : i32
      %dma_start3A_53 = tpu.memref_slice %arg2[%dma_start3A_51, %dma_start3A_52] : memref<10000x64xf32, #tpu.memory_space<hbm>> -> memref<10000x64xf32, #tpu.memory_space<hbm>>
      tpu.enqueue_indirect_dma source(%dma_start3A_53 : memref<10000x64xf32, #tpu.memory_space<hbm>>) target(%dma_start3A_47 : memref<128x64xf32, #tpu.memory_space<vmem>>) offsets(%dma_start3A_50 : memref<128xi32, #tpu.memory_space<vmem>>) semaphore(%arg12 : memref<!tpu.dma_semaphore, #tpu.memory_space<semaphore_mem>>)
      %mul3A_54 = arith.constant 4 : i32
      %mul3A_55 = arith.muli %while3A_15, %mul3A_54 : i32
      %add3A_56 = arith.constant 2 : i32
      %add3A_57 = arith.addi %mul3A_55, %add3A_56 : i32
      %ge3A_58 = arith.constant 1 : i32
      %ge3A_59 = arith.cmpi sge, %while3A_15, %ge3A_58 : i32
      %convert_element_type3A_60 = arith.extui %ge3A_59 : i1 to i32
      %cond3A_61 = arith.constant 0 : i32
      %cond3A_62 = arith.cmpi ne, %convert_element_type3A_60, %cond3A_61 : i32
      scf.if %cond3A_62 {
        %dma_wait3A_197 = arith.constant 2 : i32
        %dma_wait3A_198 = arith.constant 0 : i32
        %dma_wait3A_199 = arith.constant 0 : i32
        %dma_wait3A_200 = arith.constant 0 : i32
        %dma_wait3A_201 = tpu.memref_slice %arg9[%dma_wait3A_197, %dma_wait3A_199, %dma_wait3A_200] : memref<4x128x64xf32, #tpu.memory_space<vmem>> -> memref<1x128x64xf32, #tpu.memory_space<vmem>>
        %dma_wait3A_202 = tpu.memref_squeeze %dma_wait3A_201 : memref<1x128x64xf32, #tpu.memory_space<vmem>> -> memref<128x64xf32, #tpu.memory_space<vmem>>
        %dma_wait3A_203 = arith.constant 0 : i32
        %dma_wait3A_204 = tpu.memref_slice %arg8[%dma_wait3A_198, %dma_wait3A_203] : memref<152x128xi32, #tpu.memory_space<vmem>> -> memref<1x128xi32, #tpu.memory_space<vmem>>
        %dma_wait3A_205 = tpu.memref_squeeze %dma_wait3A_204 : memref<1x128xi32, #tpu.memory_space<vmem>> -> memref<128xi32, #tpu.memory_space<vmem>>
        %dma_wait3A_206 = arith.constant 0 : i32
        %dma_wait3A_207 = arith.constant 0 : i32
        %dma_wait3A_208 = tpu.memref_slice %arg10[%dma_wait3A_206, %dma_wait3A_207] : memref<10112x64xf32, #tpu.memory_space<vmem_shared>> -> memref<10112x64xf32, #tpu.memory_space<vmem_shared>>
        tpu.wait_indirect_dma semaphore(%arg17 : memref<!tpu.dma_semaphore, #tpu.memory_space<semaphore_mem>>) src(%dma_wait3A_202 : memref<128x64xf32, #tpu.memory_space<vmem>>) dst(%dma_wait3A_208 : memref<10112x64xf32, #tpu.memory_space<vmem_shared>>)
      } else {
      }
      %dma_start3A_63 = arith.constant 2 : i32
      %dma_start3A_64 = arith.constant 0 : i32
      %dma_start3A_65 = arith.constant 0 : i32
      %dma_start3A_66 = tpu.memref_slice %arg9[%dma_start3A_63, %dma_start3A_64, %dma_start3A_65] : memref<4x128x64xf32, #tpu.memory_space<vmem>> -> memref<1x128x64xf32, #tpu.memory_space<vmem>>
      %dma_start3A_67 = tpu.memref_squeeze %dma_start3A_66 : memref<1x128x64xf32, #tpu.memory_space<vmem>> -> memref<128x64xf32, #tpu.memory_space<vmem>>
      %dma_start3A_68 = arith.constant 0 : i32
      %dma_start3A_69 = tpu.memref_slice %arg7[%add3A_57, %dma_start3A_68] : memref<152x128xi32, #tpu.memory_space<vmem>> -> memref<1x128xi32, #tpu.memory_space<vmem>>
      %dma_start3A_70 = tpu.memref_squeeze %dma_start3A_69 : memref<1x128xi32, #tpu.memory_space<vmem>> -> memref<128xi32, #tpu.memory_space<vmem>>
      %dma_start3A_71 = arith.constant 0 : i32
      %dma_start3A_72 = arith.constant 0 : i32
      %dma_start3A_73 = tpu.memref_slice %arg2[%dma_start3A_71, %dma_start3A_72] : memref<10000x64xf32, #tpu.memory_space<hbm>> -> memref<10000x64xf32, #tpu.memory_space<hbm>>
      tpu.enqueue_indirect_dma source(%dma_start3A_73 : memref<10000x64xf32, #tpu.memory_space<hbm>>) target(%dma_start3A_67 : memref<128x64xf32, #tpu.memory_space<vmem>>) offsets(%dma_start3A_70 : memref<128xi32, #tpu.memory_space<vmem>>) semaphore(%arg13 : memref<!tpu.dma_semaphore, #tpu.memory_space<semaphore_mem>>)
      %mul3A_74 = arith.constant 4 : i32
      %mul3A_75 = arith.muli %while3A_15, %mul3A_74 : i32
      %add3A_76 = arith.constant 3 : i32
      %add3A_77 = arith.addi %mul3A_75, %add3A_76 : i32
      %ge3A_78 = arith.constant 1 : i32
      %ge3A_79 = arith.cmpi sge, %while3A_15, %ge3A_78 : i32
      %convert_element_type3A_80 = arith.extui %ge3A_79 : i1 to i32
      %cond3A_81 = arith.constant 0 : i32
      %cond3A_82 = arith.cmpi ne, %convert_element_type3A_80, %cond3A_81 : i32
      scf.if %cond3A_82 {
        %dma_wait3A_197 = arith.constant 3 : i32
        %dma_wait3A_198 = arith.constant 0 : i32
        %dma_wait3A_199 = arith.constant 0 : i32
        %dma_wait3A_200 = arith.constant 0 : i32
        %dma_wait3A_201 = tpu.memref_slice %arg9[%dma_wait3A_197, %dma_wait3A_199, %dma_wait3A_200] : memref<4x128x64xf32, #tpu.memory_space<vmem>> -> memref<1x128x64xf32, #tpu.memory_space<vmem>>
        %dma_wait3A_202 = tpu.memref_squeeze %dma_wait3A_201 : memref<1x128x64xf32, #tpu.memory_space<vmem>> -> memref<128x64xf32, #tpu.memory_space<vmem>>
        %dma_wait3A_203 = arith.constant 0 : i32
        %dma_wait3A_204 = tpu.memref_slice %arg8[%dma_wait3A_198, %dma_wait3A_203] : memref<152x128xi32, #tpu.memory_space<vmem>> -> memref<1x128xi32, #tpu.memory_space<vmem>>
        %dma_wait3A_205 = tpu.memref_squeeze %dma_wait3A_204 : memref<1x128xi32, #tpu.memory_space<vmem>> -> memref<128xi32, #tpu.memory_space<vmem>>
        %dma_wait3A_206 = arith.constant 0 : i32
        %dma_wait3A_207 = arith.constant 0 : i32
        %dma_wait3A_208 = tpu.memref_slice %arg10[%dma_wait3A_206, %dma_wait3A_207] : memref<10112x64xf32, #tpu.memory_space<vmem_shared>> -> memref<10112x64xf32, #tpu.memory_space<vmem_shared>>
        tpu.wait_indirect_dma semaphore(%arg18 : memref<!tpu.dma_semaphore, #tpu.memory_space<semaphore_mem>>) src(%dma_wait3A_202 : memref<128x64xf32, #tpu.memory_space<vmem>>) dst(%dma_wait3A_208 : memref<10112x64xf32, #tpu.memory_space<vmem_shared>>)
      } else {
      }
      %dma_start3A_83 = arith.constant 3 : i32
      %dma_start3A_84 = arith.constant 0 : i32
      %dma_start3A_85 = arith.constant 0 : i32
      %dma_start3A_86 = tpu.memref_slice %arg9[%dma_start3A_83, %dma_start3A_84, %dma_start3A_85] : memref<4x128x64xf32, #tpu.memory_space<vmem>> -> memref<1x128x64xf32, #tpu.memory_space<vmem>>
      %dma_start3A_87 = tpu.memref_squeeze %dma_start3A_86 : memref<1x128x64xf32, #tpu.memory_space<vmem>> -> memref<128x64xf32, #tpu.memory_space<vmem>>
      %dma_start3A_88 = arith.constant 0 : i32
      %dma_start3A_89 = tpu.memref_slice %arg7[%add3A_77, %dma_start3A_88] : memref<152x128xi32, #tpu.memory_space<vmem>> -> memref<1x128xi32, #tpu.memory_space<vmem>>
      %dma_start3A_90 = tpu.memref_squeeze %dma_start3A_89 : memref<1x128xi32, #tpu.memory_space<vmem>> -> memref<128xi32, #tpu.memory_space<vmem>>
      %dma_start3A_91 = arith.constant 0 : i32
      %dma_start3A_92 = arith.constant 0 : i32
      %dma_start3A_93 = tpu.memref_slice %arg2[%dma_start3A_91, %dma_start3A_92] : memref<10000x64xf32, #tpu.memory_space<hbm>> -> memref<10000x64xf32, #tpu.memory_space<hbm>>
      tpu.enqueue_indirect_dma source(%dma_start3A_93 : memref<10000x64xf32, #tpu.memory_space<hbm>>) target(%dma_start3A_87 : memref<128x64xf32, #tpu.memory_space<vmem>>) offsets(%dma_start3A_90 : memref<128xi32, #tpu.memory_space<vmem>>) semaphore(%arg14 : memref<!tpu.dma_semaphore, #tpu.memory_space<semaphore_mem>>)
      %mul3A_94 = arith.constant 4 : i32
      %mul3A_95 = arith.muli %while3A_15, %mul3A_94 : i32
      %add3A_96 = arith.constant 0 : i32
      %add3A_97 = arith.addi %mul3A_95, %add3A_96 : i32
      %dma_wait3A = arith.constant 0 : i32
      %dma_wait3A_98 = arith.constant 0 : i32
      %dma_wait3A_99 = arith.constant 0 : i32
      %dma_wait3A_100 = tpu.memref_slice %arg9[%dma_wait3A, %dma_wait3A_98, %dma_wait3A_99] : memref<4x128x64xf32, #tpu.memory_space<vmem>> -> memref<1x128x64xf32, #tpu.memory_space<vmem>>
      %dma_wait3A_101 = tpu.memref_squeeze %dma_wait3A_100 : memref<1x128x64xf32, #tpu.memory_space<vmem>> -> memref<128x64xf32, #tpu.memory_space<vmem>>
      %dma_wait3A_102 = arith.constant 0 : i32
      %dma_wait3A_103 = tpu.memref_slice %arg7[%add3A_18, %dma_wait3A_102] : memref<152x128xi32, #tpu.memory_space<vmem>> -> memref<1x128xi32, #tpu.memory_space<vmem>>
      %dma_wait3A_104 = tpu.memref_squeeze %dma_wait3A_103 : memref<1x128xi32, #tpu.memory_space<vmem>> -> memref<128xi32, #tpu.memory_space<vmem>>
      %dma_wait3A_105 = arith.constant 0 : i32
      %dma_wait3A_106 = arith.constant 0 : i32
      %dma_wait3A_107 = tpu.memref_slice %arg2[%dma_wait3A_105, %dma_wait3A_106] : memref<10000x64xf32, #tpu.memory_space<hbm>> -> memref<10000x64xf32, #tpu.memory_space<hbm>>
      tpu.wait_indirect_dma semaphore(%arg11 : memref<!tpu.dma_semaphore, #tpu.memory_space<semaphore_mem>>) src(%dma_wait3A_107 : memref<10000x64xf32, #tpu.memory_space<hbm>>) dst(%dma_wait3A_101 : memref<128x64xf32, #tpu.memory_space<vmem>>)
      %dma_start3A_108 = arith.constant 0 : i32
      %dma_start3A_109 = arith.constant 0 : i32
      %dma_start3A_110 = arith.constant 0 : i32
      %dma_start3A_111 = tpu.memref_slice %arg9[%dma_start3A_108, %dma_start3A_109, %dma_start3A_110] : memref<4x128x64xf32, #tpu.memory_space<vmem>> -> memref<1x128x64xf32, #tpu.memory_space<vmem>>
      %dma_start3A_112 = tpu.memref_squeeze %dma_start3A_111 : memref<1x128x64xf32, #tpu.memory_space<vmem>> -> memref<128x64xf32, #tpu.memory_space<vmem>>
      %dma_start3A_113 = arith.constant 0 : i32
      %dma_start3A_114 = tpu.memref_slice %arg8[%add3A_97, %dma_start3A_113] : memref<152x128xi32, #tpu.memory_space<vmem>> -> memref<1x128xi32, #tpu.memory_space<vmem>>
      %dma_start3A_115 = tpu.memref_squeeze %dma_start3A_114 : memref<1x128xi32, #tpu.memory_space<vmem>> -> memref<128xi32, #tpu.memory_space<vmem>>
      %dma_start3A_116 = arith.constant 0 : i32
      %dma_start3A_117 = arith.constant 0 : i32
      %dma_start3A_118 = tpu.memref_slice %arg10[%dma_start3A_116, %dma_start3A_117] : memref<10112x64xf32, #tpu.memory_space<vmem_shared>> -> memref<10112x64xf32, #tpu.memory_space<vmem_shared>>
      tpu.enqueue_indirect_dma source(%dma_start3A_112 : memref<128x64xf32, #tpu.memory_space<vmem>>) target(%dma_start3A_118 : memref<10112x64xf32, #tpu.memory_space<vmem_shared>>) offsets(%dma_start3A_115 : memref<128xi32, #tpu.memory_space<vmem>>) semaphore(%arg15 : memref<!tpu.dma_semaphore, #tpu.memory_space<semaphore_mem>>) {add = true}
      %mul3A_119 = arith.constant 4 : i32
      %mul3A_120 = arith.muli %while3A_15, %mul3A_119 : i32
      %add3A_121 = arith.constant 1 : i32
      %add3A_122 = arith.addi %mul3A_120, %add3A_121 : i32
      %dma_wait3A_123 = arith.constant 1 : i32
      %dma_wait3A_124 = arith.constant 0 : i32
      %dma_wait3A_125 = arith.constant 0 : i32
      %dma_wait3A_126 = tpu.memref_slice %arg9[%dma_wait3A_123, %dma_wait3A_124, %dma_wait3A_125] : memref<4x128x64xf32, #tpu.memory_space<vmem>> -> memref<1x128x64xf32, #tpu.memory_space<vmem>>
      %dma_wait3A_127 = tpu.memref_squeeze %dma_wait3A_126 : memref<1x128x64xf32, #tpu.memory_space<vmem>> -> memref<128x64xf32, #tpu.memory_space<vmem>>
      %dma_wait3A_128 = arith.constant 0 : i32
      %dma_wait3A_129 = tpu.memref_slice %arg7[%add3A_37, %dma_wait3A_128] : memref<152x128xi32, #tpu.memory_space<vmem>> -> memref<1x128xi32, #tpu.memory_space<vmem>>
      %dma_wait3A_130 = tpu.memref_squeeze %dma_wait3A_129 : memref<1x128xi32, #tpu.memory_space<vmem>> -> memref<128xi32, #tpu.memory_space<vmem>>
      %dma_wait3A_131 = arith.constant 0 : i32
      %dma_wait3A_132 = arith.constant 0 : i32
      %dma_wait3A_133 = tpu.memref_slice %arg2[%dma_wait3A_131, %dma_wait3A_132] : memref<10000x64xf32, #tpu.memory_space<hbm>> -> memref<10000x64xf32, #tpu.memory_space<hbm>>
      tpu.wait_indirect_dma semaphore(%arg12 : memref<!tpu.dma_semaphore, #tpu.memory_space<semaphore_mem>>) src(%dma_wait3A_133 : memref<10000x64xf32, #tpu.memory_space<hbm>>) dst(%dma_wait3A_127 : memref<128x64xf32, #tpu.memory_space<vmem>>)
      %dma_start3A_134 = arith.constant 1 : i32
      %dma_start3A_135 = arith.constant 0 : i32
      %dma_start3A_136 = arith.constant 0 : i32
      %dma_start3A_137 = tpu.memref_slice %arg9[%dma_start3A_134, %dma_start3A_135, %dma_start3A_136] : memref<4x128x64xf32, #tpu.memory_space<vmem>> -> memref<1x128x64xf32, #tpu.memory_space<vmem>>
      %dma_start3A_138 = tpu.memref_squeeze %dma_start3A_137 : memref<1x128x64xf32, #tpu.memory_space<vmem>> -> memref<128x64xf32, #tpu.memory_space<vmem>>
      %dma_start3A_139 = arith.constant 0 : i32
      %dma_start3A_140 = tpu.memref_slice %arg8[%add3A_122, %dma_start3A_139] : memref<152x128xi32, #tpu.memory_space<vmem>> -> memref<1x128xi32, #tpu.memory_space<vmem>>
      %dma_start3A_141 = tpu.memref_squeeze %dma_start3A_140 : memref<1x128xi32, #tpu.memory_space<vmem>> -> memref<128xi32, #tpu.memory_space<vmem>>
      %dma_start3A_142 = arith.constant 0 : i32
      %dma_start3A_143 = arith.constant 0 : i32
      %dma_start3A_144 = tpu.memref_slice %arg10[%dma_start3A_142, %dma_start3A_143] : memref<10112x64xf32, #tpu.memory_space<vmem_shared>> -> memref<10112x64xf32, #tpu.memory_space<vmem_shared>>
      tpu.enqueue_indirect_dma source(%dma_start3A_138 : memref<128x64xf32, #tpu.memory_space<vmem>>) target(%dma_start3A_144 : memref<10112x64xf32, #tpu.memory_space<vmem_shared>>) offsets(%dma_start3A_141 : memref<128xi32, #tpu.memory_space<vmem>>) semaphore(%arg16 : memref<!tpu.dma_semaphore, #tpu.memory_space<semaphore_mem>>) {add = true}
      %mul3A_145 = arith.constant 4 : i32
      %mul3A_146 = arith.muli %while3A_15, %mul3A_145 : i32
      %add3A_147 = arith.constant 2 : i32
      %add3A_148 = arith.addi %mul3A_146, %add3A_147 : i32
      %dma_wait3A_149 = arith.constant 2 : i32
      %dma_wait3A_150 = arith.constant 0 : i32
      %dma_wait3A_151 = arith.constant 0 : i32
      %dma_wait3A_152 = tpu.memref_slice %arg9[%dma_wait3A_149, %dma_wait3A_150, %dma_wait3A_151] : memref<4x128x64xf32, #tpu.memory_space<vmem>> -> memref<1x128x64xf32, #tpu.memory_space<vmem>>
      %dma_wait3A_153 = tpu.memref_squeeze %dma_wait3A_152 : memref<1x128x64xf32, #tpu.memory_space<vmem>> -> memref<128x64xf32, #tpu.memory_space<vmem>>
      %dma_wait3A_154 = arith.constant 0 : i32
      %dma_wait3A_155 = tpu.memref_slice %arg7[%add3A_57, %dma_wait3A_154] : memref<152x128xi32, #tpu.memory_space<vmem>> -> memref<1x128xi32, #tpu.memory_space<vmem>>
      %dma_wait3A_156 = tpu.memref_squeeze %dma_wait3A_155 : memref<1x128xi32, #tpu.memory_space<vmem>> -> memref<128xi32, #tpu.memory_space<vmem>>
      %dma_wait3A_157 = arith.constant 0 : i32
      %dma_wait3A_158 = arith.constant 0 : i32
      %dma_wait3A_159 = tpu.memref_slice %arg2[%dma_wait3A_157, %dma_wait3A_158] : memref<10000x64xf32, #tpu.memory_space<hbm>> -> memref<10000x64xf32, #tpu.memory_space<hbm>>
      tpu.wait_indirect_dma semaphore(%arg13 : memref<!tpu.dma_semaphore, #tpu.memory_space<semaphore_mem>>) src(%dma_wait3A_159 : memref<10000x64xf32, #tpu.memory_space<hbm>>) dst(%dma_wait3A_153 : memref<128x64xf32, #tpu.memory_space<vmem>>)
      %dma_start3A_160 = arith.constant 2 : i32
      %dma_start3A_161 = arith.constant 0 : i32
      %dma_start3A_162 = arith.constant 0 : i32
      %dma_start3A_163 = tpu.memref_slice %arg9[%dma_start3A_160, %dma_start3A_161, %dma_start3A_162] : memref<4x128x64xf32, #tpu.memory_space<vmem>> -> memref<1x128x64xf32, #tpu.memory_space<vmem>>
      %dma_start3A_164 = tpu.memref_squeeze %dma_start3A_163 : memref<1x128x64xf32, #tpu.memory_space<vmem>> -> memref<128x64xf32, #tpu.memory_space<vmem>>
      %dma_start3A_165 = arith.constant 0 : i32
      %dma_start3A_166 = tpu.memref_slice %arg8[%add3A_148, %dma_start3A_165] : memref<152x128xi32, #tpu.memory_space<vmem>> -> memref<1x128xi32, #tpu.memory_space<vmem>>
      %dma_start3A_167 = tpu.memref_squeeze %dma_start3A_166 : memref<1x128xi32, #tpu.memory_space<vmem>> -> memref<128xi32, #tpu.memory_space<vmem>>
      %dma_start3A_168 = arith.constant 0 : i32
      %dma_start3A_169 = arith.constant 0 : i32
      %dma_start3A_170 = tpu.memref_slice %arg10[%dma_start3A_168, %dma_start3A_169] : memref<10112x64xf32, #tpu.memory_space<vmem_shared>> -> memref<10112x64xf32, #tpu.memory_space<vmem_shared>>
      tpu.enqueue_indirect_dma source(%dma_start3A_164 : memref<128x64xf32, #tpu.memory_space<vmem>>) target(%dma_start3A_170 : memref<10112x64xf32, #tpu.memory_space<vmem_shared>>) offsets(%dma_start3A_167 : memref<128xi32, #tpu.memory_space<vmem>>) semaphore(%arg17 : memref<!tpu.dma_semaphore, #tpu.memory_space<semaphore_mem>>) {add = true}
      %mul3A_171 = arith.constant 4 : i32
      %mul3A_172 = arith.muli %while3A_15, %mul3A_171 : i32
      %add3A_173 = arith.constant 3 : i32
      %add3A_174 = arith.addi %mul3A_172, %add3A_173 : i32
      %dma_wait3A_175 = arith.constant 3 : i32
      %dma_wait3A_176 = arith.constant 0 : i32
      %dma_wait3A_177 = arith.constant 0 : i32
      %dma_wait3A_178 = tpu.memref_slice %arg9[%dma_wait3A_175, %dma_wait3A_176, %dma_wait3A_177] : memref<4x128x64xf32, #tpu.memory_space<vmem>> -> memref<1x128x64xf32, #tpu.memory_space<vmem>>
      %dma_wait3A_179 = tpu.memref_squeeze %dma_wait3A_178 : memref<1x128x64xf32, #tpu.memory_space<vmem>> -> memref<128x64xf32, #tpu.memory_space<vmem>>
      %dma_wait3A_180 = arith.constant 0 : i32
      %dma_wait3A_181 = tpu.memref_slice %arg7[%add3A_77, %dma_wait3A_180] : memref<152x128xi32, #tpu.memory_space<vmem>> -> memref<1x128xi32, #tpu.memory_space<vmem>>
      %dma_wait3A_182 = tpu.memref_squeeze %dma_wait3A_181 : memref<1x128xi32, #tpu.memory_space<vmem>> -> memref<128xi32, #tpu.memory_space<vmem>>
      %dma_wait3A_183 = arith.constant 0 : i32
      %dma_wait3A_184 = arith.constant 0 : i32
      %dma_wait3A_185 = tpu.memref_slice %arg2[%dma_wait3A_183, %dma_wait3A_184] : memref<10000x64xf32, #tpu.memory_space<hbm>> -> memref<10000x64xf32, #tpu.memory_space<hbm>>
      tpu.wait_indirect_dma semaphore(%arg14 : memref<!tpu.dma_semaphore, #tpu.memory_space<semaphore_mem>>) src(%dma_wait3A_185 : memref<10000x64xf32, #tpu.memory_space<hbm>>) dst(%dma_wait3A_179 : memref<128x64xf32, #tpu.memory_space<vmem>>)
      %dma_start3A_186 = arith.constant 3 : i32
      %dma_start3A_187 = arith.constant 0 : i32
      %dma_start3A_188 = arith.constant 0 : i32
      %dma_start3A_189 = tpu.memref_slice %arg9[%dma_start3A_186, %dma_start3A_187, %dma_start3A_188] : memref<4x128x64xf32, #tpu.memory_space<vmem>> -> memref<1x128x64xf32, #tpu.memory_space<vmem>>
      %dma_start3A_190 = tpu.memref_squeeze %dma_start3A_189 : memref<1x128x64xf32, #tpu.memory_space<vmem>> -> memref<128x64xf32, #tpu.memory_space<vmem>>
      %dma_start3A_191 = arith.constant 0 : i32
      %dma_start3A_192 = tpu.memref_slice %arg8[%add3A_174, %dma_start3A_191] : memref<152x128xi32, #tpu.memory_space<vmem>> -> memref<1x128xi32, #tpu.memory_space<vmem>>
      %dma_start3A_193 = tpu.memref_squeeze %dma_start3A_192 : memref<1x128xi32, #tpu.memory_space<vmem>> -> memref<128xi32, #tpu.memory_space<vmem>>
      %dma_start3A_194 = arith.constant 0 : i32
      %dma_start3A_195 = arith.constant 0 : i32
      %dma_start3A_196 = tpu.memref_slice %arg10[%dma_start3A_194, %dma_start3A_195] : memref<10112x64xf32, #tpu.memory_space<vmem_shared>> -> memref<10112x64xf32, #tpu.memory_space<vmem_shared>>
      tpu.enqueue_indirect_dma source(%dma_start3A_190 : memref<128x64xf32, #tpu.memory_space<vmem>>) target(%dma_start3A_196 : memref<10112x64xf32, #tpu.memory_space<vmem_shared>>) offsets(%dma_start3A_193 : memref<128xi32, #tpu.memory_space<vmem>>) semaphore(%arg18 : memref<!tpu.dma_semaphore, #tpu.memory_space<semaphore_mem>>) {add = true}
    }
    %while3A_11 = arith.constant 1 : i32
    scf.for %while3A_15 = %while3A_9 to %while3A_5 step %while3A_11  : i32 {
      %mul3A_16 = arith.constant 4 : i32
      %mul3A_17 = arith.muli %while3A_15, %mul3A_16 : i32
      %add3A = arith.constant 0 : i32
      %add3A_18 = arith.addi %mul3A_17, %add3A : i32
      %ge3A_19 = arith.constant 1 : i32
      %ge3A_20 = arith.cmpi sge, %while3A_15, %ge3A_19 : i32
      %convert_element_type3A_21 = arith.extui %ge3A_20 : i1 to i32
      %cond3A_22 = arith.constant 0 : i32
      %cond3A_23 = arith.cmpi ne, %convert_element_type3A_21, %cond3A_22 : i32
      scf.if %cond3A_23 {
        %dma_wait3A_197 = arith.constant 0 : i32
        %dma_wait3A_198 = arith.constant 0 : i32
        %dma_wait3A_199 = arith.constant 0 : i32
        %dma_wait3A_200 = arith.constant 0 : i32
        %dma_wait3A_201 = tpu.memref_slice %arg9[%dma_wait3A_197, %dma_wait3A_199, %dma_wait3A_200] : memref<4x128x64xf32, #tpu.memory_space<vmem>> -> memref<1x128x64xf32, #tpu.memory_space<vmem>>
        %dma_wait3A_202 = tpu.memref_squeeze %dma_wait3A_201 : memref<1x128x64xf32, #tpu.memory_space<vmem>> -> memref<128x64xf32, #tpu.memory_space<vmem>>
        %dma_wait3A_203 = arith.constant 0 : i32
        %dma_wait3A_204 = tpu.memref_slice %arg8[%dma_wait3A_198, %dma_wait3A_203] : memref<152x128xi32, #tpu.memory_space<vmem>> -> memref<1x128xi32, #tpu.memory_space<vmem>>
        %dma_wait3A_205 = tpu.memref_squeeze %dma_wait3A_204 : memref<1x128xi32, #tpu.memory_space<vmem>> -> memref<128xi32, #tpu.memory_space<vmem>>
        %dma_wait3A_206 = arith.constant 0 : i32
        %dma_wait3A_207 = arith.constant 0 : i32
        %dma_wait3A_208 = tpu.memref_slice %arg10[%dma_wait3A_206, %dma_wait3A_207] : memref<10112x64xf32, #tpu.memory_space<vmem_shared>> -> memref<10112x64xf32, #tpu.memory_space<vmem_shared>>
        tpu.wait_indirect_dma semaphore(%arg15 : memref<!tpu.dma_semaphore, #tpu.memory_space<semaphore_mem>>) src(%dma_wait3A_202 : memref<128x64xf32, #tpu.memory_space<vmem>>) dst(%dma_wait3A_208 : memref<10112x64xf32, #tpu.memory_space<vmem_shared>>)
      } else {
      }
      %dma_start3A = arith.constant 0 : i32
      %dma_start3A_24 = arith.constant 0 : i32
      %dma_start3A_25 = arith.constant 0 : i32
      %dma_start3A_26 = tpu.memref_slice %arg9[%dma_start3A, %dma_start3A_24, %dma_start3A_25] : memref<4x128x64xf32, #tpu.memory_space<vmem>> -> memref<1x128x64xf32, #tpu.memory_space<vmem>>
      %dma_start3A_27 = tpu.memref_squeeze %dma_start3A_26 : memref<1x128x64xf32, #tpu.memory_space<vmem>> -> memref<128x64xf32, #tpu.memory_space<vmem>>
      %dma_start3A_28 = arith.constant 0 : i32
      %dma_start3A_29 = tpu.memref_slice %arg7[%add3A_18, %dma_start3A_28] : memref<152x128xi32, #tpu.memory_space<vmem>> -> memref<1x128xi32, #tpu.memory_space<vmem>>
      %dma_start3A_30 = tpu.memref_squeeze %dma_start3A_29 : memref<1x128xi32, #tpu.memory_space<vmem>> -> memref<128xi32, #tpu.memory_space<vmem>>
      %dma_start3A_31 = arith.constant 0 : i32
      %dma_start3A_32 = arith.constant 0 : i32
      %dma_start3A_33 = tpu.memref_slice %arg2[%dma_start3A_31, %dma_start3A_32] : memref<10000x64xf32, #tpu.memory_space<hbm>> -> memref<10000x64xf32, #tpu.memory_space<hbm>>
      tpu.enqueue_indirect_dma source(%dma_start3A_33 : memref<10000x64xf32, #tpu.memory_space<hbm>>) target(%dma_start3A_27 : memref<128x64xf32, #tpu.memory_space<vmem>>) offsets(%dma_start3A_30 : memref<128xi32, #tpu.memory_space<vmem>>) semaphore(%arg11 : memref<!tpu.dma_semaphore, #tpu.memory_space<semaphore_mem>>)
      %mul3A_34 = arith.constant 4 : i32
      %mul3A_35 = arith.muli %while3A_15, %mul3A_34 : i32
      %add3A_36 = arith.constant 1 : i32
      %add3A_37 = arith.addi %mul3A_35, %add3A_36 : i32
      %ge3A_38 = arith.constant 1 : i32
      %ge3A_39 = arith.cmpi sge, %while3A_15, %ge3A_38 : i32
      %convert_element_type3A_40 = arith.extui %ge3A_39 : i1 to i32
      %cond3A_41 = arith.constant 0 : i32
      %cond3A_42 = arith.cmpi ne, %convert_element_type3A_40, %cond3A_41 : i32
      scf.if %cond3A_42 {
        %dma_wait3A_197 = arith.constant 1 : i32
        %dma_wait3A_198 = arith.constant 0 : i32
        %dma_wait3A_199 = arith.constant 0 : i32
        %dma_wait3A_200 = arith.constant 0 : i32
        %dma_wait3A_201 = tpu.memref_slice %arg9[%dma_wait3A_197, %dma_wait3A_199, %dma_wait3A_200] : memref<4x128x64xf32, #tpu.memory_space<vmem>> -> memref<1x128x64xf32, #tpu.memory_space<vmem>>
        %dma_wait3A_202 = tpu.memref_squeeze %dma_wait3A_201 : memref<1x128x64xf32, #tpu.memory_space<vmem>> -> memref<128x64xf32, #tpu.memory_space<vmem>>
        %dma_wait3A_203 = arith.constant 0 : i32
        %dma_wait3A_204 = tpu.memref_slice %arg8[%dma_wait3A_198, %dma_wait3A_203] : memref<152x128xi32, #tpu.memory_space<vmem>> -> memref<1x128xi32, #tpu.memory_space<vmem>>
        %dma_wait3A_205 = tpu.memref_squeeze %dma_wait3A_204 : memref<1x128xi32, #tpu.memory_space<vmem>> -> memref<128xi32, #tpu.memory_space<vmem>>
        %dma_wait3A_206 = arith.constant 0 : i32
        %dma_wait3A_207 = arith.constant 0 : i32
        %dma_wait3A_208 = tpu.memref_slice %arg10[%dma_wait3A_206, %dma_wait3A_207] : memref<10112x64xf32, #tpu.memory_space<vmem_shared>> -> memref<10112x64xf32, #tpu.memory_space<vmem_shared>>
        tpu.wait_indirect_dma semaphore(%arg16 : memref<!tpu.dma_semaphore, #tpu.memory_space<semaphore_mem>>) src(%dma_wait3A_202 : memref<128x64xf32, #tpu.memory_space<vmem>>) dst(%dma_wait3A_208 : memref<10112x64xf32, #tpu.memory_space<vmem_shared>>)
      } else {
      }
      %dma_start3A_43 = arith.constant 1 : i32
      %dma_start3A_44 = arith.constant 0 : i32
      %dma_start3A_45 = arith.constant 0 : i32
      %dma_start3A_46 = tpu.memref_slice %arg9[%dma_start3A_43, %dma_start3A_44, %dma_start3A_45] : memref<4x128x64xf32, #tpu.memory_space<vmem>> -> memref<1x128x64xf32, #tpu.memory_space<vmem>>
      %dma_start3A_47 = tpu.memref_squeeze %dma_start3A_46 : memref<1x128x64xf32, #tpu.memory_space<vmem>> -> memref<128x64xf32, #tpu.memory_space<vmem>>
      %dma_start3A_48 = arith.constant 0 : i32
      %dma_start3A_49 = tpu.memref_slice %arg7[%add3A_37, %dma_start3A_48] : memref<152x128xi32, #tpu.memory_space<vmem>> -> memref<1x128xi32, #tpu.memory_space<vmem>>
      %dma_start3A_50 = tpu.memref_squeeze %dma_start3A_49 : memref<1x128xi32, #tpu.memory_space<vmem>> -> memref<128xi32, #tpu.memory_space<vmem>>
      %dma_start3A_51 = arith.constant 0 : i32
      %dma_start3A_52 = arith.constant 0 : i32
      %dma_start3A_53 = tpu.memref_slice %arg2[%dma_start3A_51, %dma_start3A_52] : memref<10000x64xf32, #tpu.memory_space<hbm>> -> memref<10000x64xf32, #tpu.memory_space<hbm>>
      tpu.enqueue_indirect_dma source(%dma_start3A_53 : memref<10000x64xf32, #tpu.memory_space<hbm>>) target(%dma_start3A_47 : memref<128x64xf32, #tpu.memory_space<vmem>>) offsets(%dma_start3A_50 : memref<128xi32, #tpu.memory_space<vmem>>) semaphore(%arg12 : memref<!tpu.dma_semaphore, #tpu.memory_space<semaphore_mem>>)
      %mul3A_54 = arith.constant 4 : i32
      %mul3A_55 = arith.muli %while3A_15, %mul3A_54 : i32
      %add3A_56 = arith.constant 2 : i32
      %add3A_57 = arith.addi %mul3A_55, %add3A_56 : i32
      %ge3A_58 = arith.constant 1 : i32
      %ge3A_59 = arith.cmpi sge, %while3A_15, %ge3A_58 : i32
      %convert_element_type3A_60 = arith.extui %ge3A_59 : i1 to i32
      %cond3A_61 = arith.constant 0 : i32
      %cond3A_62 = arith.cmpi ne, %convert_element_type3A_60, %cond3A_61 : i32
      scf.if %cond3A_62 {
        %dma_wait3A_197 = arith.constant 2 : i32
        %dma_wait3A_198 = arith.constant 0 : i32
        %dma_wait3A_199 = arith.constant 0 : i32
        %dma_wait3A_200 = arith.constant 0 : i32
        %dma_wait3A_201 = tpu.memref_slice %arg9[%dma_wait3A_197, %dma_wait3A_199, %dma_wait3A_200] : memref<4x128x64xf32, #tpu.memory_space<vmem>> -> memref<1x128x64xf32, #tpu.memory_space<vmem>>
        %dma_wait3A_202 = tpu.memref_squeeze %dma_wait3A_201 : memref<1x128x64xf32, #tpu.memory_space<vmem>> -> memref<128x64xf32, #tpu.memory_space<vmem>>
        %dma_wait3A_203 = arith.constant 0 : i32
        %dma_wait3A_204 = tpu.memref_slice %arg8[%dma_wait3A_198, %dma_wait3A_203] : memref<152x128xi32, #tpu.memory_space<vmem>> -> memref<1x128xi32, #tpu.memory_space<vmem>>
        %dma_wait3A_205 = tpu.memref_squeeze %dma_wait3A_204 : memref<1x128xi32, #tpu.memory_space<vmem>> -> memref<128xi32, #tpu.memory_space<vmem>>
        %dma_wait3A_206 = arith.constant 0 : i32
        %dma_wait3A_207 = arith.constant 0 : i32
        %dma_wait3A_208 = tpu.memref_slice %arg10[%dma_wait3A_206, %dma_wait3A_207] : memref<10112x64xf32, #tpu.memory_space<vmem_shared>> -> memref<10112x64xf32, #tpu.memory_space<vmem_shared>>
        tpu.wait_indirect_dma semaphore(%arg17 : memref<!tpu.dma_semaphore, #tpu.memory_space<semaphore_mem>>) src(%dma_wait3A_202 : memref<128x64xf32, #tpu.memory_space<vmem>>) dst(%dma_wait3A_208 : memref<10112x64xf32, #tpu.memory_space<vmem_shared>>)
      } else {
      }
      %dma_start3A_63 = arith.constant 2 : i32
      %dma_start3A_64 = arith.constant 0 : i32
      %dma_start3A_65 = arith.constant 0 : i32
      %dma_start3A_66 = tpu.memref_slice %arg9[%dma_start3A_63, %dma_start3A_64, %dma_start3A_65] : memref<4x128x64xf32, #tpu.memory_space<vmem>> -> memref<1x128x64xf32, #tpu.memory_space<vmem>>
      %dma_start3A_67 = tpu.memref_squeeze %dma_start3A_66 : memref<1x128x64xf32, #tpu.memory_space<vmem>> -> memref<128x64xf32, #tpu.memory_space<vmem>>
      %dma_start3A_68 = arith.constant 0 : i32
      %dma_start3A_69 = tpu.memref_slice %arg7[%add3A_57, %dma_start3A_68] : memref<152x128xi32, #tpu.memory_space<vmem>> -> memref<1x128xi32, #tpu.memory_space<vmem>>
      %dma_start3A_70 = tpu.memref_squeeze %dma_start3A_69 : memref<1x128xi32, #tpu.memory_space<vmem>> -> memref<128xi32, #tpu.memory_space<vmem>>
      %dma_start3A_71 = arith.constant 0 : i32
      %dma_start3A_72 = arith.constant 0 : i32
      %dma_start3A_73 = tpu.memref_slice %arg2[%dma_start3A_71, %dma_start3A_72] : memref<10000x64xf32, #tpu.memory_space<hbm>> -> memref<10000x64xf32, #tpu.memory_space<hbm>>
      tpu.enqueue_indirect_dma source(%dma_start3A_73 : memref<10000x64xf32, #tpu.memory_space<hbm>>) target(%dma_start3A_67 : memref<128x64xf32, #tpu.memory_space<vmem>>) offsets(%dma_start3A_70 : memref<128xi32, #tpu.memory_space<vmem>>) semaphore(%arg13 : memref<!tpu.dma_semaphore, #tpu.memory_space<semaphore_mem>>)
      %mul3A_74 = arith.constant 4 : i32
      %mul3A_75 = arith.muli %while3A_15, %mul3A_74 : i32
      %add3A_76 = arith.constant 3 : i32
      %add3A_77 = arith.addi %mul3A_75, %add3A_76 : i32
      %ge3A_78 = arith.constant 1 : i32
      %ge3A_79 = arith.cmpi sge, %while3A_15, %ge3A_78 : i32
      %convert_element_type3A_80 = arith.extui %ge3A_79 : i1 to i32
      %cond3A_81 = arith.constant 0 : i32
      %cond3A_82 = arith.cmpi ne, %convert_element_type3A_80, %cond3A_81 : i32
      scf.if %cond3A_82 {
        %dma_wait3A_197 = arith.constant 3 : i32
        %dma_wait3A_198 = arith.constant 0 : i32
        %dma_wait3A_199 = arith.constant 0 : i32
        %dma_wait3A_200 = arith.constant 0 : i32
        %dma_wait3A_201 = tpu.memref_slice %arg9[%dma_wait3A_197, %dma_wait3A_199, %dma_wait3A_200] : memref<4x128x64xf32, #tpu.memory_space<vmem>> -> memref<1x128x64xf32, #tpu.memory_space<vmem>>
        %dma_wait3A_202 = tpu.memref_squeeze %dma_wait3A_201 : memref<1x128x64xf32, #tpu.memory_space<vmem>> -> memref<128x64xf32, #tpu.memory_space<vmem>>
        %dma_wait3A_203 = arith.constant 0 : i32
        %dma_wait3A_204 = tpu.memref_slice %arg8[%dma_wait3A_198, %dma_wait3A_203] : memref<152x128xi32, #tpu.memory_space<vmem>> -> memref<1x128xi32, #tpu.memory_space<vmem>>
        %dma_wait3A_205 = tpu.memref_squeeze %dma_wait3A_204 : memref<1x128xi32, #tpu.memory_space<vmem>> -> memref<128xi32, #tpu.memory_space<vmem>>
        %dma_wait3A_206 = arith.constant 0 : i32
        %dma_wait3A_207 = arith.constant 0 : i32
        %dma_wait3A_208 = tpu.memref_slice %arg10[%dma_wait3A_206, %dma_wait3A_207] : memref<10112x64xf32, #tpu.memory_space<vmem_shared>> -> memref<10112x64xf32, #tpu.memory_space<vmem_shared>>
        tpu.wait_indirect_dma semaphore(%arg18 : memref<!tpu.dma_semaphore, #tpu.memory_space<semaphore_mem>>) src(%dma_wait3A_202 : memref<128x64xf32, #tpu.memory_space<vmem>>) dst(%dma_wait3A_208 : memref<10112x64xf32, #tpu.memory_space<vmem_shared>>)
      } else {
      }
      %dma_start3A_83 = arith.constant 3 : i32
      %dma_start3A_84 = arith.constant 0 : i32
      %dma_start3A_85 = arith.constant 0 : i32
      %dma_start3A_86 = tpu.memref_slice %arg9[%dma_start3A_83, %dma_start3A_84, %dma_start3A_85] : memref<4x128x64xf32, #tpu.memory_space<vmem>> -> memref<1x128x64xf32, #tpu.memory_space<vmem>>
      %dma_start3A_87 = tpu.memref_squeeze %dma_start3A_86 : memref<1x128x64xf32, #tpu.memory_space<vmem>> -> memref<128x64xf32, #tpu.memory_space<vmem>>
      %dma_start3A_88 = arith.constant 0 : i32
      %dma_start3A_89 = tpu.memref_slice %arg7[%add3A_77, %dma_start3A_88] : memref<152x128xi32, #tpu.memory_space<vmem>> -> memref<1x128xi32, #tpu.memory_space<vmem>>
      %dma_start3A_90 = tpu.memref_squeeze %dma_start3A_89 : memref<1x128xi32, #tpu.memory_space<vmem>> -> memref<128xi32, #tpu.memory_space<vmem>>
      %dma_start3A_91 = arith.constant 0 : i32
      %dma_start3A_92 = arith.constant 0 : i32
      %dma_start3A_93 = tpu.memref_slice %arg2[%dma_start3A_91, %dma_start3A_92] : memref<10000x64xf32, #tpu.memory_space<hbm>> -> memref<10000x64xf32, #tpu.memory_space<hbm>>
      tpu.enqueue_indirect_dma source(%dma_start3A_93 : memref<10000x64xf32, #tpu.memory_space<hbm>>) target(%dma_start3A_87 : memref<128x64xf32, #tpu.memory_space<vmem>>) offsets(%dma_start3A_90 : memref<128xi32, #tpu.memory_space<vmem>>) semaphore(%arg14 : memref<!tpu.dma_semaphore, #tpu.memory_space<semaphore_mem>>)
      %mul3A_94 = arith.constant 4 : i32
      %mul3A_95 = arith.muli %while3A_15, %mul3A_94 : i32
      %add3A_96 = arith.constant 0 : i32
      %add3A_97 = arith.addi %mul3A_95, %add3A_96 : i32
      %dma_wait3A = arith.constant 0 : i32
      %dma_wait3A_98 = arith.constant 0 : i32
      %dma_wait3A_99 = arith.constant 0 : i32
      %dma_wait3A_100 = tpu.memref_slice %arg9[%dma_wait3A, %dma_wait3A_98, %dma_wait3A_99] : memref<4x128x64xf32, #tpu.memory_space<vmem>> -> memref<1x128x64xf32, #tpu.memory_space<vmem>>
      %dma_wait3A_101 = tpu.memref_squeeze %dma_wait3A_100 : memref<1x128x64xf32, #tpu.memory_space<vmem>> -> memref<128x64xf32, #tpu.memory_space<vmem>>
      %dma_wait3A_102 = arith.constant 0 : i32
      %dma_wait3A_103 = tpu.memref_slice %arg7[%add3A_18, %dma_wait3A_102] : memref<152x128xi32, #tpu.memory_space<vmem>> -> memref<1x128xi32, #tpu.memory_space<vmem>>
      %dma_wait3A_104 = tpu.memref_squeeze %dma_wait3A_103 : memref<1x128xi32, #tpu.memory_space<vmem>> -> memref<128xi32, #tpu.memory_space<vmem>>
      %dma_wait3A_105 = arith.constant 0 : i32
      %dma_wait3A_106 = arith.constant 0 : i32
      %dma_wait3A_107 = tpu.memref_slice %arg2[%dma_wait3A_105, %dma_wait3A_106] : memref<10000x64xf32, #tpu.memory_space<hbm>> -> memref<10000x64xf32, #tpu.memory_space<hbm>>
      tpu.wait_indirect_dma semaphore(%arg11 : memref<!tpu.dma_semaphore, #tpu.memory_space<semaphore_mem>>) src(%dma_wait3A_107 : memref<10000x64xf32, #tpu.memory_space<hbm>>) dst(%dma_wait3A_101 : memref<128x64xf32, #tpu.memory_space<vmem>>)
      %dma_start3A_108 = arith.constant 0 : i32
      %dma_start3A_109 = arith.constant 0 : i32
      %dma_start3A_110 = arith.constant 0 : i32
      %dma_start3A_111 = tpu.memref_slice %arg9[%dma_start3A_108, %dma_start3A_109, %dma_start3A_110] : memref<4x128x64xf32, #tpu.memory_space<vmem>> -> memref<1x128x64xf32, #tpu.memory_space<vmem>>
      %dma_start3A_112 = tpu.memref_squeeze %dma_start3A_111 : memref<1x128x64xf32, #tpu.memory_space<vmem>> -> memref<128x64xf32, #tpu.memory_space<vmem>>
      %dma_start3A_113 = arith.constant 0 : i32
      %dma_start3A_114 = tpu.memref_slice %arg8[%add3A_97, %dma_start3A_113] : memref<152x128xi32, #tpu.memory_space<vmem>> -> memref<1x128xi32, #tpu.memory_space<vmem>>
      %dma_start3A_115 = tpu.memref_squeeze %dma_start3A_114 : memref<1x128xi32, #tpu.memory_space<vmem>> -> memref<128xi32, #tpu.memory_space<vmem>>
      %dma_start3A_116 = arith.constant 0 : i32
      %dma_start3A_117 = arith.constant 0 : i32
      %dma_start3A_118 = tpu.memref_slice %arg10[%dma_start3A_116, %dma_start3A_117] : memref<10112x64xf32, #tpu.memory_space<vmem_shared>> -> memref<10112x64xf32, #tpu.memory_space<vmem_shared>>
      tpu.enqueue_indirect_dma source(%dma_start3A_112 : memref<128x64xf32, #tpu.memory_space<vmem>>) target(%dma_start3A_118 : memref<10112x64xf32, #tpu.memory_space<vmem_shared>>) offsets(%dma_start3A_115 : memref<128xi32, #tpu.memory_space<vmem>>) semaphore(%arg15 : memref<!tpu.dma_semaphore, #tpu.memory_space<semaphore_mem>>) {add = true}
      %mul3A_119 = arith.constant 4 : i32
      %mul3A_120 = arith.muli %while3A_15, %mul3A_119 : i32
      %add3A_121 = arith.constant 1 : i32
      %add3A_122 = arith.addi %mul3A_120, %add3A_121 : i32
      %dma_wait3A_123 = arith.constant 1 : i32
      %dma_wait3A_124 = arith.constant 0 : i32
      %dma_wait3A_125 = arith.constant 0 : i32
      %dma_wait3A_126 = tpu.memref_slice %arg9[%dma_wait3A_123, %dma_wait3A_124, %dma_wait3A_125] : memref<4x128x64xf32, #tpu.memory_space<vmem>> -> memref<1x128x64xf32, #tpu.memory_space<vmem>>
      %dma_wait3A_127 = tpu.memref_squeeze %dma_wait3A_126 : memref<1x128x64xf32, #tpu.memory_space<vmem>> -> memref<128x64xf32, #tpu.memory_space<vmem>>
      %dma_wait3A_128 = arith.constant 0 : i32
      %dma_wait3A_129 = tpu.memref_slice %arg7[%add3A_37, %dma_wait3A_128] : memref<152x128xi32, #tpu.memory_space<vmem>> -> memref<1x128xi32, #tpu.memory_space<vmem>>
      %dma_wait3A_130 = tpu.memref_squeeze %dma_wait3A_129 : memref<1x128xi32, #tpu.memory_space<vmem>> -> memref<128xi32, #tpu.memory_space<vmem>>
      %dma_wait3A_131 = arith.constant 0 : i32
      %dma_wait3A_132 = arith.constant 0 : i32
      %dma_wait3A_133 = tpu.memref_slice %arg2[%dma_wait3A_131, %dma_wait3A_132] : memref<10000x64xf32, #tpu.memory_space<hbm>> -> memref<10000x64xf32, #tpu.memory_space<hbm>>
      tpu.wait_indirect_dma semaphore(%arg12 : memref<!tpu.dma_semaphore, #tpu.memory_space<semaphore_mem>>) src(%dma_wait3A_133 : memref<10000x64xf32, #tpu.memory_space<hbm>>) dst(%dma_wait3A_127 : memref<128x64xf32, #tpu.memory_space<vmem>>)
      %dma_start3A_134 = arith.constant 1 : i32
      %dma_start3A_135 = arith.constant 0 : i32
      %dma_start3A_136 = arith.constant 0 : i32
      %dma_start3A_137 = tpu.memref_slice %arg9[%dma_start3A_134, %dma_start3A_135, %dma_start3A_136] : memref<4x128x64xf32, #tpu.memory_space<vmem>> -> memref<1x128x64xf32, #tpu.memory_space<vmem>>
      %dma_start3A_138 = tpu.memref_squeeze %dma_start3A_137 : memref<1x128x64xf32, #tpu.memory_space<vmem>> -> memref<128x64xf32, #tpu.memory_space<vmem>>
      %dma_start3A_139 = arith.constant 0 : i32
      %dma_start3A_140 = tpu.memref_slice %arg8[%add3A_122, %dma_start3A_139] : memref<152x128xi32, #tpu.memory_space<vmem>> -> memref<1x128xi32, #tpu.memory_space<vmem>>
      %dma_start3A_141 = tpu.memref_squeeze %dma_start3A_140 : memref<1x128xi32, #tpu.memory_space<vmem>> -> memref<128xi32, #tpu.memory_space<vmem>>
      %dma_start3A_142 = arith.constant 0 : i32
      %dma_start3A_143 = arith.constant 0 : i32
      %dma_start3A_144 = tpu.memref_slice %arg10[%dma_start3A_142, %dma_start3A_143] : memref<10112x64xf32, #tpu.memory_space<vmem_shared>> -> memref<10112x64xf32, #tpu.memory_space<vmem_shared>>
      tpu.enqueue_indirect_dma source(%dma_start3A_138 : memref<128x64xf32, #tpu.memory_space<vmem>>) target(%dma_start3A_144 : memref<10112x64xf32, #tpu.memory_space<vmem_shared>>) offsets(%dma_start3A_141 : memref<128xi32, #tpu.memory_space<vmem>>) semaphore(%arg16 : memref<!tpu.dma_semaphore, #tpu.memory_space<semaphore_mem>>) {add = true}
      %mul3A_145 = arith.constant 4 : i32
      %mul3A_146 = arith.muli %while3A_15, %mul3A_145 : i32
      %add3A_147 = arith.constant 2 : i32
      %add3A_148 = arith.addi %mul3A_146, %add3A_147 : i32
      %dma_wait3A_149 = arith.constant 2 : i32
      %dma_wait3A_150 = arith.constant 0 : i32
      %dma_wait3A_151 = arith.constant 0 : i32
      %dma_wait3A_152 = tpu.memref_slice %arg9[%dma_wait3A_149, %dma_wait3A_150, %dma_wait3A_151] : memref<4x128x64xf32, #tpu.memory_space<vmem>> -> memref<1x128x64xf32, #tpu.memory_space<vmem>>
      %dma_wait3A_153 = tpu.memref_squeeze %dma_wait3A_152 : memref<1x128x64xf32, #tpu.memory_space<vmem>> -> memref<128x64xf32, #tpu.memory_space<vmem>>
      %dma_wait3A_154 = arith.constant 0 : i32
      %dma_wait3A_155 = tpu.memref_slice %arg7[%add3A_57, %dma_wait3A_154] : memref<152x128xi32, #tpu.memory_space<vmem>> -> memref<1x128xi32, #tpu.memory_space<vmem>>
      %dma_wait3A_156 = tpu.memref_squeeze %dma_wait3A_155 : memref<1x128xi32, #tpu.memory_space<vmem>> -> memref<128xi32, #tpu.memory_space<vmem>>
      %dma_wait3A_157 = arith.constant 0 : i32
      %dma_wait3A_158 = arith.constant 0 : i32
      %dma_wait3A_159 = tpu.memref_slice %arg2[%dma_wait3A_157, %dma_wait3A_158] : memref<10000x64xf32, #tpu.memory_space<hbm>> -> memref<10000x64xf32, #tpu.memory_space<hbm>>
      tpu.wait_indirect_dma semaphore(%arg13 : memref<!tpu.dma_semaphore, #tpu.memory_space<semaphore_mem>>) src(%dma_wait3A_159 : memref<10000x64xf32, #tpu.memory_space<hbm>>) dst(%dma_wait3A_153 : memref<128x64xf32, #tpu.memory_space<vmem>>)
      %dma_start3A_160 = arith.constant 2 : i32
      %dma_start3A_161 = arith.constant 0 : i32
      %dma_start3A_162 = arith.constant 0 : i32
      %dma_start3A_163 = tpu.memref_slice %arg9[%dma_start3A_160, %dma_start3A_161, %dma_start3A_162] : memref<4x128x64xf32, #tpu.memory_space<vmem>> -> memref<1x128x64xf32, #tpu.memory_space<vmem>>
      %dma_start3A_164 = tpu.memref_squeeze %dma_start3A_163 : memref<1x128x64xf32, #tpu.memory_space<vmem>> -> memref<128x64xf32, #tpu.memory_space<vmem>>
      %dma_start3A_165 = arith.constant 0 : i32
      %dma_start3A_166 = tpu.memref_slice %arg8[%add3A_148, %dma_start3A_165] : memref<152x128xi32, #tpu.memory_space<vmem>> -> memref<1x128xi32, #tpu.memory_space<vmem>>
      %dma_start3A_167 = tpu.memref_squeeze %dma_start3A_166 : memref<1x128xi32, #tpu.memory_space<vmem>> -> memref<128xi32, #tpu.memory_space<vmem>>
      %dma_start3A_168 = arith.constant 0 : i32
      %dma_start3A_169 = arith.constant 0 : i32
      %dma_start3A_170 = tpu.memref_slice %arg10[%dma_start3A_168, %dma_start3A_169] : memref<10112x64xf32, #tpu.memory_space<vmem_shared>> -> memref<10112x64xf32, #tpu.memory_space<vmem_shared>>
      tpu.enqueue_indirect_dma source(%dma_start3A_164 : memref<128x64xf32, #tpu.memory_space<vmem>>) target(%dma_start3A_170 : memref<10112x64xf32, #tpu.memory_space<vmem_shared>>) offsets(%dma_start3A_167 : memref<128xi32, #tpu.memory_space<vmem>>) semaphore(%arg17 : memref<!tpu.dma_semaphore, #tpu.memory_space<semaphore_mem>>) {add = true}
      %mul3A_171 = arith.constant 4 : i32
      %mul3A_172 = arith.muli %while3A_15, %mul3A_171 : i32
      %add3A_173 = arith.constant 3 : i32
      %add3A_174 = arith.addi %mul3A_172, %add3A_173 : i32
      %dma_wait3A_175 = arith.constant 3 : i32
      %dma_wait3A_176 = arith.constant 0 : i32
      %dma_wait3A_177 = arith.constant 0 : i32
      %dma_wait3A_178 = tpu.memref_slice %arg9[%dma_wait3A_175, %dma_wait3A_176, %dma_wait3A_177] : memref<4x128x64xf32, #tpu.memory_space<vmem>> -> memref<1x128x64xf32, #tpu.memory_space<vmem>>
      %dma_wait3A_179 = tpu.memref_squeeze %dma_wait3A_178 : memref<1x128x64xf32, #tpu.memory_space<vmem>> -> memref<128x64xf32, #tpu.memory_space<vmem>>
      %dma_wait3A_180 = arith.constant 0 : i32
      %dma_wait3A_181 = tpu.memref_slice %arg7[%add3A_77, %dma_wait3A_180] : memref<152x128xi32, #tpu.memory_space<vmem>> -> memref<1x128xi32, #tpu.memory_space<vmem>>
      %dma_wait3A_182 = tpu.memref_squeeze %dma_wait3A_181 : memref<1x128xi32, #tpu.memory_space<vmem>> -> memref<128xi32, #tpu.memory_space<vmem>>
      %dma_wait3A_183 = arith.constant 0 : i32
      %dma_wait3A_184 = arith.constant 0 : i32
      %dma_wait3A_185 = tpu.memref_slice %arg2[%dma_wait3A_183, %dma_wait3A_184] : memref<10000x64xf32, #tpu.memory_space<hbm>> -> memref<10000x64xf32, #tpu.memory_space<hbm>>
      tpu.wait_indirect_dma semaphore(%arg14 : memref<!tpu.dma_semaphore, #tpu.memory_space<semaphore_mem>>) src(%dma_wait3A_185 : memref<10000x64xf32, #tpu.memory_space<hbm>>) dst(%dma_wait3A_179 : memref<128x64xf32, #tpu.memory_space<vmem>>)
      %dma_start3A_186 = arith.constant 3 : i32
      %dma_start3A_187 = arith.constant 0 : i32
      %dma_start3A_188 = arith.constant 0 : i32
      %dma_start3A_189 = tpu.memref_slice %arg9[%dma_start3A_186, %dma_start3A_187, %dma_start3A_188] : memref<4x128x64xf32, #tpu.memory_space<vmem>> -> memref<1x128x64xf32, #tpu.memory_space<vmem>>
      %dma_start3A_190 = tpu.memref_squeeze %dma_start3A_189 : memref<1x128x64xf32, #tpu.memory_space<vmem>> -> memref<128x64xf32, #tpu.memory_space<vmem>>
      %dma_start3A_191 = arith.constant 0 : i32
      %dma_start3A_192 = tpu.memref_slice %arg8[%add3A_174, %dma_start3A_191] : memref<152x128xi32, #tpu.memory_space<vmem>> -> memref<1x128xi32, #tpu.memory_space<vmem>>
      %dma_start3A_193 = tpu.memref_squeeze %dma_start3A_192 : memref<1x128xi32, #tpu.memory_space<vmem>> -> memref<128xi32, #tpu.memory_space<vmem>>
      %dma_start3A_194 = arith.constant 0 : i32
      %dma_start3A_195 = arith.constant 0 : i32
      %dma_start3A_196 = tpu.memref_slice %arg10[%dma_start3A_194, %dma_start3A_195] : memref<10112x64xf32, #tpu.memory_space<vmem_shared>> -> memref<10112x64xf32, #tpu.memory_space<vmem_shared>>
      tpu.enqueue_indirect_dma source(%dma_start3A_190 : memref<128x64xf32, #tpu.memory_space<vmem>>) target(%dma_start3A_196 : memref<10112x64xf32, #tpu.memory_space<vmem_shared>>) offsets(%dma_start3A_193 : memref<128xi32, #tpu.memory_space<vmem>>) semaphore(%arg18 : memref<!tpu.dma_semaphore, #tpu.memory_space<semaphore_mem>>) {add = true}
    }
    %ge3A = arith.constant 1 : i32
    %ge3A_12 = arith.cmpi sge, %select_n3A, %ge3A : i32
    %convert_element_type3A = arith.extui %ge3A_12 : i1 to i32
    %cond3A = arith.constant 0 : i32
    %cond3A_13 = arith.cmpi ne, %convert_element_type3A, %cond3A : i32
    scf.if %cond3A_13 {
      %dma_wait3A = arith.constant 0 : i32
      %dma_wait3A_15 = arith.constant 0 : i32
      %dma_wait3A_16 = arith.constant 0 : i32
      %dma_wait3A_17 = arith.constant 0 : i32
      %dma_wait3A_18 = tpu.memref_slice %arg9[%dma_wait3A, %dma_wait3A_16, %dma_wait3A_17] : memref<4x128x64xf32, #tpu.memory_space<vmem>> -> memref<1x128x64xf32, #tpu.memory_space<vmem>>
      %dma_wait3A_19 = tpu.memref_squeeze %dma_wait3A_18 : memref<1x128x64xf32, #tpu.memory_space<vmem>> -> memref<128x64xf32, #tpu.memory_space<vmem>>
      %dma_wait3A_20 = arith.constant 0 : i32
      %dma_wait3A_21 = tpu.memref_slice %arg8[%dma_wait3A_15, %dma_wait3A_20] : memref<152x128xi32, #tpu.memory_space<vmem>> -> memref<1x128xi32, #tpu.memory_space<vmem>>
      %dma_wait3A_22 = tpu.memref_squeeze %dma_wait3A_21 : memref<1x128xi32, #tpu.memory_space<vmem>> -> memref<128xi32, #tpu.memory_space<vmem>>
      %dma_wait3A_23 = arith.constant 0 : i32
      %dma_wait3A_24 = arith.constant 0 : i32
      %dma_wait3A_25 = tpu.memref_slice %arg10[%dma_wait3A_23, %dma_wait3A_24] : memref<10112x64xf32, #tpu.memory_space<vmem_shared>> -> memref<10112x64xf32, #tpu.memory_space<vmem_shared>>
      tpu.wait_indirect_dma semaphore(%arg15 : memref<!tpu.dma_semaphore, #tpu.memory_space<semaphore_mem>>) src(%dma_wait3A_19 : memref<128x64xf32, #tpu.memory_space<vmem>>) dst(%dma_wait3A_25 : memref<10112x64xf32, #tpu.memory_space<vmem_shared>>)
      %dma_wait3A_26 = arith.constant 1 : i32
      %dma_wait3A_27 = arith.constant 0 : i32
      %dma_wait3A_28 = arith.constant 0 : i32
      %dma_wait3A_29 = arith.constant 0 : i32
      %dma_wait3A_30 = tpu.memref_slice %arg9[%dma_wait3A_26, %dma_wait3A_28, %dma_wait3A_29] : memref<4x128x64xf32, #tpu.memory_space<vmem>> -> memref<1x128x64xf32, #tpu.memory_space<vmem>>
      %dma_wait3A_31 = tpu.memref_squeeze %dma_wait3A_30 : memref<1x128x64xf32, #tpu.memory_space<vmem>> -> memref<128x64xf32, #tpu.memory_space<vmem>>
      %dma_wait3A_32 = arith.constant 0 : i32
      %dma_wait3A_33 = tpu.memref_slice %arg8[%dma_wait3A_27, %dma_wait3A_32] : memref<152x128xi32, #tpu.memory_space<vmem>> -> memref<1x128xi32, #tpu.memory_space<vmem>>
      %dma_wait3A_34 = tpu.memref_squeeze %dma_wait3A_33 : memref<1x128xi32, #tpu.memory_space<vmem>> -> memref<128xi32, #tpu.memory_space<vmem>>
      %dma_wait3A_35 = arith.constant 0 : i32
      %dma_wait3A_36 = arith.constant 0 : i32
      %dma_wait3A_37 = tpu.memref_slice %arg10[%dma_wait3A_35, %dma_wait3A_36] : memref<10112x64xf32, #tpu.memory_space<vmem_shared>> -> memref<10112x64xf32, #tpu.memory_space<vmem_shared>>
      tpu.wait_indirect_dma semaphore(%arg16 : memref<!tpu.dma_semaphore, #tpu.memory_space<semaphore_mem>>) src(%dma_wait3A_31 : memref<128x64xf32, #tpu.memory_space<vmem>>) dst(%dma_wait3A_37 : memref<10112x64xf32, #tpu.memory_space<vmem_shared>>)
      %dma_wait3A_38 = arith.constant 2 : i32
      %dma_wait3A_39 = arith.constant 0 : i32
      %dma_wait3A_40 = arith.constant 0 : i32
      %dma_wait3A_41 = arith.constant 0 : i32
      %dma_wait3A_42 = tpu.memref_slice %arg9[%dma_wait3A_38, %dma_wait3A_40, %dma_wait3A_41] : memref<4x128x64xf32, #tpu.memory_space<vmem>> -> memref<1x128x64xf32, #tpu.memory_space<vmem>>
      %dma_wait3A_43 = tpu.memref_squeeze %dma_wait3A_42 : memref<1x128x64xf32, #tpu.memory_space<vmem>> -> memref<128x64xf32, #tpu.memory_space<vmem>>
      %dma_wait3A_44 = arith.constant 0 : i32
      %dma_wait3A_45 = tpu.memref_slice %arg8[%dma_wait3A_39, %dma_wait3A_44] : memref<152x128xi32, #tpu.memory_space<vmem>> -> memref<1x128xi32, #tpu.memory_space<vmem>>
      %dma_wait3A_46 = tpu.memref_squeeze %dma_wait3A_45 : memref<1x128xi32, #tpu.memory_space<vmem>> -> memref<128xi32, #tpu.memory_space<vmem>>
      %dma_wait3A_47 = arith.constant 0 : i32
      %dma_wait3A_48 = arith.constant 0 : i32
      %dma_wait3A_49 = tpu.memref_slice %arg10[%dma_wait3A_47, %dma_wait3A_48] : memref<10112x64xf32, #tpu.memory_space<vmem_shared>> -> memref<10112x64xf32, #tpu.memory_space<vmem_shared>>
      tpu.wait_indirect_dma semaphore(%arg17 : memref<!tpu.dma_semaphore, #tpu.memory_space<semaphore_mem>>) src(%dma_wait3A_43 : memref<128x64xf32, #tpu.memory_space<vmem>>) dst(%dma_wait3A_49 : memref<10112x64xf32, #tpu.memory_space<vmem_shared>>)
      %dma_wait3A_50 = arith.constant 3 : i32
      %dma_wait3A_51 = arith.constant 0 : i32
      %dma_wait3A_52 = arith.constant 0 : i32
      %dma_wait3A_53 = arith.constant 0 : i32
      %dma_wait3A_54 = tpu.memref_slice %arg9[%dma_wait3A_50, %dma_wait3A_52, %dma_wait3A_53] : memref<4x128x64xf32, #tpu.memory_space<vmem>> -> memref<1x128x64xf32, #tpu.memory_space<vmem>>
      %dma_wait3A_55 = tpu.memref_squeeze %dma_wait3A_54 : memref<1x128x64xf32, #tpu.memory_space<vmem>> -> memref<128x64xf32, #tpu.memory_space<vmem>>
      %dma_wait3A_56 = arith.constant 0 : i32
      %dma_wait3A_57 = tpu.memref_slice %arg8[%dma_wait3A_51, %dma_wait3A_56] : memref<152x128xi32, #tpu.memory_space<vmem>> -> memref<1x128xi32, #tpu.memory_space<vmem>>
      %dma_wait3A_58 = tpu.memref_squeeze %dma_wait3A_57 : memref<1x128xi32, #tpu.memory_space<vmem>> -> memref<128xi32, #tpu.memory_space<vmem>>
      %dma_wait3A_59 = arith.constant 0 : i32
      %dma_wait3A_60 = arith.constant 0 : i32
      %dma_wait3A_61 = tpu.memref_slice %arg10[%dma_wait3A_59, %dma_wait3A_60] : memref<10112x64xf32, #tpu.memory_space<vmem_shared>> -> memref<10112x64xf32, #tpu.memory_space<vmem_shared>>
      tpu.wait_indirect_dma semaphore(%arg18 : memref<!tpu.dma_semaphore, #tpu.memory_space<semaphore_mem>>) src(%dma_wait3A_55 : memref<128x64xf32, #tpu.memory_space<vmem>>) dst(%dma_wait3A_61 : memref<10112x64xf32, #tpu.memory_space<vmem_shared>>)
    } else {
    }
    %barrier3A_14 = arith.constant 0 : index
    tpu.barrier barrier_id(%barrier3A_14)
    "tpu.region"() ({
      %run_scoped3A = tpu.sem_alloc : memref<!tpu.dma_semaphore, #tpu.memory_space<semaphore_mem>>
      %dma_start3A = arith.constant 0 : i32
      %dma_start3A_15 = tpu.memref_slice %arg6[%arg0, %mul3A_0, %dma_start3A] : memref<2x10112x64xf32, #tpu.memory_space<hbm>> -> memref<1x632x64xf32, #tpu.memory_space<hbm>>
      %dma_start3A_16 = tpu.memref_squeeze %dma_start3A_15 : memref<1x632x64xf32, #tpu.memory_space<hbm>> -> memref<632x64xf32, #tpu.memory_space<hbm>>
      %dma_start3A_17 = arith.constant 0 : i32
      %dma_start3A_18 = tpu.memref_slice %arg10[%mul3A_0, %dma_start3A_17] : memref<10112x64xf32, #tpu.memory_space<vmem_shared>> -> memref<632x64xf32, #tpu.memory_space<vmem_shared>>
      tpu.enqueue_dma source(%dma_start3A_18 : memref<632x64xf32, #tpu.memory_space<vmem_shared>>) target(%dma_start3A_16 : memref<632x64xf32, #tpu.memory_space<hbm>>) target_semaphore(%run_scoped3A : memref<!tpu.dma_semaphore, #tpu.memory_space<semaphore_mem>>)
      %dma_wait3A = arith.constant 0 : i32
      %dma_wait3A_19 = tpu.memref_slice %arg6[%arg0, %mul3A_0, %dma_wait3A] : memref<2x10112x64xf32, #tpu.memory_space<hbm>> -> memref<1x632x64xf32, #tpu.memory_space<hbm>>
      %dma_wait3A_20 = tpu.memref_squeeze %dma_wait3A_19 : memref<1x632x64xf32, #tpu.memory_space<hbm>> -> memref<632x64xf32, #tpu.memory_space<hbm>>
      %dma_wait3A_21 = arith.constant 0 : i32
      %dma_wait3A_22 = tpu.memref_slice %arg10[%mul3A_0, %dma_wait3A_21] : memref<10112x64xf32, #tpu.memory_space<vmem_shared>> -> memref<632x64xf32, #tpu.memory_space<vmem_shared>>
      tpu.wait_dma2 semaphore(%run_scoped3A : memref<!tpu.dma_semaphore, #tpu.memory_space<semaphore_mem>>) src(%dma_wait3A_22 : memref<632x64xf32, #tpu.memory_space<vmem_shared>>) dst(%dma_wait3A_20 : memref<632x64xf32, #tpu.memory_space<hbm>>)
      tpu.yield
    }) : () -> ()
    return
  }
}

#map = affine_map<(d0, d1) -> (0, 0)>
#map1 = affine_map<(d0, d1) -> (0, 0, 0, 0)>
#map2 = affine_map<(d0, d1) -> (0, 0, 0)>
module attributes {stable_mosaic.version = 14 : i64} {
  func.func @seg_kernel(%arg0: i32, %arg1: i32, %arg2: memref<10000x64xf32, #tpu.memory_space<hbm>>, %arg3: memref<2x16x152x128xi32, #tpu.memory_space<hbm>>, %arg4: memref<2x16x152x128xi32, #tpu.memory_space<hbm>>, %arg5: memref<10112x64xf32, #tpu.memory_space<hbm>>, %arg6: memref<2x10112x64xf32, #tpu.memory_space<hbm>>, %arg7: memref<152x128xi32, #tpu.memory_space<vmem>>, %arg8: memref<152x128xi32, #tpu.memory_space<vmem>>, %arg9: memref<4x128x64xf32, #tpu.memory_space<vmem>>, %arg10: memref<10112x64xf32, #tpu.memory_space<vmem_shared>>, %arg11: memref<!tpu.dma_semaphore, #tpu.memory_space<semaphore_mem>>, %arg12: memref<!tpu.dma_semaphore, #tpu.memory_space<semaphore_mem>>, %arg13: memref<!tpu.dma_semaphore, #tpu.memory_space<semaphore_mem>>, %arg14: memref<!tpu.dma_semaphore, #tpu.memory_space<semaphore_mem>>, %arg15: memref<!tpu.dma_semaphore, #tpu.memory_space<semaphore_mem>>, %arg16: memref<!tpu.dma_semaphore, #tpu.memory_space<semaphore_mem>>, %arg17: memref<!tpu.dma_semaphore, #tpu.memory_space<semaphore_mem>>, %arg18: memref<!tpu.dma_semaphore, #tpu.memory_space<semaphore_mem>>) attributes {dimension_semantics = [#tpu.dimension_semantics<core_parallel>, #tpu.dimension_semantics<subcore_parallel>], iteration_bounds = array<i64: 2, 16>, scalar_prefetch = 0 : i64, scratch_operands = 12 : i64, tpu.core_type = #tpu.core_type<sc_vector_subcore>, window_params = [{transform_indices = #map}, {transform_indices = #map1}, {transform_indices = #map1}, {transform_indices = #map}, {transform_indices = #map2}]} {
    %mul3A = arith.constant 632 : i32
    %mul3A_0 = arith.muli %arg1, %mul3A : i32
    "tpu.region"() ({
      %run_scoped3A = tpu.sem_alloc : memref<!tpu.dma_semaphore, #tpu.memory_space<semaphore_mem>>
      %dma_start3A = arith.constant 0 : i32
      %dma_start3A_15 = tpu.memref_slice %arg10[%mul3A_0, %dma_start3A] : memref<10112x64xf32, #tpu.memory_space<vmem_shared>> -> memref<632x64xf32, #tpu.memory_space<vmem_shared>>
      %dma_start3A_16 = arith.constant 0 : i32
      %dma_start3A_17 = tpu.memref_slice %arg5[%mul3A_0, %dma_start3A_16] : memref<10112x64xf32, #tpu.memory_space<hbm>> -> memref<632x64xf32, #tpu.memory_space<hbm>>
      tpu.enqueue_dma source(%dma_start3A_17 : memref<632x64xf32, #tpu.memory_space<hbm>>) target(%dma_start3A_15 : memref<632x64xf32, #tpu.memory_space<vmem_shared>>) target_semaphore(%run_scoped3A : memref<!tpu.dma_semaphore, #tpu.memory_space<semaphore_mem>>)
      %dma_wait3A = arith.constant 0 : i32
      %dma_wait3A_18 = tpu.memref_slice %arg10[%mul3A_0, %dma_wait3A] : memref<10112x64xf32, #tpu.memory_space<vmem_shared>> -> memref<632x64xf32, #tpu.memory_space<vmem_shared>>
      %dma_wait3A_19 = arith.constant 0 : i32
      %dma_wait3A_20 = tpu.memref_slice %arg5[%mul3A_0, %dma_wait3A_19] : memref<10112x64xf32, #tpu.memory_space<hbm>> -> memref<632x64xf32, #tpu.memory_space<hbm>>
      tpu.wait_dma2 semaphore(%run_scoped3A : memref<!tpu.dma_semaphore, #tpu.memory_space<semaphore_mem>>) src(%dma_wait3A_20 : memref<632x64xf32, #tpu.memory_space<hbm>>) dst(%dma_wait3A_18 : memref<632x64xf32, #tpu.memory_space<vmem_shared>>)
      tpu.yield
    }) : () -> ()
    "tpu.region"() ({
      %run_scoped3A = tpu.sem_alloc : memref<!tpu.dma_semaphore, #tpu.memory_space<semaphore_mem>>
      %dma_start3A = arith.constant 0 : i32
      %dma_start3A_15 = arith.constant 0 : i32
      %dma_start3A_16 = tpu.memref_slice %arg3[%arg0, %arg1, %dma_start3A, %dma_start3A_15] : memref<2x16x152x128xi32, #tpu.memory_space<hbm>> -> memref<1x1x152x128xi32, #tpu.memory_space<hbm>>
      %dma_start3A_17 = tpu.memref_squeeze %dma_start3A_16 : memref<1x1x152x128xi32, #tpu.memory_space<hbm>> -> memref<152x128xi32, #tpu.memory_space<hbm>>
      %dma_start3A_18 = arith.constant 0 : i32
      %dma_start3A_19 = arith.constant 0 : i32
      %dma_start3A_20 = tpu.memref_slice %arg3[%arg0, %arg1, %dma_start3A_18, %dma_start3A_19] : memref<2x16x152x128xi32, #tpu.memory_space<hbm>> -> memref<1x1x152x128xi32, #tpu.memory_space<hbm>>
      %dma_start3A_21 = tpu.memref_squeeze %dma_start3A_20 : memref<1x1x152x128xi32, #tpu.memory_space<hbm>> -> memref<152x128xi32, #tpu.memory_space<hbm>>
      tpu.enqueue_dma source(%dma_start3A_21 : memref<152x128xi32, #tpu.memory_space<hbm>>) target(%arg7 : memref<152x128xi32, #tpu.memory_space<vmem>>) target_semaphore(%run_scoped3A : memref<!tpu.dma_semaphore, #tpu.memory_space<semaphore_mem>>)
      %dma_wait3A = arith.constant 0 : i32
      %dma_wait3A_22 = arith.constant 0 : i32
      %dma_wait3A_23 = tpu.memref_slice %arg3[%arg0, %arg1, %dma_wait3A, %dma_wait3A_22] : memref<2x16x152x128xi32, #tpu.memory_space<hbm>> -> memref<1x1x152x128xi32, #tpu.memory_space<hbm>>
      %dma_wait3A_24 = tpu.memref_squeeze %dma_wait3A_23 : memref<1x1x152x128xi32, #tpu.memory_space<hbm>> -> memref<152x128xi32, #tpu.memory_space<hbm>>
      %dma_wait3A_25 = arith.constant 0 : i32
      %dma_wait3A_26 = arith.constant 0 : i32
      %dma_wait3A_27 = tpu.memref_slice %arg3[%arg0, %arg1, %dma_wait3A_25, %dma_wait3A_26] : memref<2x16x152x128xi32, #tpu.memory_space<hbm>> -> memref<1x1x152x128xi32, #tpu.memory_space<hbm>>
      %dma_wait3A_28 = tpu.memref_squeeze %dma_wait3A_27 : memref<1x1x152x128xi32, #tpu.memory_space<hbm>> -> memref<152x128xi32, #tpu.memory_space<hbm>>
      tpu.wait_dma2 semaphore(%run_scoped3A : memref<!tpu.dma_semaphore, #tpu.memory_space<semaphore_mem>>) src(%dma_wait3A_28 : memref<152x128xi32, #tpu.memory_space<hbm>>) dst(%arg7 : memref<152x128xi32, #tpu.memory_space<vmem>>)
      tpu.yield
    }) : () -> ()
    "tpu.region"() ({
      %run_scoped3A = tpu.sem_alloc : memref<!tpu.dma_semaphore, #tpu.memory_space<semaphore_mem>>
      %dma_start3A = arith.constant 0 : i32
      %dma_start3A_15 = arith.constant 0 : i32
      %dma_start3A_16 = tpu.memref_slice %arg4[%arg0, %arg1, %dma_start3A, %dma_start3A_15] : memref<2x16x152x128xi32, #tpu.memory_space<hbm>> -> memref<1x1x152x128xi32, #tpu.memory_space<hbm>>
      %dma_start3A_17 = tpu.memref_squeeze %dma_start3A_16 : memref<1x1x152x128xi32, #tpu.memory_space<hbm>> -> memref<152x128xi32, #tpu.memory_space<hbm>>
      %dma_start3A_18 = arith.constant 0 : i32
      %dma_start3A_19 = arith.constant 0 : i32
      %dma_start3A_20 = tpu.memref_slice %arg4[%arg0, %arg1, %dma_start3A_18, %dma_start3A_19] : memref<2x16x152x128xi32, #tpu.memory_space<hbm>> -> memref<1x1x152x128xi32, #tpu.memory_space<hbm>>
      %dma_start3A_21 = tpu.memref_squeeze %dma_start3A_20 : memref<1x1x152x128xi32, #tpu.memory_space<hbm>> -> memref<152x128xi32, #tpu.memory_space<hbm>>
      tpu.enqueue_dma source(%dma_start3A_21 : memref<152x128xi32, #tpu.memory_space<hbm>>) target(%arg8 : memref<152x128xi32, #tpu.memory_space<vmem>>) target_semaphore(%run_scoped3A : memref<!tpu.dma_semaphore, #tpu.memory_space<semaphore_mem>>)
      %dma_wait3A = arith.constant 0 : i32
      %dma_wait3A_22 = arith.constant 0 : i32
      %dma_wait3A_23 = tpu.memref_slice %arg4[%arg0, %arg1, %dma_wait3A, %dma_wait3A_22] : memref<2x16x152x128xi32, #tpu.memory_space<hbm>> -> memref<1x1x152x128xi32, #tpu.memory_space<hbm>>
      %dma_wait3A_24 = tpu.memref_squeeze %dma_wait3A_23 : memref<1x1x152x128xi32, #tpu.memory_space<hbm>> -> memref<152x128xi32, #tpu.memory_space<hbm>>
      %dma_wait3A_25 = arith.constant 0 : i32
      %dma_wait3A_26 = arith.constant 0 : i32
      %dma_wait3A_27 = tpu.memref_slice %arg4[%arg0, %arg1, %dma_wait3A_25, %dma_wait3A_26] : memref<2x16x152x128xi32, #tpu.memory_space<hbm>> -> memref<1x1x152x128xi32, #tpu.memory_space<hbm>>
      %dma_wait3A_28 = tpu.memref_squeeze %dma_wait3A_27 : memref<1x1x152x128xi32, #tpu.memory_space<hbm>> -> memref<152x128xi32, #tpu.memory_space<hbm>>
      tpu.wait_dma2 semaphore(%run_scoped3A : memref<!tpu.dma_semaphore, #tpu.memory_space<semaphore_mem>>) src(%dma_wait3A_28 : memref<152x128xi32, #tpu.memory_space<hbm>>) dst(%arg8 : memref<152x128xi32, #tpu.memory_space<vmem>>)
      tpu.yield
    }) : () -> ()
    %barrier3A = arith.constant 0 : index
    tpu.barrier barrier_id(%barrier3A)
    %eq3A = arith.constant 0 : i32
    %eq3A_1 = arith.cmpi eq, %arg0, %eq3A : i32
    %jit3A = arith.constant 38 : i32
    %jit3A_2 = arith.constant 2 : i32
    %select_n3A = arith.select %eq3A_1, %jit3A, %jit3A_2 : i32
    %while3A = arith.constant 0 : i32
    %while3A_3 = arith.constant 0 : i32
    %while3A_4 = arith.subi %select_n3A, %while3A_3 : i32
    %while3A_5 = arith.addi %while3A_3, %while3A_4 : i32
    %while3A_6 = arith.constant 1 : i32
    %while3A_7 = arith.divsi %while3A_4, %while3A_6 : i32
    %while3A_8 = arith.muli %while3A_7, %while3A_6 : i32
    %while3A_9 = arith.addi %while3A_3, %while3A_8 : i32
    %while3A_10 = arith.constant 1 : i32
    scf.for %while3A_15 = %while3A_3 to %while3A_9 step %while3A_10  : i32 {
      %mul3A_16 = arith.constant 4 : i32
      %mul3A_17 = arith.muli %while3A_15, %mul3A_16 : i32
      %add3A = arith.constant 0 : i32
      %add3A_18 = arith.addi %mul3A_17, %add3A : i32
      %ge3A_19 = arith.constant 1 : i32
      %ge3A_20 = arith.cmpi sge, %while3A_15, %ge3A_19 : i32
      %convert_element_type3A_21 = arith.extui %ge3A_20 : i1 to i32
      %cond3A_22 = arith.constant 0 : i32
      %cond3A_23 = arith.cmpi ne, %convert_element_type3A_21, %cond3A_22 : i32
      scf.if %cond3A_23 {
        %dma_wait3A_197 = arith.constant 0 : i32
        %dma_wait3A_198 = arith.constant 0 : i32
        %dma_wait3A_199 = arith.constant 0 : i32
        %dma_wait3A_200 = arith.constant 0 : i32
        %dma_wait3A_201 = tpu.memref_slice %arg9[%dma_wait3A_197, %dma_wait3A_199, %dma_wait3A_200] : memref<4x128x64xf32, #tpu.memory_space<vmem>> -> memref<1x128x64xf32, #tpu.memory_space<vmem>>
        %dma_wait3A_202 = tpu.memref_squeeze %dma_wait3A_201 : memref<1x128x64xf32, #tpu.memory_space<vmem>> -> memref<128x64xf32, #tpu.memory_space<vmem>>
        %dma_wait3A_203 = arith.constant 0 : i32
        %dma_wait3A_204 = tpu.memref_slice %arg8[%dma_wait3A_198, %dma_wait3A_203] : memref<152x128xi32, #tpu.memory_space<vmem>> -> memref<1x128xi32, #tpu.memory_space<vmem>>
        %dma_wait3A_205 = tpu.memref_squeeze %dma_wait3A_204 : memref<1x128xi32, #tpu.memory_space<vmem>> -> memref<128xi32, #tpu.memory_space<vmem>>
        %dma_wait3A_206 = arith.constant 0 : i32
        %dma_wait3A_207 = arith.constant 0 : i32
        %dma_wait3A_208 = tpu.memref_slice %arg10[%dma_wait3A_206, %dma_wait3A_207] : memref<10112x64xf32, #tpu.memory_space<vmem_shared>> -> memref<10112x64xf32, #tpu.memory_space<vmem_shared>>
        tpu.wait_indirect_dma semaphore(%arg15 : memref<!tpu.dma_semaphore, #tpu.memory_space<semaphore_mem>>) src(%dma_wait3A_202 : memref<128x64xf32, #tpu.memory_space<vmem>>) dst(%dma_wait3A_208 : memref<10112x64xf32, #tpu.memory_space<vmem_shared>>)
      } else {
      }
      %dma_start3A = arith.constant 0 : i32
      %dma_start3A_24 = arith.constant 0 : i32
      %dma_start3A_25 = arith.constant 0 : i32
      %dma_start3A_26 = tpu.memref_slice %arg9[%dma_start3A, %dma_start3A_24, %dma_start3A_25] : memref<4x128x64xf32, #tpu.memory_space<vmem>> -> memref<1x128x64xf32, #tpu.memory_space<vmem>>
      %dma_start3A_27 = tpu.memref_squeeze %dma_start3A_26 : memref<1x128x64xf32, #tpu.memory_space<vmem>> -> memref<128x64xf32, #tpu.memory_space<vmem>>
      %dma_start3A_28 = arith.constant 0 : i32
      %dma_start3A_29 = tpu.memref_slice %arg7[%add3A_18, %dma_start3A_28] : memref<152x128xi32, #tpu.memory_space<vmem>> -> memref<1x128xi32, #tpu.memory_space<vmem>>
      %dma_start3A_30 = tpu.memref_squeeze %dma_start3A_29 : memref<1x128xi32, #tpu.memory_space<vmem>> -> memref<128xi32, #tpu.memory_space<vmem>>
      %dma_start3A_31 = arith.constant 0 : i32
      %dma_start3A_32 = arith.constant 0 : i32
      %dma_start3A_33 = tpu.memref_slice %arg2[%dma_start3A_31, %dma_start3A_32] : memref<10000x64xf32, #tpu.memory_space<hbm>> -> memref<10000x64xf32, #tpu.memory_space<hbm>>
      tpu.enqueue_indirect_dma source(%dma_start3A_33 : memref<10000x64xf32, #tpu.memory_space<hbm>>) target(%dma_start3A_27 : memref<128x64xf32, #tpu.memory_space<vmem>>) offsets(%dma_start3A_30 : memref<128xi32, #tpu.memory_space<vmem>>) semaphore(%arg11 : memref<!tpu.dma_semaphore, #tpu.memory_space<semaphore_mem>>)
      %mul3A_34 = arith.constant 4 : i32
      %mul3A_35 = arith.muli %while3A_15, %mul3A_34 : i32
      %add3A_36 = arith.constant 1 : i32
      %add3A_37 = arith.addi %mul3A_35, %add3A_36 : i32
      %ge3A_38 = arith.constant 1 : i32
      %ge3A_39 = arith.cmpi sge, %while3A_15, %ge3A_38 : i32
      %convert_element_type3A_40 = arith.extui %ge3A_39 : i1 to i32
      %cond3A_41 = arith.constant 0 : i32
      %cond3A_42 = arith.cmpi ne, %convert_element_type3A_40, %cond3A_41 : i32
      scf.if %cond3A_42 {
        %dma_wait3A_197 = arith.constant 1 : i32
        %dma_wait3A_198 = arith.constant 0 : i32
        %dma_wait3A_199 = arith.constant 0 : i32
        %dma_wait3A_200 = arith.constant 0 : i32
        %dma_wait3A_201 = tpu.memref_slice %arg9[%dma_wait3A_197, %dma_wait3A_199, %dma_wait3A_200] : memref<4x128x64xf32, #tpu.memory_space<vmem>> -> memref<1x128x64xf32, #tpu.memory_space<vmem>>
        %dma_wait3A_202 = tpu.memref_squeeze %dma_wait3A_201 : memref<1x128x64xf32, #tpu.memory_space<vmem>> -> memref<128x64xf32, #tpu.memory_space<vmem>>
        %dma_wait3A_203 = arith.constant 0 : i32
        %dma_wait3A_204 = tpu.memref_slice %arg8[%dma_wait3A_198, %dma_wait3A_203] : memref<152x128xi32, #tpu.memory_space<vmem>> -> memref<1x128xi32, #tpu.memory_space<vmem>>
        %dma_wait3A_205 = tpu.memref_squeeze %dma_wait3A_204 : memref<1x128xi32, #tpu.memory_space<vmem>> -> memref<128xi32, #tpu.memory_space<vmem>>
        %dma_wait3A_206 = arith.constant 0 : i32
        %dma_wait3A_207 = arith.constant 0 : i32
        %dma_wait3A_208 = tpu.memref_slice %arg10[%dma_wait3A_206, %dma_wait3A_207] : memref<10112x64xf32, #tpu.memory_space<vmem_shared>> -> memref<10112x64xf32, #tpu.memory_space<vmem_shared>>
        tpu.wait_indirect_dma semaphore(%arg16 : memref<!tpu.dma_semaphore, #tpu.memory_space<semaphore_mem>>) src(%dma_wait3A_202 : memref<128x64xf32, #tpu.memory_space<vmem>>) dst(%dma_wait3A_208 : memref<10112x64xf32, #tpu.memory_space<vmem_shared>>)
      } else {
      }
      %dma_start3A_43 = arith.constant 1 : i32
      %dma_start3A_44 = arith.constant 0 : i32
      %dma_start3A_45 = arith.constant 0 : i32
      %dma_start3A_46 = tpu.memref_slice %arg9[%dma_start3A_43, %dma_start3A_44, %dma_start3A_45] : memref<4x128x64xf32, #tpu.memory_space<vmem>> -> memref<1x128x64xf32, #tpu.memory_space<vmem>>
      %dma_start3A_47 = tpu.memref_squeeze %dma_start3A_46 : memref<1x128x64xf32, #tpu.memory_space<vmem>> -> memref<128x64xf32, #tpu.memory_space<vmem>>
      %dma_start3A_48 = arith.constant 0 : i32
      %dma_start3A_49 = tpu.memref_slice %arg7[%add3A_37, %dma_start3A_48] : memref<152x128xi32, #tpu.memory_space<vmem>> -> memref<1x128xi32, #tpu.memory_space<vmem>>
      %dma_start3A_50 = tpu.memref_squeeze %dma_start3A_49 : memref<1x128xi32, #tpu.memory_space<vmem>> -> memref<128xi32, #tpu.memory_space<vmem>>
      %dma_start3A_51 = arith.constant 0 : i32
      %dma_start3A_52 = arith.constant 0 : i32
      %dma_start3A_53 = tpu.memref_slice %arg2[%dma_start3A_51, %dma_start3A_52] : memref<10000x64xf32, #tpu.memory_space<hbm>> -> memref<10000x64xf32, #tpu.memory_space<hbm>>
      tpu.enqueue_indirect_dma source(%dma_start3A_53 : memref<10000x64xf32, #tpu.memory_space<hbm>>) target(%dma_start3A_47 : memref<128x64xf32, #tpu.memory_space<vmem>>) offsets(%dma_start3A_50 : memref<128xi32, #tpu.memory_space<vmem>>) semaphore(%arg12 : memref<!tpu.dma_semaphore, #tpu.memory_space<semaphore_mem>>)
      %mul3A_54 = arith.constant 4 : i32
      %mul3A_55 = arith.muli %while3A_15, %mul3A_54 : i32
      %add3A_56 = arith.constant 2 : i32
      %add3A_57 = arith.addi %mul3A_55, %add3A_56 : i32
      %ge3A_58 = arith.constant 1 : i32
      %ge3A_59 = arith.cmpi sge, %while3A_15, %ge3A_58 : i32
      %convert_element_type3A_60 = arith.extui %ge3A_59 : i1 to i32
      %cond3A_61 = arith.constant 0 : i32
      %cond3A_62 = arith.cmpi ne, %convert_element_type3A_60, %cond3A_61 : i32
      scf.if %cond3A_62 {
        %dma_wait3A_197 = arith.constant 2 : i32
        %dma_wait3A_198 = arith.constant 0 : i32
        %dma_wait3A_199 = arith.constant 0 : i32
        %dma_wait3A_200 = arith.constant 0 : i32
        %dma_wait3A_201 = tpu.memref_slice %arg9[%dma_wait3A_197, %dma_wait3A_199, %dma_wait3A_200] : memref<4x128x64xf32, #tpu.memory_space<vmem>> -> memref<1x128x64xf32, #tpu.memory_space<vmem>>
        %dma_wait3A_202 = tpu.memref_squeeze %dma_wait3A_201 : memref<1x128x64xf32, #tpu.memory_space<vmem>> -> memref<128x64xf32, #tpu.memory_space<vmem>>
        %dma_wait3A_203 = arith.constant 0 : i32
        %dma_wait3A_204 = tpu.memref_slice %arg8[%dma_wait3A_198, %dma_wait3A_203] : memref<152x128xi32, #tpu.memory_space<vmem>> -> memref<1x128xi32, #tpu.memory_space<vmem>>
        %dma_wait3A_205 = tpu.memref_squeeze %dma_wait3A_204 : memref<1x128xi32, #tpu.memory_space<vmem>> -> memref<128xi32, #tpu.memory_space<vmem>>
        %dma_wait3A_206 = arith.constant 0 : i32
        %dma_wait3A_207 = arith.constant 0 : i32
        %dma_wait3A_208 = tpu.memref_slice %arg10[%dma_wait3A_206, %dma_wait3A_207] : memref<10112x64xf32, #tpu.memory_space<vmem_shared>> -> memref<10112x64xf32, #tpu.memory_space<vmem_shared>>
        tpu.wait_indirect_dma semaphore(%arg17 : memref<!tpu.dma_semaphore, #tpu.memory_space<semaphore_mem>>) src(%dma_wait3A_202 : memref<128x64xf32, #tpu.memory_space<vmem>>) dst(%dma_wait3A_208 : memref<10112x64xf32, #tpu.memory_space<vmem_shared>>)
      } else {
      }
      %dma_start3A_63 = arith.constant 2 : i32
      %dma_start3A_64 = arith.constant 0 : i32
      %dma_start3A_65 = arith.constant 0 : i32
      %dma_start3A_66 = tpu.memref_slice %arg9[%dma_start3A_63, %dma_start3A_64, %dma_start3A_65] : memref<4x128x64xf32, #tpu.memory_space<vmem>> -> memref<1x128x64xf32, #tpu.memory_space<vmem>>
      %dma_start3A_67 = tpu.memref_squeeze %dma_start3A_66 : memref<1x128x64xf32, #tpu.memory_space<vmem>> -> memref<128x64xf32, #tpu.memory_space<vmem>>
      %dma_start3A_68 = arith.constant 0 : i32
      %dma_start3A_69 = tpu.memref_slice %arg7[%add3A_57, %dma_start3A_68] : memref<152x128xi32, #tpu.memory_space<vmem>> -> memref<1x128xi32, #tpu.memory_space<vmem>>
      %dma_start3A_70 = tpu.memref_squeeze %dma_start3A_69 : memref<1x128xi32, #tpu.memory_space<vmem>> -> memref<128xi32, #tpu.memory_space<vmem>>
      %dma_start3A_71 = arith.constant 0 : i32
      %dma_start3A_72 = arith.constant 0 : i32
      %dma_start3A_73 = tpu.memref_slice %arg2[%dma_start3A_71, %dma_start3A_72] : memref<10000x64xf32, #tpu.memory_space<hbm>> -> memref<10000x64xf32, #tpu.memory_space<hbm>>
      tpu.enqueue_indirect_dma source(%dma_start3A_73 : memref<10000x64xf32, #tpu.memory_space<hbm>>) target(%dma_start3A_67 : memref<128x64xf32, #tpu.memory_space<vmem>>) offsets(%dma_start3A_70 : memref<128xi32, #tpu.memory_space<vmem>>) semaphore(%arg13 : memref<!tpu.dma_semaphore, #tpu.memory_space<semaphore_mem>>)
      %mul3A_74 = arith.constant 4 : i32
      %mul3A_75 = arith.muli %while3A_15, %mul3A_74 : i32
      %add3A_76 = arith.constant 3 : i32
      %add3A_77 = arith.addi %mul3A_75, %add3A_76 : i32
      %ge3A_78 = arith.constant 1 : i32
      %ge3A_79 = arith.cmpi sge, %while3A_15, %ge3A_78 : i32
      %convert_element_type3A_80 = arith.extui %ge3A_79 : i1 to i32
      %cond3A_81 = arith.constant 0 : i32
      %cond3A_82 = arith.cmpi ne, %convert_element_type3A_80, %cond3A_81 : i32
      scf.if %cond3A_82 {
        %dma_wait3A_197 = arith.constant 3 : i32
        %dma_wait3A_198 = arith.constant 0 : i32
        %dma_wait3A_199 = arith.constant 0 : i32
        %dma_wait3A_200 = arith.constant 0 : i32
        %dma_wait3A_201 = tpu.memref_slice %arg9[%dma_wait3A_197, %dma_wait3A_199, %dma_wait3A_200] : memref<4x128x64xf32, #tpu.memory_space<vmem>> -> memref<1x128x64xf32, #tpu.memory_space<vmem>>
        %dma_wait3A_202 = tpu.memref_squeeze %dma_wait3A_201 : memref<1x128x64xf32, #tpu.memory_space<vmem>> -> memref<128x64xf32, #tpu.memory_space<vmem>>
        %dma_wait3A_203 = arith.constant 0 : i32
        %dma_wait3A_204 = tpu.memref_slice %arg8[%dma_wait3A_198, %dma_wait3A_203] : memref<152x128xi32, #tpu.memory_space<vmem>> -> memref<1x128xi32, #tpu.memory_space<vmem>>
        %dma_wait3A_205 = tpu.memref_squeeze %dma_wait3A_204 : memref<1x128xi32, #tpu.memory_space<vmem>> -> memref<128xi32, #tpu.memory_space<vmem>>
        %dma_wait3A_206 = arith.constant 0 : i32
        %dma_wait3A_207 = arith.constant 0 : i32
        %dma_wait3A_208 = tpu.memref_slice %arg10[%dma_wait3A_206, %dma_wait3A_207] : memref<10112x64xf32, #tpu.memory_space<vmem_shared>> -> memref<10112x64xf32, #tpu.memory_space<vmem_shared>>
        tpu.wait_indirect_dma semaphore(%arg18 : memref<!tpu.dma_semaphore, #tpu.memory_space<semaphore_mem>>) src(%dma_wait3A_202 : memref<128x64xf32, #tpu.memory_space<vmem>>) dst(%dma_wait3A_208 : memref<10112x64xf32, #tpu.memory_space<vmem_shared>>)
      } else {
      }
      %dma_start3A_83 = arith.constant 3 : i32
      %dma_start3A_84 = arith.constant 0 : i32
      %dma_start3A_85 = arith.constant 0 : i32
      %dma_start3A_86 = tpu.memref_slice %arg9[%dma_start3A_83, %dma_start3A_84, %dma_start3A_85] : memref<4x128x64xf32, #tpu.memory_space<vmem>> -> memref<1x128x64xf32, #tpu.memory_space<vmem>>
      %dma_start3A_87 = tpu.memref_squeeze %dma_start3A_86 : memref<1x128x64xf32, #tpu.memory_space<vmem>> -> memref<128x64xf32, #tpu.memory_space<vmem>>
      %dma_start3A_88 = arith.constant 0 : i32
      %dma_start3A_89 = tpu.memref_slice %arg7[%add3A_77, %dma_start3A_88] : memref<152x128xi32, #tpu.memory_space<vmem>> -> memref<1x128xi32, #tpu.memory_space<vmem>>
      %dma_start3A_90 = tpu.memref_squeeze %dma_start3A_89 : memref<1x128xi32, #tpu.memory_space<vmem>> -> memref<128xi32, #tpu.memory_space<vmem>>
      %dma_start3A_91 = arith.constant 0 : i32
      %dma_start3A_92 = arith.constant 0 : i32
      %dma_start3A_93 = tpu.memref_slice %arg2[%dma_start3A_91, %dma_start3A_92] : memref<10000x64xf32, #tpu.memory_space<hbm>> -> memref<10000x64xf32, #tpu.memory_space<hbm>>
      tpu.enqueue_indirect_dma source(%dma_start3A_93 : memref<10000x64xf32, #tpu.memory_space<hbm>>) target(%dma_start3A_87 : memref<128x64xf32, #tpu.memory_space<vmem>>) offsets(%dma_start3A_90 : memref<128xi32, #tpu.memory_space<vmem>>) semaphore(%arg14 : memref<!tpu.dma_semaphore, #tpu.memory_space<semaphore_mem>>)
      %mul3A_94 = arith.constant 4 : i32
      %mul3A_95 = arith.muli %while3A_15, %mul3A_94 : i32
      %add3A_96 = arith.constant 0 : i32
      %add3A_97 = arith.addi %mul3A_95, %add3A_96 : i32
      %dma_wait3A = arith.constant 0 : i32
      %dma_wait3A_98 = arith.constant 0 : i32
      %dma_wait3A_99 = arith.constant 0 : i32
      %dma_wait3A_100 = tpu.memref_slice %arg9[%dma_wait3A, %dma_wait3A_98, %dma_wait3A_99] : memref<4x128x64xf32, #tpu.memory_space<vmem>> -> memref<1x128x64xf32, #tpu.memory_space<vmem>>
      %dma_wait3A_101 = tpu.memref_squeeze %dma_wait3A_100 : memref<1x128x64xf32, #tpu.memory_space<vmem>> -> memref<128x64xf32, #tpu.memory_space<vmem>>
      %dma_wait3A_102 = arith.constant 0 : i32
      %dma_wait3A_103 = tpu.memref_slice %arg7[%add3A_18, %dma_wait3A_102] : memref<152x128xi32, #tpu.memory_space<vmem>> -> memref<1x128xi32, #tpu.memory_space<vmem>>
      %dma_wait3A_104 = tpu.memref_squeeze %dma_wait3A_103 : memref<1x128xi32, #tpu.memory_space<vmem>> -> memref<128xi32, #tpu.memory_space<vmem>>
      %dma_wait3A_105 = arith.constant 0 : i32
      %dma_wait3A_106 = arith.constant 0 : i32
      %dma_wait3A_107 = tpu.memref_slice %arg2[%dma_wait3A_105, %dma_wait3A_106] : memref<10000x64xf32, #tpu.memory_space<hbm>> -> memref<10000x64xf32, #tpu.memory_space<hbm>>
      tpu.wait_indirect_dma semaphore(%arg11 : memref<!tpu.dma_semaphore, #tpu.memory_space<semaphore_mem>>) src(%dma_wait3A_107 : memref<10000x64xf32, #tpu.memory_space<hbm>>) dst(%dma_wait3A_101 : memref<128x64xf32, #tpu.memory_space<vmem>>)
      %dma_start3A_108 = arith.constant 0 : i32
      %dma_start3A_109 = arith.constant 0 : i32
      %dma_start3A_110 = arith.constant 0 : i32
      %dma_start3A_111 = tpu.memref_slice %arg9[%dma_start3A_108, %dma_start3A_109, %dma_start3A_110] : memref<4x128x64xf32, #tpu.memory_space<vmem>> -> memref<1x128x64xf32, #tpu.memory_space<vmem>>
      %dma_start3A_112 = tpu.memref_squeeze %dma_start3A_111 : memref<1x128x64xf32, #tpu.memory_space<vmem>> -> memref<128x64xf32, #tpu.memory_space<vmem>>
      %dma_start3A_113 = arith.constant 0 : i32
      %dma_start3A_114 = tpu.memref_slice %arg8[%add3A_97, %dma_start3A_113] : memref<152x128xi32, #tpu.memory_space<vmem>> -> memref<1x128xi32, #tpu.memory_space<vmem>>
      %dma_start3A_115 = tpu.memref_squeeze %dma_start3A_114 : memref<1x128xi32, #tpu.memory_space<vmem>> -> memref<128xi32, #tpu.memory_space<vmem>>
      %dma_start3A_116 = arith.constant 0 : i32
      %dma_start3A_117 = arith.constant 0 : i32
      %dma_start3A_118 = tpu.memref_slice %arg10[%dma_start3A_116, %dma_start3A_117] : memref<10112x64xf32, #tpu.memory_space<vmem_shared>> -> memref<10112x64xf32, #tpu.memory_space<vmem_shared>>
      tpu.enqueue_indirect_dma source(%dma_start3A_112 : memref<128x64xf32, #tpu.memory_space<vmem>>) target(%dma_start3A_118 : memref<10112x64xf32, #tpu.memory_space<vmem_shared>>) offsets(%dma_start3A_115 : memref<128xi32, #tpu.memory_space<vmem>>) semaphore(%arg15 : memref<!tpu.dma_semaphore, #tpu.memory_space<semaphore_mem>>) {add = true}
      %mul3A_119 = arith.constant 4 : i32
      %mul3A_120 = arith.muli %while3A_15, %mul3A_119 : i32
      %add3A_121 = arith.constant 1 : i32
      %add3A_122 = arith.addi %mul3A_120, %add3A_121 : i32
      %dma_wait3A_123 = arith.constant 1 : i32
      %dma_wait3A_124 = arith.constant 0 : i32
      %dma_wait3A_125 = arith.constant 0 : i32
      %dma_wait3A_126 = tpu.memref_slice %arg9[%dma_wait3A_123, %dma_wait3A_124, %dma_wait3A_125] : memref<4x128x64xf32, #tpu.memory_space<vmem>> -> memref<1x128x64xf32, #tpu.memory_space<vmem>>
      %dma_wait3A_127 = tpu.memref_squeeze %dma_wait3A_126 : memref<1x128x64xf32, #tpu.memory_space<vmem>> -> memref<128x64xf32, #tpu.memory_space<vmem>>
      %dma_wait3A_128 = arith.constant 0 : i32
      %dma_wait3A_129 = tpu.memref_slice %arg7[%add3A_37, %dma_wait3A_128] : memref<152x128xi32, #tpu.memory_space<vmem>> -> memref<1x128xi32, #tpu.memory_space<vmem>>
      %dma_wait3A_130 = tpu.memref_squeeze %dma_wait3A_129 : memref<1x128xi32, #tpu.memory_space<vmem>> -> memref<128xi32, #tpu.memory_space<vmem>>
      %dma_wait3A_131 = arith.constant 0 : i32
      %dma_wait3A_132 = arith.constant 0 : i32
      %dma_wait3A_133 = tpu.memref_slice %arg2[%dma_wait3A_131, %dma_wait3A_132] : memref<10000x64xf32, #tpu.memory_space<hbm>> -> memref<10000x64xf32, #tpu.memory_space<hbm>>
      tpu.wait_indirect_dma semaphore(%arg12 : memref<!tpu.dma_semaphore, #tpu.memory_space<semaphore_mem>>) src(%dma_wait3A_133 : memref<10000x64xf32, #tpu.memory_space<hbm>>) dst(%dma_wait3A_127 : memref<128x64xf32, #tpu.memory_space<vmem>>)
      %dma_start3A_134 = arith.constant 1 : i32
      %dma_start3A_135 = arith.constant 0 : i32
      %dma_start3A_136 = arith.constant 0 : i32
      %dma_start3A_137 = tpu.memref_slice %arg9[%dma_start3A_134, %dma_start3A_135, %dma_start3A_136] : memref<4x128x64xf32, #tpu.memory_space<vmem>> -> memref<1x128x64xf32, #tpu.memory_space<vmem>>
      %dma_start3A_138 = tpu.memref_squeeze %dma_start3A_137 : memref<1x128x64xf32, #tpu.memory_space<vmem>> -> memref<128x64xf32, #tpu.memory_space<vmem>>
      %dma_start3A_139 = arith.constant 0 : i32
      %dma_start3A_140 = tpu.memref_slice %arg8[%add3A_122, %dma_start3A_139] : memref<152x128xi32, #tpu.memory_space<vmem>> -> memref<1x128xi32, #tpu.memory_space<vmem>>
      %dma_start3A_141 = tpu.memref_squeeze %dma_start3A_140 : memref<1x128xi32, #tpu.memory_space<vmem>> -> memref<128xi32, #tpu.memory_space<vmem>>
      %dma_start3A_142 = arith.constant 0 : i32
      %dma_start3A_143 = arith.constant 0 : i32
      %dma_start3A_144 = tpu.memref_slice %arg10[%dma_start3A_142, %dma_start3A_143] : memref<10112x64xf32, #tpu.memory_space<vmem_shared>> -> memref<10112x64xf32, #tpu.memory_space<vmem_shared>>
      tpu.enqueue_indirect_dma source(%dma_start3A_138 : memref<128x64xf32, #tpu.memory_space<vmem>>) target(%dma_start3A_144 : memref<10112x64xf32, #tpu.memory_space<vmem_shared>>) offsets(%dma_start3A_141 : memref<128xi32, #tpu.memory_space<vmem>>) semaphore(%arg16 : memref<!tpu.dma_semaphore, #tpu.memory_space<semaphore_mem>>) {add = true}
      %mul3A_145 = arith.constant 4 : i32
      %mul3A_146 = arith.muli %while3A_15, %mul3A_145 : i32
      %add3A_147 = arith.constant 2 : i32
      %add3A_148 = arith.addi %mul3A_146, %add3A_147 : i32
      %dma_wait3A_149 = arith.constant 2 : i32
      %dma_wait3A_150 = arith.constant 0 : i32
      %dma_wait3A_151 = arith.constant 0 : i32
      %dma_wait3A_152 = tpu.memref_slice %arg9[%dma_wait3A_149, %dma_wait3A_150, %dma_wait3A_151] : memref<4x128x64xf32, #tpu.memory_space<vmem>> -> memref<1x128x64xf32, #tpu.memory_space<vmem>>
      %dma_wait3A_153 = tpu.memref_squeeze %dma_wait3A_152 : memref<1x128x64xf32, #tpu.memory_space<vmem>> -> memref<128x64xf32, #tpu.memory_space<vmem>>
      %dma_wait3A_154 = arith.constant 0 : i32
      %dma_wait3A_155 = tpu.memref_slice %arg7[%add3A_57, %dma_wait3A_154] : memref<152x128xi32, #tpu.memory_space<vmem>> -> memref<1x128xi32, #tpu.memory_space<vmem>>
      %dma_wait3A_156 = tpu.memref_squeeze %dma_wait3A_155 : memref<1x128xi32, #tpu.memory_space<vmem>> -> memref<128xi32, #tpu.memory_space<vmem>>
      %dma_wait3A_157 = arith.constant 0 : i32
      %dma_wait3A_158 = arith.constant 0 : i32
      %dma_wait3A_159 = tpu.memref_slice %arg2[%dma_wait3A_157, %dma_wait3A_158] : memref<10000x64xf32, #tpu.memory_space<hbm>> -> memref<10000x64xf32, #tpu.memory_space<hbm>>
      tpu.wait_indirect_dma semaphore(%arg13 : memref<!tpu.dma_semaphore, #tpu.memory_space<semaphore_mem>>) src(%dma_wait3A_159 : memref<10000x64xf32, #tpu.memory_space<hbm>>) dst(%dma_wait3A_153 : memref<128x64xf32, #tpu.memory_space<vmem>>)
      %dma_start3A_160 = arith.constant 2 : i32
      %dma_start3A_161 = arith.constant 0 : i32
      %dma_start3A_162 = arith.constant 0 : i32
      %dma_start3A_163 = tpu.memref_slice %arg9[%dma_start3A_160, %dma_start3A_161, %dma_start3A_162] : memref<4x128x64xf32, #tpu.memory_space<vmem>> -> memref<1x128x64xf32, #tpu.memory_space<vmem>>
      %dma_start3A_164 = tpu.memref_squeeze %dma_start3A_163 : memref<1x128x64xf32, #tpu.memory_space<vmem>> -> memref<128x64xf32, #tpu.memory_space<vmem>>
      %dma_start3A_165 = arith.constant 0 : i32
      %dma_start3A_166 = tpu.memref_slice %arg8[%add3A_148, %dma_start3A_165] : memref<152x128xi32, #tpu.memory_space<vmem>> -> memref<1x128xi32, #tpu.memory_space<vmem>>
      %dma_start3A_167 = tpu.memref_squeeze %dma_start3A_166 : memref<1x128xi32, #tpu.memory_space<vmem>> -> memref<128xi32, #tpu.memory_space<vmem>>
      %dma_start3A_168 = arith.constant 0 : i32
      %dma_start3A_169 = arith.constant 0 : i32
      %dma_start3A_170 = tpu.memref_slice %arg10[%dma_start3A_168, %dma_start3A_169] : memref<10112x64xf32, #tpu.memory_space<vmem_shared>> -> memref<10112x64xf32, #tpu.memory_space<vmem_shared>>
      tpu.enqueue_indirect_dma source(%dma_start3A_164 : memref<128x64xf32, #tpu.memory_space<vmem>>) target(%dma_start3A_170 : memref<10112x64xf32, #tpu.memory_space<vmem_shared>>) offsets(%dma_start3A_167 : memref<128xi32, #tpu.memory_space<vmem>>) semaphore(%arg17 : memref<!tpu.dma_semaphore, #tpu.memory_space<semaphore_mem>>) {add = true}
      %mul3A_171 = arith.constant 4 : i32
      %mul3A_172 = arith.muli %while3A_15, %mul3A_171 : i32
      %add3A_173 = arith.constant 3 : i32
      %add3A_174 = arith.addi %mul3A_172, %add3A_173 : i32
      %dma_wait3A_175 = arith.constant 3 : i32
      %dma_wait3A_176 = arith.constant 0 : i32
      %dma_wait3A_177 = arith.constant 0 : i32
      %dma_wait3A_178 = tpu.memref_slice %arg9[%dma_wait3A_175, %dma_wait3A_176, %dma_wait3A_177] : memref<4x128x64xf32, #tpu.memory_space<vmem>> -> memref<1x128x64xf32, #tpu.memory_space<vmem>>
      %dma_wait3A_179 = tpu.memref_squeeze %dma_wait3A_178 : memref<1x128x64xf32, #tpu.memory_space<vmem>> -> memref<128x64xf32, #tpu.memory_space<vmem>>
      %dma_wait3A_180 = arith.constant 0 : i32
      %dma_wait3A_181 = tpu.memref_slice %arg7[%add3A_77, %dma_wait3A_180] : memref<152x128xi32, #tpu.memory_space<vmem>> -> memref<1x128xi32, #tpu.memory_space<vmem>>
      %dma_wait3A_182 = tpu.memref_squeeze %dma_wait3A_181 : memref<1x128xi32, #tpu.memory_space<vmem>> -> memref<128xi32, #tpu.memory_space<vmem>>
      %dma_wait3A_183 = arith.constant 0 : i32
      %dma_wait3A_184 = arith.constant 0 : i32
      %dma_wait3A_185 = tpu.memref_slice %arg2[%dma_wait3A_183, %dma_wait3A_184] : memref<10000x64xf32, #tpu.memory_space<hbm>> -> memref<10000x64xf32, #tpu.memory_space<hbm>>
      tpu.wait_indirect_dma semaphore(%arg14 : memref<!tpu.dma_semaphore, #tpu.memory_space<semaphore_mem>>) src(%dma_wait3A_185 : memref<10000x64xf32, #tpu.memory_space<hbm>>) dst(%dma_wait3A_179 : memref<128x64xf32, #tpu.memory_space<vmem>>)
      %dma_start3A_186 = arith.constant 3 : i32
      %dma_start3A_187 = arith.constant 0 : i32
      %dma_start3A_188 = arith.constant 0 : i32
      %dma_start3A_189 = tpu.memref_slice %arg9[%dma_start3A_186, %dma_start3A_187, %dma_start3A_188] : memref<4x128x64xf32, #tpu.memory_space<vmem>> -> memref<1x128x64xf32, #tpu.memory_space<vmem>>
      %dma_start3A_190 = tpu.memref_squeeze %dma_start3A_189 : memref<1x128x64xf32, #tpu.memory_space<vmem>> -> memref<128x64xf32, #tpu.memory_space<vmem>>
      %dma_start3A_191 = arith.constant 0 : i32
      %dma_start3A_192 = tpu.memref_slice %arg8[%add3A_174, %dma_start3A_191] : memref<152x128xi32, #tpu.memory_space<vmem>> -> memref<1x128xi32, #tpu.memory_space<vmem>>
      %dma_start3A_193 = tpu.memref_squeeze %dma_start3A_192 : memref<1x128xi32, #tpu.memory_space<vmem>> -> memref<128xi32, #tpu.memory_space<vmem>>
      %dma_start3A_194 = arith.constant 0 : i32
      %dma_start3A_195 = arith.constant 0 : i32
      %dma_start3A_196 = tpu.memref_slice %arg10[%dma_start3A_194, %dma_start3A_195] : memref<10112x64xf32, #tpu.memory_space<vmem_shared>> -> memref<10112x64xf32, #tpu.memory_space<vmem_shared>>
      tpu.enqueue_indirect_dma source(%dma_start3A_190 : memref<128x64xf32, #tpu.memory_space<vmem>>) target(%dma_start3A_196 : memref<10112x64xf32, #tpu.memory_space<vmem_shared>>) offsets(%dma_start3A_193 : memref<128xi32, #tpu.memory_space<vmem>>) semaphore(%arg18 : memref<!tpu.dma_semaphore, #tpu.memory_space<semaphore_mem>>) {add = true}
    }
    %while3A_11 = arith.constant 1 : i32
    scf.for %while3A_15 = %while3A_9 to %while3A_5 step %while3A_11  : i32 {
      %mul3A_16 = arith.constant 4 : i32
      %mul3A_17 = arith.muli %while3A_15, %mul3A_16 : i32
      %add3A = arith.constant 0 : i32
      %add3A_18 = arith.addi %mul3A_17, %add3A : i32
      %ge3A_19 = arith.constant 1 : i32
      %ge3A_20 = arith.cmpi sge, %while3A_15, %ge3A_19 : i32
      %convert_element_type3A_21 = arith.extui %ge3A_20 : i1 to i32
      %cond3A_22 = arith.constant 0 : i32
      %cond3A_23 = arith.cmpi ne, %convert_element_type3A_21, %cond3A_22 : i32
      scf.if %cond3A_23 {
        %dma_wait3A_197 = arith.constant 0 : i32
        %dma_wait3A_198 = arith.constant 0 : i32
        %dma_wait3A_199 = arith.constant 0 : i32
        %dma_wait3A_200 = arith.constant 0 : i32
        %dma_wait3A_201 = tpu.memref_slice %arg9[%dma_wait3A_197, %dma_wait3A_199, %dma_wait3A_200] : memref<4x128x64xf32, #tpu.memory_space<vmem>> -> memref<1x128x64xf32, #tpu.memory_space<vmem>>
        %dma_wait3A_202 = tpu.memref_squeeze %dma_wait3A_201 : memref<1x128x64xf32, #tpu.memory_space<vmem>> -> memref<128x64xf32, #tpu.memory_space<vmem>>
        %dma_wait3A_203 = arith.constant 0 : i32
        %dma_wait3A_204 = tpu.memref_slice %arg8[%dma_wait3A_198, %dma_wait3A_203] : memref<152x128xi32, #tpu.memory_space<vmem>> -> memref<1x128xi32, #tpu.memory_space<vmem>>
        %dma_wait3A_205 = tpu.memref_squeeze %dma_wait3A_204 : memref<1x128xi32, #tpu.memory_space<vmem>> -> memref<128xi32, #tpu.memory_space<vmem>>
        %dma_wait3A_206 = arith.constant 0 : i32
        %dma_wait3A_207 = arith.constant 0 : i32
        %dma_wait3A_208 = tpu.memref_slice %arg10[%dma_wait3A_206, %dma_wait3A_207] : memref<10112x64xf32, #tpu.memory_space<vmem_shared>> -> memref<10112x64xf32, #tpu.memory_space<vmem_shared>>
        tpu.wait_indirect_dma semaphore(%arg15 : memref<!tpu.dma_semaphore, #tpu.memory_space<semaphore_mem>>) src(%dma_wait3A_202 : memref<128x64xf32, #tpu.memory_space<vmem>>) dst(%dma_wait3A_208 : memref<10112x64xf32, #tpu.memory_space<vmem_shared>>)
      } else {
      }
      %dma_start3A = arith.constant 0 : i32
      %dma_start3A_24 = arith.constant 0 : i32
      %dma_start3A_25 = arith.constant 0 : i32
      %dma_start3A_26 = tpu.memref_slice %arg9[%dma_start3A, %dma_start3A_24, %dma_start3A_25] : memref<4x128x64xf32, #tpu.memory_space<vmem>> -> memref<1x128x64xf32, #tpu.memory_space<vmem>>
      %dma_start3A_27 = tpu.memref_squeeze %dma_start3A_26 : memref<1x128x64xf32, #tpu.memory_space<vmem>> -> memref<128x64xf32, #tpu.memory_space<vmem>>
      %dma_start3A_28 = arith.constant 0 : i32
      %dma_start3A_29 = tpu.memref_slice %arg7[%add3A_18, %dma_start3A_28] : memref<152x128xi32, #tpu.memory_space<vmem>> -> memref<1x128xi32, #tpu.memory_space<vmem>>
      %dma_start3A_30 = tpu.memref_squeeze %dma_start3A_29 : memref<1x128xi32, #tpu.memory_space<vmem>> -> memref<128xi32, #tpu.memory_space<vmem>>
      %dma_start3A_31 = arith.constant 0 : i32
      %dma_start3A_32 = arith.constant 0 : i32
      %dma_start3A_33 = tpu.memref_slice %arg2[%dma_start3A_31, %dma_start3A_32] : memref<10000x64xf32, #tpu.memory_space<hbm>> -> memref<10000x64xf32, #tpu.memory_space<hbm>>
      tpu.enqueue_indirect_dma source(%dma_start3A_33 : memref<10000x64xf32, #tpu.memory_space<hbm>>) target(%dma_start3A_27 : memref<128x64xf32, #tpu.memory_space<vmem>>) offsets(%dma_start3A_30 : memref<128xi32, #tpu.memory_space<vmem>>) semaphore(%arg11 : memref<!tpu.dma_semaphore, #tpu.memory_space<semaphore_mem>>)
      %mul3A_34 = arith.constant 4 : i32
      %mul3A_35 = arith.muli %while3A_15, %mul3A_34 : i32
      %add3A_36 = arith.constant 1 : i32
      %add3A_37 = arith.addi %mul3A_35, %add3A_36 : i32
      %ge3A_38 = arith.constant 1 : i32
      %ge3A_39 = arith.cmpi sge, %while3A_15, %ge3A_38 : i32
      %convert_element_type3A_40 = arith.extui %ge3A_39 : i1 to i32
      %cond3A_41 = arith.constant 0 : i32
      %cond3A_42 = arith.cmpi ne, %convert_element_type3A_40, %cond3A_41 : i32
      scf.if %cond3A_42 {
        %dma_wait3A_197 = arith.constant 1 : i32
        %dma_wait3A_198 = arith.constant 0 : i32
        %dma_wait3A_199 = arith.constant 0 : i32
        %dma_wait3A_200 = arith.constant 0 : i32
        %dma_wait3A_201 = tpu.memref_slice %arg9[%dma_wait3A_197, %dma_wait3A_199, %dma_wait3A_200] : memref<4x128x64xf32, #tpu.memory_space<vmem>> -> memref<1x128x64xf32, #tpu.memory_space<vmem>>
        %dma_wait3A_202 = tpu.memref_squeeze %dma_wait3A_201 : memref<1x128x64xf32, #tpu.memory_space<vmem>> -> memref<128x64xf32, #tpu.memory_space<vmem>>
        %dma_wait3A_203 = arith.constant 0 : i32
        %dma_wait3A_204 = tpu.memref_slice %arg8[%dma_wait3A_198, %dma_wait3A_203] : memref<152x128xi32, #tpu.memory_space<vmem>> -> memref<1x128xi32, #tpu.memory_space<vmem>>
        %dma_wait3A_205 = tpu.memref_squeeze %dma_wait3A_204 : memref<1x128xi32, #tpu.memory_space<vmem>> -> memref<128xi32, #tpu.memory_space<vmem>>
        %dma_wait3A_206 = arith.constant 0 : i32
        %dma_wait3A_207 = arith.constant 0 : i32
        %dma_wait3A_208 = tpu.memref_slice %arg10[%dma_wait3A_206, %dma_wait3A_207] : memref<10112x64xf32, #tpu.memory_space<vmem_shared>> -> memref<10112x64xf32, #tpu.memory_space<vmem_shared>>
        tpu.wait_indirect_dma semaphore(%arg16 : memref<!tpu.dma_semaphore, #tpu.memory_space<semaphore_mem>>) src(%dma_wait3A_202 : memref<128x64xf32, #tpu.memory_space<vmem>>) dst(%dma_wait3A_208 : memref<10112x64xf32, #tpu.memory_space<vmem_shared>>)
      } else {
      }
      %dma_start3A_43 = arith.constant 1 : i32
      %dma_start3A_44 = arith.constant 0 : i32
      %dma_start3A_45 = arith.constant 0 : i32
      %dma_start3A_46 = tpu.memref_slice %arg9[%dma_start3A_43, %dma_start3A_44, %dma_start3A_45] : memref<4x128x64xf32, #tpu.memory_space<vmem>> -> memref<1x128x64xf32, #tpu.memory_space<vmem>>
      %dma_start3A_47 = tpu.memref_squeeze %dma_start3A_46 : memref<1x128x64xf32, #tpu.memory_space<vmem>> -> memref<128x64xf32, #tpu.memory_space<vmem>>
      %dma_start3A_48 = arith.constant 0 : i32
      %dma_start3A_49 = tpu.memref_slice %arg7[%add3A_37, %dma_start3A_48] : memref<152x128xi32, #tpu.memory_space<vmem>> -> memref<1x128xi32, #tpu.memory_space<vmem>>
      %dma_start3A_50 = tpu.memref_squeeze %dma_start3A_49 : memref<1x128xi32, #tpu.memory_space<vmem>> -> memref<128xi32, #tpu.memory_space<vmem>>
      %dma_start3A_51 = arith.constant 0 : i32
      %dma_start3A_52 = arith.constant 0 : i32
      %dma_start3A_53 = tpu.memref_slice %arg2[%dma_start3A_51, %dma_start3A_52] : memref<10000x64xf32, #tpu.memory_space<hbm>> -> memref<10000x64xf32, #tpu.memory_space<hbm>>
      tpu.enqueue_indirect_dma source(%dma_start3A_53 : memref<10000x64xf32, #tpu.memory_space<hbm>>) target(%dma_start3A_47 : memref<128x64xf32, #tpu.memory_space<vmem>>) offsets(%dma_start3A_50 : memref<128xi32, #tpu.memory_space<vmem>>) semaphore(%arg12 : memref<!tpu.dma_semaphore, #tpu.memory_space<semaphore_mem>>)
      %mul3A_54 = arith.constant 4 : i32
      %mul3A_55 = arith.muli %while3A_15, %mul3A_54 : i32
      %add3A_56 = arith.constant 2 : i32
      %add3A_57 = arith.addi %mul3A_55, %add3A_56 : i32
      %ge3A_58 = arith.constant 1 : i32
      %ge3A_59 = arith.cmpi sge, %while3A_15, %ge3A_58 : i32
      %convert_element_type3A_60 = arith.extui %ge3A_59 : i1 to i32
      %cond3A_61 = arith.constant 0 : i32
      %cond3A_62 = arith.cmpi ne, %convert_element_type3A_60, %cond3A_61 : i32
      scf.if %cond3A_62 {
        %dma_wait3A_197 = arith.constant 2 : i32
        %dma_wait3A_198 = arith.constant 0 : i32
        %dma_wait3A_199 = arith.constant 0 : i32
        %dma_wait3A_200 = arith.constant 0 : i32
        %dma_wait3A_201 = tpu.memref_slice %arg9[%dma_wait3A_197, %dma_wait3A_199, %dma_wait3A_200] : memref<4x128x64xf32, #tpu.memory_space<vmem>> -> memref<1x128x64xf32, #tpu.memory_space<vmem>>
        %dma_wait3A_202 = tpu.memref_squeeze %dma_wait3A_201 : memref<1x128x64xf32, #tpu.memory_space<vmem>> -> memref<128x64xf32, #tpu.memory_space<vmem>>
        %dma_wait3A_203 = arith.constant 0 : i32
        %dma_wait3A_204 = tpu.memref_slice %arg8[%dma_wait3A_198, %dma_wait3A_203] : memref<152x128xi32, #tpu.memory_space<vmem>> -> memref<1x128xi32, #tpu.memory_space<vmem>>
        %dma_wait3A_205 = tpu.memref_squeeze %dma_wait3A_204 : memref<1x128xi32, #tpu.memory_space<vmem>> -> memref<128xi32, #tpu.memory_space<vmem>>
        %dma_wait3A_206 = arith.constant 0 : i32
        %dma_wait3A_207 = arith.constant 0 : i32
        %dma_wait3A_208 = tpu.memref_slice %arg10[%dma_wait3A_206, %dma_wait3A_207] : memref<10112x64xf32, #tpu.memory_space<vmem_shared>> -> memref<10112x64xf32, #tpu.memory_space<vmem_shared>>
        tpu.wait_indirect_dma semaphore(%arg17 : memref<!tpu.dma_semaphore, #tpu.memory_space<semaphore_mem>>) src(%dma_wait3A_202 : memref<128x64xf32, #tpu.memory_space<vmem>>) dst(%dma_wait3A_208 : memref<10112x64xf32, #tpu.memory_space<vmem_shared>>)
      } else {
      }
      %dma_start3A_63 = arith.constant 2 : i32
      %dma_start3A_64 = arith.constant 0 : i32
      %dma_start3A_65 = arith.constant 0 : i32
      %dma_start3A_66 = tpu.memref_slice %arg9[%dma_start3A_63, %dma_start3A_64, %dma_start3A_65] : memref<4x128x64xf32, #tpu.memory_space<vmem>> -> memref<1x128x64xf32, #tpu.memory_space<vmem>>
      %dma_start3A_67 = tpu.memref_squeeze %dma_start3A_66 : memref<1x128x64xf32, #tpu.memory_space<vmem>> -> memref<128x64xf32, #tpu.memory_space<vmem>>
      %dma_start3A_68 = arith.constant 0 : i32
      %dma_start3A_69 = tpu.memref_slice %arg7[%add3A_57, %dma_start3A_68] : memref<152x128xi32, #tpu.memory_space<vmem>> -> memref<1x128xi32, #tpu.memory_space<vmem>>
      %dma_start3A_70 = tpu.memref_squeeze %dma_start3A_69 : memref<1x128xi32, #tpu.memory_space<vmem>> -> memref<128xi32, #tpu.memory_space<vmem>>
      %dma_start3A_71 = arith.constant 0 : i32
      %dma_start3A_72 = arith.constant 0 : i32
      %dma_start3A_73 = tpu.memref_slice %arg2[%dma_start3A_71, %dma_start3A_72] : memref<10000x64xf32, #tpu.memory_space<hbm>> -> memref<10000x64xf32, #tpu.memory_space<hbm>>
      tpu.enqueue_indirect_dma source(%dma_start3A_73 : memref<10000x64xf32, #tpu.memory_space<hbm>>) target(%dma_start3A_67 : memref<128x64xf32, #tpu.memory_space<vmem>>) offsets(%dma_start3A_70 : memref<128xi32, #tpu.memory_space<vmem>>) semaphore(%arg13 : memref<!tpu.dma_semaphore, #tpu.memory_space<semaphore_mem>>)
      %mul3A_74 = arith.constant 4 : i32
      %mul3A_75 = arith.muli %while3A_15, %mul3A_74 : i32
      %add3A_76 = arith.constant 3 : i32
      %add3A_77 = arith.addi %mul3A_75, %add3A_76 : i32
      %ge3A_78 = arith.constant 1 : i32
      %ge3A_79 = arith.cmpi sge, %while3A_15, %ge3A_78 : i32
      %convert_element_type3A_80 = arith.extui %ge3A_79 : i1 to i32
      %cond3A_81 = arith.constant 0 : i32
      %cond3A_82 = arith.cmpi ne, %convert_element_type3A_80, %cond3A_81 : i32
      scf.if %cond3A_82 {
        %dma_wait3A_197 = arith.constant 3 : i32
        %dma_wait3A_198 = arith.constant 0 : i32
        %dma_wait3A_199 = arith.constant 0 : i32
        %dma_wait3A_200 = arith.constant 0 : i32
        %dma_wait3A_201 = tpu.memref_slice %arg9[%dma_wait3A_197, %dma_wait3A_199, %dma_wait3A_200] : memref<4x128x64xf32, #tpu.memory_space<vmem>> -> memref<1x128x64xf32, #tpu.memory_space<vmem>>
        %dma_wait3A_202 = tpu.memref_squeeze %dma_wait3A_201 : memref<1x128x64xf32, #tpu.memory_space<vmem>> -> memref<128x64xf32, #tpu.memory_space<vmem>>
        %dma_wait3A_203 = arith.constant 0 : i32
        %dma_wait3A_204 = tpu.memref_slice %arg8[%dma_wait3A_198, %dma_wait3A_203] : memref<152x128xi32, #tpu.memory_space<vmem>> -> memref<1x128xi32, #tpu.memory_space<vmem>>
        %dma_wait3A_205 = tpu.memref_squeeze %dma_wait3A_204 : memref<1x128xi32, #tpu.memory_space<vmem>> -> memref<128xi32, #tpu.memory_space<vmem>>
        %dma_wait3A_206 = arith.constant 0 : i32
        %dma_wait3A_207 = arith.constant 0 : i32
        %dma_wait3A_208 = tpu.memref_slice %arg10[%dma_wait3A_206, %dma_wait3A_207] : memref<10112x64xf32, #tpu.memory_space<vmem_shared>> -> memref<10112x64xf32, #tpu.memory_space<vmem_shared>>
        tpu.wait_indirect_dma semaphore(%arg18 : memref<!tpu.dma_semaphore, #tpu.memory_space<semaphore_mem>>) src(%dma_wait3A_202 : memref<128x64xf32, #tpu.memory_space<vmem>>) dst(%dma_wait3A_208 : memref<10112x64xf32, #tpu.memory_space<vmem_shared>>)
      } else {
      }
      %dma_start3A_83 = arith.constant 3 : i32
      %dma_start3A_84 = arith.constant 0 : i32
      %dma_start3A_85 = arith.constant 0 : i32
      %dma_start3A_86 = tpu.memref_slice %arg9[%dma_start3A_83, %dma_start3A_84, %dma_start3A_85] : memref<4x128x64xf32, #tpu.memory_space<vmem>> -> memref<1x128x64xf32, #tpu.memory_space<vmem>>
      %dma_start3A_87 = tpu.memref_squeeze %dma_start3A_86 : memref<1x128x64xf32, #tpu.memory_space<vmem>> -> memref<128x64xf32, #tpu.memory_space<vmem>>
      %dma_start3A_88 = arith.constant 0 : i32
      %dma_start3A_89 = tpu.memref_slice %arg7[%add3A_77, %dma_start3A_88] : memref<152x128xi32, #tpu.memory_space<vmem>> -> memref<1x128xi32, #tpu.memory_space<vmem>>
      %dma_start3A_90 = tpu.memref_squeeze %dma_start3A_89 : memref<1x128xi32, #tpu.memory_space<vmem>> -> memref<128xi32, #tpu.memory_space<vmem>>
      %dma_start3A_91 = arith.constant 0 : i32
      %dma_start3A_92 = arith.constant 0 : i32
      %dma_start3A_93 = tpu.memref_slice %arg2[%dma_start3A_91, %dma_start3A_92] : memref<10000x64xf32, #tpu.memory_space<hbm>> -> memref<10000x64xf32, #tpu.memory_space<hbm>>
      tpu.enqueue_indirect_dma source(%dma_start3A_93 : memref<10000x64xf32, #tpu.memory_space<hbm>>) target(%dma_start3A_87 : memref<128x64xf32, #tpu.memory_space<vmem>>) offsets(%dma_start3A_90 : memref<128xi32, #tpu.memory_space<vmem>>) semaphore(%arg14 : memref<!tpu.dma_semaphore, #tpu.memory_space<semaphore_mem>>)
      %mul3A_94 = arith.constant 4 : i32
      %mul3A_95 = arith.muli %while3A_15, %mul3A_94 : i32
      %add3A_96 = arith.constant 0 : i32
      %add3A_97 = arith.addi %mul3A_95, %add3A_96 : i32
      %dma_wait3A = arith.constant 0 : i32
      %dma_wait3A_98 = arith.constant 0 : i32
      %dma_wait3A_99 = arith.constant 0 : i32
      %dma_wait3A_100 = tpu.memref_slice %arg9[%dma_wait3A, %dma_wait3A_98, %dma_wait3A_99] : memref<4x128x64xf32, #tpu.memory_space<vmem>> -> memref<1x128x64xf32, #tpu.memory_space<vmem>>
      %dma_wait3A_101 = tpu.memref_squeeze %dma_wait3A_100 : memref<1x128x64xf32, #tpu.memory_space<vmem>> -> memref<128x64xf32, #tpu.memory_space<vmem>>
      %dma_wait3A_102 = arith.constant 0 : i32
      %dma_wait3A_103 = tpu.memref_slice %arg7[%add3A_18, %dma_wait3A_102] : memref<152x128xi32, #tpu.memory_space<vmem>> -> memref<1x128xi32, #tpu.memory_space<vmem>>
      %dma_wait3A_104 = tpu.memref_squeeze %dma_wait3A_103 : memref<1x128xi32, #tpu.memory_space<vmem>> -> memref<128xi32, #tpu.memory_space<vmem>>
      %dma_wait3A_105 = arith.constant 0 : i32
      %dma_wait3A_106 = arith.constant 0 : i32
      %dma_wait3A_107 = tpu.memref_slice %arg2[%dma_wait3A_105, %dma_wait3A_106] : memref<10000x64xf32, #tpu.memory_space<hbm>> -> memref<10000x64xf32, #tpu.memory_space<hbm>>
      tpu.wait_indirect_dma semaphore(%arg11 : memref<!tpu.dma_semaphore, #tpu.memory_space<semaphore_mem>>) src(%dma_wait3A_107 : memref<10000x64xf32, #tpu.memory_space<hbm>>) dst(%dma_wait3A_101 : memref<128x64xf32, #tpu.memory_space<vmem>>)
      %dma_start3A_108 = arith.constant 0 : i32
      %dma_start3A_109 = arith.constant 0 : i32
      %dma_start3A_110 = arith.constant 0 : i32
      %dma_start3A_111 = tpu.memref_slice %arg9[%dma_start3A_108, %dma_start3A_109, %dma_start3A_110] : memref<4x128x64xf32, #tpu.memory_space<vmem>> -> memref<1x128x64xf32, #tpu.memory_space<vmem>>
      %dma_start3A_112 = tpu.memref_squeeze %dma_start3A_111 : memref<1x128x64xf32, #tpu.memory_space<vmem>> -> memref<128x64xf32, #tpu.memory_space<vmem>>
      %dma_start3A_113 = arith.constant 0 : i32
      %dma_start3A_114 = tpu.memref_slice %arg8[%add3A_97, %dma_start3A_113] : memref<152x128xi32, #tpu.memory_space<vmem>> -> memref<1x128xi32, #tpu.memory_space<vmem>>
      %dma_start3A_115 = tpu.memref_squeeze %dma_start3A_114 : memref<1x128xi32, #tpu.memory_space<vmem>> -> memref<128xi32, #tpu.memory_space<vmem>>
      %dma_start3A_116 = arith.constant 0 : i32
      %dma_start3A_117 = arith.constant 0 : i32
      %dma_start3A_118 = tpu.memref_slice %arg10[%dma_start3A_116, %dma_start3A_117] : memref<10112x64xf32, #tpu.memory_space<vmem_shared>> -> memref<10112x64xf32, #tpu.memory_space<vmem_shared>>
      tpu.enqueue_indirect_dma source(%dma_start3A_112 : memref<128x64xf32, #tpu.memory_space<vmem>>) target(%dma_start3A_118 : memref<10112x64xf32, #tpu.memory_space<vmem_shared>>) offsets(%dma_start3A_115 : memref<128xi32, #tpu.memory_space<vmem>>) semaphore(%arg15 : memref<!tpu.dma_semaphore, #tpu.memory_space<semaphore_mem>>) {add = true}
      %mul3A_119 = arith.constant 4 : i32
      %mul3A_120 = arith.muli %while3A_15, %mul3A_119 : i32
      %add3A_121 = arith.constant 1 : i32
      %add3A_122 = arith.addi %mul3A_120, %add3A_121 : i32
      %dma_wait3A_123 = arith.constant 1 : i32
      %dma_wait3A_124 = arith.constant 0 : i32
      %dma_wait3A_125 = arith.constant 0 : i32
      %dma_wait3A_126 = tpu.memref_slice %arg9[%dma_wait3A_123, %dma_wait3A_124, %dma_wait3A_125] : memref<4x128x64xf32, #tpu.memory_space<vmem>> -> memref<1x128x64xf32, #tpu.memory_space<vmem>>
      %dma_wait3A_127 = tpu.memref_squeeze %dma_wait3A_126 : memref<1x128x64xf32, #tpu.memory_space<vmem>> -> memref<128x64xf32, #tpu.memory_space<vmem>>
      %dma_wait3A_128 = arith.constant 0 : i32
      %dma_wait3A_129 = tpu.memref_slice %arg7[%add3A_37, %dma_wait3A_128] : memref<152x128xi32, #tpu.memory_space<vmem>> -> memref<1x128xi32, #tpu.memory_space<vmem>>
      %dma_wait3A_130 = tpu.memref_squeeze %dma_wait3A_129 : memref<1x128xi32, #tpu.memory_space<vmem>> -> memref<128xi32, #tpu.memory_space<vmem>>
      %dma_wait3A_131 = arith.constant 0 : i32
      %dma_wait3A_132 = arith.constant 0 : i32
      %dma_wait3A_133 = tpu.memref_slice %arg2[%dma_wait3A_131, %dma_wait3A_132] : memref<10000x64xf32, #tpu.memory_space<hbm>> -> memref<10000x64xf32, #tpu.memory_space<hbm>>
      tpu.wait_indirect_dma semaphore(%arg12 : memref<!tpu.dma_semaphore, #tpu.memory_space<semaphore_mem>>) src(%dma_wait3A_133 : memref<10000x64xf32, #tpu.memory_space<hbm>>) dst(%dma_wait3A_127 : memref<128x64xf32, #tpu.memory_space<vmem>>)
      %dma_start3A_134 = arith.constant 1 : i32
      %dma_start3A_135 = arith.constant 0 : i32
      %dma_start3A_136 = arith.constant 0 : i32
      %dma_start3A_137 = tpu.memref_slice %arg9[%dma_start3A_134, %dma_start3A_135, %dma_start3A_136] : memref<4x128x64xf32, #tpu.memory_space<vmem>> -> memref<1x128x64xf32, #tpu.memory_space<vmem>>
      %dma_start3A_138 = tpu.memref_squeeze %dma_start3A_137 : memref<1x128x64xf32, #tpu.memory_space<vmem>> -> memref<128x64xf32, #tpu.memory_space<vmem>>
      %dma_start3A_139 = arith.constant 0 : i32
      %dma_start3A_140 = tpu.memref_slice %arg8[%add3A_122, %dma_start3A_139] : memref<152x128xi32, #tpu.memory_space<vmem>> -> memref<1x128xi32, #tpu.memory_space<vmem>>
      %dma_start3A_141 = tpu.memref_squeeze %dma_start3A_140 : memref<1x128xi32, #tpu.memory_space<vmem>> -> memref<128xi32, #tpu.memory_space<vmem>>
      %dma_start3A_142 = arith.constant 0 : i32
      %dma_start3A_143 = arith.constant 0 : i32
      %dma_start3A_144 = tpu.memref_slice %arg10[%dma_start3A_142, %dma_start3A_143] : memref<10112x64xf32, #tpu.memory_space<vmem_shared>> -> memref<10112x64xf32, #tpu.memory_space<vmem_shared>>
      tpu.enqueue_indirect_dma source(%dma_start3A_138 : memref<128x64xf32, #tpu.memory_space<vmem>>) target(%dma_start3A_144 : memref<10112x64xf32, #tpu.memory_space<vmem_shared>>) offsets(%dma_start3A_141 : memref<128xi32, #tpu.memory_space<vmem>>) semaphore(%arg16 : memref<!tpu.dma_semaphore, #tpu.memory_space<semaphore_mem>>) {add = true}
      %mul3A_145 = arith.constant 4 : i32
      %mul3A_146 = arith.muli %while3A_15, %mul3A_145 : i32
      %add3A_147 = arith.constant 2 : i32
      %add3A_148 = arith.addi %mul3A_146, %add3A_147 : i32
      %dma_wait3A_149 = arith.constant 2 : i32
      %dma_wait3A_150 = arith.constant 0 : i32
      %dma_wait3A_151 = arith.constant 0 : i32
      %dma_wait3A_152 = tpu.memref_slice %arg9[%dma_wait3A_149, %dma_wait3A_150, %dma_wait3A_151] : memref<4x128x64xf32, #tpu.memory_space<vmem>> -> memref<1x128x64xf32, #tpu.memory_space<vmem>>
      %dma_wait3A_153 = tpu.memref_squeeze %dma_wait3A_152 : memref<1x128x64xf32, #tpu.memory_space<vmem>> -> memref<128x64xf32, #tpu.memory_space<vmem>>
      %dma_wait3A_154 = arith.constant 0 : i32
      %dma_wait3A_155 = tpu.memref_slice %arg7[%add3A_57, %dma_wait3A_154] : memref<152x128xi32, #tpu.memory_space<vmem>> -> memref<1x128xi32, #tpu.memory_space<vmem>>
      %dma_wait3A_156 = tpu.memref_squeeze %dma_wait3A_155 : memref<1x128xi32, #tpu.memory_space<vmem>> -> memref<128xi32, #tpu.memory_space<vmem>>
      %dma_wait3A_157 = arith.constant 0 : i32
      %dma_wait3A_158 = arith.constant 0 : i32
      %dma_wait3A_159 = tpu.memref_slice %arg2[%dma_wait3A_157, %dma_wait3A_158] : memref<10000x64xf32, #tpu.memory_space<hbm>> -> memref<10000x64xf32, #tpu.memory_space<hbm>>
      tpu.wait_indirect_dma semaphore(%arg13 : memref<!tpu.dma_semaphore, #tpu.memory_space<semaphore_mem>>) src(%dma_wait3A_159 : memref<10000x64xf32, #tpu.memory_space<hbm>>) dst(%dma_wait3A_153 : memref<128x64xf32, #tpu.memory_space<vmem>>)
      %dma_start3A_160 = arith.constant 2 : i32
      %dma_start3A_161 = arith.constant 0 : i32
      %dma_start3A_162 = arith.constant 0 : i32
      %dma_start3A_163 = tpu.memref_slice %arg9[%dma_start3A_160, %dma_start3A_161, %dma_start3A_162] : memref<4x128x64xf32, #tpu.memory_space<vmem>> -> memref<1x128x64xf32, #tpu.memory_space<vmem>>
      %dma_start3A_164 = tpu.memref_squeeze %dma_start3A_163 : memref<1x128x64xf32, #tpu.memory_space<vmem>> -> memref<128x64xf32, #tpu.memory_space<vmem>>
      %dma_start3A_165 = arith.constant 0 : i32
      %dma_start3A_166 = tpu.memref_slice %arg8[%add3A_148, %dma_start3A_165] : memref<152x128xi32, #tpu.memory_space<vmem>> -> memref<1x128xi32, #tpu.memory_space<vmem>>
      %dma_start3A_167 = tpu.memref_squeeze %dma_start3A_166 : memref<1x128xi32, #tpu.memory_space<vmem>> -> memref<128xi32, #tpu.memory_space<vmem>>
      %dma_start3A_168 = arith.constant 0 : i32
      %dma_start3A_169 = arith.constant 0 : i32
      %dma_start3A_170 = tpu.memref_slice %arg10[%dma_start3A_168, %dma_start3A_169] : memref<10112x64xf32, #tpu.memory_space<vmem_shared>> -> memref<10112x64xf32, #tpu.memory_space<vmem_shared>>
      tpu.enqueue_indirect_dma source(%dma_start3A_164 : memref<128x64xf32, #tpu.memory_space<vmem>>) target(%dma_start3A_170 : memref<10112x64xf32, #tpu.memory_space<vmem_shared>>) offsets(%dma_start3A_167 : memref<128xi32, #tpu.memory_space<vmem>>) semaphore(%arg17 : memref<!tpu.dma_semaphore, #tpu.memory_space<semaphore_mem>>) {add = true}
      %mul3A_171 = arith.constant 4 : i32
      %mul3A_172 = arith.muli %while3A_15, %mul3A_171 : i32
      %add3A_173 = arith.constant 3 : i32
      %add3A_174 = arith.addi %mul3A_172, %add3A_173 : i32
      %dma_wait3A_175 = arith.constant 3 : i32
      %dma_wait3A_176 = arith.constant 0 : i32
      %dma_wait3A_177 = arith.constant 0 : i32
      %dma_wait3A_178 = tpu.memref_slice %arg9[%dma_wait3A_175, %dma_wait3A_176, %dma_wait3A_177] : memref<4x128x64xf32, #tpu.memory_space<vmem>> -> memref<1x128x64xf32, #tpu.memory_space<vmem>>
      %dma_wait3A_179 = tpu.memref_squeeze %dma_wait3A_178 : memref<1x128x64xf32, #tpu.memory_space<vmem>> -> memref<128x64xf32, #tpu.memory_space<vmem>>
      %dma_wait3A_180 = arith.constant 0 : i32
      %dma_wait3A_181 = tpu.memref_slice %arg7[%add3A_77, %dma_wait3A_180] : memref<152x128xi32, #tpu.memory_space<vmem>> -> memref<1x128xi32, #tpu.memory_space<vmem>>
      %dma_wait3A_182 = tpu.memref_squeeze %dma_wait3A_181 : memref<1x128xi32, #tpu.memory_space<vmem>> -> memref<128xi32, #tpu.memory_space<vmem>>
      %dma_wait3A_183 = arith.constant 0 : i32
      %dma_wait3A_184 = arith.constant 0 : i32
      %dma_wait3A_185 = tpu.memref_slice %arg2[%dma_wait3A_183, %dma_wait3A_184] : memref<10000x64xf32, #tpu.memory_space<hbm>> -> memref<10000x64xf32, #tpu.memory_space<hbm>>
      tpu.wait_indirect_dma semaphore(%arg14 : memref<!tpu.dma_semaphore, #tpu.memory_space<semaphore_mem>>) src(%dma_wait3A_185 : memref<10000x64xf32, #tpu.memory_space<hbm>>) dst(%dma_wait3A_179 : memref<128x64xf32, #tpu.memory_space<vmem>>)
      %dma_start3A_186 = arith.constant 3 : i32
      %dma_start3A_187 = arith.constant 0 : i32
      %dma_start3A_188 = arith.constant 0 : i32
      %dma_start3A_189 = tpu.memref_slice %arg9[%dma_start3A_186, %dma_start3A_187, %dma_start3A_188] : memref<4x128x64xf32, #tpu.memory_space<vmem>> -> memref<1x128x64xf32, #tpu.memory_space<vmem>>
      %dma_start3A_190 = tpu.memref_squeeze %dma_start3A_189 : memref<1x128x64xf32, #tpu.memory_space<vmem>> -> memref<128x64xf32, #tpu.memory_space<vmem>>
      %dma_start3A_191 = arith.constant 0 : i32
      %dma_start3A_192 = tpu.memref_slice %arg8[%add3A_174, %dma_start3A_191] : memref<152x128xi32, #tpu.memory_space<vmem>> -> memref<1x128xi32, #tpu.memory_space<vmem>>
      %dma_start3A_193 = tpu.memref_squeeze %dma_start3A_192 : memref<1x128xi32, #tpu.memory_space<vmem>> -> memref<128xi32, #tpu.memory_space<vmem>>
      %dma_start3A_194 = arith.constant 0 : i32
      %dma_start3A_195 = arith.constant 0 : i32
      %dma_start3A_196 = tpu.memref_slice %arg10[%dma_start3A_194, %dma_start3A_195] : memref<10112x64xf32, #tpu.memory_space<vmem_shared>> -> memref<10112x64xf32, #tpu.memory_space<vmem_shared>>
      tpu.enqueue_indirect_dma source(%dma_start3A_190 : memref<128x64xf32, #tpu.memory_space<vmem>>) target(%dma_start3A_196 : memref<10112x64xf32, #tpu.memory_space<vmem_shared>>) offsets(%dma_start3A_193 : memref<128xi32, #tpu.memory_space<vmem>>) semaphore(%arg18 : memref<!tpu.dma_semaphore, #tpu.memory_space<semaphore_mem>>) {add = true}
    }
    %ge3A = arith.constant 1 : i32
    %ge3A_12 = arith.cmpi sge, %select_n3A, %ge3A : i32
    %convert_element_type3A = arith.extui %ge3A_12 : i1 to i32
    %cond3A = arith.constant 0 : i32
    %cond3A_13 = arith.cmpi ne, %convert_element_type3A, %cond3A : i32
    scf.if %cond3A_13 {
      %dma_wait3A = arith.constant 0 : i32
      %dma_wait3A_15 = arith.constant 0 : i32
      %dma_wait3A_16 = arith.constant 0 : i32
      %dma_wait3A_17 = arith.constant 0 : i32
      %dma_wait3A_18 = tpu.memref_slice %arg9[%dma_wait3A, %dma_wait3A_16, %dma_wait3A_17] : memref<4x128x64xf32, #tpu.memory_space<vmem>> -> memref<1x128x64xf32, #tpu.memory_space<vmem>>
      %dma_wait3A_19 = tpu.memref_squeeze %dma_wait3A_18 : memref<1x128x64xf32, #tpu.memory_space<vmem>> -> memref<128x64xf32, #tpu.memory_space<vmem>>
      %dma_wait3A_20 = arith.constant 0 : i32
      %dma_wait3A_21 = tpu.memref_slice %arg8[%dma_wait3A_15, %dma_wait3A_20] : memref<152x128xi32, #tpu.memory_space<vmem>> -> memref<1x128xi32, #tpu.memory_space<vmem>>
      %dma_wait3A_22 = tpu.memref_squeeze %dma_wait3A_21 : memref<1x128xi32, #tpu.memory_space<vmem>> -> memref<128xi32, #tpu.memory_space<vmem>>
      %dma_wait3A_23 = arith.constant 0 : i32
      %dma_wait3A_24 = arith.constant 0 : i32
      %dma_wait3A_25 = tpu.memref_slice %arg10[%dma_wait3A_23, %dma_wait3A_24] : memref<10112x64xf32, #tpu.memory_space<vmem_shared>> -> memref<10112x64xf32, #tpu.memory_space<vmem_shared>>
      tpu.wait_indirect_dma semaphore(%arg15 : memref<!tpu.dma_semaphore, #tpu.memory_space<semaphore_mem>>) src(%dma_wait3A_19 : memref<128x64xf32, #tpu.memory_space<vmem>>) dst(%dma_wait3A_25 : memref<10112x64xf32, #tpu.memory_space<vmem_shared>>)
      %dma_wait3A_26 = arith.constant 1 : i32
      %dma_wait3A_27 = arith.constant 0 : i32
      %dma_wait3A_28 = arith.constant 0 : i32
      %dma_wait3A_29 = arith.constant 0 : i32
      %dma_wait3A_30 = tpu.memref_slice %arg9[%dma_wait3A_26, %dma_wait3A_28, %dma_wait3A_29] : memref<4x128x64xf32, #tpu.memory_space<vmem>> -> memref<1x128x64xf32, #tpu.memory_space<vmem>>
      %dma_wait3A_31 = tpu.memref_squeeze %dma_wait3A_30 : memref<1x128x64xf32, #tpu.memory_space<vmem>> -> memref<128x64xf32, #tpu.memory_space<vmem>>
      %dma_wait3A_32 = arith.constant 0 : i32
      %dma_wait3A_33 = tpu.memref_slice %arg8[%dma_wait3A_27, %dma_wait3A_32] : memref<152x128xi32, #tpu.memory_space<vmem>> -> memref<1x128xi32, #tpu.memory_space<vmem>>
      %dma_wait3A_34 = tpu.memref_squeeze %dma_wait3A_33 : memref<1x128xi32, #tpu.memory_space<vmem>> -> memref<128xi32, #tpu.memory_space<vmem>>
      %dma_wait3A_35 = arith.constant 0 : i32
      %dma_wait3A_36 = arith.constant 0 : i32
      %dma_wait3A_37 = tpu.memref_slice %arg10[%dma_wait3A_35, %dma_wait3A_36] : memref<10112x64xf32, #tpu.memory_space<vmem_shared>> -> memref<10112x64xf32, #tpu.memory_space<vmem_shared>>
      tpu.wait_indirect_dma semaphore(%arg16 : memref<!tpu.dma_semaphore, #tpu.memory_space<semaphore_mem>>) src(%dma_wait3A_31 : memref<128x64xf32, #tpu.memory_space<vmem>>) dst(%dma_wait3A_37 : memref<10112x64xf32, #tpu.memory_space<vmem_shared>>)
      %dma_wait3A_38 = arith.constant 2 : i32
      %dma_wait3A_39 = arith.constant 0 : i32
      %dma_wait3A_40 = arith.constant 0 : i32
      %dma_wait3A_41 = arith.constant 0 : i32
      %dma_wait3A_42 = tpu.memref_slice %arg9[%dma_wait3A_38, %dma_wait3A_40, %dma_wait3A_41] : memref<4x128x64xf32, #tpu.memory_space<vmem>> -> memref<1x128x64xf32, #tpu.memory_space<vmem>>
      %dma_wait3A_43 = tpu.memref_squeeze %dma_wait3A_42 : memref<1x128x64xf32, #tpu.memory_space<vmem>> -> memref<128x64xf32, #tpu.memory_space<vmem>>
      %dma_wait3A_44 = arith.constant 0 : i32
      %dma_wait3A_45 = tpu.memref_slice %arg8[%dma_wait3A_39, %dma_wait3A_44] : memref<152x128xi32, #tpu.memory_space<vmem>> -> memref<1x128xi32, #tpu.memory_space<vmem>>
      %dma_wait3A_46 = tpu.memref_squeeze %dma_wait3A_45 : memref<1x128xi32, #tpu.memory_space<vmem>> -> memref<128xi32, #tpu.memory_space<vmem>>
      %dma_wait3A_47 = arith.constant 0 : i32
      %dma_wait3A_48 = arith.constant 0 : i32
      %dma_wait3A_49 = tpu.memref_slice %arg10[%dma_wait3A_47, %dma_wait3A_48] : memref<10112x64xf32, #tpu.memory_space<vmem_shared>> -> memref<10112x64xf32, #tpu.memory_space<vmem_shared>>
      tpu.wait_indirect_dma semaphore(%arg17 : memref<!tpu.dma_semaphore, #tpu.memory_space<semaphore_mem>>) src(%dma_wait3A_43 : memref<128x64xf32, #tpu.memory_space<vmem>>) dst(%dma_wait3A_49 : memref<10112x64xf32, #tpu.memory_space<vmem_shared>>)
      %dma_wait3A_50 = arith.constant 3 : i32
      %dma_wait3A_51 = arith.constant 0 : i32
      %dma_wait3A_52 = arith.constant 0 : i32
      %dma_wait3A_53 = arith.constant 0 : i32
      %dma_wait3A_54 = tpu.memref_slice %arg9[%dma_wait3A_50, %dma_wait3A_52, %dma_wait3A_53] : memref<4x128x64xf32, #tpu.memory_space<vmem>> -> memref<1x128x64xf32, #tpu.memory_space<vmem>>
      %dma_wait3A_55 = tpu.memref_squeeze %dma_wait3A_54 : memref<1x128x64xf32, #tpu.memory_space<vmem>> -> memref<128x64xf32, #tpu.memory_space<vmem>>
      %dma_wait3A_56 = arith.constant 0 : i32
      %dma_wait3A_57 = tpu.memref_slice %arg8[%dma_wait3A_51, %dma_wait3A_56] : memref<152x128xi32, #tpu.memory_space<vmem>> -> memref<1x128xi32, #tpu.memory_space<vmem>>
      %dma_wait3A_58 = tpu.memref_squeeze %dma_wait3A_57 : memref<1x128xi32, #tpu.memory_space<vmem>> -> memref<128xi32, #tpu.memory_space<vmem>>
      %dma_wait3A_59 = arith.constant 0 : i32
      %dma_wait3A_60 = arith.constant 0 : i32
      %dma_wait3A_61 = tpu.memref_slice %arg10[%dma_wait3A_59, %dma_wait3A_60] : memref<10112x64xf32, #tpu.memory_space<vmem_shared>> -> memref<10112x64xf32, #tpu.memory_space<vmem_shared>>
      tpu.wait_indirect_dma semaphore(%arg18 : memref<!tpu.dma_semaphore, #tpu.memory_space<semaphore_mem>>) src(%dma_wait3A_55 : memref<128x64xf32, #tpu.memory_space<vmem>>) dst(%dma_wait3A_61 : memref<10112x64xf32, #tpu.memory_space<vmem_shared>>)
    } else {
    }
    %barrier3A_14 = arith.constant 0 : index
    tpu.barrier barrier_id(%barrier3A_14)
    "tpu.region"() ({
      %run_scoped3A = tpu.sem_alloc : memref<!tpu.dma_semaphore, #tpu.memory_space<semaphore_mem>>
      %dma_start3A = arith.constant 0 : i32
      %dma_start3A_15 = tpu.memref_slice %arg6[%arg0, %mul3A_0, %dma_start3A] : memref<2x10112x64xf32, #tpu.memory_space<hbm>> -> memref<1x632x64xf32, #tpu.memory_space<hbm>>
      %dma_start3A_16 = tpu.memref_squeeze %dma_start3A_15 : memref<1x632x64xf32, #tpu.memory_space<hbm>> -> memref<632x64xf32, #tpu.memory_space<hbm>>
      %dma_start3A_17 = arith.constant 0 : i32
      %dma_start3A_18 = tpu.memref_slice %arg10[%mul3A_0, %dma_start3A_17] : memref<10112x64xf32, #tpu.memory_space<vmem_shared>> -> memref<632x64xf32, #tpu.memory_space<vmem_shared>>
      tpu.enqueue_dma source(%dma_start3A_18 : memref<632x64xf32, #tpu.memory_space<vmem_shared>>) target(%dma_start3A_16 : memref<632x64xf32, #tpu.memory_space<hbm>>) target_semaphore(%run_scoped3A : memref<!tpu.dma_semaphore, #tpu.memory_space<semaphore_mem>>)
      %dma_wait3A = arith.constant 0 : i32
      %dma_wait3A_19 = tpu.memref_slice %arg6[%arg0, %mul3A_0, %dma_wait3A] : memref<2x10112x64xf32, #tpu.memory_space<hbm>> -> memref<1x632x64xf32, #tpu.memory_space<hbm>>
      %dma_wait3A_20 = tpu.memref_squeeze %dma_wait3A_19 : memref<1x632x64xf32, #tpu.memory_space<hbm>> -> memref<632x64xf32, #tpu.memory_space<hbm>>
      %dma_wait3A_21 = arith.constant 0 : i32
      %dma_wait3A_22 = tpu.memref_slice %arg10[%mul3A_0, %dma_wait3A_21] : memref<10112x64xf32, #tpu.memory_space<vmem_shared>> -> memref<632x64xf32, #tpu.memory_space<vmem_shared>>
      tpu.wait_dma2 semaphore(%run_scoped3A : memref<!tpu.dma_semaphore, #tpu.memory_space<semaphore_mem>>) src(%dma_wait3A_22 : memref<632x64xf32, #tpu.memory_space<vmem_shared>>) dst(%dma_wait3A_20 : memref<632x64xf32, #tpu.memory_space<hbm>>)
      tpu.yield
    }) : () -> ()
    return
  }
}

#map = affine_map<(d0, d1) -> (0, 0)>
#map1 = affine_map<(d0, d1) -> (0, 0, 0, 0)>
#map2 = affine_map<(d0, d1) -> (0, 0, 0)>
module attributes {stable_mosaic.version = 14 : i64} {
  func.func @seg_kernel(%arg0: i32, %arg1: i32, %arg2: memref<10000x32xf32, #tpu.memory_space<hbm>>, %arg3: memref<2x16x152x128xi32, #tpu.memory_space<hbm>>, %arg4: memref<2x16x152x128xi32, #tpu.memory_space<hbm>>, %arg5: memref<10112x32xf32, #tpu.memory_space<hbm>>, %arg6: memref<2x10112x32xf32, #tpu.memory_space<hbm>>, %arg7: memref<152x128xi32, #tpu.memory_space<vmem>>, %arg8: memref<152x128xi32, #tpu.memory_space<vmem>>, %arg9: memref<4x128x32xf32, #tpu.memory_space<vmem>>, %arg10: memref<10112x32xf32, #tpu.memory_space<vmem_shared>>, %arg11: memref<!tpu.dma_semaphore, #tpu.memory_space<semaphore_mem>>, %arg12: memref<!tpu.dma_semaphore, #tpu.memory_space<semaphore_mem>>, %arg13: memref<!tpu.dma_semaphore, #tpu.memory_space<semaphore_mem>>, %arg14: memref<!tpu.dma_semaphore, #tpu.memory_space<semaphore_mem>>, %arg15: memref<!tpu.dma_semaphore, #tpu.memory_space<semaphore_mem>>, %arg16: memref<!tpu.dma_semaphore, #tpu.memory_space<semaphore_mem>>, %arg17: memref<!tpu.dma_semaphore, #tpu.memory_space<semaphore_mem>>, %arg18: memref<!tpu.dma_semaphore, #tpu.memory_space<semaphore_mem>>) attributes {dimension_semantics = [#tpu.dimension_semantics<core_parallel>, #tpu.dimension_semantics<subcore_parallel>], iteration_bounds = array<i64: 2, 16>, scalar_prefetch = 0 : i64, scratch_operands = 12 : i64, tpu.core_type = #tpu.core_type<sc_vector_subcore>, window_params = [{transform_indices = #map}, {transform_indices = #map1}, {transform_indices = #map1}, {transform_indices = #map}, {transform_indices = #map2}]} {
    %mul3A = arith.constant 632 : i32
    %mul3A_0 = arith.muli %arg1, %mul3A : i32
    "tpu.region"() ({
      %run_scoped3A = tpu.sem_alloc : memref<!tpu.dma_semaphore, #tpu.memory_space<semaphore_mem>>
      %dma_start3A = arith.constant 0 : i32
      %dma_start3A_15 = tpu.memref_slice %arg10[%mul3A_0, %dma_start3A] : memref<10112x32xf32, #tpu.memory_space<vmem_shared>> -> memref<632x32xf32, #tpu.memory_space<vmem_shared>>
      %dma_start3A_16 = arith.constant 0 : i32
      %dma_start3A_17 = tpu.memref_slice %arg5[%mul3A_0, %dma_start3A_16] : memref<10112x32xf32, #tpu.memory_space<hbm>> -> memref<632x32xf32, #tpu.memory_space<hbm>>
      tpu.enqueue_dma source(%dma_start3A_17 : memref<632x32xf32, #tpu.memory_space<hbm>>) target(%dma_start3A_15 : memref<632x32xf32, #tpu.memory_space<vmem_shared>>) target_semaphore(%run_scoped3A : memref<!tpu.dma_semaphore, #tpu.memory_space<semaphore_mem>>)
      %dma_wait3A = arith.constant 0 : i32
      %dma_wait3A_18 = tpu.memref_slice %arg10[%mul3A_0, %dma_wait3A] : memref<10112x32xf32, #tpu.memory_space<vmem_shared>> -> memref<632x32xf32, #tpu.memory_space<vmem_shared>>
      %dma_wait3A_19 = arith.constant 0 : i32
      %dma_wait3A_20 = tpu.memref_slice %arg5[%mul3A_0, %dma_wait3A_19] : memref<10112x32xf32, #tpu.memory_space<hbm>> -> memref<632x32xf32, #tpu.memory_space<hbm>>
      tpu.wait_dma2 semaphore(%run_scoped3A : memref<!tpu.dma_semaphore, #tpu.memory_space<semaphore_mem>>) src(%dma_wait3A_20 : memref<632x32xf32, #tpu.memory_space<hbm>>) dst(%dma_wait3A_18 : memref<632x32xf32, #tpu.memory_space<vmem_shared>>)
      tpu.yield
    }) : () -> ()
    "tpu.region"() ({
      %run_scoped3A = tpu.sem_alloc : memref<!tpu.dma_semaphore, #tpu.memory_space<semaphore_mem>>
      %dma_start3A = arith.constant 0 : i32
      %dma_start3A_15 = arith.constant 0 : i32
      %dma_start3A_16 = tpu.memref_slice %arg3[%arg0, %arg1, %dma_start3A, %dma_start3A_15] : memref<2x16x152x128xi32, #tpu.memory_space<hbm>> -> memref<1x1x152x128xi32, #tpu.memory_space<hbm>>
      %dma_start3A_17 = tpu.memref_squeeze %dma_start3A_16 : memref<1x1x152x128xi32, #tpu.memory_space<hbm>> -> memref<152x128xi32, #tpu.memory_space<hbm>>
      %dma_start3A_18 = arith.constant 0 : i32
      %dma_start3A_19 = arith.constant 0 : i32
      %dma_start3A_20 = tpu.memref_slice %arg3[%arg0, %arg1, %dma_start3A_18, %dma_start3A_19] : memref<2x16x152x128xi32, #tpu.memory_space<hbm>> -> memref<1x1x152x128xi32, #tpu.memory_space<hbm>>
      %dma_start3A_21 = tpu.memref_squeeze %dma_start3A_20 : memref<1x1x152x128xi32, #tpu.memory_space<hbm>> -> memref<152x128xi32, #tpu.memory_space<hbm>>
      tpu.enqueue_dma source(%dma_start3A_21 : memref<152x128xi32, #tpu.memory_space<hbm>>) target(%arg7 : memref<152x128xi32, #tpu.memory_space<vmem>>) target_semaphore(%run_scoped3A : memref<!tpu.dma_semaphore, #tpu.memory_space<semaphore_mem>>)
      %dma_wait3A = arith.constant 0 : i32
      %dma_wait3A_22 = arith.constant 0 : i32
      %dma_wait3A_23 = tpu.memref_slice %arg3[%arg0, %arg1, %dma_wait3A, %dma_wait3A_22] : memref<2x16x152x128xi32, #tpu.memory_space<hbm>> -> memref<1x1x152x128xi32, #tpu.memory_space<hbm>>
      %dma_wait3A_24 = tpu.memref_squeeze %dma_wait3A_23 : memref<1x1x152x128xi32, #tpu.memory_space<hbm>> -> memref<152x128xi32, #tpu.memory_space<hbm>>
      %dma_wait3A_25 = arith.constant 0 : i32
      %dma_wait3A_26 = arith.constant 0 : i32
      %dma_wait3A_27 = tpu.memref_slice %arg3[%arg0, %arg1, %dma_wait3A_25, %dma_wait3A_26] : memref<2x16x152x128xi32, #tpu.memory_space<hbm>> -> memref<1x1x152x128xi32, #tpu.memory_space<hbm>>
      %dma_wait3A_28 = tpu.memref_squeeze %dma_wait3A_27 : memref<1x1x152x128xi32, #tpu.memory_space<hbm>> -> memref<152x128xi32, #tpu.memory_space<hbm>>
      tpu.wait_dma2 semaphore(%run_scoped3A : memref<!tpu.dma_semaphore, #tpu.memory_space<semaphore_mem>>) src(%dma_wait3A_28 : memref<152x128xi32, #tpu.memory_space<hbm>>) dst(%arg7 : memref<152x128xi32, #tpu.memory_space<vmem>>)
      tpu.yield
    }) : () -> ()
    "tpu.region"() ({
      %run_scoped3A = tpu.sem_alloc : memref<!tpu.dma_semaphore, #tpu.memory_space<semaphore_mem>>
      %dma_start3A = arith.constant 0 : i32
      %dma_start3A_15 = arith.constant 0 : i32
      %dma_start3A_16 = tpu.memref_slice %arg4[%arg0, %arg1, %dma_start3A, %dma_start3A_15] : memref<2x16x152x128xi32, #tpu.memory_space<hbm>> -> memref<1x1x152x128xi32, #tpu.memory_space<hbm>>
      %dma_start3A_17 = tpu.memref_squeeze %dma_start3A_16 : memref<1x1x152x128xi32, #tpu.memory_space<hbm>> -> memref<152x128xi32, #tpu.memory_space<hbm>>
      %dma_start3A_18 = arith.constant 0 : i32
      %dma_start3A_19 = arith.constant 0 : i32
      %dma_start3A_20 = tpu.memref_slice %arg4[%arg0, %arg1, %dma_start3A_18, %dma_start3A_19] : memref<2x16x152x128xi32, #tpu.memory_space<hbm>> -> memref<1x1x152x128xi32, #tpu.memory_space<hbm>>
      %dma_start3A_21 = tpu.memref_squeeze %dma_start3A_20 : memref<1x1x152x128xi32, #tpu.memory_space<hbm>> -> memref<152x128xi32, #tpu.memory_space<hbm>>
      tpu.enqueue_dma source(%dma_start3A_21 : memref<152x128xi32, #tpu.memory_space<hbm>>) target(%arg8 : memref<152x128xi32, #tpu.memory_space<vmem>>) target_semaphore(%run_scoped3A : memref<!tpu.dma_semaphore, #tpu.memory_space<semaphore_mem>>)
      %dma_wait3A = arith.constant 0 : i32
      %dma_wait3A_22 = arith.constant 0 : i32
      %dma_wait3A_23 = tpu.memref_slice %arg4[%arg0, %arg1, %dma_wait3A, %dma_wait3A_22] : memref<2x16x152x128xi32, #tpu.memory_space<hbm>> -> memref<1x1x152x128xi32, #tpu.memory_space<hbm>>
      %dma_wait3A_24 = tpu.memref_squeeze %dma_wait3A_23 : memref<1x1x152x128xi32, #tpu.memory_space<hbm>> -> memref<152x128xi32, #tpu.memory_space<hbm>>
      %dma_wait3A_25 = arith.constant 0 : i32
      %dma_wait3A_26 = arith.constant 0 : i32
      %dma_wait3A_27 = tpu.memref_slice %arg4[%arg0, %arg1, %dma_wait3A_25, %dma_wait3A_26] : memref<2x16x152x128xi32, #tpu.memory_space<hbm>> -> memref<1x1x152x128xi32, #tpu.memory_space<hbm>>
      %dma_wait3A_28 = tpu.memref_squeeze %dma_wait3A_27 : memref<1x1x152x128xi32, #tpu.memory_space<hbm>> -> memref<152x128xi32, #tpu.memory_space<hbm>>
      tpu.wait_dma2 semaphore(%run_scoped3A : memref<!tpu.dma_semaphore, #tpu.memory_space<semaphore_mem>>) src(%dma_wait3A_28 : memref<152x128xi32, #tpu.memory_space<hbm>>) dst(%arg8 : memref<152x128xi32, #tpu.memory_space<vmem>>)
      tpu.yield
    }) : () -> ()
    %barrier3A = arith.constant 0 : index
    tpu.barrier barrier_id(%barrier3A)
    %eq3A = arith.constant 0 : i32
    %eq3A_1 = arith.cmpi eq, %arg0, %eq3A : i32
    %jit3A = arith.constant 38 : i32
    %jit3A_2 = arith.constant 2 : i32
    %select_n3A = arith.select %eq3A_1, %jit3A, %jit3A_2 : i32
    %while3A = arith.constant 0 : i32
    %while3A_3 = arith.constant 0 : i32
    %while3A_4 = arith.subi %select_n3A, %while3A_3 : i32
    %while3A_5 = arith.addi %while3A_3, %while3A_4 : i32
    %while3A_6 = arith.constant 1 : i32
    %while3A_7 = arith.divsi %while3A_4, %while3A_6 : i32
    %while3A_8 = arith.muli %while3A_7, %while3A_6 : i32
    %while3A_9 = arith.addi %while3A_3, %while3A_8 : i32
    %while3A_10 = arith.constant 1 : i32
    scf.for %while3A_15 = %while3A_3 to %while3A_9 step %while3A_10  : i32 {
      %mul3A_16 = arith.constant 4 : i32
      %mul3A_17 = arith.muli %while3A_15, %mul3A_16 : i32
      %add3A = arith.constant 0 : i32
      %add3A_18 = arith.addi %mul3A_17, %add3A : i32
      %ge3A_19 = arith.constant 1 : i32
      %ge3A_20 = arith.cmpi sge, %while3A_15, %ge3A_19 : i32
      %convert_element_type3A_21 = arith.extui %ge3A_20 : i1 to i32
      %cond3A_22 = arith.constant 0 : i32
      %cond3A_23 = arith.cmpi ne, %convert_element_type3A_21, %cond3A_22 : i32
      scf.if %cond3A_23 {
        %dma_wait3A_197 = arith.constant 0 : i32
        %dma_wait3A_198 = arith.constant 0 : i32
        %dma_wait3A_199 = arith.constant 0 : i32
        %dma_wait3A_200 = arith.constant 0 : i32
        %dma_wait3A_201 = tpu.memref_slice %arg9[%dma_wait3A_197, %dma_wait3A_199, %dma_wait3A_200] : memref<4x128x32xf32, #tpu.memory_space<vmem>> -> memref<1x128x32xf32, #tpu.memory_space<vmem>>
        %dma_wait3A_202 = tpu.memref_squeeze %dma_wait3A_201 : memref<1x128x32xf32, #tpu.memory_space<vmem>> -> memref<128x32xf32, #tpu.memory_space<vmem>>
        %dma_wait3A_203 = arith.constant 0 : i32
        %dma_wait3A_204 = tpu.memref_slice %arg8[%dma_wait3A_198, %dma_wait3A_203] : memref<152x128xi32, #tpu.memory_space<vmem>> -> memref<1x128xi32, #tpu.memory_space<vmem>>
        %dma_wait3A_205 = tpu.memref_squeeze %dma_wait3A_204 : memref<1x128xi32, #tpu.memory_space<vmem>> -> memref<128xi32, #tpu.memory_space<vmem>>
        %dma_wait3A_206 = arith.constant 0 : i32
        %dma_wait3A_207 = arith.constant 0 : i32
        %dma_wait3A_208 = tpu.memref_slice %arg10[%dma_wait3A_206, %dma_wait3A_207] : memref<10112x32xf32, #tpu.memory_space<vmem_shared>> -> memref<10112x32xf32, #tpu.memory_space<vmem_shared>>
        tpu.wait_indirect_dma semaphore(%arg15 : memref<!tpu.dma_semaphore, #tpu.memory_space<semaphore_mem>>) src(%dma_wait3A_202 : memref<128x32xf32, #tpu.memory_space<vmem>>) dst(%dma_wait3A_208 : memref<10112x32xf32, #tpu.memory_space<vmem_shared>>)
      } else {
      }
      %dma_start3A = arith.constant 0 : i32
      %dma_start3A_24 = arith.constant 0 : i32
      %dma_start3A_25 = arith.constant 0 : i32
      %dma_start3A_26 = tpu.memref_slice %arg9[%dma_start3A, %dma_start3A_24, %dma_start3A_25] : memref<4x128x32xf32, #tpu.memory_space<vmem>> -> memref<1x128x32xf32, #tpu.memory_space<vmem>>
      %dma_start3A_27 = tpu.memref_squeeze %dma_start3A_26 : memref<1x128x32xf32, #tpu.memory_space<vmem>> -> memref<128x32xf32, #tpu.memory_space<vmem>>
      %dma_start3A_28 = arith.constant 0 : i32
      %dma_start3A_29 = tpu.memref_slice %arg7[%add3A_18, %dma_start3A_28] : memref<152x128xi32, #tpu.memory_space<vmem>> -> memref<1x128xi32, #tpu.memory_space<vmem>>
      %dma_start3A_30 = tpu.memref_squeeze %dma_start3A_29 : memref<1x128xi32, #tpu.memory_space<vmem>> -> memref<128xi32, #tpu.memory_space<vmem>>
      %dma_start3A_31 = arith.constant 0 : i32
      %dma_start3A_32 = arith.constant 0 : i32
      %dma_start3A_33 = tpu.memref_slice %arg2[%dma_start3A_31, %dma_start3A_32] : memref<10000x32xf32, #tpu.memory_space<hbm>> -> memref<10000x32xf32, #tpu.memory_space<hbm>>
      tpu.enqueue_indirect_dma source(%dma_start3A_33 : memref<10000x32xf32, #tpu.memory_space<hbm>>) target(%dma_start3A_27 : memref<128x32xf32, #tpu.memory_space<vmem>>) offsets(%dma_start3A_30 : memref<128xi32, #tpu.memory_space<vmem>>) semaphore(%arg11 : memref<!tpu.dma_semaphore, #tpu.memory_space<semaphore_mem>>)
      %mul3A_34 = arith.constant 4 : i32
      %mul3A_35 = arith.muli %while3A_15, %mul3A_34 : i32
      %add3A_36 = arith.constant 1 : i32
      %add3A_37 = arith.addi %mul3A_35, %add3A_36 : i32
      %ge3A_38 = arith.constant 1 : i32
      %ge3A_39 = arith.cmpi sge, %while3A_15, %ge3A_38 : i32
      %convert_element_type3A_40 = arith.extui %ge3A_39 : i1 to i32
      %cond3A_41 = arith.constant 0 : i32
      %cond3A_42 = arith.cmpi ne, %convert_element_type3A_40, %cond3A_41 : i32
      scf.if %cond3A_42 {
        %dma_wait3A_197 = arith.constant 1 : i32
        %dma_wait3A_198 = arith.constant 0 : i32
        %dma_wait3A_199 = arith.constant 0 : i32
        %dma_wait3A_200 = arith.constant 0 : i32
        %dma_wait3A_201 = tpu.memref_slice %arg9[%dma_wait3A_197, %dma_wait3A_199, %dma_wait3A_200] : memref<4x128x32xf32, #tpu.memory_space<vmem>> -> memref<1x128x32xf32, #tpu.memory_space<vmem>>
        %dma_wait3A_202 = tpu.memref_squeeze %dma_wait3A_201 : memref<1x128x32xf32, #tpu.memory_space<vmem>> -> memref<128x32xf32, #tpu.memory_space<vmem>>
        %dma_wait3A_203 = arith.constant 0 : i32
        %dma_wait3A_204 = tpu.memref_slice %arg8[%dma_wait3A_198, %dma_wait3A_203] : memref<152x128xi32, #tpu.memory_space<vmem>> -> memref<1x128xi32, #tpu.memory_space<vmem>>
        %dma_wait3A_205 = tpu.memref_squeeze %dma_wait3A_204 : memref<1x128xi32, #tpu.memory_space<vmem>> -> memref<128xi32, #tpu.memory_space<vmem>>
        %dma_wait3A_206 = arith.constant 0 : i32
        %dma_wait3A_207 = arith.constant 0 : i32
        %dma_wait3A_208 = tpu.memref_slice %arg10[%dma_wait3A_206, %dma_wait3A_207] : memref<10112x32xf32, #tpu.memory_space<vmem_shared>> -> memref<10112x32xf32, #tpu.memory_space<vmem_shared>>
        tpu.wait_indirect_dma semaphore(%arg16 : memref<!tpu.dma_semaphore, #tpu.memory_space<semaphore_mem>>) src(%dma_wait3A_202 : memref<128x32xf32, #tpu.memory_space<vmem>>) dst(%dma_wait3A_208 : memref<10112x32xf32, #tpu.memory_space<vmem_shared>>)
      } else {
      }
      %dma_start3A_43 = arith.constant 1 : i32
      %dma_start3A_44 = arith.constant 0 : i32
      %dma_start3A_45 = arith.constant 0 : i32
      %dma_start3A_46 = tpu.memref_slice %arg9[%dma_start3A_43, %dma_start3A_44, %dma_start3A_45] : memref<4x128x32xf32, #tpu.memory_space<vmem>> -> memref<1x128x32xf32, #tpu.memory_space<vmem>>
      %dma_start3A_47 = tpu.memref_squeeze %dma_start3A_46 : memref<1x128x32xf32, #tpu.memory_space<vmem>> -> memref<128x32xf32, #tpu.memory_space<vmem>>
      %dma_start3A_48 = arith.constant 0 : i32
      %dma_start3A_49 = tpu.memref_slice %arg7[%add3A_37, %dma_start3A_48] : memref<152x128xi32, #tpu.memory_space<vmem>> -> memref<1x128xi32, #tpu.memory_space<vmem>>
      %dma_start3A_50 = tpu.memref_squeeze %dma_start3A_49 : memref<1x128xi32, #tpu.memory_space<vmem>> -> memref<128xi32, #tpu.memory_space<vmem>>
      %dma_start3A_51 = arith.constant 0 : i32
      %dma_start3A_52 = arith.constant 0 : i32
      %dma_start3A_53 = tpu.memref_slice %arg2[%dma_start3A_51, %dma_start3A_52] : memref<10000x32xf32, #tpu.memory_space<hbm>> -> memref<10000x32xf32, #tpu.memory_space<hbm>>
      tpu.enqueue_indirect_dma source(%dma_start3A_53 : memref<10000x32xf32, #tpu.memory_space<hbm>>) target(%dma_start3A_47 : memref<128x32xf32, #tpu.memory_space<vmem>>) offsets(%dma_start3A_50 : memref<128xi32, #tpu.memory_space<vmem>>) semaphore(%arg12 : memref<!tpu.dma_semaphore, #tpu.memory_space<semaphore_mem>>)
      %mul3A_54 = arith.constant 4 : i32
      %mul3A_55 = arith.muli %while3A_15, %mul3A_54 : i32
      %add3A_56 = arith.constant 2 : i32
      %add3A_57 = arith.addi %mul3A_55, %add3A_56 : i32
      %ge3A_58 = arith.constant 1 : i32
      %ge3A_59 = arith.cmpi sge, %while3A_15, %ge3A_58 : i32
      %convert_element_type3A_60 = arith.extui %ge3A_59 : i1 to i32
      %cond3A_61 = arith.constant 0 : i32
      %cond3A_62 = arith.cmpi ne, %convert_element_type3A_60, %cond3A_61 : i32
      scf.if %cond3A_62 {
        %dma_wait3A_197 = arith.constant 2 : i32
        %dma_wait3A_198 = arith.constant 0 : i32
        %dma_wait3A_199 = arith.constant 0 : i32
        %dma_wait3A_200 = arith.constant 0 : i32
        %dma_wait3A_201 = tpu.memref_slice %arg9[%dma_wait3A_197, %dma_wait3A_199, %dma_wait3A_200] : memref<4x128x32xf32, #tpu.memory_space<vmem>> -> memref<1x128x32xf32, #tpu.memory_space<vmem>>
        %dma_wait3A_202 = tpu.memref_squeeze %dma_wait3A_201 : memref<1x128x32xf32, #tpu.memory_space<vmem>> -> memref<128x32xf32, #tpu.memory_space<vmem>>
        %dma_wait3A_203 = arith.constant 0 : i32
        %dma_wait3A_204 = tpu.memref_slice %arg8[%dma_wait3A_198, %dma_wait3A_203] : memref<152x128xi32, #tpu.memory_space<vmem>> -> memref<1x128xi32, #tpu.memory_space<vmem>>
        %dma_wait3A_205 = tpu.memref_squeeze %dma_wait3A_204 : memref<1x128xi32, #tpu.memory_space<vmem>> -> memref<128xi32, #tpu.memory_space<vmem>>
        %dma_wait3A_206 = arith.constant 0 : i32
        %dma_wait3A_207 = arith.constant 0 : i32
        %dma_wait3A_208 = tpu.memref_slice %arg10[%dma_wait3A_206, %dma_wait3A_207] : memref<10112x32xf32, #tpu.memory_space<vmem_shared>> -> memref<10112x32xf32, #tpu.memory_space<vmem_shared>>
        tpu.wait_indirect_dma semaphore(%arg17 : memref<!tpu.dma_semaphore, #tpu.memory_space<semaphore_mem>>) src(%dma_wait3A_202 : memref<128x32xf32, #tpu.memory_space<vmem>>) dst(%dma_wait3A_208 : memref<10112x32xf32, #tpu.memory_space<vmem_shared>>)
      } else {
      }
      %dma_start3A_63 = arith.constant 2 : i32
      %dma_start3A_64 = arith.constant 0 : i32
      %dma_start3A_65 = arith.constant 0 : i32
      %dma_start3A_66 = tpu.memref_slice %arg9[%dma_start3A_63, %dma_start3A_64, %dma_start3A_65] : memref<4x128x32xf32, #tpu.memory_space<vmem>> -> memref<1x128x32xf32, #tpu.memory_space<vmem>>
      %dma_start3A_67 = tpu.memref_squeeze %dma_start3A_66 : memref<1x128x32xf32, #tpu.memory_space<vmem>> -> memref<128x32xf32, #tpu.memory_space<vmem>>
      %dma_start3A_68 = arith.constant 0 : i32
      %dma_start3A_69 = tpu.memref_slice %arg7[%add3A_57, %dma_start3A_68] : memref<152x128xi32, #tpu.memory_space<vmem>> -> memref<1x128xi32, #tpu.memory_space<vmem>>
      %dma_start3A_70 = tpu.memref_squeeze %dma_start3A_69 : memref<1x128xi32, #tpu.memory_space<vmem>> -> memref<128xi32, #tpu.memory_space<vmem>>
      %dma_start3A_71 = arith.constant 0 : i32
      %dma_start3A_72 = arith.constant 0 : i32
      %dma_start3A_73 = tpu.memref_slice %arg2[%dma_start3A_71, %dma_start3A_72] : memref<10000x32xf32, #tpu.memory_space<hbm>> -> memref<10000x32xf32, #tpu.memory_space<hbm>>
      tpu.enqueue_indirect_dma source(%dma_start3A_73 : memref<10000x32xf32, #tpu.memory_space<hbm>>) target(%dma_start3A_67 : memref<128x32xf32, #tpu.memory_space<vmem>>) offsets(%dma_start3A_70 : memref<128xi32, #tpu.memory_space<vmem>>) semaphore(%arg13 : memref<!tpu.dma_semaphore, #tpu.memory_space<semaphore_mem>>)
      %mul3A_74 = arith.constant 4 : i32
      %mul3A_75 = arith.muli %while3A_15, %mul3A_74 : i32
      %add3A_76 = arith.constant 3 : i32
      %add3A_77 = arith.addi %mul3A_75, %add3A_76 : i32
      %ge3A_78 = arith.constant 1 : i32
      %ge3A_79 = arith.cmpi sge, %while3A_15, %ge3A_78 : i32
      %convert_element_type3A_80 = arith.extui %ge3A_79 : i1 to i32
      %cond3A_81 = arith.constant 0 : i32
      %cond3A_82 = arith.cmpi ne, %convert_element_type3A_80, %cond3A_81 : i32
      scf.if %cond3A_82 {
        %dma_wait3A_197 = arith.constant 3 : i32
        %dma_wait3A_198 = arith.constant 0 : i32
        %dma_wait3A_199 = arith.constant 0 : i32
        %dma_wait3A_200 = arith.constant 0 : i32
        %dma_wait3A_201 = tpu.memref_slice %arg9[%dma_wait3A_197, %dma_wait3A_199, %dma_wait3A_200] : memref<4x128x32xf32, #tpu.memory_space<vmem>> -> memref<1x128x32xf32, #tpu.memory_space<vmem>>
        %dma_wait3A_202 = tpu.memref_squeeze %dma_wait3A_201 : memref<1x128x32xf32, #tpu.memory_space<vmem>> -> memref<128x32xf32, #tpu.memory_space<vmem>>
        %dma_wait3A_203 = arith.constant 0 : i32
        %dma_wait3A_204 = tpu.memref_slice %arg8[%dma_wait3A_198, %dma_wait3A_203] : memref<152x128xi32, #tpu.memory_space<vmem>> -> memref<1x128xi32, #tpu.memory_space<vmem>>
        %dma_wait3A_205 = tpu.memref_squeeze %dma_wait3A_204 : memref<1x128xi32, #tpu.memory_space<vmem>> -> memref<128xi32, #tpu.memory_space<vmem>>
        %dma_wait3A_206 = arith.constant 0 : i32
        %dma_wait3A_207 = arith.constant 0 : i32
        %dma_wait3A_208 = tpu.memref_slice %arg10[%dma_wait3A_206, %dma_wait3A_207] : memref<10112x32xf32, #tpu.memory_space<vmem_shared>> -> memref<10112x32xf32, #tpu.memory_space<vmem_shared>>
        tpu.wait_indirect_dma semaphore(%arg18 : memref<!tpu.dma_semaphore, #tpu.memory_space<semaphore_mem>>) src(%dma_wait3A_202 : memref<128x32xf32, #tpu.memory_space<vmem>>) dst(%dma_wait3A_208 : memref<10112x32xf32, #tpu.memory_space<vmem_shared>>)
      } else {
      }
      %dma_start3A_83 = arith.constant 3 : i32
      %dma_start3A_84 = arith.constant 0 : i32
      %dma_start3A_85 = arith.constant 0 : i32
      %dma_start3A_86 = tpu.memref_slice %arg9[%dma_start3A_83, %dma_start3A_84, %dma_start3A_85] : memref<4x128x32xf32, #tpu.memory_space<vmem>> -> memref<1x128x32xf32, #tpu.memory_space<vmem>>
      %dma_start3A_87 = tpu.memref_squeeze %dma_start3A_86 : memref<1x128x32xf32, #tpu.memory_space<vmem>> -> memref<128x32xf32, #tpu.memory_space<vmem>>
      %dma_start3A_88 = arith.constant 0 : i32
      %dma_start3A_89 = tpu.memref_slice %arg7[%add3A_77, %dma_start3A_88] : memref<152x128xi32, #tpu.memory_space<vmem>> -> memref<1x128xi32, #tpu.memory_space<vmem>>
      %dma_start3A_90 = tpu.memref_squeeze %dma_start3A_89 : memref<1x128xi32, #tpu.memory_space<vmem>> -> memref<128xi32, #tpu.memory_space<vmem>>
      %dma_start3A_91 = arith.constant 0 : i32
      %dma_start3A_92 = arith.constant 0 : i32
      %dma_start3A_93 = tpu.memref_slice %arg2[%dma_start3A_91, %dma_start3A_92] : memref<10000x32xf32, #tpu.memory_space<hbm>> -> memref<10000x32xf32, #tpu.memory_space<hbm>>
      tpu.enqueue_indirect_dma source(%dma_start3A_93 : memref<10000x32xf32, #tpu.memory_space<hbm>>) target(%dma_start3A_87 : memref<128x32xf32, #tpu.memory_space<vmem>>) offsets(%dma_start3A_90 : memref<128xi32, #tpu.memory_space<vmem>>) semaphore(%arg14 : memref<!tpu.dma_semaphore, #tpu.memory_space<semaphore_mem>>)
      %mul3A_94 = arith.constant 4 : i32
      %mul3A_95 = arith.muli %while3A_15, %mul3A_94 : i32
      %add3A_96 = arith.constant 0 : i32
      %add3A_97 = arith.addi %mul3A_95, %add3A_96 : i32
      %dma_wait3A = arith.constant 0 : i32
      %dma_wait3A_98 = arith.constant 0 : i32
      %dma_wait3A_99 = arith.constant 0 : i32
      %dma_wait3A_100 = tpu.memref_slice %arg9[%dma_wait3A, %dma_wait3A_98, %dma_wait3A_99] : memref<4x128x32xf32, #tpu.memory_space<vmem>> -> memref<1x128x32xf32, #tpu.memory_space<vmem>>
      %dma_wait3A_101 = tpu.memref_squeeze %dma_wait3A_100 : memref<1x128x32xf32, #tpu.memory_space<vmem>> -> memref<128x32xf32, #tpu.memory_space<vmem>>
      %dma_wait3A_102 = arith.constant 0 : i32
      %dma_wait3A_103 = tpu.memref_slice %arg7[%add3A_18, %dma_wait3A_102] : memref<152x128xi32, #tpu.memory_space<vmem>> -> memref<1x128xi32, #tpu.memory_space<vmem>>
      %dma_wait3A_104 = tpu.memref_squeeze %dma_wait3A_103 : memref<1x128xi32, #tpu.memory_space<vmem>> -> memref<128xi32, #tpu.memory_space<vmem>>
      %dma_wait3A_105 = arith.constant 0 : i32
      %dma_wait3A_106 = arith.constant 0 : i32
      %dma_wait3A_107 = tpu.memref_slice %arg2[%dma_wait3A_105, %dma_wait3A_106] : memref<10000x32xf32, #tpu.memory_space<hbm>> -> memref<10000x32xf32, #tpu.memory_space<hbm>>
      tpu.wait_indirect_dma semaphore(%arg11 : memref<!tpu.dma_semaphore, #tpu.memory_space<semaphore_mem>>) src(%dma_wait3A_107 : memref<10000x32xf32, #tpu.memory_space<hbm>>) dst(%dma_wait3A_101 : memref<128x32xf32, #tpu.memory_space<vmem>>)
      %dma_start3A_108 = arith.constant 0 : i32
      %dma_start3A_109 = arith.constant 0 : i32
      %dma_start3A_110 = arith.constant 0 : i32
      %dma_start3A_111 = tpu.memref_slice %arg9[%dma_start3A_108, %dma_start3A_109, %dma_start3A_110] : memref<4x128x32xf32, #tpu.memory_space<vmem>> -> memref<1x128x32xf32, #tpu.memory_space<vmem>>
      %dma_start3A_112 = tpu.memref_squeeze %dma_start3A_111 : memref<1x128x32xf32, #tpu.memory_space<vmem>> -> memref<128x32xf32, #tpu.memory_space<vmem>>
      %dma_start3A_113 = arith.constant 0 : i32
      %dma_start3A_114 = tpu.memref_slice %arg8[%add3A_97, %dma_start3A_113] : memref<152x128xi32, #tpu.memory_space<vmem>> -> memref<1x128xi32, #tpu.memory_space<vmem>>
      %dma_start3A_115 = tpu.memref_squeeze %dma_start3A_114 : memref<1x128xi32, #tpu.memory_space<vmem>> -> memref<128xi32, #tpu.memory_space<vmem>>
      %dma_start3A_116 = arith.constant 0 : i32
      %dma_start3A_117 = arith.constant 0 : i32
      %dma_start3A_118 = tpu.memref_slice %arg10[%dma_start3A_116, %dma_start3A_117] : memref<10112x32xf32, #tpu.memory_space<vmem_shared>> -> memref<10112x32xf32, #tpu.memory_space<vmem_shared>>
      tpu.enqueue_indirect_dma source(%dma_start3A_112 : memref<128x32xf32, #tpu.memory_space<vmem>>) target(%dma_start3A_118 : memref<10112x32xf32, #tpu.memory_space<vmem_shared>>) offsets(%dma_start3A_115 : memref<128xi32, #tpu.memory_space<vmem>>) semaphore(%arg15 : memref<!tpu.dma_semaphore, #tpu.memory_space<semaphore_mem>>) {add = true}
      %mul3A_119 = arith.constant 4 : i32
      %mul3A_120 = arith.muli %while3A_15, %mul3A_119 : i32
      %add3A_121 = arith.constant 1 : i32
      %add3A_122 = arith.addi %mul3A_120, %add3A_121 : i32
      %dma_wait3A_123 = arith.constant 1 : i32
      %dma_wait3A_124 = arith.constant 0 : i32
      %dma_wait3A_125 = arith.constant 0 : i32
      %dma_wait3A_126 = tpu.memref_slice %arg9[%dma_wait3A_123, %dma_wait3A_124, %dma_wait3A_125] : memref<4x128x32xf32, #tpu.memory_space<vmem>> -> memref<1x128x32xf32, #tpu.memory_space<vmem>>
      %dma_wait3A_127 = tpu.memref_squeeze %dma_wait3A_126 : memref<1x128x32xf32, #tpu.memory_space<vmem>> -> memref<128x32xf32, #tpu.memory_space<vmem>>
      %dma_wait3A_128 = arith.constant 0 : i32
      %dma_wait3A_129 = tpu.memref_slice %arg7[%add3A_37, %dma_wait3A_128] : memref<152x128xi32, #tpu.memory_space<vmem>> -> memref<1x128xi32, #tpu.memory_space<vmem>>
      %dma_wait3A_130 = tpu.memref_squeeze %dma_wait3A_129 : memref<1x128xi32, #tpu.memory_space<vmem>> -> memref<128xi32, #tpu.memory_space<vmem>>
      %dma_wait3A_131 = arith.constant 0 : i32
      %dma_wait3A_132 = arith.constant 0 : i32
      %dma_wait3A_133 = tpu.memref_slice %arg2[%dma_wait3A_131, %dma_wait3A_132] : memref<10000x32xf32, #tpu.memory_space<hbm>> -> memref<10000x32xf32, #tpu.memory_space<hbm>>
      tpu.wait_indirect_dma semaphore(%arg12 : memref<!tpu.dma_semaphore, #tpu.memory_space<semaphore_mem>>) src(%dma_wait3A_133 : memref<10000x32xf32, #tpu.memory_space<hbm>>) dst(%dma_wait3A_127 : memref<128x32xf32, #tpu.memory_space<vmem>>)
      %dma_start3A_134 = arith.constant 1 : i32
      %dma_start3A_135 = arith.constant 0 : i32
      %dma_start3A_136 = arith.constant 0 : i32
      %dma_start3A_137 = tpu.memref_slice %arg9[%dma_start3A_134, %dma_start3A_135, %dma_start3A_136] : memref<4x128x32xf32, #tpu.memory_space<vmem>> -> memref<1x128x32xf32, #tpu.memory_space<vmem>>
      %dma_start3A_138 = tpu.memref_squeeze %dma_start3A_137 : memref<1x128x32xf32, #tpu.memory_space<vmem>> -> memref<128x32xf32, #tpu.memory_space<vmem>>
      %dma_start3A_139 = arith.constant 0 : i32
      %dma_start3A_140 = tpu.memref_slice %arg8[%add3A_122, %dma_start3A_139] : memref<152x128xi32, #tpu.memory_space<vmem>> -> memref<1x128xi32, #tpu.memory_space<vmem>>
      %dma_start3A_141 = tpu.memref_squeeze %dma_start3A_140 : memref<1x128xi32, #tpu.memory_space<vmem>> -> memref<128xi32, #tpu.memory_space<vmem>>
      %dma_start3A_142 = arith.constant 0 : i32
      %dma_start3A_143 = arith.constant 0 : i32
      %dma_start3A_144 = tpu.memref_slice %arg10[%dma_start3A_142, %dma_start3A_143] : memref<10112x32xf32, #tpu.memory_space<vmem_shared>> -> memref<10112x32xf32, #tpu.memory_space<vmem_shared>>
      tpu.enqueue_indirect_dma source(%dma_start3A_138 : memref<128x32xf32, #tpu.memory_space<vmem>>) target(%dma_start3A_144 : memref<10112x32xf32, #tpu.memory_space<vmem_shared>>) offsets(%dma_start3A_141 : memref<128xi32, #tpu.memory_space<vmem>>) semaphore(%arg16 : memref<!tpu.dma_semaphore, #tpu.memory_space<semaphore_mem>>) {add = true}
      %mul3A_145 = arith.constant 4 : i32
      %mul3A_146 = arith.muli %while3A_15, %mul3A_145 : i32
      %add3A_147 = arith.constant 2 : i32
      %add3A_148 = arith.addi %mul3A_146, %add3A_147 : i32
      %dma_wait3A_149 = arith.constant 2 : i32
      %dma_wait3A_150 = arith.constant 0 : i32
      %dma_wait3A_151 = arith.constant 0 : i32
      %dma_wait3A_152 = tpu.memref_slice %arg9[%dma_wait3A_149, %dma_wait3A_150, %dma_wait3A_151] : memref<4x128x32xf32, #tpu.memory_space<vmem>> -> memref<1x128x32xf32, #tpu.memory_space<vmem>>
      %dma_wait3A_153 = tpu.memref_squeeze %dma_wait3A_152 : memref<1x128x32xf32, #tpu.memory_space<vmem>> -> memref<128x32xf32, #tpu.memory_space<vmem>>
      %dma_wait3A_154 = arith.constant 0 : i32
      %dma_wait3A_155 = tpu.memref_slice %arg7[%add3A_57, %dma_wait3A_154] : memref<152x128xi32, #tpu.memory_space<vmem>> -> memref<1x128xi32, #tpu.memory_space<vmem>>
      %dma_wait3A_156 = tpu.memref_squeeze %dma_wait3A_155 : memref<1x128xi32, #tpu.memory_space<vmem>> -> memref<128xi32, #tpu.memory_space<vmem>>
      %dma_wait3A_157 = arith.constant 0 : i32
      %dma_wait3A_158 = arith.constant 0 : i32
      %dma_wait3A_159 = tpu.memref_slice %arg2[%dma_wait3A_157, %dma_wait3A_158] : memref<10000x32xf32, #tpu.memory_space<hbm>> -> memref<10000x32xf32, #tpu.memory_space<hbm>>
      tpu.wait_indirect_dma semaphore(%arg13 : memref<!tpu.dma_semaphore, #tpu.memory_space<semaphore_mem>>) src(%dma_wait3A_159 : memref<10000x32xf32, #tpu.memory_space<hbm>>) dst(%dma_wait3A_153 : memref<128x32xf32, #tpu.memory_space<vmem>>)
      %dma_start3A_160 = arith.constant 2 : i32
      %dma_start3A_161 = arith.constant 0 : i32
      %dma_start3A_162 = arith.constant 0 : i32
      %dma_start3A_163 = tpu.memref_slice %arg9[%dma_start3A_160, %dma_start3A_161, %dma_start3A_162] : memref<4x128x32xf32, #tpu.memory_space<vmem>> -> memref<1x128x32xf32, #tpu.memory_space<vmem>>
      %dma_start3A_164 = tpu.memref_squeeze %dma_start3A_163 : memref<1x128x32xf32, #tpu.memory_space<vmem>> -> memref<128x32xf32, #tpu.memory_space<vmem>>
      %dma_start3A_165 = arith.constant 0 : i32
      %dma_start3A_166 = tpu.memref_slice %arg8[%add3A_148, %dma_start3A_165] : memref<152x128xi32, #tpu.memory_space<vmem>> -> memref<1x128xi32, #tpu.memory_space<vmem>>
      %dma_start3A_167 = tpu.memref_squeeze %dma_start3A_166 : memref<1x128xi32, #tpu.memory_space<vmem>> -> memref<128xi32, #tpu.memory_space<vmem>>
      %dma_start3A_168 = arith.constant 0 : i32
      %dma_start3A_169 = arith.constant 0 : i32
      %dma_start3A_170 = tpu.memref_slice %arg10[%dma_start3A_168, %dma_start3A_169] : memref<10112x32xf32, #tpu.memory_space<vmem_shared>> -> memref<10112x32xf32, #tpu.memory_space<vmem_shared>>
      tpu.enqueue_indirect_dma source(%dma_start3A_164 : memref<128x32xf32, #tpu.memory_space<vmem>>) target(%dma_start3A_170 : memref<10112x32xf32, #tpu.memory_space<vmem_shared>>) offsets(%dma_start3A_167 : memref<128xi32, #tpu.memory_space<vmem>>) semaphore(%arg17 : memref<!tpu.dma_semaphore, #tpu.memory_space<semaphore_mem>>) {add = true}
      %mul3A_171 = arith.constant 4 : i32
      %mul3A_172 = arith.muli %while3A_15, %mul3A_171 : i32
      %add3A_173 = arith.constant 3 : i32
      %add3A_174 = arith.addi %mul3A_172, %add3A_173 : i32
      %dma_wait3A_175 = arith.constant 3 : i32
      %dma_wait3A_176 = arith.constant 0 : i32
      %dma_wait3A_177 = arith.constant 0 : i32
      %dma_wait3A_178 = tpu.memref_slice %arg9[%dma_wait3A_175, %dma_wait3A_176, %dma_wait3A_177] : memref<4x128x32xf32, #tpu.memory_space<vmem>> -> memref<1x128x32xf32, #tpu.memory_space<vmem>>
      %dma_wait3A_179 = tpu.memref_squeeze %dma_wait3A_178 : memref<1x128x32xf32, #tpu.memory_space<vmem>> -> memref<128x32xf32, #tpu.memory_space<vmem>>
      %dma_wait3A_180 = arith.constant 0 : i32
      %dma_wait3A_181 = tpu.memref_slice %arg7[%add3A_77, %dma_wait3A_180] : memref<152x128xi32, #tpu.memory_space<vmem>> -> memref<1x128xi32, #tpu.memory_space<vmem>>
      %dma_wait3A_182 = tpu.memref_squeeze %dma_wait3A_181 : memref<1x128xi32, #tpu.memory_space<vmem>> -> memref<128xi32, #tpu.memory_space<vmem>>
      %dma_wait3A_183 = arith.constant 0 : i32
      %dma_wait3A_184 = arith.constant 0 : i32
      %dma_wait3A_185 = tpu.memref_slice %arg2[%dma_wait3A_183, %dma_wait3A_184] : memref<10000x32xf32, #tpu.memory_space<hbm>> -> memref<10000x32xf32, #tpu.memory_space<hbm>>
      tpu.wait_indirect_dma semaphore(%arg14 : memref<!tpu.dma_semaphore, #tpu.memory_space<semaphore_mem>>) src(%dma_wait3A_185 : memref<10000x32xf32, #tpu.memory_space<hbm>>) dst(%dma_wait3A_179 : memref<128x32xf32, #tpu.memory_space<vmem>>)
      %dma_start3A_186 = arith.constant 3 : i32
      %dma_start3A_187 = arith.constant 0 : i32
      %dma_start3A_188 = arith.constant 0 : i32
      %dma_start3A_189 = tpu.memref_slice %arg9[%dma_start3A_186, %dma_start3A_187, %dma_start3A_188] : memref<4x128x32xf32, #tpu.memory_space<vmem>> -> memref<1x128x32xf32, #tpu.memory_space<vmem>>
      %dma_start3A_190 = tpu.memref_squeeze %dma_start3A_189 : memref<1x128x32xf32, #tpu.memory_space<vmem>> -> memref<128x32xf32, #tpu.memory_space<vmem>>
      %dma_start3A_191 = arith.constant 0 : i32
      %dma_start3A_192 = tpu.memref_slice %arg8[%add3A_174, %dma_start3A_191] : memref<152x128xi32, #tpu.memory_space<vmem>> -> memref<1x128xi32, #tpu.memory_space<vmem>>
      %dma_start3A_193 = tpu.memref_squeeze %dma_start3A_192 : memref<1x128xi32, #tpu.memory_space<vmem>> -> memref<128xi32, #tpu.memory_space<vmem>>
      %dma_start3A_194 = arith.constant 0 : i32
      %dma_start3A_195 = arith.constant 0 : i32
      %dma_start3A_196 = tpu.memref_slice %arg10[%dma_start3A_194, %dma_start3A_195] : memref<10112x32xf32, #tpu.memory_space<vmem_shared>> -> memref<10112x32xf32, #tpu.memory_space<vmem_shared>>
      tpu.enqueue_indirect_dma source(%dma_start3A_190 : memref<128x32xf32, #tpu.memory_space<vmem>>) target(%dma_start3A_196 : memref<10112x32xf32, #tpu.memory_space<vmem_shared>>) offsets(%dma_start3A_193 : memref<128xi32, #tpu.memory_space<vmem>>) semaphore(%arg18 : memref<!tpu.dma_semaphore, #tpu.memory_space<semaphore_mem>>) {add = true}
    }
    %while3A_11 = arith.constant 1 : i32
    scf.for %while3A_15 = %while3A_9 to %while3A_5 step %while3A_11  : i32 {
      %mul3A_16 = arith.constant 4 : i32
      %mul3A_17 = arith.muli %while3A_15, %mul3A_16 : i32
      %add3A = arith.constant 0 : i32
      %add3A_18 = arith.addi %mul3A_17, %add3A : i32
      %ge3A_19 = arith.constant 1 : i32
      %ge3A_20 = arith.cmpi sge, %while3A_15, %ge3A_19 : i32
      %convert_element_type3A_21 = arith.extui %ge3A_20 : i1 to i32
      %cond3A_22 = arith.constant 0 : i32
      %cond3A_23 = arith.cmpi ne, %convert_element_type3A_21, %cond3A_22 : i32
      scf.if %cond3A_23 {
        %dma_wait3A_197 = arith.constant 0 : i32
        %dma_wait3A_198 = arith.constant 0 : i32
        %dma_wait3A_199 = arith.constant 0 : i32
        %dma_wait3A_200 = arith.constant 0 : i32
        %dma_wait3A_201 = tpu.memref_slice %arg9[%dma_wait3A_197, %dma_wait3A_199, %dma_wait3A_200] : memref<4x128x32xf32, #tpu.memory_space<vmem>> -> memref<1x128x32xf32, #tpu.memory_space<vmem>>
        %dma_wait3A_202 = tpu.memref_squeeze %dma_wait3A_201 : memref<1x128x32xf32, #tpu.memory_space<vmem>> -> memref<128x32xf32, #tpu.memory_space<vmem>>
        %dma_wait3A_203 = arith.constant 0 : i32
        %dma_wait3A_204 = tpu.memref_slice %arg8[%dma_wait3A_198, %dma_wait3A_203] : memref<152x128xi32, #tpu.memory_space<vmem>> -> memref<1x128xi32, #tpu.memory_space<vmem>>
        %dma_wait3A_205 = tpu.memref_squeeze %dma_wait3A_204 : memref<1x128xi32, #tpu.memory_space<vmem>> -> memref<128xi32, #tpu.memory_space<vmem>>
        %dma_wait3A_206 = arith.constant 0 : i32
        %dma_wait3A_207 = arith.constant 0 : i32
        %dma_wait3A_208 = tpu.memref_slice %arg10[%dma_wait3A_206, %dma_wait3A_207] : memref<10112x32xf32, #tpu.memory_space<vmem_shared>> -> memref<10112x32xf32, #tpu.memory_space<vmem_shared>>
        tpu.wait_indirect_dma semaphore(%arg15 : memref<!tpu.dma_semaphore, #tpu.memory_space<semaphore_mem>>) src(%dma_wait3A_202 : memref<128x32xf32, #tpu.memory_space<vmem>>) dst(%dma_wait3A_208 : memref<10112x32xf32, #tpu.memory_space<vmem_shared>>)
      } else {
      }
      %dma_start3A = arith.constant 0 : i32
      %dma_start3A_24 = arith.constant 0 : i32
      %dma_start3A_25 = arith.constant 0 : i32
      %dma_start3A_26 = tpu.memref_slice %arg9[%dma_start3A, %dma_start3A_24, %dma_start3A_25] : memref<4x128x32xf32, #tpu.memory_space<vmem>> -> memref<1x128x32xf32, #tpu.memory_space<vmem>>
      %dma_start3A_27 = tpu.memref_squeeze %dma_start3A_26 : memref<1x128x32xf32, #tpu.memory_space<vmem>> -> memref<128x32xf32, #tpu.memory_space<vmem>>
      %dma_start3A_28 = arith.constant 0 : i32
      %dma_start3A_29 = tpu.memref_slice %arg7[%add3A_18, %dma_start3A_28] : memref<152x128xi32, #tpu.memory_space<vmem>> -> memref<1x128xi32, #tpu.memory_space<vmem>>
      %dma_start3A_30 = tpu.memref_squeeze %dma_start3A_29 : memref<1x128xi32, #tpu.memory_space<vmem>> -> memref<128xi32, #tpu.memory_space<vmem>>
      %dma_start3A_31 = arith.constant 0 : i32
      %dma_start3A_32 = arith.constant 0 : i32
      %dma_start3A_33 = tpu.memref_slice %arg2[%dma_start3A_31, %dma_start3A_32] : memref<10000x32xf32, #tpu.memory_space<hbm>> -> memref<10000x32xf32, #tpu.memory_space<hbm>>
      tpu.enqueue_indirect_dma source(%dma_start3A_33 : memref<10000x32xf32, #tpu.memory_space<hbm>>) target(%dma_start3A_27 : memref<128x32xf32, #tpu.memory_space<vmem>>) offsets(%dma_start3A_30 : memref<128xi32, #tpu.memory_space<vmem>>) semaphore(%arg11 : memref<!tpu.dma_semaphore, #tpu.memory_space<semaphore_mem>>)
      %mul3A_34 = arith.constant 4 : i32
      %mul3A_35 = arith.muli %while3A_15, %mul3A_34 : i32
      %add3A_36 = arith.constant 1 : i32
      %add3A_37 = arith.addi %mul3A_35, %add3A_36 : i32
      %ge3A_38 = arith.constant 1 : i32
      %ge3A_39 = arith.cmpi sge, %while3A_15, %ge3A_38 : i32
      %convert_element_type3A_40 = arith.extui %ge3A_39 : i1 to i32
      %cond3A_41 = arith.constant 0 : i32
      %cond3A_42 = arith.cmpi ne, %convert_element_type3A_40, %cond3A_41 : i32
      scf.if %cond3A_42 {
        %dma_wait3A_197 = arith.constant 1 : i32
        %dma_wait3A_198 = arith.constant 0 : i32
        %dma_wait3A_199 = arith.constant 0 : i32
        %dma_wait3A_200 = arith.constant 0 : i32
        %dma_wait3A_201 = tpu.memref_slice %arg9[%dma_wait3A_197, %dma_wait3A_199, %dma_wait3A_200] : memref<4x128x32xf32, #tpu.memory_space<vmem>> -> memref<1x128x32xf32, #tpu.memory_space<vmem>>
        %dma_wait3A_202 = tpu.memref_squeeze %dma_wait3A_201 : memref<1x128x32xf32, #tpu.memory_space<vmem>> -> memref<128x32xf32, #tpu.memory_space<vmem>>
        %dma_wait3A_203 = arith.constant 0 : i32
        %dma_wait3A_204 = tpu.memref_slice %arg8[%dma_wait3A_198, %dma_wait3A_203] : memref<152x128xi32, #tpu.memory_space<vmem>> -> memref<1x128xi32, #tpu.memory_space<vmem>>
        %dma_wait3A_205 = tpu.memref_squeeze %dma_wait3A_204 : memref<1x128xi32, #tpu.memory_space<vmem>> -> memref<128xi32, #tpu.memory_space<vmem>>
        %dma_wait3A_206 = arith.constant 0 : i32
        %dma_wait3A_207 = arith.constant 0 : i32
        %dma_wait3A_208 = tpu.memref_slice %arg10[%dma_wait3A_206, %dma_wait3A_207] : memref<10112x32xf32, #tpu.memory_space<vmem_shared>> -> memref<10112x32xf32, #tpu.memory_space<vmem_shared>>
        tpu.wait_indirect_dma semaphore(%arg16 : memref<!tpu.dma_semaphore, #tpu.memory_space<semaphore_mem>>) src(%dma_wait3A_202 : memref<128x32xf32, #tpu.memory_space<vmem>>) dst(%dma_wait3A_208 : memref<10112x32xf32, #tpu.memory_space<vmem_shared>>)
      } else {
      }
      %dma_start3A_43 = arith.constant 1 : i32
      %dma_start3A_44 = arith.constant 0 : i32
      %dma_start3A_45 = arith.constant 0 : i32
      %dma_start3A_46 = tpu.memref_slice %arg9[%dma_start3A_43, %dma_start3A_44, %dma_start3A_45] : memref<4x128x32xf32, #tpu.memory_space<vmem>> -> memref<1x128x32xf32, #tpu.memory_space<vmem>>
      %dma_start3A_47 = tpu.memref_squeeze %dma_start3A_46 : memref<1x128x32xf32, #tpu.memory_space<vmem>> -> memref<128x32xf32, #tpu.memory_space<vmem>>
      %dma_start3A_48 = arith.constant 0 : i32
      %dma_start3A_49 = tpu.memref_slice %arg7[%add3A_37, %dma_start3A_48] : memref<152x128xi32, #tpu.memory_space<vmem>> -> memref<1x128xi32, #tpu.memory_space<vmem>>
      %dma_start3A_50 = tpu.memref_squeeze %dma_start3A_49 : memref<1x128xi32, #tpu.memory_space<vmem>> -> memref<128xi32, #tpu.memory_space<vmem>>
      %dma_start3A_51 = arith.constant 0 : i32
      %dma_start3A_52 = arith.constant 0 : i32
      %dma_start3A_53 = tpu.memref_slice %arg2[%dma_start3A_51, %dma_start3A_52] : memref<10000x32xf32, #tpu.memory_space<hbm>> -> memref<10000x32xf32, #tpu.memory_space<hbm>>
      tpu.enqueue_indirect_dma source(%dma_start3A_53 : memref<10000x32xf32, #tpu.memory_space<hbm>>) target(%dma_start3A_47 : memref<128x32xf32, #tpu.memory_space<vmem>>) offsets(%dma_start3A_50 : memref<128xi32, #tpu.memory_space<vmem>>) semaphore(%arg12 : memref<!tpu.dma_semaphore, #tpu.memory_space<semaphore_mem>>)
      %mul3A_54 = arith.constant 4 : i32
      %mul3A_55 = arith.muli %while3A_15, %mul3A_54 : i32
      %add3A_56 = arith.constant 2 : i32
      %add3A_57 = arith.addi %mul3A_55, %add3A_56 : i32
      %ge3A_58 = arith.constant 1 : i32
      %ge3A_59 = arith.cmpi sge, %while3A_15, %ge3A_58 : i32
      %convert_element_type3A_60 = arith.extui %ge3A_59 : i1 to i32
      %cond3A_61 = arith.constant 0 : i32
      %cond3A_62 = arith.cmpi ne, %convert_element_type3A_60, %cond3A_61 : i32
      scf.if %cond3A_62 {
        %dma_wait3A_197 = arith.constant 2 : i32
        %dma_wait3A_198 = arith.constant 0 : i32
        %dma_wait3A_199 = arith.constant 0 : i32
        %dma_wait3A_200 = arith.constant 0 : i32
        %dma_wait3A_201 = tpu.memref_slice %arg9[%dma_wait3A_197, %dma_wait3A_199, %dma_wait3A_200] : memref<4x128x32xf32, #tpu.memory_space<vmem>> -> memref<1x128x32xf32, #tpu.memory_space<vmem>>
        %dma_wait3A_202 = tpu.memref_squeeze %dma_wait3A_201 : memref<1x128x32xf32, #tpu.memory_space<vmem>> -> memref<128x32xf32, #tpu.memory_space<vmem>>
        %dma_wait3A_203 = arith.constant 0 : i32
        %dma_wait3A_204 = tpu.memref_slice %arg8[%dma_wait3A_198, %dma_wait3A_203] : memref<152x128xi32, #tpu.memory_space<vmem>> -> memref<1x128xi32, #tpu.memory_space<vmem>>
        %dma_wait3A_205 = tpu.memref_squeeze %dma_wait3A_204 : memref<1x128xi32, #tpu.memory_space<vmem>> -> memref<128xi32, #tpu.memory_space<vmem>>
        %dma_wait3A_206 = arith.constant 0 : i32
        %dma_wait3A_207 = arith.constant 0 : i32
        %dma_wait3A_208 = tpu.memref_slice %arg10[%dma_wait3A_206, %dma_wait3A_207] : memref<10112x32xf32, #tpu.memory_space<vmem_shared>> -> memref<10112x32xf32, #tpu.memory_space<vmem_shared>>
        tpu.wait_indirect_dma semaphore(%arg17 : memref<!tpu.dma_semaphore, #tpu.memory_space<semaphore_mem>>) src(%dma_wait3A_202 : memref<128x32xf32, #tpu.memory_space<vmem>>) dst(%dma_wait3A_208 : memref<10112x32xf32, #tpu.memory_space<vmem_shared>>)
      } else {
      }
      %dma_start3A_63 = arith.constant 2 : i32
      %dma_start3A_64 = arith.constant 0 : i32
      %dma_start3A_65 = arith.constant 0 : i32
      %dma_start3A_66 = tpu.memref_slice %arg9[%dma_start3A_63, %dma_start3A_64, %dma_start3A_65] : memref<4x128x32xf32, #tpu.memory_space<vmem>> -> memref<1x128x32xf32, #tpu.memory_space<vmem>>
      %dma_start3A_67 = tpu.memref_squeeze %dma_start3A_66 : memref<1x128x32xf32, #tpu.memory_space<vmem>> -> memref<128x32xf32, #tpu.memory_space<vmem>>
      %dma_start3A_68 = arith.constant 0 : i32
      %dma_start3A_69 = tpu.memref_slice %arg7[%add3A_57, %dma_start3A_68] : memref<152x128xi32, #tpu.memory_space<vmem>> -> memref<1x128xi32, #tpu.memory_space<vmem>>
      %dma_start3A_70 = tpu.memref_squeeze %dma_start3A_69 : memref<1x128xi32, #tpu.memory_space<vmem>> -> memref<128xi32, #tpu.memory_space<vmem>>
      %dma_start3A_71 = arith.constant 0 : i32
      %dma_start3A_72 = arith.constant 0 : i32
      %dma_start3A_73 = tpu.memref_slice %arg2[%dma_start3A_71, %dma_start3A_72] : memref<10000x32xf32, #tpu.memory_space<hbm>> -> memref<10000x32xf32, #tpu.memory_space<hbm>>
      tpu.enqueue_indirect_dma source(%dma_start3A_73 : memref<10000x32xf32, #tpu.memory_space<hbm>>) target(%dma_start3A_67 : memref<128x32xf32, #tpu.memory_space<vmem>>) offsets(%dma_start3A_70 : memref<128xi32, #tpu.memory_space<vmem>>) semaphore(%arg13 : memref<!tpu.dma_semaphore, #tpu.memory_space<semaphore_mem>>)
      %mul3A_74 = arith.constant 4 : i32
      %mul3A_75 = arith.muli %while3A_15, %mul3A_74 : i32
      %add3A_76 = arith.constant 3 : i32
      %add3A_77 = arith.addi %mul3A_75, %add3A_76 : i32
      %ge3A_78 = arith.constant 1 : i32
      %ge3A_79 = arith.cmpi sge, %while3A_15, %ge3A_78 : i32
      %convert_element_type3A_80 = arith.extui %ge3A_79 : i1 to i32
      %cond3A_81 = arith.constant 0 : i32
      %cond3A_82 = arith.cmpi ne, %convert_element_type3A_80, %cond3A_81 : i32
      scf.if %cond3A_82 {
        %dma_wait3A_197 = arith.constant 3 : i32
        %dma_wait3A_198 = arith.constant 0 : i32
        %dma_wait3A_199 = arith.constant 0 : i32
        %dma_wait3A_200 = arith.constant 0 : i32
        %dma_wait3A_201 = tpu.memref_slice %arg9[%dma_wait3A_197, %dma_wait3A_199, %dma_wait3A_200] : memref<4x128x32xf32, #tpu.memory_space<vmem>> -> memref<1x128x32xf32, #tpu.memory_space<vmem>>
        %dma_wait3A_202 = tpu.memref_squeeze %dma_wait3A_201 : memref<1x128x32xf32, #tpu.memory_space<vmem>> -> memref<128x32xf32, #tpu.memory_space<vmem>>
        %dma_wait3A_203 = arith.constant 0 : i32
        %dma_wait3A_204 = tpu.memref_slice %arg8[%dma_wait3A_198, %dma_wait3A_203] : memref<152x128xi32, #tpu.memory_space<vmem>> -> memref<1x128xi32, #tpu.memory_space<vmem>>
        %dma_wait3A_205 = tpu.memref_squeeze %dma_wait3A_204 : memref<1x128xi32, #tpu.memory_space<vmem>> -> memref<128xi32, #tpu.memory_space<vmem>>
        %dma_wait3A_206 = arith.constant 0 : i32
        %dma_wait3A_207 = arith.constant 0 : i32
        %dma_wait3A_208 = tpu.memref_slice %arg10[%dma_wait3A_206, %dma_wait3A_207] : memref<10112x32xf32, #tpu.memory_space<vmem_shared>> -> memref<10112x32xf32, #tpu.memory_space<vmem_shared>>
        tpu.wait_indirect_dma semaphore(%arg18 : memref<!tpu.dma_semaphore, #tpu.memory_space<semaphore_mem>>) src(%dma_wait3A_202 : memref<128x32xf32, #tpu.memory_space<vmem>>) dst(%dma_wait3A_208 : memref<10112x32xf32, #tpu.memory_space<vmem_shared>>)
      } else {
      }
      %dma_start3A_83 = arith.constant 3 : i32
      %dma_start3A_84 = arith.constant 0 : i32
      %dma_start3A_85 = arith.constant 0 : i32
      %dma_start3A_86 = tpu.memref_slice %arg9[%dma_start3A_83, %dma_start3A_84, %dma_start3A_85] : memref<4x128x32xf32, #tpu.memory_space<vmem>> -> memref<1x128x32xf32, #tpu.memory_space<vmem>>
      %dma_start3A_87 = tpu.memref_squeeze %dma_start3A_86 : memref<1x128x32xf32, #tpu.memory_space<vmem>> -> memref<128x32xf32, #tpu.memory_space<vmem>>
      %dma_start3A_88 = arith.constant 0 : i32
      %dma_start3A_89 = tpu.memref_slice %arg7[%add3A_77, %dma_start3A_88] : memref<152x128xi32, #tpu.memory_space<vmem>> -> memref<1x128xi32, #tpu.memory_space<vmem>>
      %dma_start3A_90 = tpu.memref_squeeze %dma_start3A_89 : memref<1x128xi32, #tpu.memory_space<vmem>> -> memref<128xi32, #tpu.memory_space<vmem>>
      %dma_start3A_91 = arith.constant 0 : i32
      %dma_start3A_92 = arith.constant 0 : i32
      %dma_start3A_93 = tpu.memref_slice %arg2[%dma_start3A_91, %dma_start3A_92] : memref<10000x32xf32, #tpu.memory_space<hbm>> -> memref<10000x32xf32, #tpu.memory_space<hbm>>
      tpu.enqueue_indirect_dma source(%dma_start3A_93 : memref<10000x32xf32, #tpu.memory_space<hbm>>) target(%dma_start3A_87 : memref<128x32xf32, #tpu.memory_space<vmem>>) offsets(%dma_start3A_90 : memref<128xi32, #tpu.memory_space<vmem>>) semaphore(%arg14 : memref<!tpu.dma_semaphore, #tpu.memory_space<semaphore_mem>>)
      %mul3A_94 = arith.constant 4 : i32
      %mul3A_95 = arith.muli %while3A_15, %mul3A_94 : i32
      %add3A_96 = arith.constant 0 : i32
      %add3A_97 = arith.addi %mul3A_95, %add3A_96 : i32
      %dma_wait3A = arith.constant 0 : i32
      %dma_wait3A_98 = arith.constant 0 : i32
      %dma_wait3A_99 = arith.constant 0 : i32
      %dma_wait3A_100 = tpu.memref_slice %arg9[%dma_wait3A, %dma_wait3A_98, %dma_wait3A_99] : memref<4x128x32xf32, #tpu.memory_space<vmem>> -> memref<1x128x32xf32, #tpu.memory_space<vmem>>
      %dma_wait3A_101 = tpu.memref_squeeze %dma_wait3A_100 : memref<1x128x32xf32, #tpu.memory_space<vmem>> -> memref<128x32xf32, #tpu.memory_space<vmem>>
      %dma_wait3A_102 = arith.constant 0 : i32
      %dma_wait3A_103 = tpu.memref_slice %arg7[%add3A_18, %dma_wait3A_102] : memref<152x128xi32, #tpu.memory_space<vmem>> -> memref<1x128xi32, #tpu.memory_space<vmem>>
      %dma_wait3A_104 = tpu.memref_squeeze %dma_wait3A_103 : memref<1x128xi32, #tpu.memory_space<vmem>> -> memref<128xi32, #tpu.memory_space<vmem>>
      %dma_wait3A_105 = arith.constant 0 : i32
      %dma_wait3A_106 = arith.constant 0 : i32
      %dma_wait3A_107 = tpu.memref_slice %arg2[%dma_wait3A_105, %dma_wait3A_106] : memref<10000x32xf32, #tpu.memory_space<hbm>> -> memref<10000x32xf32, #tpu.memory_space<hbm>>
      tpu.wait_indirect_dma semaphore(%arg11 : memref<!tpu.dma_semaphore, #tpu.memory_space<semaphore_mem>>) src(%dma_wait3A_107 : memref<10000x32xf32, #tpu.memory_space<hbm>>) dst(%dma_wait3A_101 : memref<128x32xf32, #tpu.memory_space<vmem>>)
      %dma_start3A_108 = arith.constant 0 : i32
      %dma_start3A_109 = arith.constant 0 : i32
      %dma_start3A_110 = arith.constant 0 : i32
      %dma_start3A_111 = tpu.memref_slice %arg9[%dma_start3A_108, %dma_start3A_109, %dma_start3A_110] : memref<4x128x32xf32, #tpu.memory_space<vmem>> -> memref<1x128x32xf32, #tpu.memory_space<vmem>>
      %dma_start3A_112 = tpu.memref_squeeze %dma_start3A_111 : memref<1x128x32xf32, #tpu.memory_space<vmem>> -> memref<128x32xf32, #tpu.memory_space<vmem>>
      %dma_start3A_113 = arith.constant 0 : i32
      %dma_start3A_114 = tpu.memref_slice %arg8[%add3A_97, %dma_start3A_113] : memref<152x128xi32, #tpu.memory_space<vmem>> -> memref<1x128xi32, #tpu.memory_space<vmem>>
      %dma_start3A_115 = tpu.memref_squeeze %dma_start3A_114 : memref<1x128xi32, #tpu.memory_space<vmem>> -> memref<128xi32, #tpu.memory_space<vmem>>
      %dma_start3A_116 = arith.constant 0 : i32
      %dma_start3A_117 = arith.constant 0 : i32
      %dma_start3A_118 = tpu.memref_slice %arg10[%dma_start3A_116, %dma_start3A_117] : memref<10112x32xf32, #tpu.memory_space<vmem_shared>> -> memref<10112x32xf32, #tpu.memory_space<vmem_shared>>
      tpu.enqueue_indirect_dma source(%dma_start3A_112 : memref<128x32xf32, #tpu.memory_space<vmem>>) target(%dma_start3A_118 : memref<10112x32xf32, #tpu.memory_space<vmem_shared>>) offsets(%dma_start3A_115 : memref<128xi32, #tpu.memory_space<vmem>>) semaphore(%arg15 : memref<!tpu.dma_semaphore, #tpu.memory_space<semaphore_mem>>) {add = true}
      %mul3A_119 = arith.constant 4 : i32
      %mul3A_120 = arith.muli %while3A_15, %mul3A_119 : i32
      %add3A_121 = arith.constant 1 : i32
      %add3A_122 = arith.addi %mul3A_120, %add3A_121 : i32
      %dma_wait3A_123 = arith.constant 1 : i32
      %dma_wait3A_124 = arith.constant 0 : i32
      %dma_wait3A_125 = arith.constant 0 : i32
      %dma_wait3A_126 = tpu.memref_slice %arg9[%dma_wait3A_123, %dma_wait3A_124, %dma_wait3A_125] : memref<4x128x32xf32, #tpu.memory_space<vmem>> -> memref<1x128x32xf32, #tpu.memory_space<vmem>>
      %dma_wait3A_127 = tpu.memref_squeeze %dma_wait3A_126 : memref<1x128x32xf32, #tpu.memory_space<vmem>> -> memref<128x32xf32, #tpu.memory_space<vmem>>
      %dma_wait3A_128 = arith.constant 0 : i32
      %dma_wait3A_129 = tpu.memref_slice %arg7[%add3A_37, %dma_wait3A_128] : memref<152x128xi32, #tpu.memory_space<vmem>> -> memref<1x128xi32, #tpu.memory_space<vmem>>
      %dma_wait3A_130 = tpu.memref_squeeze %dma_wait3A_129 : memref<1x128xi32, #tpu.memory_space<vmem>> -> memref<128xi32, #tpu.memory_space<vmem>>
      %dma_wait3A_131 = arith.constant 0 : i32
      %dma_wait3A_132 = arith.constant 0 : i32
      %dma_wait3A_133 = tpu.memref_slice %arg2[%dma_wait3A_131, %dma_wait3A_132] : memref<10000x32xf32, #tpu.memory_space<hbm>> -> memref<10000x32xf32, #tpu.memory_space<hbm>>
      tpu.wait_indirect_dma semaphore(%arg12 : memref<!tpu.dma_semaphore, #tpu.memory_space<semaphore_mem>>) src(%dma_wait3A_133 : memref<10000x32xf32, #tpu.memory_space<hbm>>) dst(%dma_wait3A_127 : memref<128x32xf32, #tpu.memory_space<vmem>>)
      %dma_start3A_134 = arith.constant 1 : i32
      %dma_start3A_135 = arith.constant 0 : i32
      %dma_start3A_136 = arith.constant 0 : i32
      %dma_start3A_137 = tpu.memref_slice %arg9[%dma_start3A_134, %dma_start3A_135, %dma_start3A_136] : memref<4x128x32xf32, #tpu.memory_space<vmem>> -> memref<1x128x32xf32, #tpu.memory_space<vmem>>
      %dma_start3A_138 = tpu.memref_squeeze %dma_start3A_137 : memref<1x128x32xf32, #tpu.memory_space<vmem>> -> memref<128x32xf32, #tpu.memory_space<vmem>>
      %dma_start3A_139 = arith.constant 0 : i32
      %dma_start3A_140 = tpu.memref_slice %arg8[%add3A_122, %dma_start3A_139] : memref<152x128xi32, #tpu.memory_space<vmem>> -> memref<1x128xi32, #tpu.memory_space<vmem>>
      %dma_start3A_141 = tpu.memref_squeeze %dma_start3A_140 : memref<1x128xi32, #tpu.memory_space<vmem>> -> memref<128xi32, #tpu.memory_space<vmem>>
      %dma_start3A_142 = arith.constant 0 : i32
      %dma_start3A_143 = arith.constant 0 : i32
      %dma_start3A_144 = tpu.memref_slice %arg10[%dma_start3A_142, %dma_start3A_143] : memref<10112x32xf32, #tpu.memory_space<vmem_shared>> -> memref<10112x32xf32, #tpu.memory_space<vmem_shared>>
      tpu.enqueue_indirect_dma source(%dma_start3A_138 : memref<128x32xf32, #tpu.memory_space<vmem>>) target(%dma_start3A_144 : memref<10112x32xf32, #tpu.memory_space<vmem_shared>>) offsets(%dma_start3A_141 : memref<128xi32, #tpu.memory_space<vmem>>) semaphore(%arg16 : memref<!tpu.dma_semaphore, #tpu.memory_space<semaphore_mem>>) {add = true}
      %mul3A_145 = arith.constant 4 : i32
      %mul3A_146 = arith.muli %while3A_15, %mul3A_145 : i32
      %add3A_147 = arith.constant 2 : i32
      %add3A_148 = arith.addi %mul3A_146, %add3A_147 : i32
      %dma_wait3A_149 = arith.constant 2 : i32
      %dma_wait3A_150 = arith.constant 0 : i32
      %dma_wait3A_151 = arith.constant 0 : i32
      %dma_wait3A_152 = tpu.memref_slice %arg9[%dma_wait3A_149, %dma_wait3A_150, %dma_wait3A_151] : memref<4x128x32xf32, #tpu.memory_space<vmem>> -> memref<1x128x32xf32, #tpu.memory_space<vmem>>
      %dma_wait3A_153 = tpu.memref_squeeze %dma_wait3A_152 : memref<1x128x32xf32, #tpu.memory_space<vmem>> -> memref<128x32xf32, #tpu.memory_space<vmem>>
      %dma_wait3A_154 = arith.constant 0 : i32
      %dma_wait3A_155 = tpu.memref_slice %arg7[%add3A_57, %dma_wait3A_154] : memref<152x128xi32, #tpu.memory_space<vmem>> -> memref<1x128xi32, #tpu.memory_space<vmem>>
      %dma_wait3A_156 = tpu.memref_squeeze %dma_wait3A_155 : memref<1x128xi32, #tpu.memory_space<vmem>> -> memref<128xi32, #tpu.memory_space<vmem>>
      %dma_wait3A_157 = arith.constant 0 : i32
      %dma_wait3A_158 = arith.constant 0 : i32
      %dma_wait3A_159 = tpu.memref_slice %arg2[%dma_wait3A_157, %dma_wait3A_158] : memref<10000x32xf32, #tpu.memory_space<hbm>> -> memref<10000x32xf32, #tpu.memory_space<hbm>>
      tpu.wait_indirect_dma semaphore(%arg13 : memref<!tpu.dma_semaphore, #tpu.memory_space<semaphore_mem>>) src(%dma_wait3A_159 : memref<10000x32xf32, #tpu.memory_space<hbm>>) dst(%dma_wait3A_153 : memref<128x32xf32, #tpu.memory_space<vmem>>)
      %dma_start3A_160 = arith.constant 2 : i32
      %dma_start3A_161 = arith.constant 0 : i32
      %dma_start3A_162 = arith.constant 0 : i32
      %dma_start3A_163 = tpu.memref_slice %arg9[%dma_start3A_160, %dma_start3A_161, %dma_start3A_162] : memref<4x128x32xf32, #tpu.memory_space<vmem>> -> memref<1x128x32xf32, #tpu.memory_space<vmem>>
      %dma_start3A_164 = tpu.memref_squeeze %dma_start3A_163 : memref<1x128x32xf32, #tpu.memory_space<vmem>> -> memref<128x32xf32, #tpu.memory_space<vmem>>
      %dma_start3A_165 = arith.constant 0 : i32
      %dma_start3A_166 = tpu.memref_slice %arg8[%add3A_148, %dma_start3A_165] : memref<152x128xi32, #tpu.memory_space<vmem>> -> memref<1x128xi32, #tpu.memory_space<vmem>>
      %dma_start3A_167 = tpu.memref_squeeze %dma_start3A_166 : memref<1x128xi32, #tpu.memory_space<vmem>> -> memref<128xi32, #tpu.memory_space<vmem>>
      %dma_start3A_168 = arith.constant 0 : i32
      %dma_start3A_169 = arith.constant 0 : i32
      %dma_start3A_170 = tpu.memref_slice %arg10[%dma_start3A_168, %dma_start3A_169] : memref<10112x32xf32, #tpu.memory_space<vmem_shared>> -> memref<10112x32xf32, #tpu.memory_space<vmem_shared>>
      tpu.enqueue_indirect_dma source(%dma_start3A_164 : memref<128x32xf32, #tpu.memory_space<vmem>>) target(%dma_start3A_170 : memref<10112x32xf32, #tpu.memory_space<vmem_shared>>) offsets(%dma_start3A_167 : memref<128xi32, #tpu.memory_space<vmem>>) semaphore(%arg17 : memref<!tpu.dma_semaphore, #tpu.memory_space<semaphore_mem>>) {add = true}
      %mul3A_171 = arith.constant 4 : i32
      %mul3A_172 = arith.muli %while3A_15, %mul3A_171 : i32
      %add3A_173 = arith.constant 3 : i32
      %add3A_174 = arith.addi %mul3A_172, %add3A_173 : i32
      %dma_wait3A_175 = arith.constant 3 : i32
      %dma_wait3A_176 = arith.constant 0 : i32
      %dma_wait3A_177 = arith.constant 0 : i32
      %dma_wait3A_178 = tpu.memref_slice %arg9[%dma_wait3A_175, %dma_wait3A_176, %dma_wait3A_177] : memref<4x128x32xf32, #tpu.memory_space<vmem>> -> memref<1x128x32xf32, #tpu.memory_space<vmem>>
      %dma_wait3A_179 = tpu.memref_squeeze %dma_wait3A_178 : memref<1x128x32xf32, #tpu.memory_space<vmem>> -> memref<128x32xf32, #tpu.memory_space<vmem>>
      %dma_wait3A_180 = arith.constant 0 : i32
      %dma_wait3A_181 = tpu.memref_slice %arg7[%add3A_77, %dma_wait3A_180] : memref<152x128xi32, #tpu.memory_space<vmem>> -> memref<1x128xi32, #tpu.memory_space<vmem>>
      %dma_wait3A_182 = tpu.memref_squeeze %dma_wait3A_181 : memref<1x128xi32, #tpu.memory_space<vmem>> -> memref<128xi32, #tpu.memory_space<vmem>>
      %dma_wait3A_183 = arith.constant 0 : i32
      %dma_wait3A_184 = arith.constant 0 : i32
      %dma_wait3A_185 = tpu.memref_slice %arg2[%dma_wait3A_183, %dma_wait3A_184] : memref<10000x32xf32, #tpu.memory_space<hbm>> -> memref<10000x32xf32, #tpu.memory_space<hbm>>
      tpu.wait_indirect_dma semaphore(%arg14 : memref<!tpu.dma_semaphore, #tpu.memory_space<semaphore_mem>>) src(%dma_wait3A_185 : memref<10000x32xf32, #tpu.memory_space<hbm>>) dst(%dma_wait3A_179 : memref<128x32xf32, #tpu.memory_space<vmem>>)
      %dma_start3A_186 = arith.constant 3 : i32
      %dma_start3A_187 = arith.constant 0 : i32
      %dma_start3A_188 = arith.constant 0 : i32
      %dma_start3A_189 = tpu.memref_slice %arg9[%dma_start3A_186, %dma_start3A_187, %dma_start3A_188] : memref<4x128x32xf32, #tpu.memory_space<vmem>> -> memref<1x128x32xf32, #tpu.memory_space<vmem>>
      %dma_start3A_190 = tpu.memref_squeeze %dma_start3A_189 : memref<1x128x32xf32, #tpu.memory_space<vmem>> -> memref<128x32xf32, #tpu.memory_space<vmem>>
      %dma_start3A_191 = arith.constant 0 : i32
      %dma_start3A_192 = tpu.memref_slice %arg8[%add3A_174, %dma_start3A_191] : memref<152x128xi32, #tpu.memory_space<vmem>> -> memref<1x128xi32, #tpu.memory_space<vmem>>
      %dma_start3A_193 = tpu.memref_squeeze %dma_start3A_192 : memref<1x128xi32, #tpu.memory_space<vmem>> -> memref<128xi32, #tpu.memory_space<vmem>>
      %dma_start3A_194 = arith.constant 0 : i32
      %dma_start3A_195 = arith.constant 0 : i32
      %dma_start3A_196 = tpu.memref_slice %arg10[%dma_start3A_194, %dma_start3A_195] : memref<10112x32xf32, #tpu.memory_space<vmem_shared>> -> memref<10112x32xf32, #tpu.memory_space<vmem_shared>>
      tpu.enqueue_indirect_dma source(%dma_start3A_190 : memref<128x32xf32, #tpu.memory_space<vmem>>) target(%dma_start3A_196 : memref<10112x32xf32, #tpu.memory_space<vmem_shared>>) offsets(%dma_start3A_193 : memref<128xi32, #tpu.memory_space<vmem>>) semaphore(%arg18 : memref<!tpu.dma_semaphore, #tpu.memory_space<semaphore_mem>>) {add = true}
    }
    %ge3A = arith.constant 1 : i32
    %ge3A_12 = arith.cmpi sge, %select_n3A, %ge3A : i32
    %convert_element_type3A = arith.extui %ge3A_12 : i1 to i32
    %cond3A = arith.constant 0 : i32
    %cond3A_13 = arith.cmpi ne, %convert_element_type3A, %cond3A : i32
    scf.if %cond3A_13 {
      %dma_wait3A = arith.constant 0 : i32
      %dma_wait3A_15 = arith.constant 0 : i32
      %dma_wait3A_16 = arith.constant 0 : i32
      %dma_wait3A_17 = arith.constant 0 : i32
      %dma_wait3A_18 = tpu.memref_slice %arg9[%dma_wait3A, %dma_wait3A_16, %dma_wait3A_17] : memref<4x128x32xf32, #tpu.memory_space<vmem>> -> memref<1x128x32xf32, #tpu.memory_space<vmem>>
      %dma_wait3A_19 = tpu.memref_squeeze %dma_wait3A_18 : memref<1x128x32xf32, #tpu.memory_space<vmem>> -> memref<128x32xf32, #tpu.memory_space<vmem>>
      %dma_wait3A_20 = arith.constant 0 : i32
      %dma_wait3A_21 = tpu.memref_slice %arg8[%dma_wait3A_15, %dma_wait3A_20] : memref<152x128xi32, #tpu.memory_space<vmem>> -> memref<1x128xi32, #tpu.memory_space<vmem>>
      %dma_wait3A_22 = tpu.memref_squeeze %dma_wait3A_21 : memref<1x128xi32, #tpu.memory_space<vmem>> -> memref<128xi32, #tpu.memory_space<vmem>>
      %dma_wait3A_23 = arith.constant 0 : i32
      %dma_wait3A_24 = arith.constant 0 : i32
      %dma_wait3A_25 = tpu.memref_slice %arg10[%dma_wait3A_23, %dma_wait3A_24] : memref<10112x32xf32, #tpu.memory_space<vmem_shared>> -> memref<10112x32xf32, #tpu.memory_space<vmem_shared>>
      tpu.wait_indirect_dma semaphore(%arg15 : memref<!tpu.dma_semaphore, #tpu.memory_space<semaphore_mem>>) src(%dma_wait3A_19 : memref<128x32xf32, #tpu.memory_space<vmem>>) dst(%dma_wait3A_25 : memref<10112x32xf32, #tpu.memory_space<vmem_shared>>)
      %dma_wait3A_26 = arith.constant 1 : i32
      %dma_wait3A_27 = arith.constant 0 : i32
      %dma_wait3A_28 = arith.constant 0 : i32
      %dma_wait3A_29 = arith.constant 0 : i32
      %dma_wait3A_30 = tpu.memref_slice %arg9[%dma_wait3A_26, %dma_wait3A_28, %dma_wait3A_29] : memref<4x128x32xf32, #tpu.memory_space<vmem>> -> memref<1x128x32xf32, #tpu.memory_space<vmem>>
      %dma_wait3A_31 = tpu.memref_squeeze %dma_wait3A_30 : memref<1x128x32xf32, #tpu.memory_space<vmem>> -> memref<128x32xf32, #tpu.memory_space<vmem>>
      %dma_wait3A_32 = arith.constant 0 : i32
      %dma_wait3A_33 = tpu.memref_slice %arg8[%dma_wait3A_27, %dma_wait3A_32] : memref<152x128xi32, #tpu.memory_space<vmem>> -> memref<1x128xi32, #tpu.memory_space<vmem>>
      %dma_wait3A_34 = tpu.memref_squeeze %dma_wait3A_33 : memref<1x128xi32, #tpu.memory_space<vmem>> -> memref<128xi32, #tpu.memory_space<vmem>>
      %dma_wait3A_35 = arith.constant 0 : i32
      %dma_wait3A_36 = arith.constant 0 : i32
      %dma_wait3A_37 = tpu.memref_slice %arg10[%dma_wait3A_35, %dma_wait3A_36] : memref<10112x32xf32, #tpu.memory_space<vmem_shared>> -> memref<10112x32xf32, #tpu.memory_space<vmem_shared>>
      tpu.wait_indirect_dma semaphore(%arg16 : memref<!tpu.dma_semaphore, #tpu.memory_space<semaphore_mem>>) src(%dma_wait3A_31 : memref<128x32xf32, #tpu.memory_space<vmem>>) dst(%dma_wait3A_37 : memref<10112x32xf32, #tpu.memory_space<vmem_shared>>)
      %dma_wait3A_38 = arith.constant 2 : i32
      %dma_wait3A_39 = arith.constant 0 : i32
      %dma_wait3A_40 = arith.constant 0 : i32
      %dma_wait3A_41 = arith.constant 0 : i32
      %dma_wait3A_42 = tpu.memref_slice %arg9[%dma_wait3A_38, %dma_wait3A_40, %dma_wait3A_41] : memref<4x128x32xf32, #tpu.memory_space<vmem>> -> memref<1x128x32xf32, #tpu.memory_space<vmem>>
      %dma_wait3A_43 = tpu.memref_squeeze %dma_wait3A_42 : memref<1x128x32xf32, #tpu.memory_space<vmem>> -> memref<128x32xf32, #tpu.memory_space<vmem>>
      %dma_wait3A_44 = arith.constant 0 : i32
      %dma_wait3A_45 = tpu.memref_slice %arg8[%dma_wait3A_39, %dma_wait3A_44] : memref<152x128xi32, #tpu.memory_space<vmem>> -> memref<1x128xi32, #tpu.memory_space<vmem>>
      %dma_wait3A_46 = tpu.memref_squeeze %dma_wait3A_45 : memref<1x128xi32, #tpu.memory_space<vmem>> -> memref<128xi32, #tpu.memory_space<vmem>>
      %dma_wait3A_47 = arith.constant 0 : i32
      %dma_wait3A_48 = arith.constant 0 : i32
      %dma_wait3A_49 = tpu.memref_slice %arg10[%dma_wait3A_47, %dma_wait3A_48] : memref<10112x32xf32, #tpu.memory_space<vmem_shared>> -> memref<10112x32xf32, #tpu.memory_space<vmem_shared>>
      tpu.wait_indirect_dma semaphore(%arg17 : memref<!tpu.dma_semaphore, #tpu.memory_space<semaphore_mem>>) src(%dma_wait3A_43 : memref<128x32xf32, #tpu.memory_space<vmem>>) dst(%dma_wait3A_49 : memref<10112x32xf32, #tpu.memory_space<vmem_shared>>)
      %dma_wait3A_50 = arith.constant 3 : i32
      %dma_wait3A_51 = arith.constant 0 : i32
      %dma_wait3A_52 = arith.constant 0 : i32
      %dma_wait3A_53 = arith.constant 0 : i32
      %dma_wait3A_54 = tpu.memref_slice %arg9[%dma_wait3A_50, %dma_wait3A_52, %dma_wait3A_53] : memref<4x128x32xf32, #tpu.memory_space<vmem>> -> memref<1x128x32xf32, #tpu.memory_space<vmem>>
      %dma_wait3A_55 = tpu.memref_squeeze %dma_wait3A_54 : memref<1x128x32xf32, #tpu.memory_space<vmem>> -> memref<128x32xf32, #tpu.memory_space<vmem>>
      %dma_wait3A_56 = arith.constant 0 : i32
      %dma_wait3A_57 = tpu.memref_slice %arg8[%dma_wait3A_51, %dma_wait3A_56] : memref<152x128xi32, #tpu.memory_space<vmem>> -> memref<1x128xi32, #tpu.memory_space<vmem>>
      %dma_wait3A_58 = tpu.memref_squeeze %dma_wait3A_57 : memref<1x128xi32, #tpu.memory_space<vmem>> -> memref<128xi32, #tpu.memory_space<vmem>>
      %dma_wait3A_59 = arith.constant 0 : i32
      %dma_wait3A_60 = arith.constant 0 : i32
      %dma_wait3A_61 = tpu.memref_slice %arg10[%dma_wait3A_59, %dma_wait3A_60] : memref<10112x32xf32, #tpu.memory_space<vmem_shared>> -> memref<10112x32xf32, #tpu.memory_space<vmem_shared>>
      tpu.wait_indirect_dma semaphore(%arg18 : memref<!tpu.dma_semaphore, #tpu.memory_space<semaphore_mem>>) src(%dma_wait3A_55 : memref<128x32xf32, #tpu.memory_space<vmem>>) dst(%dma_wait3A_61 : memref<10112x32xf32, #tpu.memory_space<vmem_shared>>)
    } else {
    }
    %barrier3A_14 = arith.constant 0 : index
    tpu.barrier barrier_id(%barrier3A_14)
    "tpu.region"() ({
      %run_scoped3A = tpu.sem_alloc : memref<!tpu.dma_semaphore, #tpu.memory_space<semaphore_mem>>
      %dma_start3A = arith.constant 0 : i32
      %dma_start3A_15 = tpu.memref_slice %arg6[%arg0, %mul3A_0, %dma_start3A] : memref<2x10112x32xf32, #tpu.memory_space<hbm>> -> memref<1x632x32xf32, #tpu.memory_space<hbm>>
      %dma_start3A_16 = tpu.memref_squeeze %dma_start3A_15 : memref<1x632x32xf32, #tpu.memory_space<hbm>> -> memref<632x32xf32, #tpu.memory_space<hbm>>
      %dma_start3A_17 = arith.constant 0 : i32
      %dma_start3A_18 = tpu.memref_slice %arg10[%mul3A_0, %dma_start3A_17] : memref<10112x32xf32, #tpu.memory_space<vmem_shared>> -> memref<632x32xf32, #tpu.memory_space<vmem_shared>>
      tpu.enqueue_dma source(%dma_start3A_18 : memref<632x32xf32, #tpu.memory_space<vmem_shared>>) target(%dma_start3A_16 : memref<632x32xf32, #tpu.memory_space<hbm>>) target_semaphore(%run_scoped3A : memref<!tpu.dma_semaphore, #tpu.memory_space<semaphore_mem>>)
      %dma_wait3A = arith.constant 0 : i32
      %dma_wait3A_19 = tpu.memref_slice %arg6[%arg0, %mul3A_0, %dma_wait3A] : memref<2x10112x32xf32, #tpu.memory_space<hbm>> -> memref<1x632x32xf32, #tpu.memory_space<hbm>>
      %dma_wait3A_20 = tpu.memref_squeeze %dma_wait3A_19 : memref<1x632x32xf32, #tpu.memory_space<hbm>> -> memref<632x32xf32, #tpu.memory_space<hbm>>
      %dma_wait3A_21 = arith.constant 0 : i32
      %dma_wait3A_22 = tpu.memref_slice %arg10[%mul3A_0, %dma_wait3A_21] : memref<10112x32xf32, #tpu.memory_space<vmem_shared>> -> memref<632x32xf32, #tpu.memory_space<vmem_shared>>
      tpu.wait_dma2 semaphore(%run_scoped3A : memref<!tpu.dma_semaphore, #tpu.memory_space<semaphore_mem>>) src(%dma_wait3A_22 : memref<632x32xf32, #tpu.memory_space<vmem_shared>>) dst(%dma_wait3A_20 : memref<632x32xf32, #tpu.memory_space<hbm>>)
      tpu.yield
    }) : () -> ()
    return
  }
}

module attributes {stable_mosaic.version = 14 : i64} {
  func.func @body(%arg0: memref<2x10112x64xf32, #tpu.memory_space<vmem>>, %arg1: memref<2x10112x64xf32, #tpu.memory_space<vmem>>, %arg2: memref<10000x128xf32, #tpu.memory_space<vmem>>, %arg3: memref<128x32xf32, #tpu.memory_space<vmem>>, %arg4: memref<32xf32, #tpu.memory_space<vmem>>, %arg5: memref<32xf32, #tpu.memory_space<vmem>>, %arg6: memref<32xf32, #tpu.memory_space<vmem>>, %arg7: memref<32x32xf32, #tpu.memory_space<vmem>>, %arg8: memref<32xf32, #tpu.memory_space<vmem>>, %arg9: memref<10000x32xf32, #tpu.memory_space<vmem>>) attributes {dimension_semantics = [], scalar_prefetch = 0 : i64, scratch_operands = 0 : i64, tpu.core_type = #tpu.core_type<tc>} {
    %get3A = arith.constant 0 : index
    %get3A_0 = arith.constant 0 : index
    %get3A_1 = arith.constant 0 : index
    %get3A_2 = vector.load %arg0[%get3A, %get3A_0, %get3A_1] : memref<2x10112x64xf32, #tpu.memory_space<vmem>>, vector<1x10000x64xf32>
    %get3A_3 = vector.shape_cast %get3A_2 : vector<1x10000x64xf32> to vector<10000x64xf32>
    %get3A_4 = arith.constant 1 : index
    %get3A_5 = arith.constant 0 : index
    %get3A_6 = arith.constant 0 : index
    %get3A_7 = vector.load %arg0[%get3A_4, %get3A_5, %get3A_6] : memref<2x10112x64xf32, #tpu.memory_space<vmem>>, vector<1x10000x64xf32>
    %get3A_8 = vector.shape_cast %get3A_7 : vector<1x10000x64xf32> to vector<10000x64xf32>
    %add3A = arith.addf %get3A_3, %get3A_8 : vector<10000x64xf32>
    %get3A_9 = arith.constant 0 : index
    %get3A_10 = arith.constant 0 : index
    %get3A_11 = arith.constant 0 : index
    %get3A_12 = vector.load %arg1[%get3A_9, %get3A_10, %get3A_11] : memref<2x10112x64xf32, #tpu.memory_space<vmem>>, vector<1x10000x64xf32>
    %get3A_13 = vector.shape_cast %get3A_12 : vector<1x10000x64xf32> to vector<10000x64xf32>
    %get3A_14 = arith.constant 1 : index
    %get3A_15 = arith.constant 0 : index
    %get3A_16 = arith.constant 0 : index
    %get3A_17 = vector.load %arg1[%get3A_14, %get3A_15, %get3A_16] : memref<2x10112x64xf32, #tpu.memory_space<vmem>>, vector<1x10000x64xf32>
    %get3A_18 = vector.shape_cast %get3A_17 : vector<1x10000x64xf32> to vector<10000x64xf32>
    %add3A_19 = arith.addf %get3A_13, %get3A_18 : vector<10000x64xf32>
    %concatenate3A = tpu.concatenate %add3A, %add3A_19 in 1 : vector<10000x64xf32>, vector<10000x64xf32> -> vector<10000x128xf32>
    %get3A_20 = arith.constant 0 : index
    %get3A_21 = arith.constant 0 : index
    %get3A_22 = vector.load %arg2[%get3A_20, %get3A_21] : memref<10000x128xf32, #tpu.memory_space<vmem>>, vector<10000x128xf32>
    %add3A_23 = arith.addf %get3A_22, %concatenate3A : vector<10000x128xf32>
    %get3A_24 = arith.constant 0 : index
    %get3A_25 = arith.constant 0 : index
    %get3A_26 = vector.load %arg3[%get3A_24, %get3A_25] : memref<128x32xf32, #tpu.memory_space<vmem>>, vector<128x32xf32>
    %dot_general3A = arith.constant dense<0.000000e+00> : vector<10000x32xf32>
    %dot_general3A_27 = tpu.matmul %add3A_23, %get3A_26, %dot_general3A {dimension_numbers = #tpu.dot_dimension_numbers<[1], [0], [0], [1], [0, 0, 1, 1], [], []>, transpose_lhs_hint = false} : vector<10000x128xf32>, vector<128x32xf32>, vector<10000x32xf32> -> vector<10000x32xf32>
    %get3A_28 = arith.constant 0 : index
    %get3A_29 = vector.load %arg4[%get3A_28] : memref<32xf32, #tpu.memory_space<vmem>>, vector<32xf32>
    %broadcast_in_dim3A = vector.shape_cast %get3A_29 : vector<32xf32> to vector<1x32xf32>
    %add3A_30 = vector.broadcast %broadcast_in_dim3A : vector<1x32xf32> to vector<10000x32xf32>
    %add3A_31 = arith.addf %dot_general3A_27, %add3A_30 : vector<10000x32xf32>
    %reduce_sum3A = arith.constant dense<0.000000e+00> : vector<32xf32>
    %reduce_sum3A_32 = vector.multi_reduction <add>, %add3A_31, %reduce_sum3A [0] : vector<10000x32xf32> to vector<32xf32>
    %div3A = arith.constant 1.000000e+04 : f32
    %div3A_33 = vector.broadcast %div3A : f32 to vector<32xf32>
    %div3A_34 = arith.divf %reduce_sum3A_32, %div3A_33 : vector<32xf32>
    %broadcast_in_dim3A_35 = vector.shape_cast %div3A_34 : vector<32xf32> to vector<1x32xf32>
    %sub3A = vector.broadcast %broadcast_in_dim3A_35 : vector<1x32xf32> to vector<10000x32xf32>
    %sub3A_36 = arith.subf %add3A_31, %sub3A : vector<10000x32xf32>
    %integer_pow3A = arith.mulf %sub3A_36, %sub3A_36 : vector<10000x32xf32>
    %reduce_sum3A_37 = arith.constant dense<0.000000e+00> : vector<32xf32>
    %reduce_sum3A_38 = vector.multi_reduction <add>, %integer_pow3A, %reduce_sum3A_37 [0] : vector<10000x32xf32> to vector<32xf32>
    %div3A_39 = arith.constant 1.000000e+04 : f32
    %div3A_40 = vector.broadcast %div3A_39 : f32 to vector<32xf32>
    %div3A_41 = arith.divf %reduce_sum3A_38, %div3A_40 : vector<32xf32>
    %broadcast_in_dim3A_42 = vector.shape_cast %div3A_34 : vector<32xf32> to vector<1x32xf32>
    %sub3A_43 = vector.broadcast %broadcast_in_dim3A_42 : vector<1x32xf32> to vector<10000x32xf32>
    %sub3A_44 = arith.subf %add3A_31, %sub3A_43 : vector<10000x32xf32>
    %add3A_45 = arith.constant 9.99999974E-6 : f32
    %add3A_46 = vector.broadcast %add3A_45 : f32 to vector<32xf32>
    %add3A_47 = arith.addf %div3A_41, %add3A_46 : vector<32xf32>
    %sqrt3A = math.sqrt %add3A_47 : vector<32xf32>
    %broadcast_in_dim3A_48 = vector.shape_cast %sqrt3A : vector<32xf32> to vector<1x32xf32>
    %div3A_49 = vector.broadcast %broadcast_in_dim3A_48 : vector<1x32xf32> to vector<10000x32xf32>
    %div3A_50 = arith.divf %sub3A_44, %div3A_49 : vector<10000x32xf32>
    %get3A_51 = arith.constant 0 : index
    %get3A_52 = vector.load %arg5[%get3A_51] : memref<32xf32, #tpu.memory_space<vmem>>, vector<32xf32>
    %broadcast_in_dim3A_53 = vector.shape_cast %get3A_52 : vector<32xf32> to vector<1x32xf32>
    %mul3A = vector.broadcast %broadcast_in_dim3A_53 : vector<1x32xf32> to vector<10000x32xf32>
    %mul3A_54 = arith.mulf %div3A_50, %mul3A : vector<10000x32xf32>
    %get3A_55 = arith.constant 0 : index
    %get3A_56 = vector.load %arg6[%get3A_55] : memref<32xf32, #tpu.memory_space<vmem>>, vector<32xf32>
    %broadcast_in_dim3A_57 = vector.shape_cast %get3A_56 : vector<32xf32> to vector<1x32xf32>
    %add3A_58 = vector.broadcast %broadcast_in_dim3A_57 : vector<1x32xf32> to vector<10000x32xf32>
    %add3A_59 = arith.addf %mul3A_54, %add3A_58 : vector<10000x32xf32>
    %max3A = arith.constant 0.000000e+00 : f32
    %max3A_60 = vector.broadcast %max3A : f32 to vector<10000x32xf32>
    %max3A_61 = arith.maximumf %add3A_59, %max3A_60 : vector<10000x32xf32>
    %get3A_62 = arith.constant 0 : index
    %get3A_63 = arith.constant 0 : index
    %get3A_64 = vector.load %arg7[%get3A_62, %get3A_63] : memref<32x32xf32, #tpu.memory_space<vmem>>, vector<32x32xf32>
    %dot_general3A_65 = arith.constant dense<0.000000e+00> : vector<10000x32xf32>
    %dot_general3A_66 = tpu.matmul %max3A_61, %get3A_64, %dot_general3A_65 {dimension_numbers = #tpu.dot_dimension_numbers<[1], [0], [0], [1], [0, 0, 1, 1], [], []>, transpose_lhs_hint = false} : vector<10000x32xf32>, vector<32x32xf32>, vector<10000x32xf32> -> vector<10000x32xf32>
    %get3A_67 = arith.constant 0 : index
    %get3A_68 = vector.load %arg8[%get3A_67] : memref<32xf32, #tpu.memory_space<vmem>>, vector<32xf32>
    %broadcast_in_dim3A_69 = vector.shape_cast %get3A_68 : vector<32xf32> to vector<1x32xf32>
    %add3A_70 = vector.broadcast %broadcast_in_dim3A_69 : vector<1x32xf32> to vector<10000x32xf32>
    %add3A_71 = arith.addf %dot_general3A_66, %add3A_70 : vector<10000x32xf32>
    %max3A_72 = arith.constant 0.000000e+00 : f32
    %max3A_73 = vector.broadcast %max3A_72 : f32 to vector<10000x32xf32>
    %max3A_74 = arith.maximumf %add3A_71, %max3A_73 : vector<10000x32xf32>
    %swap3A = arith.constant 0 : index
    %swap3A_75 = arith.constant 0 : index
    %swap3A_76 = vector.load %arg9[%swap3A, %swap3A_75] : memref<10000x32xf32, #tpu.memory_space<vmem>>, vector<10000x32xf32>
    tpu.vector_store %arg9[%swap3A, %swap3A_75], %max3A_74 {strides = array<i32>} : memref<10000x32xf32, #tpu.memory_space<vmem>>, vector<10000x32xf32>,
    return
  }
}

module attributes {stable_mosaic.version = 14 : i64} {
  func.func @body(%arg0: memref<2x10112x32xf32, #tpu.memory_space<vmem>>, %arg1: memref<10000x32xf32, #tpu.memory_space<vmem>>, %arg2: memref<10000x1xi32, #tpu.memory_space<vmem>>, %arg3: memref<32x32xf32, #tpu.memory_space<vmem>>, %arg4: memref<32xf32, #tpu.memory_space<vmem>>, %arg5: memref<32xf32, #tpu.memory_space<vmem>>, %arg6: memref<32xf32, #tpu.memory_space<vmem>>, %arg7: memref<32x32xf32, #tpu.memory_space<vmem>>, %arg8: memref<32xf32, #tpu.memory_space<vmem>>, %arg9: memref<64x32xf32, #tpu.memory_space<vmem>>, %arg10: memref<32xf32, #tpu.memory_space<vmem>>, %arg11: memref<32x2xf32, #tpu.memory_space<vmem>>, %arg12: memref<2xf32, #tpu.memory_space<vmem>>, %arg13: memref<16x2xf32, #tpu.memory_space<vmem>>) attributes {dimension_semantics = [], scalar_prefetch = 0 : i64, scratch_operands = 0 : i64, tpu.core_type = #tpu.core_type<tc>} {
    %get3A = arith.constant 0 : index
    %get3A_0 = arith.constant 0 : index
    %get3A_1 = vector.load %arg1[%get3A, %get3A_0] : memref<10000x32xf32, #tpu.memory_space<vmem>>, vector<10000x32xf32>
    %get3A_2 = arith.constant 0 : index
    %get3A_3 = arith.constant 0 : index
    %get3A_4 = vector.load %arg3[%get3A_2, %get3A_3] : memref<32x32xf32, #tpu.memory_space<vmem>>, vector<32x32xf32>
    %get3A_5 = arith.constant 0 : index
    %get3A_6 = vector.load %arg4[%get3A_5] : memref<32xf32, #tpu.memory_space<vmem>>, vector<32xf32>
    %get3A_7 = arith.constant 0 : index
    %get3A_8 = vector.load %arg5[%get3A_7] : memref<32xf32, #tpu.memory_space<vmem>>, vector<32xf32>
    %get3A_9 = arith.constant 0 : index
    %get3A_10 = vector.load %arg6[%get3A_9] : memref<32xf32, #tpu.memory_space<vmem>>, vector<32xf32>
    %get3A_11 = arith.constant 0 : index
    %get3A_12 = arith.constant 0 : index
    %get3A_13 = vector.load %arg7[%get3A_11, %get3A_12] : memref<32x32xf32, #tpu.memory_space<vmem>>, vector<32x32xf32>
    %get3A_14 = arith.constant 0 : index
    %get3A_15 = vector.load %arg8[%get3A_14] : memref<32xf32, #tpu.memory_space<vmem>>, vector<32xf32>
    %get3A_16 = arith.constant 0 : index
    %get3A_17 = arith.constant 0 : index
    %get3A_18 = arith.constant 0 : index
    %get3A_19 = vector.load %arg0[%get3A_16, %get3A_17, %get3A_18] : memref<2x10112x32xf32, #tpu.memory_space<vmem>>, vector<1x10000x32xf32>
    %get3A_20 = vector.shape_cast %get3A_19 : vector<1x10000x32xf32> to vector<10000x32xf32>
    %add3A = arith.addf %get3A_1, %get3A_20 : vector<10000x32xf32>
    %get3A_21 = arith.constant 1 : index
    %get3A_22 = arith.constant 0 : index
    %get3A_23 = arith.constant 0 : index
    %get3A_24 = vector.load %arg0[%get3A_21, %get3A_22, %get3A_23] : memref<2x10112x32xf32, #tpu.memory_space<vmem>>, vector<1x10000x32xf32>
    %get3A_25 = vector.shape_cast %get3A_24 : vector<1x10000x32xf32> to vector<10000x32xf32>
    %add3A_26 = arith.addf %add3A, %get3A_25 : vector<10000x32xf32>
    %dot_general3A = arith.constant dense<0.000000e+00> : vector<10000x32xf32>
    %dot_general3A_27 = tpu.matmul %add3A_26, %get3A_4, %dot_general3A {dimension_numbers = #tpu.dot_dimension_numbers<[1], [0], [0], [1], [0, 0, 1, 1], [], []>, transpose_lhs_hint = false} : vector<10000x32xf32>, vector<32x32xf32>, vector<10000x32xf32> -> vector<10000x32xf32>
    %broadcast_in_dim3A = vector.shape_cast %get3A_6 : vector<32xf32> to vector<1x32xf32>
    %add3A_28 = vector.broadcast %broadcast_in_dim3A : vector<1x32xf32> to vector<10000x32xf32>
    %add3A_29 = arith.addf %dot_general3A_27, %add3A_28 : vector<10000x32xf32>
    %reduce_sum3A = arith.constant dense<0.000000e+00> : vector<32xf32>
    %reduce_sum3A_30 = vector.multi_reduction <add>, %add3A_29, %reduce_sum3A [0] : vector<10000x32xf32> to vector<32xf32>
    %div3A = arith.constant 1.000000e+04 : f32
    %div3A_31 = vector.broadcast %div3A : f32 to vector<32xf32>
    %div3A_32 = arith.divf %reduce_sum3A_30, %div3A_31 : vector<32xf32>
    %broadcast_in_dim3A_33 = vector.shape_cast %div3A_32 : vector<32xf32> to vector<1x32xf32>
    %sub3A = vector.broadcast %broadcast_in_dim3A_33 : vector<1x32xf32> to vector<10000x32xf32>
    %sub3A_34 = arith.subf %add3A_29, %sub3A : vector<10000x32xf32>
    %integer_pow3A = arith.mulf %sub3A_34, %sub3A_34 : vector<10000x32xf32>
    %reduce_sum3A_35 = arith.constant dense<0.000000e+00> : vector<32xf32>
    %reduce_sum3A_36 = vector.multi_reduction <add>, %integer_pow3A, %reduce_sum3A_35 [0] : vector<10000x32xf32> to vector<32xf32>
    %div3A_37 = arith.constant 1.000000e+04 : f32
    %div3A_38 = vector.broadcast %div3A_37 : f32 to vector<32xf32>
    %div3A_39 = arith.divf %reduce_sum3A_36, %div3A_38 : vector<32xf32>
    %broadcast_in_dim3A_40 = vector.shape_cast %div3A_32 : vector<32xf32> to vector<1x32xf32>
    %sub3A_41 = vector.broadcast %broadcast_in_dim3A_40 : vector<1x32xf32> to vector<10000x32xf32>
    %sub3A_42 = arith.subf %add3A_29, %sub3A_41 : vector<10000x32xf32>
    %add3A_43 = arith.constant 9.99999974E-6 : f32
    %add3A_44 = vector.broadcast %add3A_43 : f32 to vector<32xf32>
    %add3A_45 = arith.addf %div3A_39, %add3A_44 : vector<32xf32>
    %sqrt3A = math.sqrt %add3A_45 : vector<32xf32>
    %broadcast_in_dim3A_46 = vector.shape_cast %sqrt3A : vector<32xf32> to vector<1x32xf32>
    %div3A_47 = vector.broadcast %broadcast_in_dim3A_46 : vector<1x32xf32> to vector<10000x32xf32>
    %div3A_48 = arith.divf %sub3A_42, %div3A_47 : vector<10000x32xf32>
    %broadcast_in_dim3A_49 = vector.shape_cast %get3A_8 : vector<32xf32> to vector<1x32xf32>
    %mul3A = vector.broadcast %broadcast_in_dim3A_49 : vector<1x32xf32> to vector<10000x32xf32>
    %mul3A_50 = arith.mulf %div3A_48, %mul3A : vector<10000x32xf32>
    %broadcast_in_dim3A_51 = vector.shape_cast %get3A_10 : vector<32xf32> to vector<1x32xf32>
    %add3A_52 = vector.broadcast %broadcast_in_dim3A_51 : vector<1x32xf32> to vector<10000x32xf32>
    %add3A_53 = arith.addf %mul3A_50, %add3A_52 : vector<10000x32xf32>
    %max3A = arith.constant 0.000000e+00 : f32
    %max3A_54 = vector.broadcast %max3A : f32 to vector<10000x32xf32>
    %max3A_55 = arith.maximumf %add3A_53, %max3A_54 : vector<10000x32xf32>
    %dot_general3A_56 = arith.constant dense<0.000000e+00> : vector<10000x32xf32>
    %dot_general3A_57 = tpu.matmul %max3A_55, %get3A_13, %dot_general3A_56 {dimension_numbers = #tpu.dot_dimension_numbers<[1], [0], [0], [1], [0, 0, 1, 1], [], []>, transpose_lhs_hint = false} : vector<10000x32xf32>, vector<32x32xf32>, vector<10000x32xf32> -> vector<10000x32xf32>
    %broadcast_in_dim3A_58 = vector.shape_cast %get3A_15 : vector<32xf32> to vector<1x32xf32>
    %add3A_59 = vector.broadcast %broadcast_in_dim3A_58 : vector<1x32xf32> to vector<10000x32xf32>
    %add3A_60 = arith.addf %dot_general3A_57, %add3A_59 : vector<10000x32xf32>
    %get3A_61 = arith.constant 0 : index
    %get3A_62 = arith.constant 0 : index
    %get3A_63 = vector.load %arg2[%get3A_61, %get3A_62] : memref<10000x1xi32, #tpu.memory_space<vmem>>, vector<10000x1xi32>
    %eq3A = arith.constant 0 : i32
    %eq3A_64 = vector.broadcast %eq3A : i32 to vector<10000x1xi32>
    %eq3A_65 = arith.cmpi eq, %get3A_63, %eq3A_64 : vector<10000x1xi32>
    %convert_element_type3A = arith.extui %eq3A_65 : vector<10000x1xi1> to vector<10000x1xi32>
    %convert_element_type3A_66 = arith.sitofp %convert_element_type3A : vector<10000x1xi32> to vector<10000x1xf32>
    %reduce_sum3A_67 = vector.shape_cast %convert_element_type3A_66 : vector<10000x1xf32> to vector<1x10000x1xf32>
    %reduce_sum3A_68 = arith.constant dense<0.000000e+00> : vector<1xf32>
    %reduce_sum3A_69 = vector.multi_reduction <add>, %reduce_sum3A_67, %reduce_sum3A_68 [1, 2] : vector<1x10000x1xf32> to vector<1xf32>
    %reduce_sum3A_70 = vector.shape_cast %reduce_sum3A_69 : vector<1xf32> to vector<1x1x1xf32>
    %reduce_sum3A_71 = vector.extract %reduce_sum3A_70[0, 0, 0] : f32 from vector<1x1x1xf32>
    %jit3A = arith.constant 0.000000e+00 : f32
    %broadcast_in_dim3A_72 = vector.shape_cast %eq3A_65 : vector<10000x1xi1> to vector<10000x1xi1>
    %broadcast_in_dim3A_73 = vector.broadcast %broadcast_in_dim3A_72 : vector<10000x1xi1> to vector<10000x32xi1>
    %broadcast_in_dim3A_74 = vector.broadcast %jit3A : f32 to vector<10000x32xf32>
    %select_n3A = arith.select %broadcast_in_dim3A_73, %add3A_60, %broadcast_in_dim3A_74 : vector<10000x32xi1>, vector<10000x32xf32>
    %reduce_sum3A_75 = arith.constant dense<0.000000e+00> : vector<32xf32>
    %reduce_sum3A_76 = vector.multi_reduction <add>, %select_n3A, %reduce_sum3A_75 [0] : vector<10000x32xf32> to vector<32xf32>
    %max3A_77 = arith.constant 1.000000e+00 : f32
    %max3A_78 = arith.maximumf %reduce_sum3A_71, %max3A_77 : f32
    %div3A_79 = vector.broadcast %max3A_78 : f32 to vector<32xf32>
    %div3A_80 = arith.divf %reduce_sum3A_76, %div3A_79 : vector<32xf32>
    %jit3A_81 = arith.constant 0xFF800000 : f32
    %broadcast_in_dim3A_82 = vector.shape_cast %eq3A_65 : vector<10000x1xi1> to vector<10000x1xi1>
    %broadcast_in_dim3A_83 = vector.broadcast %broadcast_in_dim3A_82 : vector<10000x1xi1> to vector<10000x32xi1>
    %broadcast_in_dim3A_84 = vector.broadcast %jit3A_81 : f32 to vector<10000x32xf32>
    %select_n3A_85 = arith.select %broadcast_in_dim3A_83, %add3A_60, %broadcast_in_dim3A_84 : vector<10000x32xi1>, vector<10000x32xf32>
    %reduce_max3A = arith.constant dense<0xFF800000> : vector<32xf32>
    %reduce_max3A_86 = vector.multi_reduction <maximumf>, %select_n3A_85, %reduce_max3A [0] : vector<10000x32xf32> to vector<32xf32>
    %eq3A_87 = arith.constant 1 : i32
    %eq3A_88 = vector.broadcast %eq3A_87 : i32 to vector<10000x1xi32>
    %eq3A_89 = arith.cmpi eq, %get3A_63, %eq3A_88 : vector<10000x1xi32>
    %convert_element_type3A_90 = arith.extui %eq3A_89 : vector<10000x1xi1> to vector<10000x1xi32>
    %convert_element_type3A_91 = arith.sitofp %convert_element_type3A_90 : vector<10000x1xi32> to vector<10000x1xf32>
    %reduce_sum3A_92 = vector.shape_cast %convert_element_type3A_91 : vector<10000x1xf32> to vector<1x10000x1xf32>
    %reduce_sum3A_93 = arith.constant dense<0.000000e+00> : vector<1xf32>
    %reduce_sum3A_94 = vector.multi_reduction <add>, %reduce_sum3A_92, %reduce_sum3A_93 [1, 2] : vector<1x10000x1xf32> to vector<1xf32>
    %reduce_sum3A_95 = vector.shape_cast %reduce_sum3A_94 : vector<1xf32> to vector<1x1x1xf32>
    %reduce_sum3A_96 = vector.extract %reduce_sum3A_95[0, 0, 0] : f32 from vector<1x1x1xf32>
    %jit3A_97 = arith.constant 0.000000e+00 : f32
    %broadcast_in_dim3A_98 = vector.shape_cast %eq3A_89 : vector<10000x1xi1> to vector<10000x1xi1>
    %broadcast_in_dim3A_99 = vector.broadcast %broadcast_in_dim3A_98 : vector<10000x1xi1> to vector<10000x32xi1>
    %broadcast_in_dim3A_100 = vector.broadcast %jit3A_97 : f32 to vector<10000x32xf32>
    %select_n3A_101 = arith.select %broadcast_in_dim3A_99, %add3A_60, %broadcast_in_dim3A_100 : vector<10000x32xi1>, vector<10000x32xf32>
    %reduce_sum3A_102 = arith.constant dense<0.000000e+00> : vector<32xf32>
    %reduce_sum3A_103 = vector.multi_reduction <add>, %select_n3A_101, %reduce_sum3A_102 [0] : vector<10000x32xf32> to vector<32xf32>
    %max3A_104 = arith.constant 1.000000e+00 : f32
    %max3A_105 = arith.maximumf %reduce_sum3A_96, %max3A_104 : f32
    %div3A_106 = vector.broadcast %max3A_105 : f32 to vector<32xf32>
    %div3A_107 = arith.divf %reduce_sum3A_103, %div3A_106 : vector<32xf32>
    %jit3A_108 = arith.constant 0xFF800000 : f32
    %broadcast_in_dim3A_109 = vector.shape_cast %eq3A_89 : vector<10000x1xi1> to vector<10000x1xi1>
    %broadcast_in_dim3A_110 = vector.broadcast %broadcast_in_dim3A_109 : vector<10000x1xi1> to vector<10000x32xi1>
    %broadcast_in_dim3A_111 = vector.broadcast %jit3A_108 : f32 to vector<10000x32xf32>
    %select_n3A_112 = arith.select %broadcast_in_dim3A_110, %add3A_60, %broadcast_in_dim3A_111 : vector<10000x32xi1>, vector<10000x32xf32>
    %reduce_max3A_113 = arith.constant dense<0xFF800000> : vector<32xf32>
    %reduce_max3A_114 = vector.multi_reduction <maximumf>, %select_n3A_112, %reduce_max3A_113 [0] : vector<10000x32xf32> to vector<32xf32>
    %eq3A_115 = arith.constant 2 : i32
    %eq3A_116 = vector.broadcast %eq3A_115 : i32 to vector<10000x1xi32>
    %eq3A_117 = arith.cmpi eq, %get3A_63, %eq3A_116 : vector<10000x1xi32>
    %convert_element_type3A_118 = arith.extui %eq3A_117 : vector<10000x1xi1> to vector<10000x1xi32>
    %convert_element_type3A_119 = arith.sitofp %convert_element_type3A_118 : vector<10000x1xi32> to vector<10000x1xf32>
    %reduce_sum3A_120 = vector.shape_cast %convert_element_type3A_119 : vector<10000x1xf32> to vector<1x10000x1xf32>
    %reduce_sum3A_121 = arith.constant dense<0.000000e+00> : vector<1xf32>
    %reduce_sum3A_122 = vector.multi_reduction <add>, %reduce_sum3A_120, %reduce_sum3A_121 [1, 2] : vector<1x10000x1xf32> to vector<1xf32>
    %reduce_sum3A_123 = vector.shape_cast %reduce_sum3A_122 : vector<1xf32> to vector<1x1x1xf32>
    %reduce_sum3A_124 = vector.extract %reduce_sum3A_123[0, 0, 0] : f32 from vector<1x1x1xf32>
    %jit3A_125 = arith.constant 0.000000e+00 : f32
    %broadcast_in_dim3A_126 = vector.shape_cast %eq3A_117 : vector<10000x1xi1> to vector<10000x1xi1>
    %broadcast_in_dim3A_127 = vector.broadcast %broadcast_in_dim3A_126 : vector<10000x1xi1> to vector<10000x32xi1>
    %broadcast_in_dim3A_128 = vector.broadcast %jit3A_125 : f32 to vector<10000x32xf32>
    %select_n3A_129 = arith.select %broadcast_in_dim3A_127, %add3A_60, %broadcast_in_dim3A_128 : vector<10000x32xi1>, vector<10000x32xf32>
    %reduce_sum3A_130 = arith.constant dense<0.000000e+00> : vector<32xf32>
    %reduce_sum3A_131 = vector.multi_reduction <add>, %select_n3A_129, %reduce_sum3A_130 [0] : vector<10000x32xf32> to vector<32xf32>
    %max3A_132 = arith.constant 1.000000e+00 : f32
    %max3A_133 = arith.maximumf %reduce_sum3A_124, %max3A_132 : f32
    %div3A_134 = vector.broadcast %max3A_133 : f32 to vector<32xf32>
    %div3A_135 = arith.divf %reduce_sum3A_131, %div3A_134 : vector<32xf32>
    %jit3A_136 = arith.constant 0xFF800000 : f32
    %broadcast_in_dim3A_137 = vector.shape_cast %eq3A_117 : vector<10000x1xi1> to vector<10000x1xi1>
    %broadcast_in_dim3A_138 = vector.broadcast %broadcast_in_dim3A_137 : vector<10000x1xi1> to vector<10000x32xi1>
    %broadcast_in_dim3A_139 = vector.broadcast %jit3A_136 : f32 to vector<10000x32xf32>
    %select_n3A_140 = arith.select %broadcast_in_dim3A_138, %add3A_60, %broadcast_in_dim3A_139 : vector<10000x32xi1>, vector<10000x32xf32>
    %reduce_max3A_141 = arith.constant dense<0xFF800000> : vector<32xf32>
    %reduce_max3A_142 = vector.multi_reduction <maximumf>, %select_n3A_140, %reduce_max3A_141 [0] : vector<10000x32xf32> to vector<32xf32>
    %eq3A_143 = arith.constant 3 : i32
    %eq3A_144 = vector.broadcast %eq3A_143 : i32 to vector<10000x1xi32>
    %eq3A_145 = arith.cmpi eq, %get3A_63, %eq3A_144 : vector<10000x1xi32>
    %convert_element_type3A_146 = arith.extui %eq3A_145 : vector<10000x1xi1> to vector<10000x1xi32>
    %convert_element_type3A_147 = arith.sitofp %convert_element_type3A_146 : vector<10000x1xi32> to vector<10000x1xf32>
    %reduce_sum3A_148 = vector.shape_cast %convert_element_type3A_147 : vector<10000x1xf32> to vector<1x10000x1xf32>
    %reduce_sum3A_149 = arith.constant dense<0.000000e+00> : vector<1xf32>
    %reduce_sum3A_150 = vector.multi_reduction <add>, %reduce_sum3A_148, %reduce_sum3A_149 [1, 2] : vector<1x10000x1xf32> to vector<1xf32>
    %reduce_sum3A_151 = vector.shape_cast %reduce_sum3A_150 : vector<1xf32> to vector<1x1x1xf32>
    %reduce_sum3A_152 = vector.extract %reduce_sum3A_151[0, 0, 0] : f32 from vector<1x1x1xf32>
    %jit3A_153 = arith.constant 0.000000e+00 : f32
    %broadcast_in_dim3A_154 = vector.shape_cast %eq3A_145 : vector<10000x1xi1> to vector<10000x1xi1>
    %broadcast_in_dim3A_155 = vector.broadcast %broadcast_in_dim3A_154 : vector<10000x1xi1> to vector<10000x32xi1>
    %broadcast_in_dim3A_156 = vector.broadcast %jit3A_153 : f32 to vector<10000x32xf32>
    %select_n3A_157 = arith.select %broadcast_in_dim3A_155, %add3A_60, %broadcast_in_dim3A_156 : vector<10000x32xi1>, vector<10000x32xf32>
    %reduce_sum3A_158 = arith.constant dense<0.000000e+00> : vector<32xf32>
    %reduce_sum3A_159 = vector.multi_reduction <add>, %select_n3A_157, %reduce_sum3A_158 [0] : vector<10000x32xf32> to vector<32xf32>
    %max3A_160 = arith.constant 1.000000e+00 : f32
    %max3A_161 = arith.maximumf %reduce_sum3A_152, %max3A_160 : f32
    %div3A_162 = vector.broadcast %max3A_161 : f32 to vector<32xf32>
    %div3A_163 = arith.divf %reduce_sum3A_159, %div3A_162 : vector<32xf32>
    %jit3A_164 = arith.constant 0xFF800000 : f32
    %broadcast_in_dim3A_165 = vector.shape_cast %eq3A_145 : vector<10000x1xi1> to vector<10000x1xi1>
    %broadcast_in_dim3A_166 = vector.broadcast %broadcast_in_dim3A_165 : vector<10000x1xi1> to vector<10000x32xi1>
    %broadcast_in_dim3A_167 = vector.broadcast %jit3A_164 : f32 to vector<10000x32xf32>
    %select_n3A_168 = arith.select %broadcast_in_dim3A_166, %add3A_60, %broadcast_in_dim3A_167 : vector<10000x32xi1>, vector<10000x32xf32>
    %reduce_max3A_169 = arith.constant dense<0xFF800000> : vector<32xf32>
    %reduce_max3A_170 = vector.multi_reduction <maximumf>, %select_n3A_168, %reduce_max3A_169 [0] : vector<10000x32xf32> to vector<32xf32>
    %eq3A_171 = arith.constant 4 : i32
    %eq3A_172 = vector.broadcast %eq3A_171 : i32 to vector<10000x1xi32>
    %eq3A_173 = arith.cmpi eq, %get3A_63, %eq3A_172 : vector<10000x1xi32>
    %convert_element_type3A_174 = arith.extui %eq3A_173 : vector<10000x1xi1> to vector<10000x1xi32>
    %convert_element_type3A_175 = arith.sitofp %convert_element_type3A_174 : vector<10000x1xi32> to vector<10000x1xf32>
    %reduce_sum3A_176 = vector.shape_cast %convert_element_type3A_175 : vector<10000x1xf32> to vector<1x10000x1xf32>
    %reduce_sum3A_177 = arith.constant dense<0.000000e+00> : vector<1xf32>
    %reduce_sum3A_178 = vector.multi_reduction <add>, %reduce_sum3A_176, %reduce_sum3A_177 [1, 2] : vector<1x10000x1xf32> to vector<1xf32>
    %reduce_sum3A_179 = vector.shape_cast %reduce_sum3A_178 : vector<1xf32> to vector<1x1x1xf32>
    %reduce_sum3A_180 = vector.extract %reduce_sum3A_179[0, 0, 0] : f32 from vector<1x1x1xf32>
    %jit3A_181 = arith.constant 0.000000e+00 : f32
    %broadcast_in_dim3A_182 = vector.shape_cast %eq3A_173 : vector<10000x1xi1> to vector<10000x1xi1>
    %broadcast_in_dim3A_183 = vector.broadcast %broadcast_in_dim3A_182 : vector<10000x1xi1> to vector<10000x32xi1>
    %broadcast_in_dim3A_184 = vector.broadcast %jit3A_181 : f32 to vector<10000x32xf32>
    %select_n3A_185 = arith.select %broadcast_in_dim3A_183, %add3A_60, %broadcast_in_dim3A_184 : vector<10000x32xi1>, vector<10000x32xf32>
    %reduce_sum3A_186 = arith.constant dense<0.000000e+00> : vector<32xf32>
    %reduce_sum3A_187 = vector.multi_reduction <add>, %select_n3A_185, %reduce_sum3A_186 [0] : vector<10000x32xf32> to vector<32xf32>
    %max3A_188 = arith.constant 1.000000e+00 : f32
    %max3A_189 = arith.maximumf %reduce_sum3A_180, %max3A_188 : f32
    %div3A_190 = vector.broadcast %max3A_189 : f32 to vector<32xf32>
    %div3A_191 = arith.divf %reduce_sum3A_187, %div3A_190 : vector<32xf32>
    %jit3A_192 = arith.constant 0xFF800000 : f32
    %broadcast_in_dim3A_193 = vector.shape_cast %eq3A_173 : vector<10000x1xi1> to vector<10000x1xi1>
    %broadcast_in_dim3A_194 = vector.broadcast %broadcast_in_dim3A_193 : vector<10000x1xi1> to vector<10000x32xi1>
    %broadcast_in_dim3A_195 = vector.broadcast %jit3A_192 : f32 to vector<10000x32xf32>
    %select_n3A_196 = arith.select %broadcast_in_dim3A_194, %add3A_60, %broadcast_in_dim3A_195 : vector<10000x32xi1>, vector<10000x32xf32>
    %reduce_max3A_197 = arith.constant dense<0xFF800000> : vector<32xf32>
    %reduce_max3A_198 = vector.multi_reduction <maximumf>, %select_n3A_196, %reduce_max3A_197 [0] : vector<10000x32xf32> to vector<32xf32>
    %eq3A_199 = arith.constant 5 : i32
    %eq3A_200 = vector.broadcast %eq3A_199 : i32 to vector<10000x1xi32>
    %eq3A_201 = arith.cmpi eq, %get3A_63, %eq3A_200 : vector<10000x1xi32>
    %convert_element_type3A_202 = arith.extui %eq3A_201 : vector<10000x1xi1> to vector<10000x1xi32>
    %convert_element_type3A_203 = arith.sitofp %convert_element_type3A_202 : vector<10000x1xi32> to vector<10000x1xf32>
    %reduce_sum3A_204 = vector.shape_cast %convert_element_type3A_203 : vector<10000x1xf32> to vector<1x10000x1xf32>
    %reduce_sum3A_205 = arith.constant dense<0.000000e+00> : vector<1xf32>
    %reduce_sum3A_206 = vector.multi_reduction <add>, %reduce_sum3A_204, %reduce_sum3A_205 [1, 2] : vector<1x10000x1xf32> to vector<1xf32>
    %reduce_sum3A_207 = vector.shape_cast %reduce_sum3A_206 : vector<1xf32> to vector<1x1x1xf32>
    %reduce_sum3A_208 = vector.extract %reduce_sum3A_207[0, 0, 0] : f32 from vector<1x1x1xf32>
    %jit3A_209 = arith.constant 0.000000e+00 : f32
    %broadcast_in_dim3A_210 = vector.shape_cast %eq3A_201 : vector<10000x1xi1> to vector<10000x1xi1>
    %broadcast_in_dim3A_211 = vector.broadcast %broadcast_in_dim3A_210 : vector<10000x1xi1> to vector<10000x32xi1>
    %broadcast_in_dim3A_212 = vector.broadcast %jit3A_209 : f32 to vector<10000x32xf32>
    %select_n3A_213 = arith.select %broadcast_in_dim3A_211, %add3A_60, %broadcast_in_dim3A_212 : vector<10000x32xi1>, vector<10000x32xf32>
    %reduce_sum3A_214 = arith.constant dense<0.000000e+00> : vector<32xf32>
    %reduce_sum3A_215 = vector.multi_reduction <add>, %select_n3A_213, %reduce_sum3A_214 [0] : vector<10000x32xf32> to vector<32xf32>
    %max3A_216 = arith.constant 1.000000e+00 : f32
    %max3A_217 = arith.maximumf %reduce_sum3A_208, %max3A_216 : f32
    %div3A_218 = vector.broadcast %max3A_217 : f32 to vector<32xf32>
    %div3A_219 = arith.divf %reduce_sum3A_215, %div3A_218 : vector<32xf32>
    %jit3A_220 = arith.constant 0xFF800000 : f32
    %broadcast_in_dim3A_221 = vector.shape_cast %eq3A_201 : vector<10000x1xi1> to vector<10000x1xi1>
    %broadcast_in_dim3A_222 = vector.broadcast %broadcast_in_dim3A_221 : vector<10000x1xi1> to vector<10000x32xi1>
    %broadcast_in_dim3A_223 = vector.broadcast %jit3A_220 : f32 to vector<10000x32xf32>
    %select_n3A_224 = arith.select %broadcast_in_dim3A_222, %add3A_60, %broadcast_in_dim3A_223 : vector<10000x32xi1>, vector<10000x32xf32>
    %reduce_max3A_225 = arith.constant dense<0xFF800000> : vector<32xf32>
    %reduce_max3A_226 = vector.multi_reduction <maximumf>, %select_n3A_224, %reduce_max3A_225 [0] : vector<10000x32xf32> to vector<32xf32>
    %eq3A_227 = arith.constant 6 : i32
    %eq3A_228 = vector.broadcast %eq3A_227 : i32 to vector<10000x1xi32>
    %eq3A_229 = arith.cmpi eq, %get3A_63, %eq3A_228 : vector<10000x1xi32>
    %convert_element_type3A_230 = arith.extui %eq3A_229 : vector<10000x1xi1> to vector<10000x1xi32>
    %convert_element_type3A_231 = arith.sitofp %convert_element_type3A_230 : vector<10000x1xi32> to vector<10000x1xf32>
    %reduce_sum3A_232 = vector.shape_cast %convert_element_type3A_231 : vector<10000x1xf32> to vector<1x10000x1xf32>
    %reduce_sum3A_233 = arith.constant dense<0.000000e+00> : vector<1xf32>
    %reduce_sum3A_234 = vector.multi_reduction <add>, %reduce_sum3A_232, %reduce_sum3A_233 [1, 2] : vector<1x10000x1xf32> to vector<1xf32>
    %reduce_sum3A_235 = vector.shape_cast %reduce_sum3A_234 : vector<1xf32> to vector<1x1x1xf32>
    %reduce_sum3A_236 = vector.extract %reduce_sum3A_235[0, 0, 0] : f32 from vector<1x1x1xf32>
    %jit3A_237 = arith.constant 0.000000e+00 : f32
    %broadcast_in_dim3A_238 = vector.shape_cast %eq3A_229 : vector<10000x1xi1> to vector<10000x1xi1>
    %broadcast_in_dim3A_239 = vector.broadcast %broadcast_in_dim3A_238 : vector<10000x1xi1> to vector<10000x32xi1>
    %broadcast_in_dim3A_240 = vector.broadcast %jit3A_237 : f32 to vector<10000x32xf32>
    %select_n3A_241 = arith.select %broadcast_in_dim3A_239, %add3A_60, %broadcast_in_dim3A_240 : vector<10000x32xi1>, vector<10000x32xf32>
    %reduce_sum3A_242 = arith.constant dense<0.000000e+00> : vector<32xf32>
    %reduce_sum3A_243 = vector.multi_reduction <add>, %select_n3A_241, %reduce_sum3A_242 [0] : vector<10000x32xf32> to vector<32xf32>
    %max3A_244 = arith.constant 1.000000e+00 : f32
    %max3A_245 = arith.maximumf %reduce_sum3A_236, %max3A_244 : f32
    %div3A_246 = vector.broadcast %max3A_245 : f32 to vector<32xf32>
    %div3A_247 = arith.divf %reduce_sum3A_243, %div3A_246 : vector<32xf32>
    %jit3A_248 = arith.constant 0xFF800000 : f32
    %broadcast_in_dim3A_249 = vector.shape_cast %eq3A_229 : vector<10000x1xi1> to vector<10000x1xi1>
    %broadcast_in_dim3A_250 = vector.broadcast %broadcast_in_dim3A_249 : vector<10000x1xi1> to vector<10000x32xi1>
    %broadcast_in_dim3A_251 = vector.broadcast %jit3A_248 : f32 to vector<10000x32xf32>
    %select_n3A_252 = arith.select %broadcast_in_dim3A_250, %add3A_60, %broadcast_in_dim3A_251 : vector<10000x32xi1>, vector<10000x32xf32>
    %reduce_max3A_253 = arith.constant dense<0xFF800000> : vector<32xf32>
    %reduce_max3A_254 = vector.multi_reduction <maximumf>, %select_n3A_252, %reduce_max3A_253 [0] : vector<10000x32xf32> to vector<32xf32>
    %eq3A_255 = arith.constant 7 : i32
    %eq3A_256 = vector.broadcast %eq3A_255 : i32 to vector<10000x1xi32>
    %eq3A_257 = arith.cmpi eq, %get3A_63, %eq3A_256 : vector<10000x1xi32>
    %convert_element_type3A_258 = arith.extui %eq3A_257 : vector<10000x1xi1> to vector<10000x1xi32>
    %convert_element_type3A_259 = arith.sitofp %convert_element_type3A_258 : vector<10000x1xi32> to vector<10000x1xf32>
    %reduce_sum3A_260 = vector.shape_cast %convert_element_type3A_259 : vector<10000x1xf32> to vector<1x10000x1xf32>
    %reduce_sum3A_261 = arith.constant dense<0.000000e+00> : vector<1xf32>
    %reduce_sum3A_262 = vector.multi_reduction <add>, %reduce_sum3A_260, %reduce_sum3A_261 [1, 2] : vector<1x10000x1xf32> to vector<1xf32>
    %reduce_sum3A_263 = vector.shape_cast %reduce_sum3A_262 : vector<1xf32> to vector<1x1x1xf32>
    %reduce_sum3A_264 = vector.extract %reduce_sum3A_263[0, 0, 0] : f32 from vector<1x1x1xf32>
    %jit3A_265 = arith.constant 0.000000e+00 : f32
    %broadcast_in_dim3A_266 = vector.shape_cast %eq3A_257 : vector<10000x1xi1> to vector<10000x1xi1>
    %broadcast_in_dim3A_267 = vector.broadcast %broadcast_in_dim3A_266 : vector<10000x1xi1> to vector<10000x32xi1>
    %broadcast_in_dim3A_268 = vector.broadcast %jit3A_265 : f32 to vector<10000x32xf32>
    %select_n3A_269 = arith.select %broadcast_in_dim3A_267, %add3A_60, %broadcast_in_dim3A_268 : vector<10000x32xi1>, vector<10000x32xf32>
    %reduce_sum3A_270 = arith.constant dense<0.000000e+00> : vector<32xf32>
    %reduce_sum3A_271 = vector.multi_reduction <add>, %select_n3A_269, %reduce_sum3A_270 [0] : vector<10000x32xf32> to vector<32xf32>
    %max3A_272 = arith.constant 1.000000e+00 : f32
    %max3A_273 = arith.maximumf %reduce_sum3A_264, %max3A_272 : f32
    %div3A_274 = vector.broadcast %max3A_273 : f32 to vector<32xf32>
    %div3A_275 = arith.divf %reduce_sum3A_271, %div3A_274 : vector<32xf32>
    %jit3A_276 = arith.constant 0xFF800000 : f32
    %broadcast_in_dim3A_277 = vector.shape_cast %eq3A_257 : vector<10000x1xi1> to vector<10000x1xi1>
    %broadcast_in_dim3A_278 = vector.broadcast %broadcast_in_dim3A_277 : vector<10000x1xi1> to vector<10000x32xi1>
    %broadcast_in_dim3A_279 = vector.broadcast %jit3A_276 : f32 to vector<10000x32xf32>
    %select_n3A_280 = arith.select %broadcast_in_dim3A_278, %add3A_60, %broadcast_in_dim3A_279 : vector<10000x32xi1>, vector<10000x32xf32>
    %reduce_max3A_281 = arith.constant dense<0xFF800000> : vector<32xf32>
    %reduce_max3A_282 = vector.multi_reduction <maximumf>, %select_n3A_280, %reduce_max3A_281 [0] : vector<10000x32xf32> to vector<32xf32>
    %eq3A_283 = arith.constant 8 : i32
    %eq3A_284 = vector.broadcast %eq3A_283 : i32 to vector<10000x1xi32>
    %eq3A_285 = arith.cmpi eq, %get3A_63, %eq3A_284 : vector<10000x1xi32>
    %convert_element_type3A_286 = arith.extui %eq3A_285 : vector<10000x1xi1> to vector<10000x1xi32>
    %convert_element_type3A_287 = arith.sitofp %convert_element_type3A_286 : vector<10000x1xi32> to vector<10000x1xf32>
    %reduce_sum3A_288 = vector.shape_cast %convert_element_type3A_287 : vector<10000x1xf32> to vector<1x10000x1xf32>
    %reduce_sum3A_289 = arith.constant dense<0.000000e+00> : vector<1xf32>
    %reduce_sum3A_290 = vector.multi_reduction <add>, %reduce_sum3A_288, %reduce_sum3A_289 [1, 2] : vector<1x10000x1xf32> to vector<1xf32>
    %reduce_sum3A_291 = vector.shape_cast %reduce_sum3A_290 : vector<1xf32> to vector<1x1x1xf32>
    %reduce_sum3A_292 = vector.extract %reduce_sum3A_291[0, 0, 0] : f32 from vector<1x1x1xf32>
    %jit3A_293 = arith.constant 0.000000e+00 : f32
    %broadcast_in_dim3A_294 = vector.shape_cast %eq3A_285 : vector<10000x1xi1> to vector<10000x1xi1>
    %broadcast_in_dim3A_295 = vector.broadcast %broadcast_in_dim3A_294 : vector<10000x1xi1> to vector<10000x32xi1>
    %broadcast_in_dim3A_296 = vector.broadcast %jit3A_293 : f32 to vector<10000x32xf32>
    %select_n3A_297 = arith.select %broadcast_in_dim3A_295, %add3A_60, %broadcast_in_dim3A_296 : vector<10000x32xi1>, vector<10000x32xf32>
    %reduce_sum3A_298 = arith.constant dense<0.000000e+00> : vector<32xf32>
    %reduce_sum3A_299 = vector.multi_reduction <add>, %select_n3A_297, %reduce_sum3A_298 [0] : vector<10000x32xf32> to vector<32xf32>
    %max3A_300 = arith.constant 1.000000e+00 : f32
    %max3A_301 = arith.maximumf %reduce_sum3A_292, %max3A_300 : f32
    %div3A_302 = vector.broadcast %max3A_301 : f32 to vector<32xf32>
    %div3A_303 = arith.divf %reduce_sum3A_299, %div3A_302 : vector<32xf32>
    %jit3A_304 = arith.constant 0xFF800000 : f32
    %broadcast_in_dim3A_305 = vector.shape_cast %eq3A_285 : vector<10000x1xi1> to vector<10000x1xi1>
    %broadcast_in_dim3A_306 = vector.broadcast %broadcast_in_dim3A_305 : vector<10000x1xi1> to vector<10000x32xi1>
    %broadcast_in_dim3A_307 = vector.broadcast %jit3A_304 : f32 to vector<10000x32xf32>
    %select_n3A_308 = arith.select %broadcast_in_dim3A_306, %add3A_60, %broadcast_in_dim3A_307 : vector<10000x32xi1>, vector<10000x32xf32>
    %reduce_max3A_309 = arith.constant dense<0xFF800000> : vector<32xf32>
    %reduce_max3A_310 = vector.multi_reduction <maximumf>, %select_n3A_308, %reduce_max3A_309 [0] : vector<10000x32xf32> to vector<32xf32>
    %eq3A_311 = arith.constant 9 : i32
    %eq3A_312 = vector.broadcast %eq3A_311 : i32 to vector<10000x1xi32>
    %eq3A_313 = arith.cmpi eq, %get3A_63, %eq3A_312 : vector<10000x1xi32>
    %convert_element_type3A_314 = arith.extui %eq3A_313 : vector<10000x1xi1> to vector<10000x1xi32>
    %convert_element_type3A_315 = arith.sitofp %convert_element_type3A_314 : vector<10000x1xi32> to vector<10000x1xf32>
    %reduce_sum3A_316 = vector.shape_cast %convert_element_type3A_315 : vector<10000x1xf32> to vector<1x10000x1xf32>
    %reduce_sum3A_317 = arith.constant dense<0.000000e+00> : vector<1xf32>
    %reduce_sum3A_318 = vector.multi_reduction <add>, %reduce_sum3A_316, %reduce_sum3A_317 [1, 2] : vector<1x10000x1xf32> to vector<1xf32>
    %reduce_sum3A_319 = vector.shape_cast %reduce_sum3A_318 : vector<1xf32> to vector<1x1x1xf32>
    %reduce_sum3A_320 = vector.extract %reduce_sum3A_319[0, 0, 0] : f32 from vector<1x1x1xf32>
    %jit3A_321 = arith.constant 0.000000e+00 : f32
    %broadcast_in_dim3A_322 = vector.shape_cast %eq3A_313 : vector<10000x1xi1> to vector<10000x1xi1>
    %broadcast_in_dim3A_323 = vector.broadcast %broadcast_in_dim3A_322 : vector<10000x1xi1> to vector<10000x32xi1>
    %broadcast_in_dim3A_324 = vector.broadcast %jit3A_321 : f32 to vector<10000x32xf32>
    %select_n3A_325 = arith.select %broadcast_in_dim3A_323, %add3A_60, %broadcast_in_dim3A_324 : vector<10000x32xi1>, vector<10000x32xf32>
    %reduce_sum3A_326 = arith.constant dense<0.000000e+00> : vector<32xf32>
    %reduce_sum3A_327 = vector.multi_reduction <add>, %select_n3A_325, %reduce_sum3A_326 [0] : vector<10000x32xf32> to vector<32xf32>
    %max3A_328 = arith.constant 1.000000e+00 : f32
    %max3A_329 = arith.maximumf %reduce_sum3A_320, %max3A_328 : f32
    %div3A_330 = vector.broadcast %max3A_329 : f32 to vector<32xf32>
    %div3A_331 = arith.divf %reduce_sum3A_327, %div3A_330 : vector<32xf32>
    %jit3A_332 = arith.constant 0xFF800000 : f32
    %broadcast_in_dim3A_333 = vector.shape_cast %eq3A_313 : vector<10000x1xi1> to vector<10000x1xi1>
    %broadcast_in_dim3A_334 = vector.broadcast %broadcast_in_dim3A_333 : vector<10000x1xi1> to vector<10000x32xi1>
    %broadcast_in_dim3A_335 = vector.broadcast %jit3A_332 : f32 to vector<10000x32xf32>
    %select_n3A_336 = arith.select %broadcast_in_dim3A_334, %add3A_60, %broadcast_in_dim3A_335 : vector<10000x32xi1>, vector<10000x32xf32>
    %reduce_max3A_337 = arith.constant dense<0xFF800000> : vector<32xf32>
    %reduce_max3A_338 = vector.multi_reduction <maximumf>, %select_n3A_336, %reduce_max3A_337 [0] : vector<10000x32xf32> to vector<32xf32>
    %eq3A_339 = arith.constant 10 : i32
    %eq3A_340 = vector.broadcast %eq3A_339 : i32 to vector<10000x1xi32>
    %eq3A_341 = arith.cmpi eq, %get3A_63, %eq3A_340 : vector<10000x1xi32>
    %convert_element_type3A_342 = arith.extui %eq3A_341 : vector<10000x1xi1> to vector<10000x1xi32>
    %convert_element_type3A_343 = arith.sitofp %convert_element_type3A_342 : vector<10000x1xi32> to vector<10000x1xf32>
    %reduce_sum3A_344 = vector.shape_cast %convert_element_type3A_343 : vector<10000x1xf32> to vector<1x10000x1xf32>
    %reduce_sum3A_345 = arith.constant dense<0.000000e+00> : vector<1xf32>
    %reduce_sum3A_346 = vector.multi_reduction <add>, %reduce_sum3A_344, %reduce_sum3A_345 [1, 2] : vector<1x10000x1xf32> to vector<1xf32>
    %reduce_sum3A_347 = vector.shape_cast %reduce_sum3A_346 : vector<1xf32> to vector<1x1x1xf32>
    %reduce_sum3A_348 = vector.extract %reduce_sum3A_347[0, 0, 0] : f32 from vector<1x1x1xf32>
    %jit3A_349 = arith.constant 0.000000e+00 : f32
    %broadcast_in_dim3A_350 = vector.shape_cast %eq3A_341 : vector<10000x1xi1> to vector<10000x1xi1>
    %broadcast_in_dim3A_351 = vector.broadcast %broadcast_in_dim3A_350 : vector<10000x1xi1> to vector<10000x32xi1>
    %broadcast_in_dim3A_352 = vector.broadcast %jit3A_349 : f32 to vector<10000x32xf32>
    %select_n3A_353 = arith.select %broadcast_in_dim3A_351, %add3A_60, %broadcast_in_dim3A_352 : vector<10000x32xi1>, vector<10000x32xf32>
    %reduce_sum3A_354 = arith.constant dense<0.000000e+00> : vector<32xf32>
    %reduce_sum3A_355 = vector.multi_reduction <add>, %select_n3A_353, %reduce_sum3A_354 [0] : vector<10000x32xf32> to vector<32xf32>
    %max3A_356 = arith.constant 1.000000e+00 : f32
    %max3A_357 = arith.maximumf %reduce_sum3A_348, %max3A_356 : f32
    %div3A_358 = vector.broadcast %max3A_357 : f32 to vector<32xf32>
    %div3A_359 = arith.divf %reduce_sum3A_355, %div3A_358 : vector<32xf32>
    %jit3A_360 = arith.constant 0xFF800000 : f32
    %broadcast_in_dim3A_361 = vector.shape_cast %eq3A_341 : vector<10000x1xi1> to vector<10000x1xi1>
    %broadcast_in_dim3A_362 = vector.broadcast %broadcast_in_dim3A_361 : vector<10000x1xi1> to vector<10000x32xi1>
    %broadcast_in_dim3A_363 = vector.broadcast %jit3A_360 : f32 to vector<10000x32xf32>
    %select_n3A_364 = arith.select %broadcast_in_dim3A_362, %add3A_60, %broadcast_in_dim3A_363 : vector<10000x32xi1>, vector<10000x32xf32>
    %reduce_max3A_365 = arith.constant dense<0xFF800000> : vector<32xf32>
    %reduce_max3A_366 = vector.multi_reduction <maximumf>, %select_n3A_364, %reduce_max3A_365 [0] : vector<10000x32xf32> to vector<32xf32>
    %eq3A_367 = arith.constant 11 : i32
    %eq3A_368 = vector.broadcast %eq3A_367 : i32 to vector<10000x1xi32>
    %eq3A_369 = arith.cmpi eq, %get3A_63, %eq3A_368 : vector<10000x1xi32>
    %convert_element_type3A_370 = arith.extui %eq3A_369 : vector<10000x1xi1> to vector<10000x1xi32>
    %convert_element_type3A_371 = arith.sitofp %convert_element_type3A_370 : vector<10000x1xi32> to vector<10000x1xf32>
    %reduce_sum3A_372 = vector.shape_cast %convert_element_type3A_371 : vector<10000x1xf32> to vector<1x10000x1xf32>
    %reduce_sum3A_373 = arith.constant dense<0.000000e+00> : vector<1xf32>
    %reduce_sum3A_374 = vector.multi_reduction <add>, %reduce_sum3A_372, %reduce_sum3A_373 [1, 2] : vector<1x10000x1xf32> to vector<1xf32>
    %reduce_sum3A_375 = vector.shape_cast %reduce_sum3A_374 : vector<1xf32> to vector<1x1x1xf32>
    %reduce_sum3A_376 = vector.extract %reduce_sum3A_375[0, 0, 0] : f32 from vector<1x1x1xf32>
    %jit3A_377 = arith.constant 0.000000e+00 : f32
    %broadcast_in_dim3A_378 = vector.shape_cast %eq3A_369 : vector<10000x1xi1> to vector<10000x1xi1>
    %broadcast_in_dim3A_379 = vector.broadcast %broadcast_in_dim3A_378 : vector<10000x1xi1> to vector<10000x32xi1>
    %broadcast_in_dim3A_380 = vector.broadcast %jit3A_377 : f32 to vector<10000x32xf32>
    %select_n3A_381 = arith.select %broadcast_in_dim3A_379, %add3A_60, %broadcast_in_dim3A_380 : vector<10000x32xi1>, vector<10000x32xf32>
    %reduce_sum3A_382 = arith.constant dense<0.000000e+00> : vector<32xf32>
    %reduce_sum3A_383 = vector.multi_reduction <add>, %select_n3A_381, %reduce_sum3A_382 [0] : vector<10000x32xf32> to vector<32xf32>
    %max3A_384 = arith.constant 1.000000e+00 : f32
    %max3A_385 = arith.maximumf %reduce_sum3A_376, %max3A_384 : f32
    %div3A_386 = vector.broadcast %max3A_385 : f32 to vector<32xf32>
    %div3A_387 = arith.divf %reduce_sum3A_383, %div3A_386 : vector<32xf32>
    %jit3A_388 = arith.constant 0xFF800000 : f32
    %broadcast_in_dim3A_389 = vector.shape_cast %eq3A_369 : vector<10000x1xi1> to vector<10000x1xi1>
    %broadcast_in_dim3A_390 = vector.broadcast %broadcast_in_dim3A_389 : vector<10000x1xi1> to vector<10000x32xi1>
    %broadcast_in_dim3A_391 = vector.broadcast %jit3A_388 : f32 to vector<10000x32xf32>
    %select_n3A_392 = arith.select %broadcast_in_dim3A_390, %add3A_60, %broadcast_in_dim3A_391 : vector<10000x32xi1>, vector<10000x32xf32>
    %reduce_max3A_393 = arith.constant dense<0xFF800000> : vector<32xf32>
    %reduce_max3A_394 = vector.multi_reduction <maximumf>, %select_n3A_392, %reduce_max3A_393 [0] : vector<10000x32xf32> to vector<32xf32>
    %eq3A_395 = arith.constant 12 : i32
    %eq3A_396 = vector.broadcast %eq3A_395 : i32 to vector<10000x1xi32>
    %eq3A_397 = arith.cmpi eq, %get3A_63, %eq3A_396 : vector<10000x1xi32>
    %convert_element_type3A_398 = arith.extui %eq3A_397 : vector<10000x1xi1> to vector<10000x1xi32>
    %convert_element_type3A_399 = arith.sitofp %convert_element_type3A_398 : vector<10000x1xi32> to vector<10000x1xf32>
    %reduce_sum3A_400 = vector.shape_cast %convert_element_type3A_399 : vector<10000x1xf32> to vector<1x10000x1xf32>
    %reduce_sum3A_401 = arith.constant dense<0.000000e+00> : vector<1xf32>
    %reduce_sum3A_402 = vector.multi_reduction <add>, %reduce_sum3A_400, %reduce_sum3A_401 [1, 2] : vector<1x10000x1xf32> to vector<1xf32>
    %reduce_sum3A_403 = vector.shape_cast %reduce_sum3A_402 : vector<1xf32> to vector<1x1x1xf32>
    %reduce_sum3A_404 = vector.extract %reduce_sum3A_403[0, 0, 0] : f32 from vector<1x1x1xf32>
    %jit3A_405 = arith.constant 0.000000e+00 : f32
    %broadcast_in_dim3A_406 = vector.shape_cast %eq3A_397 : vector<10000x1xi1> to vector<10000x1xi1>
    %broadcast_in_dim3A_407 = vector.broadcast %broadcast_in_dim3A_406 : vector<10000x1xi1> to vector<10000x32xi1>
    %broadcast_in_dim3A_408 = vector.broadcast %jit3A_405 : f32 to vector<10000x32xf32>
    %select_n3A_409 = arith.select %broadcast_in_dim3A_407, %add3A_60, %broadcast_in_dim3A_408 : vector<10000x32xi1>, vector<10000x32xf32>
    %reduce_sum3A_410 = arith.constant dense<0.000000e+00> : vector<32xf32>
    %reduce_sum3A_411 = vector.multi_reduction <add>, %select_n3A_409, %reduce_sum3A_410 [0] : vector<10000x32xf32> to vector<32xf32>
    %max3A_412 = arith.constant 1.000000e+00 : f32
    %max3A_413 = arith.maximumf %reduce_sum3A_404, %max3A_412 : f32
    %div3A_414 = vector.broadcast %max3A_413 : f32 to vector<32xf32>
    %div3A_415 = arith.divf %reduce_sum3A_411, %div3A_414 : vector<32xf32>
    %jit3A_416 = arith.constant 0xFF800000 : f32
    %broadcast_in_dim3A_417 = vector.shape_cast %eq3A_397 : vector<10000x1xi1> to vector<10000x1xi1>
    %broadcast_in_dim3A_418 = vector.broadcast %broadcast_in_dim3A_417 : vector<10000x1xi1> to vector<10000x32xi1>
    %broadcast_in_dim3A_419 = vector.broadcast %jit3A_416 : f32 to vector<10000x32xf32>
    %select_n3A_420 = arith.select %broadcast_in_dim3A_418, %add3A_60, %broadcast_in_dim3A_419 : vector<10000x32xi1>, vector<10000x32xf32>
    %reduce_max3A_421 = arith.constant dense<0xFF800000> : vector<32xf32>
    %reduce_max3A_422 = vector.multi_reduction <maximumf>, %select_n3A_420, %reduce_max3A_421 [0] : vector<10000x32xf32> to vector<32xf32>
    %eq3A_423 = arith.constant 13 : i32
    %eq3A_424 = vector.broadcast %eq3A_423 : i32 to vector<10000x1xi32>
    %eq3A_425 = arith.cmpi eq, %get3A_63, %eq3A_424 : vector<10000x1xi32>
    %convert_element_type3A_426 = arith.extui %eq3A_425 : vector<10000x1xi1> to vector<10000x1xi32>
    %convert_element_type3A_427 = arith.sitofp %convert_element_type3A_426 : vector<10000x1xi32> to vector<10000x1xf32>
    %reduce_sum3A_428 = vector.shape_cast %convert_element_type3A_427 : vector<10000x1xf32> to vector<1x10000x1xf32>
    %reduce_sum3A_429 = arith.constant dense<0.000000e+00> : vector<1xf32>
    %reduce_sum3A_430 = vector.multi_reduction <add>, %reduce_sum3A_428, %reduce_sum3A_429 [1, 2] : vector<1x10000x1xf32> to vector<1xf32>
    %reduce_sum3A_431 = vector.shape_cast %reduce_sum3A_430 : vector<1xf32> to vector<1x1x1xf32>
    %reduce_sum3A_432 = vector.extract %reduce_sum3A_431[0, 0, 0] : f32 from vector<1x1x1xf32>
    %jit3A_433 = arith.constant 0.000000e+00 : f32
    %broadcast_in_dim3A_434 = vector.shape_cast %eq3A_425 : vector<10000x1xi1> to vector<10000x1xi1>
    %broadcast_in_dim3A_435 = vector.broadcast %broadcast_in_dim3A_434 : vector<10000x1xi1> to vector<10000x32xi1>
    %broadcast_in_dim3A_436 = vector.broadcast %jit3A_433 : f32 to vector<10000x32xf32>
    %select_n3A_437 = arith.select %broadcast_in_dim3A_435, %add3A_60, %broadcast_in_dim3A_436 : vector<10000x32xi1>, vector<10000x32xf32>
    %reduce_sum3A_438 = arith.constant dense<0.000000e+00> : vector<32xf32>
    %reduce_sum3A_439 = vector.multi_reduction <add>, %select_n3A_437, %reduce_sum3A_438 [0] : vector<10000x32xf32> to vector<32xf32>
    %max3A_440 = arith.constant 1.000000e+00 : f32
    %max3A_441 = arith.maximumf %reduce_sum3A_432, %max3A_440 : f32
    %div3A_442 = vector.broadcast %max3A_441 : f32 to vector<32xf32>
    %div3A_443 = arith.divf %reduce_sum3A_439, %div3A_442 : vector<32xf32>
    %jit3A_444 = arith.constant 0xFF800000 : f32
    %broadcast_in_dim3A_445 = vector.shape_cast %eq3A_425 : vector<10000x1xi1> to vector<10000x1xi1>
    %broadcast_in_dim3A_446 = vector.broadcast %broadcast_in_dim3A_445 : vector<10000x1xi1> to vector<10000x32xi1>
    %broadcast_in_dim3A_447 = vector.broadcast %jit3A_444 : f32 to vector<10000x32xf32>
    %select_n3A_448 = arith.select %broadcast_in_dim3A_446, %add3A_60, %broadcast_in_dim3A_447 : vector<10000x32xi1>, vector<10000x32xf32>
    %reduce_max3A_449 = arith.constant dense<0xFF800000> : vector<32xf32>
    %reduce_max3A_450 = vector.multi_reduction <maximumf>, %select_n3A_448, %reduce_max3A_449 [0] : vector<10000x32xf32> to vector<32xf32>
    %eq3A_451 = arith.constant 14 : i32
    %eq3A_452 = vector.broadcast %eq3A_451 : i32 to vector<10000x1xi32>
    %eq3A_453 = arith.cmpi eq, %get3A_63, %eq3A_452 : vector<10000x1xi32>
    %convert_element_type3A_454 = arith.extui %eq3A_453 : vector<10000x1xi1> to vector<10000x1xi32>
    %convert_element_type3A_455 = arith.sitofp %convert_element_type3A_454 : vector<10000x1xi32> to vector<10000x1xf32>
    %reduce_sum3A_456 = vector.shape_cast %convert_element_type3A_455 : vector<10000x1xf32> to vector<1x10000x1xf32>
    %reduce_sum3A_457 = arith.constant dense<0.000000e+00> : vector<1xf32>
    %reduce_sum3A_458 = vector.multi_reduction <add>, %reduce_sum3A_456, %reduce_sum3A_457 [1, 2] : vector<1x10000x1xf32> to vector<1xf32>
    %reduce_sum3A_459 = vector.shape_cast %reduce_sum3A_458 : vector<1xf32> to vector<1x1x1xf32>
    %reduce_sum3A_460 = vector.extract %reduce_sum3A_459[0, 0, 0] : f32 from vector<1x1x1xf32>
    %jit3A_461 = arith.constant 0.000000e+00 : f32
    %broadcast_in_dim3A_462 = vector.shape_cast %eq3A_453 : vector<10000x1xi1> to vector<10000x1xi1>
    %broadcast_in_dim3A_463 = vector.broadcast %broadcast_in_dim3A_462 : vector<10000x1xi1> to vector<10000x32xi1>
    %broadcast_in_dim3A_464 = vector.broadcast %jit3A_461 : f32 to vector<10000x32xf32>
    %select_n3A_465 = arith.select %broadcast_in_dim3A_463, %add3A_60, %broadcast_in_dim3A_464 : vector<10000x32xi1>, vector<10000x32xf32>
    %reduce_sum3A_466 = arith.constant dense<0.000000e+00> : vector<32xf32>
    %reduce_sum3A_467 = vector.multi_reduction <add>, %select_n3A_465, %reduce_sum3A_466 [0] : vector<10000x32xf32> to vector<32xf32>
    %max3A_468 = arith.constant 1.000000e+00 : f32
    %max3A_469 = arith.maximumf %reduce_sum3A_460, %max3A_468 : f32
    %div3A_470 = vector.broadcast %max3A_469 : f32 to vector<32xf32>
    %div3A_471 = arith.divf %reduce_sum3A_467, %div3A_470 : vector<32xf32>
    %jit3A_472 = arith.constant 0xFF800000 : f32
    %broadcast_in_dim3A_473 = vector.shape_cast %eq3A_453 : vector<10000x1xi1> to vector<10000x1xi1>
    %broadcast_in_dim3A_474 = vector.broadcast %broadcast_in_dim3A_473 : vector<10000x1xi1> to vector<10000x32xi1>
    %broadcast_in_dim3A_475 = vector.broadcast %jit3A_472 : f32 to vector<10000x32xf32>
    %select_n3A_476 = arith.select %broadcast_in_dim3A_474, %add3A_60, %broadcast_in_dim3A_475 : vector<10000x32xi1>, vector<10000x32xf32>
    %reduce_max3A_477 = arith.constant dense<0xFF800000> : vector<32xf32>
    %reduce_max3A_478 = vector.multi_reduction <maximumf>, %select_n3A_476, %reduce_max3A_477 [0] : vector<10000x32xf32> to vector<32xf32>
    %eq3A_479 = arith.constant 15 : i32
    %eq3A_480 = vector.broadcast %eq3A_479 : i32 to vector<10000x1xi32>
    %eq3A_481 = arith.cmpi eq, %get3A_63, %eq3A_480 : vector<10000x1xi32>
    %convert_element_type3A_482 = arith.extui %eq3A_481 : vector<10000x1xi1> to vector<10000x1xi32>
    %convert_element_type3A_483 = arith.sitofp %convert_element_type3A_482 : vector<10000x1xi32> to vector<10000x1xf32>
    %reduce_sum3A_484 = vector.shape_cast %convert_element_type3A_483 : vector<10000x1xf32> to vector<1x10000x1xf32>
    %reduce_sum3A_485 = arith.constant dense<0.000000e+00> : vector<1xf32>
    %reduce_sum3A_486 = vector.multi_reduction <add>, %reduce_sum3A_484, %reduce_sum3A_485 [1, 2] : vector<1x10000x1xf32> to vector<1xf32>
    %reduce_sum3A_487 = vector.shape_cast %reduce_sum3A_486 : vector<1xf32> to vector<1x1x1xf32>
    %reduce_sum3A_488 = vector.extract %reduce_sum3A_487[0, 0, 0] : f32 from vector<1x1x1xf32>
    %jit3A_489 = arith.constant 0.000000e+00 : f32
    %broadcast_in_dim3A_490 = vector.shape_cast %eq3A_481 : vector<10000x1xi1> to vector<10000x1xi1>
    %broadcast_in_dim3A_491 = vector.broadcast %broadcast_in_dim3A_490 : vector<10000x1xi1> to vector<10000x32xi1>
    %broadcast_in_dim3A_492 = vector.broadcast %jit3A_489 : f32 to vector<10000x32xf32>
    %select_n3A_493 = arith.select %broadcast_in_dim3A_491, %add3A_60, %broadcast_in_dim3A_492 : vector<10000x32xi1>, vector<10000x32xf32>
    %reduce_sum3A_494 = arith.constant dense<0.000000e+00> : vector<32xf32>
    %reduce_sum3A_495 = vector.multi_reduction <add>, %select_n3A_493, %reduce_sum3A_494 [0] : vector<10000x32xf32> to vector<32xf32>
    %max3A_496 = arith.constant 1.000000e+00 : f32
    %max3A_497 = arith.maximumf %reduce_sum3A_488, %max3A_496 : f32
    %div3A_498 = vector.broadcast %max3A_497 : f32 to vector<32xf32>
    %div3A_499 = arith.divf %reduce_sum3A_495, %div3A_498 : vector<32xf32>
    %jit3A_500 = arith.constant 0xFF800000 : f32
    %broadcast_in_dim3A_501 = vector.shape_cast %eq3A_481 : vector<10000x1xi1> to vector<10000x1xi1>
    %broadcast_in_dim3A_502 = vector.broadcast %broadcast_in_dim3A_501 : vector<10000x1xi1> to vector<10000x32xi1>
    %broadcast_in_dim3A_503 = vector.broadcast %jit3A_500 : f32 to vector<10000x32xf32>
    %select_n3A_504 = arith.select %broadcast_in_dim3A_502, %add3A_60, %broadcast_in_dim3A_503 : vector<10000x32xi1>, vector<10000x32xf32>
    %reduce_max3A_505 = arith.constant dense<0xFF800000> : vector<32xf32>
    %reduce_max3A_506 = vector.multi_reduction <maximumf>, %select_n3A_504, %reduce_max3A_505 [0] : vector<10000x32xf32> to vector<32xf32>
    %stack3A = vector.shape_cast %div3A_80 : vector<32xf32> to vector<1x32xf32>
    %stack3A_507 = vector.shape_cast %div3A_107 : vector<32xf32> to vector<1x32xf32>
    %stack3A_508 = vector.shape_cast %div3A_135 : vector<32xf32> to vector<1x32xf32>
    %stack3A_509 = vector.shape_cast %div3A_163 : vector<32xf32> to vector<1x32xf32>
    %stack3A_510 = vector.shape_cast %div3A_191 : vector<32xf32> to vector<1x32xf32>
    %stack3A_511 = vector.shape_cast %div3A_219 : vector<32xf32> to vector<1x32xf32>
    %stack3A_512 = vector.shape_cast %div3A_247 : vector<32xf32> to vector<1x32xf32>
    %stack3A_513 = vector.shape_cast %div3A_275 : vector<32xf32> to vector<1x32xf32>
    %stack3A_514 = vector.shape_cast %div3A_303 : vector<32xf32> to vector<1x32xf32>
    %stack3A_515 = vector.shape_cast %div3A_331 : vector<32xf32> to vector<1x32xf32>
    %stack3A_516 = vector.shape_cast %div3A_359 : vector<32xf32> to vector<1x32xf32>
    %stack3A_517 = vector.shape_cast %div3A_387 : vector<32xf32> to vector<1x32xf32>
    %stack3A_518 = vector.shape_cast %div3A_415 : vector<32xf32> to vector<1x32xf32>
    %stack3A_519 = vector.shape_cast %div3A_443 : vector<32xf32> to vector<1x32xf32>
    %stack3A_520 = vector.shape_cast %div3A_471 : vector<32xf32> to vector<1x32xf32>
    %stack3A_521 = vector.shape_cast %div3A_499 : vector<32xf32> to vector<1x32xf32>
    %stack3A_522 = tpu.concatenate %stack3A, %stack3A_507, %stack3A_508, %stack3A_509, %stack3A_510, %stack3A_511, %stack3A_512, %stack3A_513, %stack3A_514, %stack3A_515, %stack3A_516, %stack3A_517, %stack3A_518, %stack3A_519, %stack3A_520, %stack3A_521 in 0 : vector<1x32xf32>, vector<1x32xf32>, vector<1x32xf32>, vector<1x32xf32>, vector<1x32xf32>, vector<1x32xf32>, vector<1x32xf32>, vector<1x32xf32>, vector<1x32xf32>, vector<1x32xf32>, vector<1x32xf32>, vector<1x32xf32>, vector<1x32xf32>, vector<1x32xf32>, vector<1x32xf32>, vector<1x32xf32> -> vector<16x32xf32>
    %stack3A_523 = vector.shape_cast %reduce_max3A_86 : vector<32xf32> to vector<1x32xf32>
    %stack3A_524 = vector.shape_cast %reduce_max3A_114 : vector<32xf32> to vector<1x32xf32>
    %stack3A_525 = vector.shape_cast %reduce_max3A_142 : vector<32xf32> to vector<1x32xf32>
    %stack3A_526 = vector.shape_cast %reduce_max3A_170 : vector<32xf32> to vector<1x32xf32>
    %stack3A_527 = vector.shape_cast %reduce_max3A_198 : vector<32xf32> to vector<1x32xf32>
    %stack3A_528 = vector.shape_cast %reduce_max3A_226 : vector<32xf32> to vector<1x32xf32>
    %stack3A_529 = vector.shape_cast %reduce_max3A_254 : vector<32xf32> to vector<1x32xf32>
    %stack3A_530 = vector.shape_cast %reduce_max3A_282 : vector<32xf32> to vector<1x32xf32>
    %stack3A_531 = vector.shape_cast %reduce_max3A_310 : vector<32xf32> to vector<1x32xf32>
    %stack3A_532 = vector.shape_cast %reduce_max3A_338 : vector<32xf32> to vector<1x32xf32>
    %stack3A_533 = vector.shape_cast %reduce_max3A_366 : vector<32xf32> to vector<1x32xf32>
    %stack3A_534 = vector.shape_cast %reduce_max3A_394 : vector<32xf32> to vector<1x32xf32>
    %stack3A_535 = vector.shape_cast %reduce_max3A_422 : vector<32xf32> to vector<1x32xf32>
    %stack3A_536 = vector.shape_cast %reduce_max3A_450 : vector<32xf32> to vector<1x32xf32>
    %stack3A_537 = vector.shape_cast %reduce_max3A_478 : vector<32xf32> to vector<1x32xf32>
    %stack3A_538 = vector.shape_cast %reduce_max3A_506 : vector<32xf32> to vector<1x32xf32>
    %stack3A_539 = tpu.concatenate %stack3A_523, %stack3A_524, %stack3A_525, %stack3A_526, %stack3A_527, %stack3A_528, %stack3A_529, %stack3A_530, %stack3A_531, %stack3A_532, %stack3A_533, %stack3A_534, %stack3A_535, %stack3A_536, %stack3A_537, %stack3A_538 in 0 : vector<1x32xf32>, vector<1x32xf32>, vector<1x32xf32>, vector<1x32xf32>, vector<1x32xf32>, vector<1x32xf32>, vector<1x32xf32>, vector<1x32xf32>, vector<1x32xf32>, vector<1x32xf32>, vector<1x32xf32>, vector<1x32xf32>, vector<1x32xf32>, vector<1x32xf32>, vector<1x32xf32>, vector<1x32xf32> -> vector<16x32xf32>
    %get3A_540 = arith.constant 0 : index
    %get3A_541 = arith.constant 0 : index
    %get3A_542 = vector.load %arg9[%get3A_540, %get3A_541] : memref<64x32xf32, #tpu.memory_space<vmem>>, vector<32x32xf32>
    %dot_general3A_543 = arith.constant dense<0.000000e+00> : vector<16x32xf32>
    %dot_general3A_544 = tpu.matmul %stack3A_522, %get3A_542, %dot_general3A_543 {dimension_numbers = #tpu.dot_dimension_numbers<[1], [0], [0], [1], [0, 0, 1, 1], [], []>, transpose_lhs_hint = false} : vector<16x32xf32>, vector<32x32xf32>, vector<16x32xf32> -> vector<16x32xf32>
    %get3A_545 = arith.constant 32 : index
    %get3A_546 = arith.constant 0 : index
    %get3A_547 = vector.load %arg9[%get3A_545, %get3A_546] : memref<64x32xf32, #tpu.memory_space<vmem>>, vector<32x32xf32>
    %dot_general3A_548 = arith.constant dense<0.000000e+00> : vector<16x32xf32>
    %dot_general3A_549 = tpu.matmul %stack3A_539, %get3A_547, %dot_general3A_548 {dimension_numbers = #tpu.dot_dimension_numbers<[1], [0], [0], [1], [0, 0, 1, 1], [], []>, transpose_lhs_hint = false} : vector<16x32xf32>, vector<32x32xf32>, vector<16x32xf32> -> vector<16x32xf32>
    %add3A_550 = arith.addf %dot_general3A_544, %dot_general3A_549 : vector<16x32xf32>
    %get3A_551 = arith.constant 0 : index
    %get3A_552 = vector.load %arg10[%get3A_551] : memref<32xf32, #tpu.memory_space<vmem>>, vector<32xf32>
    %broadcast_in_dim3A_553 = vector.shape_cast %get3A_552 : vector<32xf32> to vector<1x32xf32>
    %add3A_554 = vector.broadcast %broadcast_in_dim3A_553 : vector<1x32xf32> to vector<16x32xf32>
    %add3A_555 = arith.addf %add3A_550, %add3A_554 : vector<16x32xf32>
    %max3A_556 = arith.constant 0.000000e+00 : f32
    %max3A_557 = vector.broadcast %max3A_556 : f32 to vector<16x32xf32>
    %max3A_558 = arith.maximumf %add3A_555, %max3A_557 : vector<16x32xf32>
    %get3A_559 = arith.constant 0 : index
    %get3A_560 = arith.constant 0 : index
    %get3A_561 = vector.load %arg11[%get3A_559, %get3A_560] : memref<32x2xf32, #tpu.memory_space<vmem>>, vector<32x2xf32>
    %dot_general3A_562 = arith.constant dense<0.000000e+00> : vector<16x2xf32>
    %dot_general3A_563 = tpu.matmul %max3A_558, %get3A_561, %dot_general3A_562 {dimension_numbers = #tpu.dot_dimension_numbers<[1], [0], [0], [1], [0, 0, 1, 1], [], []>, transpose_lhs_hint = false} : vector<16x32xf32>, vector<32x2xf32>, vector<16x2xf32> -> vector<16x2xf32>
    %get3A_564 = arith.constant 0 : index
    %get3A_565 = vector.load %arg12[%get3A_564] : memref<2xf32, #tpu.memory_space<vmem>>, vector<2xf32>
    %broadcast_in_dim3A_566 = vector.shape_cast %get3A_565 : vector<2xf32> to vector<1x2xf32>
    %add3A_567 = vector.broadcast %broadcast_in_dim3A_566 : vector<1x2xf32> to vector<16x2xf32>
    %add3A_568 = arith.addf %dot_general3A_563, %add3A_567 : vector<16x2xf32>
    %swap3A = arith.constant 0 : index
    %swap3A_569 = arith.constant 0 : index
    %swap3A_570 = vector.load %arg13[%swap3A, %swap3A_569] : memref<16x2xf32, #tpu.memory_space<vmem>>, vector<16x2xf32>
    tpu.vector_store %arg13[%swap3A, %swap3A_569], %add3A_568 {strides = array<i32>} : memref<16x2xf32, #tpu.memory_space<vmem>>, vector<16x2xf32>,
    return
  }
}

</mosaic_0001>

<sc_bundles>
// kernel: kernel.10.cloned.1.call-start
scs
__scs_entry_jumppad:
0x0: {  	(pc) =	sbr.rel $0x88, $3  }
0x1: {  	(tag) =	ssettag $0x0;
	lr =	simm.s32 $0x1  }
0x2: {  	[smem:$0x3F8E] =	sst lr;
	_ =	strace $0xD0000000  }
0x3: {  	_ = 	snop  }
0x4: {  	_ = 	snop  }
0x5: {  	_ = 	snop  }
0x6: {  	_ = 	snop  }
0x7: {  	_ = 	snop  }
__scs_overlays_trampoline_lowered:
0x8: {  	[smem:$0x3F9D] =	sst s0  }
0x9: {  	[smem:$0x3F9E] =	sst s1  }
0xa: {  	[smem:$0x3F9F] =	sst s2  }
0xb: {  	[smem:$0x3FA0] =	sst s3  }
0xc: {  	[smem:$0x3FA1] =	sst s4  }
0xd: {  	[smem:$0x3FA2] =	sst s5  }
0xe: {  	[smem:$0x3FA3] =	sst s6  }
0xf: {  	[smem:$0x3FA4] =	sst s7  }
0x10: {  	[smem:$0x3FA5] =	sst s8  }
0x11: {  	[smem:$0x3FA6] =	sst s9;
	s0 =	simm.s32 @!p0 $0x0  }
0x12: {  	s1 =	sld [smem:$0x3F8C];
	s0 =	simm.s32 @p0 $0x1  }
0x13: {  	[smem:$0x3FA7] =	sst s0;
	s0 =	simm.s32 @!p1 $0x0  }
0x14: {  	s2 =	sld [smem:$0x3F8B];
	s0 =	simm.s32 @p1 $0x1  }
0x15: {  	[smem:$0x3FA8] =	sst s0;
	s0 =	simm.s32 @!p2 $0x0  }
0x16: {  	s3 =	sld [smem:$0x3FDB];
	s0 =	simm.s32 @p2 $0x1  }
0x17: {  	s4 =	simm.s32 $0x1BF5;
	[smem:$0x3FAA] =	sst s0  }
0x18: {  	s0 =	sld [smem:$0x3F8D];
	_ =	swait.ge [sflag:s4], $0x0  }
0x19: {  	s7 =	sld [smem:$0x3F8E]  }
0x1a: {  	s8 =	sadd.s32 $0xFFFFE003, lr  }
0x1b: {  	s9 =	sadd.s32 $0xFFFFFEF7, lr;
	s5 =	simm.s32 $0xFFFFFFFF;
	p2 =	slt.u32 s8, $0xFFFFF086  }
0x1c: {  	p1 =	slt.u32 s9, $0xF7A;
	s5 =	simm.s32 @!p2 $0x0  }
0x1d: {  	s5 =	simm.s32 @p1 $0x1;
	p0 =	seq.s32 s7, s2  }
0x1e: {  	s7 =	smul.u32 @!p0 $0xF7A, s2;
	p2 =	seq.s32 @!p0 s5, $0x0  }
0x1f: {  	s9 =	smul.u32 $0xF7A, s1;
	s8 =	simm.s32 @!p0 $0x1BF5;
	p2 =	por !p2, p0  }
0x20: {  	[sflag:s8] =	ssyncset.s32 @!p0 $0xFFFFF086;
	s6 =	sadd.s32 @!p0 s3, s7;
	s7 =	simm.s32 @!p0 $0x108  }
0x21: {  	s3 =	sadd.s32 s3, s9;
	s6 =	sadd.s32 @!p0 $0x88, s6;
	s7 =	simm.s32 @p2 $0x1082  }
0x22: {  	[simem:s7], [sflag:s8] =	dma.local @!p0 [hbm:s6], $0xF7A  }
0x23: {  	s9 =	sor.u32 $0xD0000000, s2;
	s6 =	simm.s32 $0x108;
	_ =	swait.ge @!p0 [sflag:s8], $0x0  }
0x24: {  	s3 =	sadd.s32 $0x88, s3;
	s6 =	simm.s32 @!p1 $0x1082;
	[sflag:s4] =	ssyncset.s32 $0xFFFFF086  }
0x25: {  	[simem:s6], [sflag:s4] =	dma.local [hbm:s3], $0xF7A  }
0x26: {  	[smem:$0x3F8E] =	sst s1;
	(tag) =	ssettag s2;
	_ =	strace s9  }
0x27: {  	s1 =	sld [smem:$0x3F9E]  }
0x28: {  	s2 =	sld [smem:$0x3F9F]  }
0x29: {  	s4 =	sld [smem:$0x3FA1]  }
0x2a: {  	p0 =	seq.s32 s5, $0x0;
	s5 =	sld [smem:$0x3FA2]  }
0x2b: {  	s6 =	sld [smem:$0x3FA3]  }
0x2c: {  	s7 =	sld [smem:$0x3FA4]  }
0x2d: {  	s3 =	simm.s32 $0x108;
	s8 =	sld [smem:$0x3FA5]  }
0x2e: {  	s3 =	simm.s32 @!p0 $0x1082;
	s9 =	sld [smem:$0x3FA6]  }
0x2f: {  	lr =	sadd.s32 s0, s3;
	s0 =	sld [smem:$0x3F9D]  }
0x30: {  	s3 =	sld [smem:$0x3FA0]  }
0x31: {  	[smem:$0x3FA9] =	sst s10  }
0x32: {  	s10 =	sld [smem:$0x3FA7];
	_ =	sdelay $0x3  }
0x33: {  	p0 =	seq.s32 s10, $0x1;
	s10 =	sld [smem:$0x3FA9];
	_ =	sdelay $0x3  }
0x34: {  	[smem:$0x3FA9] =	sst s10  }
0x35: {  	s10 =	sld [smem:$0x3FA8];
	_ =	sdelay $0x3  }
0x36: {  	p1 =	seq.s32 s10, $0x1;
	s10 =	sld [smem:$0x3FA9];
	_ =	sdelay $0x3  }
0x37: {  	[smem:$0x3FA9] =	sst s10  }
0x38: {  	s10 =	sld [smem:$0x3FAA]  }
0x39: {  	_ = 	snop;
	(pc) =	sbr.ind lr, $3  }
0x3a: {  	_ = 	snop  }
0x3b: {  	_ = 	snop  }
0x3c: {  	p2 =	seq.s32 s10, $0x1;
	s10 =	sld [smem:$0x3FA9]  }
0x3d: {  	_ =	shalt  }
0x3e: {  	_ =	shalt  }
0x3f: {  	_ =	shalt  }
0x40: {  	_ =	shalt  }
0x41: {  	_ =	shalt  }
0x42: {  	_ =	shalt  }
0x43: {  	_ =	shalt  }
0x44: {  	_ =	shalt  }
0x45: {  	_ =	shalt  }
0x46: {  	_ =	shalt  }
0x47: {  	_ =	shalt  }
0x48: {  	_ =	shalt  }
0x49: {  	_ =	shalt  }
0x4a: {  	_ =	shalt  }
0x4b: {  	_ =	shalt  }
0x4c: {  	_ =	shalt  }
0x4d: {  	_ =	shalt  }
0x4e: {  	_ =	shalt  }
0x4f: {  	_ =	shalt  }
0x50: {  	_ =	shalt  }
0x51: {  	_ =	shalt  }
0x52: {  	_ =	shalt  }
0x53: {  	_ =	shalt  }
0x54: {  	_ =	shalt  }
0x55: {  	_ =	shalt  }
0x56: {  	_ =	shalt  }
0x57: {  	_ =	shalt  }
0x58: {  	_ =	shalt  }
0x59: {  	_ =	shalt  }
0x5a: {  	_ =	shalt  }
0x5b: {  	_ =	shalt  }
0x5c: {  	_ =	shalt  }
0x5d: {  	_ =	shalt  }
0x5e: {  	_ =	shalt  }
0x5f: {  	_ =	shalt  }
0x60: {  	_ =	shalt  }
0x61: {  	_ =	shalt  }
0x62: {  	_ =	shalt  }
0x63: {  	_ =	shalt  }
0x64: {  	_ =	shalt  }
0x65: {  	_ =	shalt  }
0x66: {  	_ =	shalt  }
0x67: {  	_ =	shalt  }
0x68: {  	_ =	shalt  }
0x69: {  	_ =	shalt  }
0x6a: {  	_ =	shalt  }
0x6b: {  	_ =	shalt  }
0x6c: {  	_ =	shalt  }
0x6d: {  	_ =	shalt  }
0x6e: {  	_ =	shalt  }
0x6f: {  	_ =	shalt  }
0x70: {  	_ =	shalt  }
0x71: {  	_ =	shalt  }
0x72: {  	_ =	shalt  }
0x73: {  	_ =	shalt  }
0x74: {  	_ =	shalt  }
0x75: {  	_ =	shalt  }
0x76: {  	_ =	shalt  }
0x77: {  	_ =	shalt  }
0x78: {  	_ =	shalt  }
0x79: {  	_ =	shalt  }
0x7a: {  	_ =	shalt  }
0x7b: {  	_ =	shalt  }
0x7c: {  	_ =	shalt  }
0x7d: {  	_ =	shalt  }
0x7e: {  	_ =	shalt  }
0x7f: {  	_ =	shalt  }
0x80: {  	_ =	shalt  }
0x81: {  	_ =	shalt  }
0x82: {  	_ =	shalt  }
0x83: {  	_ =	shalt  }
0x84: {  	_ =	shalt  }
0x85: {  	_ =	shalt  }
0x86: {  	_ =	shalt  }
0x87: {  	_ =	shalt  }
.Lfunc_end0:
.L_simem_size_0:
called_computation.1_lowered:
.L_overlay_start_0:
0x88: {  	s2 =	sld [smem:$0x3FD9]  }
0x89: {  	s3 =	sld [smem:$0x3FFE];
	_ =	sdelay $0x1  }
0x8a: {  	s1 =	srdreg.scid  }
0x8b: {  	s0 =	sand.u32 $0x1, s1  }
0x8c: {  	s16 =	sshll.u32 s0, $0xA;
	s2 =	sadd.s32 s3, s2  }
0x8d: {  	s2 =	sadd.s32 s2, s16  }
0x8e: {  	[smem:$0x3FB5] =	sst s2  }
0x8f: {  	_ = 	snop  }
0x90: {  	(tm) =	ssettm $0x1  }
0x91: {  	s17 =	sld [smem:$0x3FFB];
	_ =	sdelay $0x3  }
0x92: {  	_ =	strace s17  }
0x93: {  	s2 =	sld [smem:$0x3FFC];
	_ =	sdelay $0x3  }
0x94: {  	_ =	strace s2  }
0x95: {  	s2 =	sld [smem:$0x3FFD];
	_ =	sdelay $0x3  }
0x96: {  	_ =	strace s2  }
0x97: {  	_ =	strace $0x8FFFFFFF  }
0x98: {  	s18 =	sld [smem:$0x3FDB];
	_ =	sdelay $0x1  }
0x99: {  	s19 =	simm.s32 $_scs_section_size  }
0x9a: {  	s4 =	simm.s32 $_size__tile_overlayer_lowered;
	s5 =	simm.s32 $_tile_overlayer_lowered  }
0x9b: {  	s22 =	simm.s32 $0x1BFF;
	s21 =	sshll.u32 s5, $0x1;
	s2 =	sadd.s32 s19, s18  }
0x9c: {  	s6 =	simm.s32 $0x0;
	s20 =	sshll.u32 s4, $0x1;
	s4 =	sadd.s32 s21, s2  }
0x9d: {  	[timem:s6], [sflag:s22] =	dma.local [hbm:s4], s20  }
0x9e: {  	_ =	swait.ge [sflag:s22], s20  }
0x9f: {  	s3 =	ssub.s32 $0x0, s20;
	[sflag:s22] =	ssyncset.done $0x0  }
0xa0: {  	[sflag:s22] =	ssyncadd.s32 s3;
	_ =	sdelay $0x1  }
0xa1: {  	s23 =	simm.s32 $0x1B8B  }
0xa2: {  	_ =	swait.ge [sflag:s23], $0x1  }
0xa3: {  	[sflag:s23] =	ssyncset.done $0x0  }
0xa4: {  	s25 =	simm.s32 $0x1B8E;
	s24 =	sld [smem:$0x3FFE];
	[sflag:s23] =	ssyncadd.s32 $0xFFFFFFFF  }
0xa5: {  	s26 =	simm.s32 $execute0_lowered;
	[smem:$0x3FD2] =	sst s25  }
0xa6: {  	s4 =	sshll.u32 s26, $0x1;
	_ =	strace $0x80000049;
	[dreg:$0x1] =	wrdreg $0xFFFFFFFF  }
0xa7: {  	s28 =	simm.s32 $_size_execute0_lowered;
	s2 =	sadd.s32 s2, s4;
	[dreg:$0x0] =	wrdreg $0x0  }
0xa8: {  	s4 =	sshll.u32 s28, $0x1;
	[dreg:$0x2] =	wrdreg s2  }
0xa9: {  	[dreg:$0x3] =	wrdreg s4  }
0xaa: {  	[dreg:$0x4] =	wrdreg $0xC0  }
0xab: {  	_ =	task [dreg:s6], $0x5FFFF  }
0xac: {  	[dreg:$0x1] =	wrdreg $0xFFFFFFFF  }
0xad: {  	[dreg:$0x0] =	wrdreg $0x60  }
0xae: {  	[dreg:$0x2] =	wrdreg s24  }
0xaf: {  	[dreg:$0x3] =	wrdreg $0x118000  }
0xb0: {  	[dreg:$0x4] =	wrdreg $0x9  }
0xb1: {  	_ =	task.clear_ibuf [dreg:s6], $0x5FFFF;
	_ =	strace $0x90000049  }
0xb2: {  	s29 =	simm.s32 $0x9;
	_ =	strace $0x8000004B  }
0xb3: {  	_ =	swait.ge [sflag:s29], $0x1  }
0xb4: {  	[sflag:s29] =	ssyncadd.s32 $0xFFFFFFFF  }
0xb5: {  	_ =	strace $0x9000004B  }
0xb6: {  	_ =	sfence  }
0xb7: {  	s30 =	sld [smem:$0x0];
	_ =	sdelay $0x2  }
0xb8: {  	s31 =	sshll.u32 s1, $0xD;
	s1 =	sshrl.u32 s1, $0x2  }
0xb9: {  	s3 =	sand.u32 $0x4000, s31;
	s1 =	sadd.s32 s1, s30  }
0xba: {  	s0 =	sor.u32 s3, s0;
	s1 =	sshll.u32 s1, $0x11  }
0xbb: {  	s0 =	sor.u32 s1, s0  }
0xbc: {  	s0 =	sadd.s32 $0x8F2B, s0  }
0xbd: {  	[sflag:s0] =	ssyncadd.remote.s32 $0x1  }
0xbe: {  	_ =	sfence.sel $0xFFFF  }
0xbf: {  	[dreg:$0x0] =	wrdreg $0xFFFFFFFF;
	(pc) =	sbr.abs _section_cstart, $3  }
0xc0: {  	[dreg:$0x1] =	wrdreg $0xFFFFFFFF  }
0xc1: {  	_ =	task.clear_ibuf [dreg:s6], $0x2FFFF;
	_ =	strace $0x9FFFFFFF  }
0xc2: {  	(tm) =	ssettm $0x7FFFFFFF  }
0xc3: {  	_ =	shalt  }
tec
execute0_lowered:
.L_overlay_start_1:
0x0: {  	(tag) =	ssettag $0x1  }
0x1: {  	s0 =	srdreg.scid;
	s1 =	rddreg [dreg:$0x0]  }
0x2: {  	s13 =	stileid.u32;
	s2 =	rddreg [dreg:$0x1];
	s3 =	simm.s32 $0x0  }
0x3: {  	s14 =	simm.s32 $0x4C00;
	s15 =	simm.s32 $0x80;
	s16 =	simm.s32 $0x9800  }
0x4: {  	s17 =	simm.s32 $0xB800;
	s19 =	simm.s32 $0xD800;
	s21 =	simm.s32 $0xF800  }
0x5: {  	s22 =	simm.s32 $0x1;
	s23 =	simm.s32 $0x2;
	s28 =	simm.s32 $0x4  }
0x6: {  	s29 =	simm.s32 $0x4D80;
	s30 =	simm.s32 $0x5;
	s5 =	smul.u32 $0x4C00, s13  }
0x7: {  	s31 =	simm.s32 $0x6;
	s0 =	sand.u32 $0x1, s0;
	s6 =	smul.u32 $0x9E00, s13  }
0x8: {  	s18 =	simm.s32 $0x0;
	[smem:$0x7FF] =	sst s3;
	s4 =	smul.u32 $0x4C000, s0  }
0x9: {  	s26 =	sshll.u32 s13, $0x6;
	s13 =	simm.s32 $0x9;
	s7 =	smul.u32 $0x9E000, s0  }
0xa: {  	_ =	strace $0x8000004A;
	s25 =	ssub.s32 $0x2, s0;
	p0 =	seq.s32 s0, $0x0  }
0xb: {  	s0 =	simm.s32 $0x8;
	s8 =	sshrl.u32 s6, $0x3;
	s10 =	sshrl.u32 s25, $0x1  }
0xc: {  	s12 =	sadd.s32 s6, s2;
	s5 =	sadd.s32 s5, s4;
	s4 =	sadd.s32 $0x3600, s1  }
0xd: {  	s24 =	sadd.s32 s6, s7;
	s8 =	sadd.s32 s8, s1;
	s11 =	ssub.s32 s25, s10  }
0xe: {  	s6 =	sor.u32 $0x1C09, s26;
	s7 =	simm.s32 $0x12800;
	s12 =	sshrl.u32 s12, $0x3  }
0xf: {  	s25 =	simm.s32 $0x3;
	s5 =	sshrl.u32 s5, $0x3;
	s7 =	simm.s32 @!p0 $0x800  }
0x10: {  	s11 =	smax.u32 s11, $0x1;
	s9 =	sadd.s32 s5, s1;
	s5 =	sshrl.u32 s24, $0x3  }
0x11: {  	s1 =	sadd.s32 s5, s1;
	s5 =	sadd.s32 $0x3D000, s8;
	s8 =	sadd.s32 $0x2A000, s9  }
0x12: {  	s9 =	sadd.s32 $0x17000, s9;
	s10 =	sadd.s32 $0x50C00, s1;
	s1 =	simm.s32 $0x7  }
.LBB2_1:
0x13: {  	[spmem:s12], [sflag:s6] =	dma.local [hbm:s5], $0x13C0  }
0x14: {  	_ =	swait.ge [sflag:s13], $0x13C0  }
0x15: {  	[sflag:s13] =	ssyncset.done $0x0  }
0x16: {  	[sflag:s13] =	ssyncadd.s32 $0xFFFFEC40  }
0x17: {  	[tilespmem:s3], [sflag:$0x9] =	stream.linear.gather [hbm4b:s8+s3], $0x4C00, $0x38;
	[tilespmem:$0x1B600] =	vst v63  }
0x18: {  	_ =	swait.ge [sflag:s13], $0x4C00  }
0x19: {  	[sflag:s13] =	ssyncset.done $0x0  }
0x1a: {  	[sflag:s13] =	ssyncadd.s32 $0xFFFFB400  }
0x1b: {  	[tilespmem:s14], [sflag:$0x9] =	stream.linear.gather [hbm4b:s9+s3], $0x4C00, $0x38;
	[tilespmem:$0x1B600] =	vst v63  }
0x1c: {  	_ =	swait.ge [sflag:s13], $0x4C00  }
0x1d: {  	[sflag:s13] =	ssyncset.done $0x0  }
0x1e: {  	[sflag:s13] =	ssyncadd.s32 $0xFFFFB400  }
0x1f: {  	[bflag:$0x0] =	sbarrier.arrive $0xFFFF  }
0x20: {  	[tilespmem:s16], [sflag:$0x1] =	stream.indirect.gather [hbm4b:s4+s15], $0x40, s3, s15, $0xb8;
	[tilespmem:$0x1B600] =	vst v63  }
0x21: {  	_ = 	snop  }
0x22: {  	[tilespmem:s17], [sflag:$0x2] =	stream.indirect.gather [hbm4b:s4+s15], $0x40, s15, s15, $0xb8;
	[tilespmem:$0x1B600] =	vst v63  }
0x23: {  	s20 =	simm.s32 $0x100  }
0x24: {  	[tilespmem:s19], [sflag:$0x3] =	stream.indirect.gather [hbm4b:s4+s15], $0x40, s20, s15, $0xb8;
	[tilespmem:$0x1B600] =	vst v63  }
0x25: {  	s24 =	simm.s32 $0x180  }
0x26: {  	[tilespmem:s21], [sflag:$0x4] =	stream.indirect.gather [hbm4b:s4+s15], $0x40, s24, s15, $0xb8;
	[tilespmem:$0x1B600] =	vst v63  }
0x27: {  	_ =	swait.ge [sflag:s22], $0x2000  }
0x28: {  	[sflag:s22] =	ssyncset.done $0x0  }
0x29: {  	[sflag:s22] =	ssyncadd.s32 $0xFFFFE000  }
0x2a: {  	[spmem:s2] =	stream.indirect.scatter.add.f32 [tilespmem:s16], [sflag:$0x5], $0x40, s14, s15, $0xb8;
	[tilespmem:$0x1B600] =	vst v63  }
0x2b: {  	_ =	swait.ge [sflag:s23], $0x2000  }
0x2c: {  	[sflag:s23] =	ssyncset.done $0x0  }
0x2d: {  	s26 =	simm.s32 $0x4C80;
	[sflag:s23] =	ssyncadd.s32 $0xFFFFE000  }
0x2e: {  	[spmem:s2] =	stream.indirect.scatter.add.f32 [tilespmem:s17], [sflag:$0x6], $0x40, s26, s15, $0xb8;
	[tilespmem:$0x1B600] =	vst v63  }
0x2f: {  	_ =	swait.ge [sflag:s25], $0x2000  }
0x30: {  	[sflag:s25] =	ssyncset.done $0x0  }
0x31: {  	s24 =	simm.s32 $0x4D00;
	[sflag:s25] =	ssyncadd.s32 $0xFFFFE000  }
0x32: {  	[spmem:s2] =	stream.indirect.scatter.add.f32 [tilespmem:s19], [sflag:$0x7], $0x40, s24, s15, $0xb8;
	[tilespmem:$0x1B600] =	vst v63  }
0x33: {  	_ =	swait.ge [sflag:s28], $0x2000  }
0x34: {  	[sflag:s28] =	ssyncset.done $0x0  }
0x35: {  	[sflag:s28] =	ssyncadd.s32 $0xFFFFE000  }
0x36: {  	[spmem:s2] =	stream.indirect.scatter.add.f32 [tilespmem:s21], [sflag:$0x8], $0x40, s29, s15, $0xb8;
	[tilespmem:$0x1B600] =	vst v63  }
0x37: {  	_ =	swait.ge [sflag:s30], $0x2000  }
0x38: {  	[sflag:s30] =	ssyncset.done $0x0  }
0x39: {  	s26 =	simm.s32 $0x200;
	[sflag:s30] =	ssyncadd.s32 $0xFFFFE000  }
0x3a: {  	[tilespmem:s16], [sflag:$0x1] =	stream.indirect.gather [hbm4b:s4+s15], $0x40, s26, s15, $0xb8;
	[tilespmem:$0x1B600] =	vst v63  }
0x3b: {  	_ =	swait.ge [sflag:s31], $0x2000  }
0x3c: {  	[sflag:s31] =	ssyncset.done $0x0  }
0x3d: {  	s24 =	simm.s32 $0x280;
	[sflag:s31] =	ssyncadd.s32 $0xFFFFE000  }
0x3e: {  	[tilespmem:s17], [sflag:$0x2] =	stream.indirect.gather [hbm4b:s4+s15], $0x40, s24, s15, $0xb8;
	[tilespmem:$0x1B600] =	vst v63  }
0x3f: {  	_ =	swait.ge [sflag:s1], $0x2000  }
0x40: {  	[sflag:s1] =	ssyncset.done $0x0  }
0x41: {  	s26 =	simm.s32 $0x300;
	[sflag:s1] =	ssyncadd.s32 $0xFFFFE000  }
0x42: {  	[tilespmem:s19], [sflag:$0x3] =	stream.indirect.gather [hbm4b:s4+s15], $0x40, s26, s15, $0xb8;
	[tilespmem:$0x1B600] =	vst v63  }
0x43: {  	_ =	swait.ge [sflag:s0], $0x2000  }
0x44: {  	[sflag:s0] =	ssyncset.done $0x0  }
0x45: {  	s24 =	simm.s32 $0x380;
	[sflag:s0] =	ssyncadd.s32 $0xFFFFE000  }
0x46: {  	[tilespmem:s21], [sflag:$0x4] =	stream.indirect.gather [hbm4b:s4+s15], $0x40, s24, s15, $0xb8;
	[tilespmem:$0x1B600] =	vst v63  }
0x47: {  	_ =	swait.ge [sflag:s22], $0x2000  }
0x48: {  	[sflag:s22] =	ssyncset.done $0x0  }
0x49: {  	s26 =	simm.s32 $0x4E00;
	[sflag:s22] =	ssyncadd.s32 $0xFFFFE000  }
0x4a: {  	[spmem:s2] =	stream.indirect.scatter.add.f32 [tilespmem:s16], [sflag:$0x5], $0x40, s26, s15, $0xb8;
	[tilespmem:$0x1B600] =	vst v63  }
0x4b: {  	_ =	swait.ge [sflag:s23], $0x2000  }
0x4c: {  	[sflag:s23] =	ssyncset.done $0x0  }
0x4d: {  	s24 =	simm.s32 $0x4E80;
	[sflag:s23] =	ssyncadd.s32 $0xFFFFE000  }
0x4e: {  	[spmem:s2] =	stream.indirect.scatter.add.f32 [tilespmem:s17], [sflag:$0x6], $0x40, s24, s15, $0xb8;
	[tilespmem:$0x1B600] =	vst v63  }
0x4f: {  	_ =	swait.ge [sflag:s25], $0x2000  }
0x50: {  	p0 =	sne.s32 s7, $0x800;
	[sflag:s25] =	ssyncset.done $0x0  }
.Ltmp0:
0x51: {  	s26 =	simm.s32 $0x4F00;
	[sflag:s25] =	ssyncadd.s32 $0xFFFFE000;
	(pc) =	sbr.rel @!p0 .LBB2_3-.Ltmp0, $4  }
0x52: {  	[spmem:s2] =	stream.indirect.scatter.add.f32 [tilespmem:s19], [sflag:$0x7], $0x40, s26, s15, $0xb8;
	[tilespmem:$0x1B600] =	vst v63  }
0x53: {  	_ =	swait.ge [sflag:s28], $0x2000  }
0x54: {  	[sflag:s28] =	ssyncset.done $0x0  }
0x55: {  	s20 =	simm.s32 $0x800;
	s24 =	simm.s32 $0x4F80;
	[sflag:s28] =	ssyncadd.s32 $0xFFFFE000  }
.LBB2_2:
0x56: {  	[spmem:s2] =	stream.indirect.scatter.add.f32 [tilespmem:s21], [sflag:$0x8], $0x40, s24, s15, $0xb8;
	[tilespmem:$0x1B600] =	vst v63  }
0x57: {  	s24 =	smov.u32 s20;
	s20 =	sadd.s32 $0x800, s20;
	_ =	swait.ge [sflag:s30], $0x2000  }
0x58: {  	s24 =	sshra.s32 s24, $0x2;
	p0 =	sne.s32 s7, s20;
	[sflag:s30] =	ssyncset.done $0x0  }
0x59: {  	s26 =	sadd.s32 $0x200, s24;
	[sflag:s30] =	ssyncadd.s32 $0xFFFFE000  }
0x5a: {  	[tilespmem:s16], [sflag:$0x1] =	stream.indirect.gather [hbm4b:s4+s15], $0x40, s26, s15, $0xb8;
	[tilespmem:$0x1B600] =	vst v63  }
0x5b: {  	_ =	swait.ge [sflag:s31], $0x2000  }
0x5c: {  	[sflag:s31] =	ssyncset.done $0x0  }
0x5d: {  	s26 =	sadd.s32 $0x280, s24;
	[sflag:s31] =	ssyncadd.s32 $0xFFFFE000  }
0x5e: {  	[tilespmem:s17], [sflag:$0x2] =	stream.indirect.gather [hbm4b:s4+s15], $0x40, s26, s15, $0xb8;
	[tilespmem:$0x1B600] =	vst v63  }
0x5f: {  	_ =	swait.ge [sflag:s1], $0x2000  }
0x60: {  	[sflag:s1] =	ssyncset.done $0x0  }
0x61: {  	s26 =	sadd.s32 $0x300, s24;
	[sflag:s1] =	ssyncadd.s32 $0xFFFFE000  }
0x62: {  	[tilespmem:s19], [sflag:$0x3] =	stream.indirect.gather [hbm4b:s4+s15], $0x40, s26, s15, $0xb8;
	[tilespmem:$0x1B600] =	vst v63  }
0x63: {  	_ =	swait.ge [sflag:s0], $0x2000  }
0x64: {  	[sflag:s0] =	ssyncset.done $0x0  }
0x65: {  	s26 =	sadd.s32 $0x380, s24;
	[sflag:s0] =	ssyncadd.s32 $0xFFFFE000  }
0x66: {  	[tilespmem:s21], [sflag:$0x4] =	stream.indirect.gather [hbm4b:s4+s15], $0x40, s26, s15, $0xb8;
	[tilespmem:$0x1B600] =	vst v63  }
0x67: {  	_ =	swait.ge [sflag:s22], $0x2000  }
0x68: {  	[sflag:s22] =	ssyncset.done $0x0  }
0x69: {  	s26 =	sadd.s32 $0x4E00, s24;
	[sflag:s22] =	ssyncadd.s32 $0xFFFFE000  }
0x6a: {  	[spmem:s2] =	stream.indirect.scatter.add.f32 [tilespmem:s16], [sflag:$0x5], $0x40, s26, s15, $0xb8;
	[tilespmem:$0x1B600] =	vst v63  }
0x6b: {  	_ =	swait.ge [sflag:s23], $0x2000  }
0x6c: {  	[sflag:s23] =	ssyncset.done $0x0  }
0x6d: {  	s26 =	sadd.s32 $0x4E80, s24;
	[sflag:s23] =	ssyncadd.s32 $0xFFFFE000  }
0x6e: {  	[spmem:s2] =	stream.indirect.scatter.add.f32 [tilespmem:s17], [sflag:$0x6], $0x40, s26, s15, $0xb8;
	[tilespmem:$0x1B600] =	vst v63  }
0x6f: {  	_ =	swait.ge [sflag:s25], $0x2000  }
0x70: {  	[sflag:s25] =	ssyncset.done $0x0  }
.Ltmp1:
0x71: {  	s26 =	sadd.s32 $0x4F00, s24;
	[sflag:s25] =	ssyncadd.s32 $0xFFFFE000;
	(pc) =	sbr.rel @p0 .LBB2_2-.Ltmp1, $4  }
0x72: {  	[spmem:s2] =	stream.indirect.scatter.add.f32 [tilespmem:s19], [sflag:$0x7], $0x40, s26, s15, $0xb8;
	[tilespmem:$0x1B600] =	vst v63  }
0x73: {  	_ =	swait.ge [sflag:s28], $0x2000  }
0x74: {  	[sflag:s28] =	ssyncset.done $0x0  }
0x75: {  	s24 =	sadd.s32 $0x4F80, s24;
	[sflag:s28] =	ssyncadd.s32 $0xFFFFE000  }
.LBB2_3:
0x76: {  	[spmem:s2] =	stream.indirect.scatter.add.f32 [tilespmem:s21], [sflag:$0x8], $0x40, s24, s15, $0xb8;
	[tilespmem:$0x1B600] =	vst v63  }
0x77: {  	_ =	swait.ge [sflag:s30], $0x2000  }
0x78: {  	[sflag:s30] =	ssyncset.done $0x0  }
0x79: {  	[sflag:s30] =	ssyncadd.s32 $0xFFFFE000  }
0x7a: {  	_ =	swait.ge [sflag:s31], $0x2000  }
0x7b: {  	[sflag:s31] =	ssyncset.done $0x0  }
0x7c: {  	[sflag:s31] =	ssyncadd.s32 $0xFFFFE000  }
0x7d: {  	_ =	swait.ge [sflag:s1], $0x2000  }
0x7e: {  	[sflag:s1] =	ssyncset.done $0x0  }
0x7f: {  	[sflag:s1] =	ssyncadd.s32 $0xFFFFE000  }
0x80: {  	_ =	swait.ge [sflag:s0], $0x2000  }
0x81: {  	s18 =	sadd.s32 $0x1, s18;
	[sflag:s0] =	ssyncset.done $0x0  }
0x82: {  	p0 =	sne.s32 s18, s11;
	[sflag:s0] =	ssyncadd.s32 $0xFFFFE000  }
.Ltmp2:
0x83: {  	[bflag:$0x0] =	sbarrier.arrive $0xFFFF;
	(pc) =	sbr.rel @p0 .LBB2_1-.Ltmp2, $4  }
0x84: {  	[hbm:s10], [sflag:s6] =	dma.local [spmem:s12], $0x13C0  }
0x85: {  	_ =	swait.ge [sflag:s13], $0x13C0  }
0x86: {  	[sflag:s13] =	ssyncset.done $0x0  }
0x87: {  	[sflag:s13] =	ssyncadd.s32 $0xFFFFEC40  }
0x88: {  	_ =	sfence.sel $0x180000  }
0x89: {  	[bflag:$0x0] =	sbarrier.arrive $0xFFFF  }
0x8a: {  	_ =	strace $0x9000004A  }
0x8b: {  	s0 =	stileid.u32;
	[bflag:$0x2] =	sbarrier.arrive $0xFFFF  }
0x8c: {  	p0 =	sne.s32 s0, $0x0;
	s0 =	rddreg [dreg:$0x2]  }
0x8d: {  	s0 =	sadd.s32 @!p0 $0x100000, s0  }
0x8e: {  	[sflag:s0] =	ssyncadd.tile.s32 @!p0 $0x1;
	_ =	shalt  }
.Lfunc_end2:
_tile_overlayer_lowered:
.L_overlay_start_2:
0x8f: {  	(tag) =	ssettag $0x2  }
0x90: {  	s0 =	rddreg [dreg:$0x0];
	s2 =	stileid.u32  }
0x91: {  	s1 =	rddreg [dreg:$0x1];
	p0 =	sne.s32 s2, $0x0  }
0x92: {  	s3 =	rddreg [dreg:$0x2];
	[bflag:$0x3] =	sbarrier.arrive $0xFFFF;
	s2 =	simm.s32 @!p0 $0x1C09  }
0x93: {  	[timem:s3], [sflag:s2] =	dma.local @!p0 [hbm:s0], s1  }
0x94: {  	s0 =	simm.s32 @!p0 $0x9  }
0x95: {  	_ =	swait.ge @!p0 [sflag:s0], s1  }
0x96: {  	s1 =	ssub.s32 @!p0 $0x0, s1;
	[sflag:s0] =	ssyncset.done @!p0 $0x0  }
0x97: {  	[sflag:s0] =	ssyncadd.s32 @!p0 s1  }
0x98: {  	[bflag:$0x3] =	sbarrier.arrive $0xFFFF  }
0x99: {  	_ =	shalt  }

// kernel: kernel.13.cloned.1.call-start
scs
__scs_entry_jumppad:
0x0: {  	(pc) =	sbr.rel $0x88, $3  }
0x1: {  	(tag) =	ssettag $0x0;
	lr =	simm.s32 $0x1  }
0x2: {  	[smem:$0x3F8E] =	sst lr;
	_ =	strace $0xD0000000  }
0x3: {  	_ = 	snop  }
0x4: {  	_ = 	snop  }
0x5: {  	_ = 	snop  }
0x6: {  	_ = 	snop  }
0x7: {  	_ = 	snop  }
__scs_overlays_trampoline_lowered:
0x8: {  	[smem:$0x3F9D] =	sst s0  }
0x9: {  	[smem:$0x3F9E] =	sst s1  }
0xa: {  	[smem:$0x3F9F] =	sst s2  }
0xb: {  	[smem:$0x3FA0] =	sst s3  }
0xc: {  	[smem:$0x3FA1] =	sst s4  }
0xd: {  	[smem:$0x3FA2] =	sst s5  }
0xe: {  	[smem:$0x3FA3] =	sst s6  }
0xf: {  	[smem:$0x3FA4] =	sst s7  }
0x10: {  	[smem:$0x3FA5] =	sst s8  }
0x11: {  	[smem:$0x3FA6] =	sst s9;
	s0 =	simm.s32 @!p0 $0x0  }
0x12: {  	s1 =	sld [smem:$0x3F8C];
	s0 =	simm.s32 @p0 $0x1  }
0x13: {  	[smem:$0x3FA7] =	sst s0;
	s0 =	simm.s32 @!p1 $0x0  }
0x14: {  	s2 =	sld [smem:$0x3F8B];
	s0 =	simm.s32 @p1 $0x1  }
0x15: {  	[smem:$0x3FA8] =	sst s0;
	s0 =	simm.s32 @!p2 $0x0  }
0x16: {  	s3 =	sld [smem:$0x3FDB];
	s0 =	simm.s32 @p2 $0x1  }
0x17: {  	s4 =	simm.s32 $0x1BF5;
	[smem:$0x3FAA] =	sst s0  }
0x18: {  	s0 =	sld [smem:$0x3F8D];
	_ =	swait.ge [sflag:s4], $0x0  }
0x19: {  	s7 =	sld [smem:$0x3F8E]  }
0x1a: {  	s8 =	sadd.s32 $0xFFFFE003, lr  }
0x1b: {  	s9 =	sadd.s32 $0xFFFFFEF7, lr;
	s5 =	simm.s32 $0xFFFFFFFF;
	p2 =	slt.u32 s8, $0xFFFFF086  }
0x1c: {  	p1 =	slt.u32 s9, $0xF7A;
	s5 =	simm.s32 @!p2 $0x0  }
0x1d: {  	s5 =	simm.s32 @p1 $0x1;
	p0 =	seq.s32 s7, s2  }
0x1e: {  	s7 =	smul.u32 @!p0 $0xF7A, s2;
	p2 =	seq.s32 @!p0 s5, $0x0  }
0x1f: {  	s9 =	smul.u32 $0xF7A, s1;
	s8 =	simm.s32 @!p0 $0x1BF5;
	p2 =	por !p2, p0  }
0x20: {  	[sflag:s8] =	ssyncset.s32 @!p0 $0xFFFFF086;
	s6 =	sadd.s32 @!p0 s3, s7;
	s7 =	simm.s32 @!p0 $0x108  }
0x21: {  	s3 =	sadd.s32 s3, s9;
	s6 =	sadd.s32 @!p0 $0x88, s6;
	s7 =	simm.s32 @p2 $0x1082  }
0x22: {  	[simem:s7], [sflag:s8] =	dma.local @!p0 [hbm:s6], $0xF7A  }
0x23: {  	s9 =	sor.u32 $0xD0000000, s2;
	s6 =	simm.s32 $0x108;
	_ =	swait.ge @!p0 [sflag:s8], $0x0  }
0x24: {  	s3 =	sadd.s32 $0x88, s3;
	s6 =	simm.s32 @!p1 $0x1082;
	[sflag:s4] =	ssyncset.s32 $0xFFFFF086  }
0x25: {  	[simem:s6], [sflag:s4] =	dma.local [hbm:s3], $0xF7A  }
0x26: {  	[smem:$0x3F8E] =	sst s1;
	(tag) =	ssettag s2;
	_ =	strace s9  }
0x27: {  	s1 =	sld [smem:$0x3F9E]  }
0x28: {  	s2 =	sld [smem:$0x3F9F]  }
0x29: {  	s4 =	sld [smem:$0x3FA1]  }
0x2a: {  	p0 =	seq.s32 s5, $0x0;
	s5 =	sld [smem:$0x3FA2]  }
0x2b: {  	s6 =	sld [smem:$0x3FA3]  }
0x2c: {  	s7 =	sld [smem:$0x3FA4]  }
0x2d: {  	s3 =	simm.s32 $0x108;
	s8 =	sld [smem:$0x3FA5]  }
0x2e: {  	s3 =	simm.s32 @!p0 $0x1082;
	s9 =	sld [smem:$0x3FA6]  }
0x2f: {  	lr =	sadd.s32 s0, s3;
	s0 =	sld [smem:$0x3F9D]  }
0x30: {  	s3 =	sld [smem:$0x3FA0]  }
0x31: {  	[smem:$0x3FA9] =	sst s10  }
0x32: {  	s10 =	sld [smem:$0x3FA7];
	_ =	sdelay $0x3  }
0x33: {  	p0 =	seq.s32 s10, $0x1;
	s10 =	sld [smem:$0x3FA9];
	_ =	sdelay $0x3  }
0x34: {  	[smem:$0x3FA9] =	sst s10  }
0x35: {  	s10 =	sld [smem:$0x3FA8];
	_ =	sdelay $0x3  }
0x36: {  	p1 =	seq.s32 s10, $0x1;
	s10 =	sld [smem:$0x3FA9];
	_ =	sdelay $0x3  }
0x37: {  	[smem:$0x3FA9] =	sst s10  }
0x38: {  	s10 =	sld [smem:$0x3FAA]  }
0x39: {  	_ = 	snop;
	(pc) =	sbr.ind lr, $3  }
0x3a: {  	_ = 	snop  }
0x3b: {  	_ = 	snop  }
0x3c: {  	p2 =	seq.s32 s10, $0x1;
	s10 =	sld [smem:$0x3FA9]  }
0x3d: {  	_ =	shalt  }
0x3e: {  	_ =	shalt  }
0x3f: {  	_ =	shalt  }
0x40: {  	_ =	shalt  }
0x41: {  	_ =	shalt  }
0x42: {  	_ =	shalt  }
0x43: {  	_ =	shalt  }
0x44: {  	_ =	shalt  }
0x45: {  	_ =	shalt  }
0x46: {  	_ =	shalt  }
0x47: {  	_ =	shalt  }
0x48: {  	_ =	shalt  }
0x49: {  	_ =	shalt  }
0x4a: {  	_ =	shalt  }
0x4b: {  	_ =	shalt  }
0x4c: {  	_ =	shalt  }
0x4d: {  	_ =	shalt  }
0x4e: {  	_ =	shalt  }
0x4f: {  	_ =	shalt  }
0x50: {  	_ =	shalt  }
0x51: {  	_ =	shalt  }
0x52: {  	_ =	shalt  }
0x53: {  	_ =	shalt  }
0x54: {  	_ =	shalt  }
0x55: {  	_ =	shalt  }
0x56: {  	_ =	shalt  }
0x57: {  	_ =	shalt  }
0x58: {  	_ =	shalt  }
0x59: {  	_ =	shalt  }
0x5a: {  	_ =	shalt  }
0x5b: {  	_ =	shalt  }
0x5c: {  	_ =	shalt  }
0x5d: {  	_ =	shalt  }
0x5e: {  	_ =	shalt  }
0x5f: {  	_ =	shalt  }
0x60: {  	_ =	shalt  }
0x61: {  	_ =	shalt  }
0x62: {  	_ =	shalt  }
0x63: {  	_ =	shalt  }
0x64: {  	_ =	shalt  }
0x65: {  	_ =	shalt  }
0x66: {  	_ =	shalt  }
0x67: {  	_ =	shalt  }
0x68: {  	_ =	shalt  }
0x69: {  	_ =	shalt  }
0x6a: {  	_ =	shalt  }
0x6b: {  	_ =	shalt  }
0x6c: {  	_ =	shalt  }
0x6d: {  	_ =	shalt  }
0x6e: {  	_ =	shalt  }
0x6f: {  	_ =	shalt  }
0x70: {  	_ =	shalt  }
0x71: {  	_ =	shalt  }
0x72: {  	_ =	shalt  }
0x73: {  	_ =	shalt  }
0x74: {  	_ =	shalt  }
0x75: {  	_ =	shalt  }
0x76: {  	_ =	shalt  }
0x77: {  	_ =	shalt  }
0x78: {  	_ =	shalt  }
0x79: {  	_ =	shalt  }
0x7a: {  	_ =	shalt  }
0x7b: {  	_ =	shalt  }
0x7c: {  	_ =	shalt  }
0x7d: {  	_ =	shalt  }
0x7e: {  	_ =	shalt  }
0x7f: {  	_ =	shalt  }
0x80: {  	_ =	shalt  }
0x81: {  	_ =	shalt  }
0x82: {  	_ =	shalt  }
0x83: {  	_ =	shalt  }
0x84: {  	_ =	shalt  }
0x85: {  	_ =	shalt  }
0x86: {  	_ =	shalt  }
0x87: {  	_ =	shalt  }
.Lfunc_end0:
.L_simem_size_0:
called_computation.2_lowered:
.L_overlay_start_0:
0x88: {  	s2 =	sld [smem:$0x3FD9]  }
0x89: {  	s3 =	sld [smem:$0x3FFE];
	_ =	sdelay $0x1  }
0x8a: {  	s1 =	srdreg.scid  }
0x8b: {  	s0 =	sand.u32 $0x1, s1  }
0x8c: {  	s16 =	sshll.u32 s0, $0xA;
	s2 =	sadd.s32 s3, s2  }
0x8d: {  	s2 =	sadd.s32 s2, s16  }
0x8e: {  	[smem:$0x3FB5] =	sst s2  }
0x8f: {  	_ = 	snop  }
0x90: {  	(tm) =	ssettm $0x1  }
0x91: {  	s17 =	sld [smem:$0x3FFB];
	_ =	sdelay $0x3  }
0x92: {  	_ =	strace s17  }
0x93: {  	s2 =	sld [smem:$0x3FFC];
	_ =	sdelay $0x3  }
0x94: {  	_ =	strace s2  }
0x95: {  	s2 =	sld [smem:$0x3FFD];
	_ =	sdelay $0x3  }
0x96: {  	_ =	strace s2  }
0x97: {  	_ =	strace $0x8FFFFFFF  }
0x98: {  	s18 =	sld [smem:$0x3FDB];
	_ =	sdelay $0x1  }
0x99: {  	s19 =	simm.s32 $_scs_section_size  }
0x9a: {  	s4 =	simm.s32 $_size__tile_overlayer_lowered;
	s5 =	simm.s32 $_tile_overlayer_lowered  }
0x9b: {  	s22 =	simm.s32 $0x1BFF;
	s21 =	sshll.u32 s5, $0x1;
	s2 =	sadd.s32 s19, s18  }
0x9c: {  	s6 =	simm.s32 $0x0;
	s20 =	sshll.u32 s4, $0x1;
	s4 =	sadd.s32 s21, s2  }
0x9d: {  	[timem:s6], [sflag:s22] =	dma.local [hbm:s4], s20  }
0x9e: {  	_ =	swait.ge [sflag:s22], s20  }
0x9f: {  	s3 =	ssub.s32 $0x0, s20;
	[sflag:s22] =	ssyncset.done $0x0  }
0xa0: {  	[sflag:s22] =	ssyncadd.s32 s3;
	_ =	sdelay $0x1  }
0xa1: {  	s23 =	simm.s32 $0x1B8B  }
0xa2: {  	_ =	swait.ge [sflag:s23], $0x1  }
0xa3: {  	[sflag:s23] =	ssyncset.done $0x0  }
0xa4: {  	s25 =	simm.s32 $0x1B8E;
	s24 =	sld [smem:$0x3FFE];
	[sflag:s23] =	ssyncadd.s32 $0xFFFFFFFF  }
0xa5: {  	s26 =	simm.s32 $execute0_lowered;
	[smem:$0x3FD2] =	sst s25  }
0xa6: {  	s4 =	sshll.u32 s26, $0x1;
	_ =	strace $0x8000004C;
	[dreg:$0x1] =	wrdreg $0xFFFFFFFF  }
0xa7: {  	s28 =	simm.s32 $_size_execute0_lowered;
	s2 =	sadd.s32 s2, s4;
	[dreg:$0x0] =	wrdreg $0x0  }
0xa8: {  	s4 =	sshll.u32 s28, $0x1;
	[dreg:$0x2] =	wrdreg s2  }
0xa9: {  	[dreg:$0x3] =	wrdreg s4  }
0xaa: {  	[dreg:$0x4] =	wrdreg $0xC0  }
0xab: {  	_ =	task [dreg:s6], $0x5FFFF  }
0xac: {  	[dreg:$0x1] =	wrdreg $0xFFFFFFFF  }
0xad: {  	[dreg:$0x0] =	wrdreg $0x60  }
0xae: {  	[dreg:$0x2] =	wrdreg s24  }
0xaf: {  	[dreg:$0x3] =	wrdreg $0xD8000  }
0xb0: {  	[dreg:$0x4] =	wrdreg $0x9  }
0xb1: {  	_ =	task.clear_ibuf [dreg:s6], $0x5FFFF;
	_ =	strace $0x9000004C  }
0xb2: {  	s29 =	simm.s32 $0x9;
	_ =	strace $0x8000004E  }
0xb3: {  	_ =	swait.ge [sflag:s29], $0x1  }
0xb4: {  	[sflag:s29] =	ssyncadd.s32 $0xFFFFFFFF  }
0xb5: {  	_ =	strace $0x9000004E  }
0xb6: {  	_ =	sfence  }
0xb7: {  	s30 =	sld [smem:$0x0];
	_ =	sdelay $0x2  }
0xb8: {  	s31 =	sshll.u32 s1, $0xD;
	s1 =	sshrl.u32 s1, $0x2  }
0xb9: {  	s3 =	sand.u32 $0x4000, s31;
	s1 =	sadd.s32 s1, s30  }
0xba: {  	s0 =	sor.u32 s3, s0;
	s1 =	sshll.u32 s1, $0x11  }
0xbb: {  	s0 =	sor.u32 s1, s0  }
0xbc: {  	s0 =	sadd.s32 $0x8F2B, s0  }
0xbd: {  	[sflag:s0] =	ssyncadd.remote.s32 $0x1  }
0xbe: {  	_ =	sfence.sel $0xFFFF  }
0xbf: {  	[dreg:$0x0] =	wrdreg $0xFFFFFFFF;
	(pc) =	sbr.abs _section_cstart, $3  }
0xc0: {  	[dreg:$0x1] =	wrdreg $0xFFFFFFFF  }
0xc1: {  	_ =	task.clear_ibuf [dreg:s6], $0x2FFFF;
	_ =	strace $0x9FFFFFFF  }
0xc2: {  	(tm) =	ssettm $0x7FFFFFFF  }
0xc3: {  	_ =	shalt  }
tec
execute0_lowered:
.L_overlay_start_1:
0x0: {  	(tag) =	ssettag $0x1  }
0x1: {  	s0 =	srdreg.scid;
	s1 =	rddreg [dreg:$0x0]  }
0x2: {  	s13 =	stileid.u32;
	s2 =	rddreg [dreg:$0x1];
	s3 =	simm.s32 $0x0  }
0x3: {  	s14 =	simm.s32 $0x4C00;
	s15 =	simm.s32 $0x80;
	s16 =	simm.s32 $0x9800  }
0x4: {  	s17 =	simm.s32 $0xA800;
	s19 =	simm.s32 $0xB800;
	s21 =	simm.s32 $0xC800  }
0x5: {  	s22 =	simm.s32 $0x1;
	s23 =	simm.s32 $0x2;
	s28 =	simm.s32 $0x4  }
0x6: {  	s29 =	simm.s32 $0x4D80;
	s30 =	simm.s32 $0x5;
	s5 =	smul.u32 $0x4C00, s13  }
0x7: {  	s31 =	simm.s32 $0x6;
	s0 =	sand.u32 $0x1, s0;
	s6 =	smul.u32 $0x4F00, s13  }
0x8: {  	s18 =	simm.s32 $0x0;
	[smem:$0x7FF] =	sst s3;
	s4 =	smul.u32 $0x4C000, s0  }
0x9: {  	s26 =	sshll.u32 s13, $0x6;
	s13 =	simm.s32 $0x9;
	s7 =	smul.u32 $0x4F000, s0  }
0xa: {  	_ =	strace $0x8000004D;
	s25 =	ssub.s32 $0x2, s0;
	p0 =	seq.s32 s0, $0x0  }
0xb: {  	s0 =	simm.s32 $0x8;
	s8 =	sshrl.u32 s6, $0x3;
	s10 =	sshrl.u32 s25, $0x1  }
0xc: {  	s12 =	sadd.s32 s6, s2;
	s5 =	sadd.s32 s5, s4;
	s4 =	sadd.s32 $0x3600, s1  }
0xd: {  	s24 =	sadd.s32 s6, s7;
	s8 =	sadd.s32 s8, s1;
	s11 =	ssub.s32 s25, s10  }
0xe: {  	s6 =	sor.u32 $0x1C09, s26;
	s7 =	simm.s32 $0x12800;
	s12 =	sshrl.u32 s12, $0x3  }
0xf: {  	s25 =	simm.s32 $0x3;
	s5 =	sshrl.u32 s5, $0x3;
	s7 =	simm.s32 @!p0 $0x800  }
0x10: {  	s11 =	smax.u32 s11, $0x1;
	s9 =	sadd.s32 s5, s1;
	s5 =	sshrl.u32 s24, $0x3  }
0x11: {  	s1 =	sadd.s32 s5, s1;
	s5 =	sadd.s32 $0x3D000, s8;
	s8 =	sadd.s32 $0x2A000, s9  }
0x12: {  	s9 =	sadd.s32 $0x17000, s9;
	s10 =	sadd.s32 $0x46E00, s1;
	s1 =	simm.s32 $0x7  }
.LBB2_1:
0x13: {  	[spmem:s12], [sflag:s6] =	dma.local [hbm:s5], $0x9E0  }
0x14: {  	_ =	swait.ge [sflag:s13], $0x9E0  }
0x15: {  	[sflag:s13] =	ssyncset.done $0x0  }
0x16: {  	[sflag:s13] =	ssyncadd.s32 $0xFFFFF620  }
0x17: {  	[tilespmem:s3], [sflag:$0x9] =	stream.linear.gather [hbm4b:s8+s3], $0x4C00, $0x38;
	[tilespmem:$0x12700] =	vst v63  }
0x18: {  	_ =	swait.ge [sflag:s13], $0x4C00  }
0x19: {  	[sflag:s13] =	ssyncset.done $0x0  }
0x1a: {  	[sflag:s13] =	ssyncadd.s32 $0xFFFFB400  }
0x1b: {  	[tilespmem:s14], [sflag:$0x9] =	stream.linear.gather [hbm4b:s9+s3], $0x4C00, $0x38;
	[tilespmem:$0x12700] =	vst v63  }
0x1c: {  	_ =	swait.ge [sflag:s13], $0x4C00  }
0x1d: {  	[sflag:s13] =	ssyncset.done $0x0  }
0x1e: {  	[sflag:s13] =	ssyncadd.s32 $0xFFFFB400  }
0x1f: {  	[bflag:$0x0] =	sbarrier.arrive $0xFFFF  }
0x20: {  	[tilespmem:s16], [sflag:$0x1] =	stream.indirect.gather [hbm4b:s4+s15], $0x20, s3, s15, $0xb8;
	[tilespmem:$0x12700] =	vst v63  }
0x21: {  	_ = 	snop  }
0x22: {  	[tilespmem:s17], [sflag:$0x2] =	stream.indirect.gather [hbm4b:s4+s15], $0x20, s15, s15, $0xb8;
	[tilespmem:$0x12700] =	vst v63  }
0x23: {  	s20 =	simm.s32 $0x100  }
0x24: {  	[tilespmem:s19], [sflag:$0x3] =	stream.indirect.gather [hbm4b:s4+s15], $0x20, s20, s15, $0xb8;
	[tilespmem:$0x12700] =	vst v63  }
0x25: {  	s24 =	simm.s32 $0x180  }
0x26: {  	[tilespmem:s21], [sflag:$0x4] =	stream.indirect.gather [hbm4b:s4+s15], $0x20, s24, s15, $0xb8;
	[tilespmem:$0x12700] =	vst v63  }
0x27: {  	_ =	swait.ge [sflag:s22], $0x1000  }
0x28: {  	[sflag:s22] =	ssyncset.done $0x0  }
0x29: {  	[sflag:s22] =	ssyncadd.s32 $0xFFFFF000  }
0x2a: {  	[spmem:s2] =	stream.indirect.scatter.add.f32 [tilespmem:s16], [sflag:$0x5], $0x20, s14, s15, $0xb8;
	[tilespmem:$0x12700] =	vst v63  }
0x2b: {  	_ =	swait.ge [sflag:s23], $0x1000  }
0x2c: {  	[sflag:s23] =	ssyncset.done $0x0  }
0x2d: {  	s26 =	simm.s32 $0x4C80;
	[sflag:s23] =	ssyncadd.s32 $0xFFFFF000  }
0x2e: {  	[spmem:s2] =	stream.indirect.scatter.add.f32 [tilespmem:s17], [sflag:$0x6], $0x20, s26, s15, $0xb8;
	[tilespmem:$0x12700] =	vst v63  }
0x2f: {  	_ =	swait.ge [sflag:s25], $0x1000  }
0x30: {  	[sflag:s25] =	ssyncset.done $0x0  }
0x31: {  	s24 =	simm.s32 $0x4D00;
	[sflag:s25] =	ssyncadd.s32 $0xFFFFF000  }
0x32: {  	[spmem:s2] =	stream.indirect.scatter.add.f32 [tilespmem:s19], [sflag:$0x7], $0x20, s24, s15, $0xb8;
	[tilespmem:$0x12700] =	vst v63  }
0x33: {  	_ =	swait.ge [sflag:s28], $0x1000  }
0x34: {  	[sflag:s28] =	ssyncset.done $0x0  }
0x35: {  	[sflag:s28] =	ssyncadd.s32 $0xFFFFF000  }
0x36: {  	[spmem:s2] =	stream.indirect.scatter.add.f32 [tilespmem:s21], [sflag:$0x8], $0x20, s29, s15, $0xb8;
	[tilespmem:$0x12700] =	vst v63  }
0x37: {  	_ =	swait.ge [sflag:s30], $0x1000  }
0x38: {  	[sflag:s30] =	ssyncset.done $0x0  }
0x39: {  	s26 =	simm.s32 $0x200;
	[sflag:s30] =	ssyncadd.s32 $0xFFFFF000  }
0x3a: {  	[tilespmem:s16], [sflag:$0x1] =	stream.indirect.gather [hbm4b:s4+s15], $0x20, s26, s15, $0xb8;
	[tilespmem:$0x12700] =	vst v63  }
0x3b: {  	_ =	swait.ge [sflag:s31], $0x1000  }
0x3c: {  	[sflag:s31] =	ssyncset.done $0x0  }
0x3d: {  	s24 =	simm.s32 $0x280;
	[sflag:s31] =	ssyncadd.s32 $0xFFFFF000  }
0x3e: {  	[tilespmem:s17], [sflag:$0x2] =	stream.indirect.gather [hbm4b:s4+s15], $0x20, s24, s15, $0xb8;
	[tilespmem:$0x12700] =	vst v63  }
0x3f: {  	_ =	swait.ge [sflag:s1], $0x1000  }
0x40: {  	[sflag:s1] =	ssyncset.done $0x0  }
0x41: {  	s26 =	simm.s32 $0x300;
	[sflag:s1] =	ssyncadd.s32 $0xFFFFF000  }
0x42: {  	[tilespmem:s19], [sflag:$0x3] =	stream.indirect.gather [hbm4b:s4+s15], $0x20, s26, s15, $0xb8;
	[tilespmem:$0x12700] =	vst v63  }
0x43: {  	_ =	swait.ge [sflag:s0], $0x1000  }
0x44: {  	[sflag:s0] =	ssyncset.done $0x0  }
0x45: {  	s24 =	simm.s32 $0x380;
	[sflag:s0] =	ssyncadd.s32 $0xFFFFF000  }
0x46: {  	[tilespmem:s21], [sflag:$0x4] =	stream.indirect.gather [hbm4b:s4+s15], $0x20, s24, s15, $0xb8;
	[tilespmem:$0x12700] =	vst v63  }
0x47: {  	_ =	swait.ge [sflag:s22], $0x1000  }
0x48: {  	[sflag:s22] =	ssyncset.done $0x0  }
0x49: {  	s26 =	simm.s32 $0x4E00;
	[sflag:s22] =	ssyncadd.s32 $0xFFFFF000  }
0x4a: {  	[spmem:s2] =	stream.indirect.scatter.add.f32 [tilespmem:s16], [sflag:$0x5], $0x20, s26, s15, $0xb8;
	[tilespmem:$0x12700] =	vst v63  }
0x4b: {  	_ =	swait.ge [sflag:s23], $0x1000  }
0x4c: {  	[sflag:s23] =	ssyncset.done $0x0  }
0x4d: {  	s24 =	simm.s32 $0x4E80;
	[sflag:s23] =	ssyncadd.s32 $0xFFFFF000  }
0x4e: {  	[spmem:s2] =	stream.indirect.scatter.add.f32 [tilespmem:s17], [sflag:$0x6], $0x20, s24, s15, $0xb8;
	[tilespmem:$0x12700] =	vst v63  }
0x4f: {  	_ =	swait.ge [sflag:s25], $0x1000  }
0x50: {  	p0 =	sne.s32 s7, $0x800;
	[sflag:s25] =	ssyncset.done $0x0  }
.Ltmp0:
0x51: {  	s26 =	simm.s32 $0x4F00;
	[sflag:s25] =	ssyncadd.s32 $0xFFFFF000;
	(pc) =	sbr.rel @!p0 .LBB2_3-.Ltmp0, $4  }
0x52: {  	[spmem:s2] =	stream.indirect.scatter.add.f32 [tilespmem:s19], [sflag:$0x7], $0x20, s26, s15, $0xb8;
	[tilespmem:$0x12700] =	vst v63  }
0x53: {  	_ =	swait.ge [sflag:s28], $0x1000  }
0x54: {  	[sflag:s28] =	ssyncset.done $0x0  }
0x55: {  	s20 =	simm.s32 $0x800;
	s24 =	simm.s32 $0x4F80;
	[sflag:s28] =	ssyncadd.s32 $0xFFFFF000  }
.LBB2_2:
0x56: {  	[spmem:s2] =	stream.indirect.scatter.add.f32 [tilespmem:s21], [sflag:$0x8], $0x20, s24, s15, $0xb8;
	[tilespmem:$0x12700] =	vst v63  }
0x57: {  	s24 =	smov.u32 s20;
	s20 =	sadd.s32 $0x800, s20;
	_ =	swait.ge [sflag:s30], $0x1000  }
0x58: {  	s24 =	sshra.s32 s24, $0x2;
	p0 =	sne.s32 s7, s20;
	[sflag:s30] =	ssyncset.done $0x0  }
0x59: {  	s26 =	sadd.s32 $0x200, s24;
	[sflag:s30] =	ssyncadd.s32 $0xFFFFF000  }
0x5a: {  	[tilespmem:s16], [sflag:$0x1] =	stream.indirect.gather [hbm4b:s4+s15], $0x20, s26, s15, $0xb8;
	[tilespmem:$0x12700] =	vst v63  }
0x5b: {  	_ =	swait.ge [sflag:s31], $0x1000  }
0x5c: {  	[sflag:s31] =	ssyncset.done $0x0  }
0x5d: {  	s26 =	sadd.s32 $0x280, s24;
	[sflag:s31] =	ssyncadd.s32 $0xFFFFF000  }
0x5e: {  	[tilespmem:s17], [sflag:$0x2] =	stream.indirect.gather [hbm4b:s4+s15], $0x20, s26, s15, $0xb8;
	[tilespmem:$0x12700] =	vst v63  }
0x5f: {  	_ =	swait.ge [sflag:s1], $0x1000  }
0x60: {  	[sflag:s1] =	ssyncset.done $0x0  }
0x61: {  	s26 =	sadd.s32 $0x300, s24;
	[sflag:s1] =	ssyncadd.s32 $0xFFFFF000  }
0x62: {  	[tilespmem:s19], [sflag:$0x3] =	stream.indirect.gather [hbm4b:s4+s15], $0x20, s26, s15, $0xb8;
	[tilespmem:$0x12700] =	vst v63  }
0x63: {  	_ =	swait.ge [sflag:s0], $0x1000  }
0x64: {  	[sflag:s0] =	ssyncset.done $0x0  }
0x65: {  	s26 =	sadd.s32 $0x380, s24;
	[sflag:s0] =	ssyncadd.s32 $0xFFFFF000  }
0x66: {  	[tilespmem:s21], [sflag:$0x4] =	stream.indirect.gather [hbm4b:s4+s15], $0x20, s26, s15, $0xb8;
	[tilespmem:$0x12700] =	vst v63  }
0x67: {  	_ =	swait.ge [sflag:s22], $0x1000  }
0x68: {  	[sflag:s22] =	ssyncset.done $0x0  }
0x69: {  	s26 =	sadd.s32 $0x4E00, s24;
	[sflag:s22] =	ssyncadd.s32 $0xFFFFF000  }
0x6a: {  	[spmem:s2] =	stream.indirect.scatter.add.f32 [tilespmem:s16], [sflag:$0x5], $0x20, s26, s15, $0xb8;
	[tilespmem:$0x12700] =	vst v63  }
0x6b: {  	_ =	swait.ge [sflag:s23], $0x1000  }
0x6c: {  	[sflag:s23] =	ssyncset.done $0x0  }
0x6d: {  	s26 =	sadd.s32 $0x4E80, s24;
	[sflag:s23] =	ssyncadd.s32 $0xFFFFF000  }
0x6e: {  	[spmem:s2] =	stream.indirect.scatter.add.f32 [tilespmem:s17], [sflag:$0x6], $0x20, s26, s15, $0xb8;
	[tilespmem:$0x12700] =	vst v63  }
0x6f: {  	_ =	swait.ge [sflag:s25], $0x1000  }
0x70: {  	[sflag:s25] =	ssyncset.done $0x0  }
.Ltmp1:
0x71: {  	s26 =	sadd.s32 $0x4F00, s24;
	[sflag:s25] =	ssyncadd.s32 $0xFFFFF000;
	(pc) =	sbr.rel @p0 .LBB2_2-.Ltmp1, $4  }
0x72: {  	[spmem:s2] =	stream.indirect.scatter.add.f32 [tilespmem:s19], [sflag:$0x7], $0x20, s26, s15, $0xb8;
	[tilespmem:$0x12700] =	vst v63  }
0x73: {  	_ =	swait.ge [sflag:s28], $0x1000  }
0x74: {  	[sflag:s28] =	ssyncset.done $0x0  }
0x75: {  	s24 =	sadd.s32 $0x4F80, s24;
	[sflag:s28] =	ssyncadd.s32 $0xFFFFF000  }
.LBB2_3:
0x76: {  	[spmem:s2] =	stream.indirect.scatter.add.f32 [tilespmem:s21], [sflag:$0x8], $0x20, s24, s15, $0xb8;
	[tilespmem:$0x12700] =	vst v63  }
0x77: {  	_ =	swait.ge [sflag:s30], $0x1000  }
0x78: {  	[sflag:s30] =	ssyncset.done $0x0  }
0x79: {  	[sflag:s30] =	ssyncadd.s32 $0xFFFFF000  }
0x7a: {  	_ =	swait.ge [sflag:s31], $0x1000  }
0x7b: {  	[sflag:s31] =	ssyncset.done $0x0  }
0x7c: {  	[sflag:s31] =	ssyncadd.s32 $0xFFFFF000  }
0x7d: {  	_ =	swait.ge [sflag:s1], $0x1000  }
0x7e: {  	[sflag:s1] =	ssyncset.done $0x0  }
0x7f: {  	[sflag:s1] =	ssyncadd.s32 $0xFFFFF000  }
0x80: {  	_ =	swait.ge [sflag:s0], $0x1000  }
0x81: {  	s18 =	sadd.s32 $0x1, s18;
	[sflag:s0] =	ssyncset.done $0x0  }
0x82: {  	p0 =	sne.s32 s18, s11;
	[sflag:s0] =	ssyncadd.s32 $0xFFFFF000  }
.Ltmp2:
0x83: {  	[bflag:$0x0] =	sbarrier.arrive $0xFFFF;
	(pc) =	sbr.rel @p0 .LBB2_1-.Ltmp2, $4  }
0x84: {  	[hbm:s10], [sflag:s6] =	dma.local [spmem:s12], $0x9E0  }
0x85: {  	_ =	swait.ge [sflag:s13], $0x9E0  }
0x86: {  	[sflag:s13] =	ssyncset.done $0x0  }
0x87: {  	[sflag:s13] =	ssyncadd.s32 $0xFFFFF620  }
0x88: {  	_ =	sfence.sel $0x180000  }
0x89: {  	[bflag:$0x0] =	sbarrier.arrive $0xFFFF  }
0x8a: {  	_ =	strace $0x9000004D  }
0x8b: {  	s0 =	stileid.u32;
	[bflag:$0x2] =	sbarrier.arrive $0xFFFF  }
0x8c: {  	p0 =	sne.s32 s0, $0x0;
	s0 =	rddreg [dreg:$0x2]  }
0x8d: {  	s0 =	sadd.s32 @!p0 $0x100000, s0  }
0x8e: {  	[sflag:s0] =	ssyncadd.tile.s32 @!p0 $0x1;
	_ =	shalt  }
.Lfunc_end2:
_tile_overlayer_lowered:
.L_overlay_start_2:
0x8f: {  	(tag) =	ssettag $0x2  }
0x90: {  	s0 =	rddreg [dreg:$0x0];
	s2 =	stileid.u32  }
0x91: {  	s1 =	rddreg [dreg:$0x1];
	p0 =	sne.s32 s2, $0x0  }
0x92: {  	s3 =	rddreg [dreg:$0x2];
	[bflag:$0x3] =	sbarrier.arrive $0xFFFF;
	s2 =	simm.s32 @!p0 $0x1C09  }
0x93: {  	[timem:s3], [sflag:s2] =	dma.local @!p0 [hbm:s0], s1  }
0x94: {  	s0 =	simm.s32 @!p0 $0x9  }
0x95: {  	_ =	swait.ge @!p0 [sflag:s0], s1  }
0x96: {  	s1 =	ssub.s32 @!p0 $0x0, s1;
	[sflag:s0] =	ssyncset.done @!p0 $0x0  }
0x97: {  	[sflag:s0] =	ssyncadd.s32 @!p0 s1  }
0x98: {  	[bflag:$0x3] =	sbarrier.arrive $0xFFFF  }
0x99: {  	_ =	shalt  }

// kernel: kernel.7.cloned.1.call-start
scs
__scs_entry_jumppad:
0x0: {  	(pc) =	sbr.rel $0x88, $3  }
0x1: {  	(tag) =	ssettag $0x0;
	lr =	simm.s32 $0x1  }
0x2: {  	[smem:$0x3F8E] =	sst lr;
	_ =	strace $0xD0000000  }
0x3: {  	_ = 	snop  }
0x4: {  	_ = 	snop  }
0x5: {  	_ = 	snop  }
0x6: {  	_ = 	snop  }
0x7: {  	_ = 	snop  }
__scs_overlays_trampoline_lowered:
0x8: {  	[smem:$0x3F9D] =	sst s0  }
0x9: {  	[smem:$0x3F9E] =	sst s1  }
0xa: {  	[smem:$0x3F9F] =	sst s2  }
0xb: {  	[smem:$0x3FA0] =	sst s3  }
0xc: {  	[smem:$0x3FA1] =	sst s4  }
0xd: {  	[smem:$0x3FA2] =	sst s5  }
0xe: {  	[smem:$0x3FA3] =	sst s6  }
0xf: {  	[smem:$0x3FA4] =	sst s7  }
0x10: {  	[smem:$0x3FA5] =	sst s8  }
0x11: {  	[smem:$0x3FA6] =	sst s9;
	s0 =	simm.s32 @!p0 $0x0  }
0x12: {  	s1 =	sld [smem:$0x3F8C];
	s0 =	simm.s32 @p0 $0x1  }
0x13: {  	[smem:$0x3FA7] =	sst s0;
	s0 =	simm.s32 @!p1 $0x0  }
0x14: {  	s2 =	sld [smem:$0x3F8B];
	s0 =	simm.s32 @p1 $0x1  }
0x15: {  	[smem:$0x3FA8] =	sst s0;
	s0 =	simm.s32 @!p2 $0x0  }
0x16: {  	s3 =	sld [smem:$0x3FDB];
	s0 =	simm.s32 @p2 $0x1  }
0x17: {  	s4 =	simm.s32 $0x1BF5;
	[smem:$0x3FAA] =	sst s0  }
0x18: {  	s0 =	sld [smem:$0x3F8D];
	_ =	swait.ge [sflag:s4], $0x0  }
0x19: {  	s7 =	sld [smem:$0x3F8E]  }
0x1a: {  	s8 =	sadd.s32 $0xFFFFE003, lr  }
0x1b: {  	s9 =	sadd.s32 $0xFFFFFEF7, lr;
	s5 =	simm.s32 $0xFFFFFFFF;
	p2 =	slt.u32 s8, $0xFFFFF086  }
0x1c: {  	p1 =	slt.u32 s9, $0xF7A;
	s5 =	simm.s32 @!p2 $0x0  }
0x1d: {  	s5 =	simm.s32 @p1 $0x1;
	p0 =	seq.s32 s7, s2  }
0x1e: {  	s7 =	smul.u32 @!p0 $0xF7A, s2;
	p2 =	seq.s32 @!p0 s5, $0x0  }
0x1f: {  	s9 =	smul.u32 $0xF7A, s1;
	s8 =	simm.s32 @!p0 $0x1BF5;
	p2 =	por !p2, p0  }
0x20: {  	[sflag:s8] =	ssyncset.s32 @!p0 $0xFFFFF086;
	s6 =	sadd.s32 @!p0 s3, s7;
	s7 =	simm.s32 @!p0 $0x108  }
0x21: {  	s3 =	sadd.s32 s3, s9;
	s6 =	sadd.s32 @!p0 $0x88, s6;
	s7 =	simm.s32 @p2 $0x1082  }
0x22: {  	[simem:s7], [sflag:s8] =	dma.local @!p0 [hbm:s6], $0xF7A  }
0x23: {  	s9 =	sor.u32 $0xD0000000, s2;
	s6 =	simm.s32 $0x108;
	_ =	swait.ge @!p0 [sflag:s8], $0x0  }
0x24: {  	s3 =	sadd.s32 $0x88, s3;
	s6 =	simm.s32 @!p1 $0x1082;
	[sflag:s4] =	ssyncset.s32 $0xFFFFF086  }
0x25: {  	[simem:s6], [sflag:s4] =	dma.local [hbm:s3], $0xF7A  }
0x26: {  	[smem:$0x3F8E] =	sst s1;
	(tag) =	ssettag s2;
	_ =	strace s9  }
0x27: {  	s1 =	sld [smem:$0x3F9E]  }
0x28: {  	s2 =	sld [smem:$0x3F9F]  }
0x29: {  	s4 =	sld [smem:$0x3FA1]  }
0x2a: {  	p0 =	seq.s32 s5, $0x0;
	s5 =	sld [smem:$0x3FA2]  }
0x2b: {  	s6 =	sld [smem:$0x3FA3]  }
0x2c: {  	s7 =	sld [smem:$0x3FA4]  }
0x2d: {  	s3 =	simm.s32 $0x108;
	s8 =	sld [smem:$0x3FA5]  }
0x2e: {  	s3 =	simm.s32 @!p0 $0x1082;
	s9 =	sld [smem:$0x3FA6]  }
0x2f: {  	lr =	sadd.s32 s0, s3;
	s0 =	sld [smem:$0x3F9D]  }
0x30: {  	s3 =	sld [smem:$0x3FA0]  }
0x31: {  	[smem:$0x3FA9] =	sst s10  }
0x32: {  	s10 =	sld [smem:$0x3FA7];
	_ =	sdelay $0x3  }
0x33: {  	p0 =	seq.s32 s10, $0x1;
	s10 =	sld [smem:$0x3FA9];
	_ =	sdelay $0x3  }
0x34: {  	[smem:$0x3FA9] =	sst s10  }
0x35: {  	s10 =	sld [smem:$0x3FA8];
	_ =	sdelay $0x3  }
0x36: {  	p1 =	seq.s32 s10, $0x1;
	s10 =	sld [smem:$0x3FA9];
	_ =	sdelay $0x3  }
0x37: {  	[smem:$0x3FA9] =	sst s10  }
0x38: {  	s10 =	sld [smem:$0x3FAA]  }
0x39: {  	_ = 	snop;
	(pc) =	sbr.ind lr, $3  }
0x3a: {  	_ = 	snop  }
0x3b: {  	_ = 	snop  }
0x3c: {  	p2 =	seq.s32 s10, $0x1;
	s10 =	sld [smem:$0x3FA9]  }
0x3d: {  	_ =	shalt  }
0x3e: {  	_ =	shalt  }
0x3f: {  	_ =	shalt  }
0x40: {  	_ =	shalt  }
0x41: {  	_ =	shalt  }
0x42: {  	_ =	shalt  }
0x43: {  	_ =	shalt  }
0x44: {  	_ =	shalt  }
0x45: {  	_ =	shalt  }
0x46: {  	_ =	shalt  }
0x47: {  	_ =	shalt  }
0x48: {  	_ =	shalt  }
0x49: {  	_ =	shalt  }
0x4a: {  	_ =	shalt  }
0x4b: {  	_ =	shalt  }
0x4c: {  	_ =	shalt  }
0x4d: {  	_ =	shalt  }
0x4e: {  	_ =	shalt  }
0x4f: {  	_ =	shalt  }
0x50: {  	_ =	shalt  }
0x51: {  	_ =	shalt  }
0x52: {  	_ =	shalt  }
0x53: {  	_ =	shalt  }
0x54: {  	_ =	shalt  }
0x55: {  	_ =	shalt  }
0x56: {  	_ =	shalt  }
0x57: {  	_ =	shalt  }
0x58: {  	_ =	shalt  }
0x59: {  	_ =	shalt  }
0x5a: {  	_ =	shalt  }
0x5b: {  	_ =	shalt  }
0x5c: {  	_ =	shalt  }
0x5d: {  	_ =	shalt  }
0x5e: {  	_ =	shalt  }
0x5f: {  	_ =	shalt  }
0x60: {  	_ =	shalt  }
0x61: {  	_ =	shalt  }
0x62: {  	_ =	shalt  }
0x63: {  	_ =	shalt  }
0x64: {  	_ =	shalt  }
0x65: {  	_ =	shalt  }
0x66: {  	_ =	shalt  }
0x67: {  	_ =	shalt  }
0x68: {  	_ =	shalt  }
0x69: {  	_ =	shalt  }
0x6a: {  	_ =	shalt  }
0x6b: {  	_ =	shalt  }
0x6c: {  	_ =	shalt  }
0x6d: {  	_ =	shalt  }
0x6e: {  	_ =	shalt  }
0x6f: {  	_ =	shalt  }
0x70: {  	_ =	shalt  }
0x71: {  	_ =	shalt  }
0x72: {  	_ =	shalt  }
0x73: {  	_ =	shalt  }
0x74: {  	_ =	shalt  }
0x75: {  	_ =	shalt  }
0x76: {  	_ =	shalt  }
0x77: {  	_ =	shalt  }
0x78: {  	_ =	shalt  }
0x79: {  	_ =	shalt  }
0x7a: {  	_ =	shalt  }
0x7b: {  	_ =	shalt  }
0x7c: {  	_ =	shalt  }
0x7d: {  	_ =	shalt  }
0x7e: {  	_ =	shalt  }
0x7f: {  	_ =	shalt  }
0x80: {  	_ =	shalt  }
0x81: {  	_ =	shalt  }
0x82: {  	_ =	shalt  }
0x83: {  	_ =	shalt  }
0x84: {  	_ =	shalt  }
0x85: {  	_ =	shalt  }
0x86: {  	_ =	shalt  }
0x87: {  	_ =	shalt  }
.Lfunc_end0:
.L_simem_size_0:
called_computation_lowered:
.L_overlay_start_0:
0x88: {  	s2 =	sld [smem:$0x3FD9]  }
0x89: {  	s3 =	sld [smem:$0x3FFE];
	_ =	sdelay $0x1  }
0x8a: {  	s1 =	srdreg.scid  }
0x8b: {  	s0 =	sand.u32 $0x1, s1  }
0x8c: {  	s16 =	sshll.u32 s0, $0xA;
	s2 =	sadd.s32 s3, s2  }
0x8d: {  	s2 =	sadd.s32 s2, s16  }
0x8e: {  	[smem:$0x3FB5] =	sst s2  }
0x8f: {  	_ = 	snop  }
0x90: {  	(tm) =	ssettm $0x1  }
0x91: {  	s17 =	sld [smem:$0x3FFB];
	_ =	sdelay $0x3  }
0x92: {  	_ =	strace s17  }
0x93: {  	s2 =	sld [smem:$0x3FFC];
	_ =	sdelay $0x3  }
0x94: {  	_ =	strace s2  }
0x95: {  	s2 =	sld [smem:$0x3FFD];
	_ =	sdelay $0x3  }
0x96: {  	_ =	strace s2  }
0x97: {  	_ =	strace $0x8FFFFFFF  }
0x98: {  	s18 =	sld [smem:$0x3FDB];
	_ =	sdelay $0x1  }
0x99: {  	s19 =	simm.s32 $_scs_section_size  }
0x9a: {  	s4 =	simm.s32 $_size__tile_overlayer_lowered;
	s5 =	simm.s32 $_tile_overlayer_lowered  }
0x9b: {  	s22 =	simm.s32 $0x1BFF;
	s21 =	sshll.u32 s5, $0x1;
	s2 =	sadd.s32 s19, s18  }
0x9c: {  	s6 =	simm.s32 $0x0;
	s20 =	sshll.u32 s4, $0x1;
	s4 =	sadd.s32 s21, s2  }
0x9d: {  	[timem:s6], [sflag:s22] =	dma.local [hbm:s4], s20  }
0x9e: {  	_ =	swait.ge [sflag:s22], s20  }
0x9f: {  	s3 =	ssub.s32 $0x0, s20;
	[sflag:s22] =	ssyncset.done $0x0  }
0xa0: {  	[sflag:s22] =	ssyncadd.s32 s3;
	_ =	sdelay $0x1  }
0xa1: {  	s23 =	simm.s32 $0x1B8B  }
0xa2: {  	_ =	swait.ge [sflag:s23], $0x1  }
0xa3: {  	[sflag:s23] =	ssyncset.done $0x0  }
0xa4: {  	s25 =	simm.s32 $0x1B8E;
	s24 =	sld [smem:$0x3FFE];
	[sflag:s23] =	ssyncadd.s32 $0xFFFFFFFF  }
0xa5: {  	s26 =	simm.s32 $execute0_lowered;
	[smem:$0x3FD2] =	sst s25  }
0xa6: {  	s4 =	sshll.u32 s26, $0x1;
	_ =	strace $0x80000046;
	[dreg:$0x1] =	wrdreg $0xFFFFFFFF  }
0xa7: {  	s28 =	simm.s32 $_size_execute0_lowered;
	s2 =	sadd.s32 s2, s4;
	[dreg:$0x0] =	wrdreg $0x0  }
0xa8: {  	s4 =	sshll.u32 s28, $0x1;
	[dreg:$0x2] =	wrdreg s2  }
0xa9: {  	[dreg:$0x3] =	wrdreg s4  }
0xaa: {  	[dreg:$0x4] =	wrdreg $0xC0  }
0xab: {  	_ =	task [dreg:s6], $0x5FFFF  }
0xac: {  	[dreg:$0x1] =	wrdreg $0xFFFFFFFF  }
0xad: {  	[dreg:$0x0] =	wrdreg $0x60  }
0xae: {  	[dreg:$0x2] =	wrdreg s24  }
0xaf: {  	[dreg:$0x3] =	wrdreg $0x118000  }
0xb0: {  	[dreg:$0x4] =	wrdreg $0x9  }
0xb1: {  	_ =	task.clear_ibuf [dreg:s6], $0x5FFFF;
	_ =	strace $0x90000046  }
0xb2: {  	s29 =	simm.s32 $0x9;
	_ =	strace $0x80000048  }
0xb3: {  	_ =	swait.ge [sflag:s29], $0x1  }
0xb4: {  	[sflag:s29] =	ssyncadd.s32 $0xFFFFFFFF  }
0xb5: {  	_ =	strace $0x90000048  }
0xb6: {  	_ =	sfence  }
0xb7: {  	s30 =	sld [smem:$0x0];
	_ =	sdelay $0x2  }
0xb8: {  	s31 =	sshll.u32 s1, $0xD;
	s1 =	sshrl.u32 s1, $0x2  }
0xb9: {  	s3 =	sand.u32 $0x4000, s31;
	s1 =	sadd.s32 s1, s30  }
0xba: {  	s0 =	sor.u32 s3, s0;
	s1 =	sshll.u32 s1, $0x11  }
0xbb: {  	s0 =	sor.u32 s1, s0  }
0xbc: {  	s0 =	sadd.s32 $0x8F2B, s0  }
0xbd: {  	[sflag:s0] =	ssyncadd.remote.s32 $0x1  }
0xbe: {  	_ =	sfence.sel $0xFFFF  }
0xbf: {  	[dreg:$0x0] =	wrdreg $0xFFFFFFFF;
	(pc) =	sbr.abs _section_cstart, $3  }
0xc0: {  	[dreg:$0x1] =	wrdreg $0xFFFFFFFF  }
0xc1: {  	_ =	task.clear_ibuf [dreg:s6], $0x2FFFF;
	_ =	strace $0x9FFFFFFF  }
0xc2: {  	(tm) =	ssettm $0x7FFFFFFF  }
0xc3: {  	_ =	shalt  }
tec
execute0_lowered:
.L_overlay_start_1:
0x0: {  	(tag) =	ssettag $0x1  }
0x1: {  	s0 =	srdreg.scid;
	s1 =	rddreg [dreg:$0x0]  }
0x2: {  	s13 =	stileid.u32;
	s2 =	rddreg [dreg:$0x1];
	s3 =	simm.s32 $0x0  }
0x3: {  	s14 =	simm.s32 $0x4C00;
	s15 =	simm.s32 $0x80;
	s16 =	simm.s32 $0x9800  }
0x4: {  	s17 =	simm.s32 $0xB800;
	s19 =	simm.s32 $0xD800;
	s21 =	simm.s32 $0xF800  }
0x5: {  	s22 =	simm.s32 $0x1;
	s23 =	simm.s32 $0x2;
	s28 =	simm.s32 $0x4  }
0x6: {  	s29 =	simm.s32 $0x4D80;
	s30 =	simm.s32 $0x5;
	s5 =	smul.u32 $0x4C00, s13  }
0x7: {  	s31 =	simm.s32 $0x6;
	s0 =	sand.u32 $0x1, s0;
	s6 =	smul.u32 $0x9E00, s13  }
0x8: {  	s18 =	simm.s32 $0x0;
	[smem:$0x7FF] =	sst s3;
	s4 =	smul.u32 $0x4C000, s0  }
0x9: {  	s26 =	sshll.u32 s13, $0x6;
	s13 =	simm.s32 $0x9;
	s7 =	smul.u32 $0x9E000, s0  }
0xa: {  	_ =	strace $0x80000047;
	s25 =	ssub.s32 $0x2, s0;
	p0 =	seq.s32 s0, $0x0  }
0xb: {  	s0 =	simm.s32 $0x8;
	s8 =	sshrl.u32 s6, $0x3;
	s10 =	sshrl.u32 s25, $0x1  }
0xc: {  	s12 =	sadd.s32 s6, s2;
	s5 =	sadd.s32 s5, s4;
	s4 =	sadd.s32 $0x3600, s1  }
0xd: {  	s24 =	sadd.s32 s6, s7;
	s8 =	sadd.s32 s8, s1;
	s11 =	ssub.s32 s25, s10  }
0xe: {  	s6 =	sor.u32 $0x1C09, s26;
	s7 =	simm.s32 $0x12800;
	s12 =	sshrl.u32 s12, $0x3  }
0xf: {  	s25 =	simm.s32 $0x3;
	s5 =	sshrl.u32 s5, $0x3;
	s7 =	simm.s32 @!p0 $0x800  }
0x10: {  	s11 =	smax.u32 s11, $0x1;
	s9 =	sadd.s32 s5, s1;
	s5 =	sshrl.u32 s24, $0x3  }
0x11: {  	s1 =	sadd.s32 s5, s1;
	s5 =	sadd.s32 $0x3D000, s8;
	s8 =	sadd.s32 $0x2A000, s9  }
0x12: {  	s9 =	sadd.s32 $0x17000, s9;
	s10 =	sadd.s32 $0x50C00, s1;
	s1 =	simm.s32 $0x7  }
.LBB2_1:
0x13: {  	[spmem:s12], [sflag:s6] =	dma.local [hbm:s5], $0x13C0  }
0x14: {  	_ =	swait.ge [sflag:s13], $0x13C0  }
0x15: {  	[sflag:s13] =	ssyncset.done $0x0  }
0x16: {  	[sflag:s13] =	ssyncadd.s32 $0xFFFFEC40  }
0x17: {  	[tilespmem:s3], [sflag:$0x9] =	stream.linear.gather [hbm4b:s8+s3], $0x4C00, $0x38;
	[tilespmem:$0x1B600] =	vst v63  }
0x18: {  	_ =	swait.ge [sflag:s13], $0x4C00  }
0x19: {  	[sflag:s13] =	ssyncset.done $0x0  }
0x1a: {  	[sflag:s13] =	ssyncadd.s32 $0xFFFFB400  }
0x1b: {  	[tilespmem:s14], [sflag:$0x9] =	stream.linear.gather [hbm4b:s9+s3], $0x4C00, $0x38;
	[tilespmem:$0x1B600] =	vst v63  }
0x1c: {  	_ =	swait.ge [sflag:s13], $0x4C00  }
0x1d: {  	[sflag:s13] =	ssyncset.done $0x0  }
0x1e: {  	[sflag:s13] =	ssyncadd.s32 $0xFFFFB400  }
0x1f: {  	[bflag:$0x0] =	sbarrier.arrive $0xFFFF  }
0x20: {  	[tilespmem:s16], [sflag:$0x1] =	stream.indirect.gather [hbm4b:s4+s15], $0x40, s3, s15, $0xb8;
	[tilespmem:$0x1B600] =	vst v63  }
0x21: {  	_ = 	snop  }
0x22: {  	[tilespmem:s17], [sflag:$0x2] =	stream.indirect.gather [hbm4b:s4+s15], $0x40, s15, s15, $0xb8;
	[tilespmem:$0x1B600] =	vst v63  }
0x23: {  	s20 =	simm.s32 $0x100  }
0x24: {  	[tilespmem:s19], [sflag:$0x3] =	stream.indirect.gather [hbm4b:s4+s15], $0x40, s20, s15, $0xb8;
	[tilespmem:$0x1B600] =	vst v63  }
0x25: {  	s24 =	simm.s32 $0x180  }
0x26: {  	[tilespmem:s21], [sflag:$0x4] =	stream.indirect.gather [hbm4b:s4+s15], $0x40, s24, s15, $0xb8;
	[tilespmem:$0x1B600] =	vst v63  }
0x27: {  	_ =	swait.ge [sflag:s22], $0x2000  }
0x28: {  	[sflag:s22] =	ssyncset.done $0x0  }
0x29: {  	[sflag:s22] =	ssyncadd.s32 $0xFFFFE000  }
0x2a: {  	[spmem:s2] =	stream.indirect.scatter.add.f32 [tilespmem:s16], [sflag:$0x5], $0x40, s14, s15, $0xb8;
	[tilespmem:$0x1B600] =	vst v63  }
0x2b: {  	_ =	swait.ge [sflag:s23], $0x2000  }
0x2c: {  	[sflag:s23] =	ssyncset.done $0x0  }
0x2d: {  	s26 =	simm.s32 $0x4C80;
	[sflag:s23] =	ssyncadd.s32 $0xFFFFE000  }
0x2e: {  	[spmem:s2] =	stream.indirect.scatter.add.f32 [tilespmem:s17], [sflag:$0x6], $0x40, s26, s15, $0xb8;
	[tilespmem:$0x1B600] =	vst v63  }
0x2f: {  	_ =	swait.ge [sflag:s25], $0x2000  }
0x30: {  	[sflag:s25] =	ssyncset.done $0x0  }
0x31: {  	s24 =	simm.s32 $0x4D00;
	[sflag:s25] =	ssyncadd.s32 $0xFFFFE000  }
0x32: {  	[spmem:s2] =	stream.indirect.scatter.add.f32 [tilespmem:s19], [sflag:$0x7], $0x40, s24, s15, $0xb8;
	[tilespmem:$0x1B600] =	vst v63  }
0x33: {  	_ =	swait.ge [sflag:s28], $0x2000  }
0x34: {  	[sflag:s28] =	ssyncset.done $0x0  }
0x35: {  	[sflag:s28] =	ssyncadd.s32 $0xFFFFE000  }
0x36: {  	[spmem:s2] =	stream.indirect.scatter.add.f32 [tilespmem:s21], [sflag:$0x8], $0x40, s29, s15, $0xb8;
	[tilespmem:$0x1B600] =	vst v63  }
0x37: {  	_ =	swait.ge [sflag:s30], $0x2000  }
0x38: {  	[sflag:s30] =	ssyncset.done $0x0  }
0x39: {  	s26 =	simm.s32 $0x200;
	[sflag:s30] =	ssyncadd.s32 $0xFFFFE000  }
0x3a: {  	[tilespmem:s16], [sflag:$0x1] =	stream.indirect.gather [hbm4b:s4+s15], $0x40, s26, s15, $0xb8;
	[tilespmem:$0x1B600] =	vst v63  }
0x3b: {  	_ =	swait.ge [sflag:s31], $0x2000  }
0x3c: {  	[sflag:s31] =	ssyncset.done $0x0  }
0x3d: {  	s24 =	simm.s32 $0x280;
	[sflag:s31] =	ssyncadd.s32 $0xFFFFE000  }
0x3e: {  	[tilespmem:s17], [sflag:$0x2] =	stream.indirect.gather [hbm4b:s4+s15], $0x40, s24, s15, $0xb8;
	[tilespmem:$0x1B600] =	vst v63  }
0x3f: {  	_ =	swait.ge [sflag:s1], $0x2000  }
0x40: {  	[sflag:s1] =	ssyncset.done $0x0  }
0x41: {  	s26 =	simm.s32 $0x300;
	[sflag:s1] =	ssyncadd.s32 $0xFFFFE000  }
0x42: {  	[tilespmem:s19], [sflag:$0x3] =	stream.indirect.gather [hbm4b:s4+s15], $0x40, s26, s15, $0xb8;
	[tilespmem:$0x1B600] =	vst v63  }
0x43: {  	_ =	swait.ge [sflag:s0], $0x2000  }
0x44: {  	[sflag:s0] =	ssyncset.done $0x0  }
0x45: {  	s24 =	simm.s32 $0x380;
	[sflag:s0] =	ssyncadd.s32 $0xFFFFE000  }
0x46: {  	[tilespmem:s21], [sflag:$0x4] =	stream.indirect.gather [hbm4b:s4+s15], $0x40, s24, s15, $0xb8;
	[tilespmem:$0x1B600] =	vst v63  }
0x47: {  	_ =	swait.ge [sflag:s22], $0x2000  }
0x48: {  	[sflag:s22] =	ssyncset.done $0x0  }
0x49: {  	s26 =	simm.s32 $0x4E00;
	[sflag:s22] =	ssyncadd.s32 $0xFFFFE000  }
0x4a: {  	[spmem:s2] =	stream.indirect.scatter.add.f32 [tilespmem:s16], [sflag:$0x5], $0x40, s26, s15, $0xb8;
	[tilespmem:$0x1B600] =	vst v63  }
0x4b: {  	_ =	swait.ge [sflag:s23], $0x2000  }
0x4c: {  	[sflag:s23] =	ssyncset.done $0x0  }
0x4d: {  	s24 =	simm.s32 $0x4E80;
	[sflag:s23] =	ssyncadd.s32 $0xFFFFE000  }
0x4e: {  	[spmem:s2] =	stream.indirect.scatter.add.f32 [tilespmem:s17], [sflag:$0x6], $0x40, s24, s15, $0xb8;
	[tilespmem:$0x1B600] =	vst v63  }
0x4f: {  	_ =	swait.ge [sflag:s25], $0x2000  }
0x50: {  	p0 =	sne.s32 s7, $0x800;
	[sflag:s25] =	ssyncset.done $0x0  }
.Ltmp0:
0x51: {  	s26 =	simm.s32 $0x4F00;
	[sflag:s25] =	ssyncadd.s32 $0xFFFFE000;
	(pc) =	sbr.rel @!p0 .LBB2_3-.Ltmp0, $4  }
0x52: {  	[spmem:s2] =	stream.indirect.scatter.add.f32 [tilespmem:s19], [sflag:$0x7], $0x40, s26, s15, $0xb8;
	[tilespmem:$0x1B600] =	vst v63  }
0x53: {  	_ =	swait.ge [sflag:s28], $0x2000  }
0x54: {  	[sflag:s28] =	ssyncset.done $0x0  }
0x55: {  	s20 =	simm.s32 $0x800;
	s24 =	simm.s32 $0x4F80;
	[sflag:s28] =	ssyncadd.s32 $0xFFFFE000  }
.LBB2_2:
0x56: {  	[spmem:s2] =	stream.indirect.scatter.add.f32 [tilespmem:s21], [sflag:$0x8], $0x40, s24, s15, $0xb8;
	[tilespmem:$0x1B600] =	vst v63  }
0x57: {  	s24 =	smov.u32 s20;
	s20 =	sadd.s32 $0x800, s20;
	_ =	swait.ge [sflag:s30], $0x2000  }
0x58: {  	s24 =	sshra.s32 s24, $0x2;
	p0 =	sne.s32 s7, s20;
	[sflag:s30] =	ssyncset.done $0x0  }
0x59: {  	s26 =	sadd.s32 $0x200, s24;
	[sflag:s30] =	ssyncadd.s32 $0xFFFFE000  }
0x5a: {  	[tilespmem:s16], [sflag:$0x1] =	stream.indirect.gather [hbm4b:s4+s15], $0x40, s26, s15, $0xb8;
	[tilespmem:$0x1B600] =	vst v63  }
0x5b: {  	_ =	swait.ge [sflag:s31], $0x2000  }
0x5c: {  	[sflag:s31] =	ssyncset.done $0x0  }
0x5d: {  	s26 =	sadd.s32 $0x280, s24;
	[sflag:s31] =	ssyncadd.s32 $0xFFFFE000  }
0x5e: {  	[tilespmem:s17], [sflag:$0x2] =	stream.indirect.gather [hbm4b:s4+s15], $0x40, s26, s15, $0xb8;
	[tilespmem:$0x1B600] =	vst v63  }
0x5f: {  	_ =	swait.ge [sflag:s1], $0x2000  }
0x60: {  	[sflag:s1] =	ssyncset.done $0x0  }
0x61: {  	s26 =	sadd.s32 $0x300, s24;
	[sflag:s1] =	ssyncadd.s32 $0xFFFFE000  }
0x62: {  	[tilespmem:s19], [sflag:$0x3] =	stream.indirect.gather [hbm4b:s4+s15], $0x40, s26, s15, $0xb8;
	[tilespmem:$0x1B600] =	vst v63  }
0x63: {  	_ =	swait.ge [sflag:s0], $0x2000  }
0x64: {  	[sflag:s0] =	ssyncset.done $0x0  }
0x65: {  	s26 =	sadd.s32 $0x380, s24;
	[sflag:s0] =	ssyncadd.s32 $0xFFFFE000  }
0x66: {  	[tilespmem:s21], [sflag:$0x4] =	stream.indirect.gather [hbm4b:s4+s15], $0x40, s26, s15, $0xb8;
	[tilespmem:$0x1B600] =	vst v63  }
0x67: {  	_ =	swait.ge [sflag:s22], $0x2000  }
0x68: {  	[sflag:s22] =	ssyncset.done $0x0  }
0x69: {  	s26 =	sadd.s32 $0x4E00, s24;
	[sflag:s22] =	ssyncadd.s32 $0xFFFFE000  }
0x6a: {  	[spmem:s2] =	stream.indirect.scatter.add.f32 [tilespmem:s16], [sflag:$0x5], $0x40, s26, s15, $0xb8;
	[tilespmem:$0x1B600] =	vst v63  }
0x6b: {  	_ =	swait.ge [sflag:s23], $0x2000  }
0x6c: {  	[sflag:s23] =	ssyncset.done $0x0  }
0x6d: {  	s26 =	sadd.s32 $0x4E80, s24;
	[sflag:s23] =	ssyncadd.s32 $0xFFFFE000  }
0x6e: {  	[spmem:s2] =	stream.indirect.scatter.add.f32 [tilespmem:s17], [sflag:$0x6], $0x40, s26, s15, $0xb8;
	[tilespmem:$0x1B600] =	vst v63  }
0x6f: {  	_ =	swait.ge [sflag:s25], $0x2000  }
0x70: {  	[sflag:s25] =	ssyncset.done $0x0  }
.Ltmp1:
0x71: {  	s26 =	sadd.s32 $0x4F00, s24;
	[sflag:s25] =	ssyncadd.s32 $0xFFFFE000;
	(pc) =	sbr.rel @p0 .LBB2_2-.Ltmp1, $4  }
0x72: {  	[spmem:s2] =	stream.indirect.scatter.add.f32 [tilespmem:s19], [sflag:$0x7], $0x40, s26, s15, $0xb8;
	[tilespmem:$0x1B600] =	vst v63  }
0x73: {  	_ =	swait.ge [sflag:s28], $0x2000  }
0x74: {  	[sflag:s28] =	ssyncset.done $0x0  }
0x75: {  	s24 =	sadd.s32 $0x4F80, s24;
	[sflag:s28] =	ssyncadd.s32 $0xFFFFE000  }
.LBB2_3:
0x76: {  	[spmem:s2] =	stream.indirect.scatter.add.f32 [tilespmem:s21], [sflag:$0x8], $0x40, s24, s15, $0xb8;
	[tilespmem:$0x1B600] =	vst v63  }
0x77: {  	_ =	swait.ge [sflag:s30], $0x2000  }
0x78: {  	[sflag:s30] =	ssyncset.done $0x0  }
0x79: {  	[sflag:s30] =	ssyncadd.s32 $0xFFFFE000  }
0x7a: {  	_ =	swait.ge [sflag:s31], $0x2000  }
0x7b: {  	[sflag:s31] =	ssyncset.done $0x0  }
0x7c: {  	[sflag:s31] =	ssyncadd.s32 $0xFFFFE000  }
0x7d: {  	_ =	swait.ge [sflag:s1], $0x2000  }
0x7e: {  	[sflag:s1] =	ssyncset.done $0x0  }
0x7f: {  	[sflag:s1] =	ssyncadd.s32 $0xFFFFE000  }
0x80: {  	_ =	swait.ge [sflag:s0], $0x2000  }
0x81: {  	s18 =	sadd.s32 $0x1, s18;
	[sflag:s0] =	ssyncset.done $0x0  }
0x82: {  	p0 =	sne.s32 s18, s11;
	[sflag:s0] =	ssyncadd.s32 $0xFFFFE000  }
.Ltmp2:
0x83: {  	[bflag:$0x0] =	sbarrier.arrive $0xFFFF;
	(pc) =	sbr.rel @p0 .LBB2_1-.Ltmp2, $4  }
0x84: {  	[hbm:s10], [sflag:s6] =	dma.local [spmem:s12], $0x13C0  }
0x85: {  	_ =	swait.ge [sflag:s13], $0x13C0  }
0x86: {  	[sflag:s13] =	ssyncset.done $0x0  }
0x87: {  	[sflag:s13] =	ssyncadd.s32 $0xFFFFEC40  }
0x88: {  	_ =	sfence.sel $0x180000  }
0x89: {  	[bflag:$0x0] =	sbarrier.arrive $0xFFFF  }
0x8a: {  	_ =	strace $0x90000047  }
0x8b: {  	s0 =	stileid.u32;
	[bflag:$0x2] =	sbarrier.arrive $0xFFFF  }
0x8c: {  	p0 =	sne.s32 s0, $0x0;
	s0 =	rddreg [dreg:$0x2]  }
0x8d: {  	s0 =	sadd.s32 @!p0 $0x100000, s0  }
0x8e: {  	[sflag:s0] =	ssyncadd.tile.s32 @!p0 $0x1;
	_ =	shalt  }
.Lfunc_end2:
_tile_overlayer_lowered:
.L_overlay_start_2:
0x8f: {  	(tag) =	ssettag $0x2  }
0x90: {  	s0 =	rddreg [dreg:$0x0];
	s2 =	stileid.u32  }
0x91: {  	s1 =	rddreg [dreg:$0x1];
	p0 =	sne.s32 s2, $0x0  }
0x92: {  	s3 =	rddreg [dreg:$0x2];
	[bflag:$0x3] =	sbarrier.arrive $0xFFFF;
	s2 =	simm.s32 @!p0 $0x1C09  }
0x93: {  	[timem:s3], [sflag:s2] =	dma.local @!p0 [hbm:s0], s1  }
0x94: {  	s0 =	simm.s32 @!p0 $0x9  }
0x95: {  	_ =	swait.ge @!p0 [sflag:s0], s1  }
0x96: {  	s1 =	ssub.s32 @!p0 $0x0, s1;
	[sflag:s0] =	ssyncset.done @!p0 $0x0  }
0x97: {  	[sflag:s0] =	ssyncadd.s32 @!p0 s1  }
0x98: {  	[bflag:$0x3] =	sbarrier.arrive $0xFFFF  }
0x99: {  	_ =	shalt  }

</sc_bundles>
